<compile_context>
chip_gen: v7x
topology: tpu7x:2x2x1
jax: 0.10.2.dev20260603
libtpu: 0.0.44.dev20260713+nightly
codegen_flags: <defaults>
</compile_context>

<pallas_src>
import functools

import jax
import jax.numpy as jnp
from jax import lax
from jax.experimental import pallas as pl
from jax.experimental.pallas import tpu as pltpu
from jax.experimental.pallas import tpu_sc as plsc

_N = 1200
_E = 36000
_NT = 240
_ET = 1200
_EPS = 1e-8
_F32 = jnp.float32

_SC_C = 48
_SC_NCHUNK = _E // _SC_C
_SC_NW = 32
_SC_ITERS = (_SC_NCHUNK + _SC_NW - 1) // _SC_NW


def _sds(shape):
    return jax.ShapeDtypeStruct(shape, _F32)



_BF16 = jnp.bfloat16


def _bdot(a, b):
    return jnp.dot(a.astype(_BF16), b.astype(_BF16), preferred_element_type=_F32)


def _b16(w):
    return w.astype(_BF16)


def _gvp_math(s, vp, wh, ws_s, ws_vn, ws_b, wv, wsv_w, wsv_b, relu, vsig):
    vh = [_bdot(v, wh) for v in vp]
    vn = jnp.sqrt(jnp.maximum(vh[0] * vh[0] + vh[1] * vh[1] + vh[2] * vh[2], _EPS))
    s = _bdot(s, ws_s) + _bdot(vn, ws_vn) + ws_b
    gi = jax.nn.sigmoid(s) if vsig else s
    gate = jax.nn.sigmoid(_bdot(gi, wsv_w) + wsv_b)
    vp = [_bdot(v, wv) * gate for v in vh]
    if relu:
        s = jnp.maximum(s, 0.0)
    return s, vp


def _ln_math(s, vp, w, b):
    mu = jnp.mean(s, axis=-1, keepdims=True)
    xc = s - mu
    var = jnp.mean(xc * xc, axis=-1, keepdims=True)
    sn = xc * lax.rsqrt(var + 1e-5) * w + b
    nv2 = jnp.maximum(vp[0] * vp[0] + vp[1] * vp[1] + vp[2] * vp[2], _EPS)
    vnorm = jnp.sqrt(jnp.mean(nv2, axis=-1, keepdims=True))
    return sn, [v / vnorm for v in vp]


def _pack_v(vp, fill):
    pad = jnp.full((vp[0].shape[0], 64), fill, _F32)
    return jnp.concatenate([vp[0], vp[1], vp[2], pad], axis=-1)


def _unpack_v(vpk):
    return [vpk[:, 0:64], vpk[:, 64:128], vpk[:, 128:192]]



def _embed_body(ns, nvf, wh0, wh1, wh2, ws_s, ws_vn, ws_b, wv, wsv_w, wsv_b,
                lnw, lnb, so, vo):
    nv = nvf[...]
    vh = [jnp.dot(nv, w[...], preferred_element_type=_F32)
          for w in (wh0, wh1, wh2)]
    vn = jnp.sqrt(jnp.maximum(vh[0] * vh[0] + vh[1] * vh[1] + vh[2] * vh[2], _EPS))
    s = (jnp.dot(ns[...], ws_s[...], preferred_element_type=_F32)
         + jnp.dot(vn, ws_vn[...], preferred_element_type=_F32) + ws_b[...])
    gate = jax.nn.sigmoid(
        jnp.dot(s, wsv_w[...], preferred_element_type=_F32) + wsv_b[...])
    vp = [jnp.dot(v, wv[...], preferred_element_type=_F32) * gate for v in vh]
    s, vp = _ln_math(s, vp, lnw[...], lnb[...])
    so[...] = s
    pk = _pack_v(vp, 0.0)
    vo[...] = pk


def _wspec(w):
    nd = w.ndim
    return pl.BlockSpec(w.shape, lambda i, _nd=nd: (0,) * _nd)


def _interleave3(w):
    c, h = w.shape
    z = jnp.zeros((c, 3, h), w.dtype)
    return [z.at[:, d, :].set(w).reshape(3 * c, h) for d in range(3)]


def _embed_call(ns, nvf, emb, enorm):
    row = lambda a: a.reshape(1, -1)
    weights = (_interleave3(emb["wh"])
               + [emb["ws_w"][:2586], emb["ws_w"][2586:], row(emb["ws_b"]),
                  emb["wv"], emb["wsv_w"], row(emb["wsv_b"]),
                  row(enorm["w"]), row(enorm["b"])])
    grid = (_N // _NT,)
    return pl.pallas_call(
        _embed_body,
        grid=grid,
        in_specs=[pl.BlockSpec((_NT, 2586), lambda i: (i, 0)),
                  pl.BlockSpec((_NT, 150), lambda i: (i, 0))]
        + [_wspec(w) for w in weights],
        out_specs=[pl.BlockSpec((_NT, 256), lambda i: (i, 0))] * 2,
        out_shape=[_sds((_N, 256))] * 2,
    )(ns, nvf, *weights)



def _edge_body(gas, gbd, gvs, gvd, es, evf, dst3,
               wh_s, we0, we1, we2, wh_d, w0e, w0vn, b0, wv0, wsv0, bsv0,
               wh1, w1s, w1vn, b1, wv1, wsv1, bsv1,
               wh2, w2s, w2vn, b2, wv2, wsv2, bsv2,
               acc_o):
    vs = _unpack_v(gvs[...])
    vd = _unpack_v(gvd[...])
    ev = evf[...]
    we = (we0, we1, we2)
    vh = [_bdot(vs[d], wh_s[...]) + _bdot(ev, we[d][...])
          + _bdot(vd[d], wh_d[...])
          for d in range(3)]
    vn = jnp.sqrt(jnp.maximum(vh[0] * vh[0] + vh[1] * vh[1] + vh[2] * vh[2], _EPS))
    s0 = (gas[...] + gbd[...] + _bdot(es[...], w0e[...])
          + _bdot(vn, w0vn[...]) + b0[...])
    gate = jax.nn.sigmoid(_bdot(jax.nn.sigmoid(s0), wsv0[...]) + bsv0[...])
    vp = [_bdot(vh[d], wv0[...]) * gate for d in range(3)]
    s0 = jnp.maximum(s0, 0.0)
    s1, vp = _gvp_math(s0, vp, wh1[...], w1s[...], w1vn[...], b1[...],
                       wv1[...], wsv1[...], bsv1[...], True, True)
    s2, vp = _gvp_math(s1, vp, wh2[...], w2s[...], w2vn[...], b2[...],
                       wv2[...], wsv2[...], bsv2[...], False, False)
    msg = jnp.concatenate([s2, _pack_v(vp, 1.0)], axis=-1)
    dst_row = dst3[...][0]
    rows = lax.broadcasted_iota(jnp.int32, (_N, _ET), 0)
    m = jnp.where(rows == dst_row, 1.0, 0.0).astype(jnp.bfloat16)

    @pl.when(pl.program_id(0) == 0)
    def _init():
        acc_o[...] = jnp.zeros((_N, 512), _F32)

    acc_o[...] += jnp.dot(m, msg.astype(jnp.bfloat16),
                          preferred_element_type=_F32)


def _edge_weights(lp):
    row = lambda a: a.reshape(1, -1)
    m0, m1, m2 = lp["m0"], lp["m1"], lp["m2"]
    return ([_b16(m0["wh"][0:64])] + [_b16(w) for w in _interleave3(m0["wh"][64:89])]
            + [_b16(m0["wh"][89:153]),
               _b16(m0["ws_w"][256:688]), _b16(m0["ws_w"][944:1097]),
               row(m0["ws_b"]),
               _b16(m0["wv"]), _b16(m0["wsv_w"]), row(m0["wsv_b"]),
               _b16(m1["wh"]), _b16(m1["ws_w"][0:256]), _b16(m1["ws_w"][256:320]),
               row(m1["ws_b"]),
               _b16(m1["wv"]), _b16(m1["wsv_w"]), row(m1["wsv_b"]),
               _b16(m2["wh"]), _b16(m2["ws_w"][0:256]), _b16(m2["ws_w"][256:320]),
               row(m2["ws_b"]),
               _b16(m2["wv"]), _b16(m2["wsv_w"]), row(m2["wsv_b"])])


def _edge_call(g, es, evf, dst3, lp):
    weights = _edge_weights(lp)
    grid = (_E // _ET,)
    dspecs = ([pl.BlockSpec((_ET, 256), lambda i: (i, 0))] * 4
              + [pl.BlockSpec((_ET, 432), lambda i: (i, 0))]
              + [pl.BlockSpec((_ET, 75), lambda i: (i, 0))]
              + [pl.BlockSpec((1, 1, _ET), lambda i: (i, 0, 0))])
    return pl.pallas_call(
        _edge_body,
        grid=grid,
        in_specs=dspecs + [_wspec(w) for w in weights],
        out_specs=pl.BlockSpec((_N, 512), lambda i: (0, 0)),
        out_shape=_sds((_N, 512)),
    )(*g, es, evf, dst3, *weights)



def _prep_body(s, w0s, w0d, a_o, b_o):
    sv = s[...]
    a_o[...] = _bdot(sv, w0s[...])
    b_o[...] = _bdot(sv, w0d[...])


def _prep_call(s, lp):
    w0s = _b16(lp["m0"]["ws_w"][0:256])
    w0d = _b16(lp["m0"]["ws_w"][688:944])
    grid = (_N // _NT,)
    return pl.pallas_call(
        _prep_body,
        grid=grid,
        in_specs=[pl.BlockSpec((_NT, 256), lambda i: (i, 0)),
                  _wspec(w0s), _wspec(w0d)],
        out_specs=[pl.BlockSpec((_NT, 256), lambda i: (i, 0))] * 2,
        out_shape=[_sds((_N, 256))] * 2,
    )(s, w0s, w0d)



def _node_body(s, v, acc,
               n0w, n0b,
               f0wh, f0ws, f0wvn, f0b, f0wv, f0wsv, f0bsv,
               f1wh, f1ws, f1wvn, f1b, f1wv, f1wsv, f1bsv,
               n1w, n1b, so, vo):
    a = acc[...]
    cnt = a[:, 448:449]
    denom = jnp.maximum(cnt, 1.0)
    sh = s[...] + a[:, 0:256] / denom
    vold = _unpack_v(v[...])
    dhv = _unpack_v(a[:, 256:512])
    vhs = [vold[d] + dhv[d] / denom for d in range(3)]
    s1, vp1 = _ln_math(sh, vhs, n0w[...], n0b[...])
    fs, fvp = _gvp_math(s1, vp1, f0wh[...], f0ws[...], f0wvn[...], f0b[...],
                        f0wv[...], f0wsv[...], f0bsv[...], True, True)
    fs, fvp = _gvp_math(fs, fvp, f1wh[...], f1ws[...], f1wvn[...], f1b[...],
                        f1wv[...], f1wsv[...], f1bsv[...], False, False)
    s2, vp2 = _ln_math(s1 + fs, [vp1[d] + fvp[d] for d in range(3)],
                       n1w[...], n1b[...])
    so[...] = s2
    vo[...] = _pack_v(vp2, 0.0)


def _node_weights(lp):
    row = lambda a: a.reshape(1, -1)
    f0, f1 = lp["ff0"], lp["ff1"]
    return [
        row(lp["norm0"]["w"]), row(lp["norm0"]["b"]),
        f0["wh"], f0["ws_w"][:256], f0["ws_w"][256:384], row(f0["ws_b"]),
        f0["wv"], f0["wsv_w"], row(f0["wsv_b"]),
        f1["wh"], f1["ws_w"][:1024], f1["ws_w"][1024:1152], row(f1["ws_b"]),
        f1["wv"], f1["wsv_w"], row(f1["wsv_b"]),
        row(lp["norm1"]["w"]), row(lp["norm1"]["b"]),
    ]


def _node_call(s, v, acc, lp):
    weights = _node_weights(lp)
    grid = (_N // _NT,)
    dspecs = ([pl.BlockSpec((_NT, 256), lambda i: (i, 0))] * 2
              + [pl.BlockSpec((_NT, 512), lambda i: (i, 0))])
    return pl.pallas_call(
        _node_body,
        grid=grid,
        in_specs=dspecs + [_wspec(w) for w in weights],
        out_specs=[pl.BlockSpec((_NT, 256), lambda i: (i, 0))] * 2,
        out_shape=[_sds((_N, 256))] * 2,
    )(s, v, acc, *weights)



def _gather_pallas(a, b, v, src, dst):
    mesh = plsc.VectorSubcoreMesh(core_axis_name="c", subcore_axis_name="s")
    outs = [_sds((_E, 256))] * 4
    scratch = ([pltpu.VMEM((2, _SC_C), jnp.int32)] * 2
               + [pltpu.VMEM((2, _SC_C, 256), _F32)] * 4
               + [pltpu.SemaphoreType.DMA] * 2)

    @functools.partial(pl.kernel, out_type=outs, mesh=mesh,
                       scratch_types=scratch)
    def gk(a_h, b_h, v_h, src_h, dst_h,
           oss, osd, ovs, ovd,
           ibs, ibd, rss, rsd, rvs, rvd, gsem, wsem):
        wid = lax.axis_index("s") * 2 + lax.axis_index("c")

        def gather_chunk(ci, k):
            base = ci * _SC_C
            pltpu.sync_copy(src_h.at[pl.ds(base, _SC_C)], ibs.at[k])
            pltpu.sync_copy(dst_h.at[pl.ds(base, _SC_C)], ibd.at[k])
            return [pltpu.async_copy(a_h.at[ibs.at[k]], rss.at[k], gsem),
                    pltpu.async_copy(b_h.at[ibd.at[k]], rsd.at[k], gsem),
                    pltpu.async_copy(v_h.at[ibs.at[k]], rvs.at[k], gsem),
                    pltpu.async_copy(v_h.at[ibd.at[k]], rvd.at[k], gsem)]

        def write_chunk(ci, k, fire):
            base = ci * _SC_C
            pairs = ((rss, oss), (rsd, osd), (rvs, ovs), (rvd, ovd))
            for buf, out in pairs:
                cp = pltpu.make_async_copy(buf.at[k], out.at[pl.ds(base, _SC_C)],
                                           wsem)
                if fire:
                    cp.start()
                else:
                    cp.wait()

        def one(i, carry):
            ci = wid + _SC_NW * i
            k = lax.rem(i, 2)

            @pl.when(ci < _SC_NCHUNK)
            def _():
                @pl.when(i >= 2)
                def _reuse_drain():
                    write_chunk(ci - 2 * _SC_NW, k, fire=False)

                for cp in gather_chunk(ci, k):
                    cp.wait()
                write_chunk(ci, k, fire=True)

            return carry

        lax.fori_loop(0, _SC_ITERS, one, 0)
        for j in (_SC_ITERS - 2, _SC_ITERS - 1):
            cij = wid + _SC_NW * j

            @pl.when(cij < _SC_NCHUNK)
            def _tail_drain(cij=cij, k=j % 2):
                write_chunk(cij, k, fire=False)

    return gk(a, b, v, src, dst)



def _run_graph(params, ns, nvf, es, evf, src, dst):
    s, v = _embed_call(ns, nvf, params["embed"], params["embed_norm"])
    dst3 = dst.reshape(_E // _ET, 1, _ET)
    for lp in params["layers"]:
        a, b = _prep_call(s, lp)
        g = _gather_pallas(a, b, v, src, dst)
        acc = _edge_call(g, es, evf, dst3, lp)
        s, v = _node_call(s, v, acc, lp)
    vflat = jnp.stack(_unpack_v(v), axis=-1).reshape(_N, 192)
    return jnp.concatenate([s, vflat], axis=-1)[None]


def kernel(nodes1_s, nodes1_v, nodes2_s, nodes2_v, edges1_s, edges1_v,
           edges2_s, edges2_v, edge_index1, edge_index2, params):
    outs = []
    for ns, nv, es, ev, ei in ((nodes1_s, nodes1_v, edges1_s, edges1_v, edge_index1),
                               (nodes2_s, nodes2_v, edges2_s, edges2_v, edge_index2)):
        nvf = nv[0].reshape(_N, 150)
        evf = ev[0].reshape(_E, 75)
        src = ei[0, 0].astype(jnp.int32)
        dst = ei[0, 1].astype(jnp.int32)
        outs.append(_run_graph(params, ns[0], nvf, es[0], evf, src, dst))
    return (outs[0], outs[1])

# --- scband reference (transcript-rebuilt; emitter-appended) ---
"""Pipeline reference for scband-graph-module-76553497084401 (READ-ONLY COPY).

The authoritative reference and input builder live on the scoring server;
editing this copy changes nothing except your own understanding.
"""

import jax, jax.numpy as jnp
import numpy as np

N_NODES = 1200
N_EDGES = 36000
NUM_LAYERS = 2
INPUT_DIM = 2586


def _norm_no_nan(x, axis=-1, keepdims=False, eps=1e-8, sqrt=True):
    out = jnp.maximum(jnp.sum(jnp.square(x), axis=axis, keepdims=keepdims), eps)
    return jnp.sqrt(out) if sqrt else out


def _gvp_params(key, si, vi, so, vo):
    h = max(vi, vo)
    k0, k1, k2, k3 = jax.random.split(key, 4)
    return {
        "wh": jax.random.normal(k0, (vi, h), jnp.float32) / np.sqrt(vi),
        "ws_w": jax.random.normal(k1, (si + h, so), jnp.float32) / np.sqrt(si + h),
        "ws_b": jnp.zeros((so,), jnp.float32),
        "wv": jax.random.normal(k2, (h, vo), jnp.float32) / np.sqrt(h),
        "wsv_w": jax.random.normal(k3, (so, vo), jnp.float32) / np.sqrt(so),
        "wsv_b": jnp.zeros((vo,), jnp.float32),
    }


def _ln_params(s_dim):
    return {"w": jnp.ones((s_dim,), jnp.float32), "b": jnp.zeros((s_dim,), jnp.float32)}


def _layer_params(key):
    ks = jax.random.split(key, 5)
    return {
        "m0": _gvp_params(ks[0], 944, 153, 256, 64),
        "m1": _gvp_params(ks[1], 256, 64, 256, 64),
        "m2": _gvp_params(ks[2], 256, 64, 256, 64),
        "ff0": _gvp_params(ks[3], 256, 64, 1024, 128),
        "ff1": _gvp_params(ks[4], 1024, 128, 256, 64),
        "norm0": _ln_params(256),
        "norm1": _ln_params(256),
    }


def make_params(key):
    k_embed, k_layers = jax.random.split(key)
    return {
        "embed": _gvp_params(k_embed, INPUT_DIM, 50, 256, 64),
        "embed_norm": _ln_params(256),
        "layers": [_layer_params(k) for k in jax.random.split(k_layers, NUM_LAYERS)],
    }


def gvp_apply(p, s, v, scalar_act=None, vector_act=None):
    # GVP with vector_gate=True, faithful to gvp-pytorch
    vt = jnp.swapaxes(v, -1, -2)            # (..., 3, vi)
    vh = vt @ p["wh"]                        # (..., 3, h)
    vn = _norm_no_nan(vh, axis=-2)           # (..., h)
    s = jnp.concatenate([s, vn], axis=-1) @ p["ws_w"] + p["ws_b"]
    vout = jnp.swapaxes(vh @ p["wv"], -1, -2)  # (..., vo, 3)
    gate_in = vector_act(s) if vector_act is not None else s
    gate = gate_in @ p["wsv_w"] + p["wsv_b"]
    vout = vout * jax.nn.sigmoid(gate)[..., None]
    if scalar_act is not None:
        s = scalar_act(s)
    return s, vout


def gvp_layernorm(p, s, v, eps=1e-5):
    mu = jnp.mean(s, axis=-1, keepdims=True)
    var = jnp.mean(jnp.square(s - mu), axis=-1, keepdims=True)
    sn = (s - mu) / jnp.sqrt(var + eps) * p["w"] + p["b"]
    vn = _norm_no_nan(v, axis=-1, keepdims=True, sqrt=False)
    vn = jnp.sqrt(jnp.mean(vn, axis=-2, keepdims=True))
    return sn, v / vn


def gvp_conv_layer(p, s, v, edge_index, es, ev):
    n = s.shape[0]
    src, dst = edge_index[0], edge_index[1]
    # message = tuple_cat((s_j, v_j), edge_attr, (s_i, v_i))
    ms = jnp.concatenate([s[src], es, s[dst]], axis=-1)
    mv = jnp.concatenate([v[src], ev, v[dst]], axis=-2)
    ms, mv = gvp_apply(p["m0"], ms, mv, jax.nn.relu, jax.nn.sigmoid)
    ms, mv = gvp_apply(p["m1"], ms, mv, jax.nn.relu, jax.nn.sigmoid)
    ms, mv = gvp_apply(p["m2"], ms, mv, None, None)
    cnt = jax.ops.segment_sum(jnp.ones((dst.shape[0],), jnp.float32), dst, num_segments=n)
    denom = jnp.maximum(cnt, 1.0)[:, None]
    dhs = jax.ops.segment_sum(ms, dst, num_segments=n) / denom
    dhv = jax.ops.segment_sum(mv, dst, num_segments=n) / denom[..., None]
    s, v = gvp_layernorm(p["norm0"], s + dhs, v + dhv)
    fs, fv = gvp_apply(p["ff0"], s, v, jax.nn.relu, jax.nn.sigmoid)
    fs, fv = gvp_apply(p["ff1"], fs, fv, None, None)
    return gvp_layernorm(p["norm1"], s + fs, v + fv)


def run_graph(params, ns, nv, es, ev, ei):
    s, v = gvp_apply(params["embed"], ns, nv, None, None)
    s, v = gvp_layernorm(params["embed_norm"], s, v)
    for lp in params["layers"]:
        s, v = gvp_conv_layer(lp, s, v, ei, es, ev)
    return jnp.concatenate([s, v.reshape(v.shape[0], -1)], axis=-1)[None]


def setup_inputs(seed: int = 0):
    key = jax.random.key(seed)
    ks = jax.random.split(key, 12)
    return {
        "nodes1_s": jax.random.normal(ks[0], (1, N_NODES, INPUT_DIM), jnp.float32),
        "nodes1_v": jax.random.normal(ks[1], (1, N_NODES, 50, 3), jnp.float32),
        "nodes2_s": jax.random.normal(ks[2], (1, N_NODES, INPUT_DIM), jnp.float32),
        "nodes2_v": jax.random.normal(ks[3], (1, N_NODES, 50, 3), jnp.float32),
        "edges1_s": jax.random.normal(ks[4], (1, N_EDGES, 432), jnp.float32),
        "edges1_v": jax.random.normal(ks[5], (1, N_EDGES, 25, 3), jnp.float32),
        "edges2_s": jax.random.normal(ks[6], (1, N_EDGES, 432), jnp.float32),
        "edges2_v": jax.random.normal(ks[7], (1, N_EDGES, 25, 3), jnp.float32),
        "edge_index1": jax.random.randint(ks[8], (1, 2, N_EDGES), 0, N_NODES),
        "edge_index2": jax.random.randint(ks[9], (1, 2, N_EDGES), 0, N_NODES),
        "params": make_params(ks[10]),
    }


def reference(nodes1_s, nodes1_v, nodes2_s, nodes2_v, edges1_s, edges1_v, edges2_s, edges2_v, edge_index1, edge_index2, params):
    p1 = run_graph(params, nodes1_s[0], nodes1_v[0], edges1_s[0], edges1_v[0], edge_index1[0])
    p2 = run_graph(params, nodes2_s[0], nodes2_v[0], edges2_s[0], edges2_v[0], edge_index2[0])
    return (p1, p2)

if __name__ == "__main__":
    import jax
    _d = setup_inputs()
    print(jax.jit(kernel)(*tuple(_d.values())))

</pallas_src>

<mosaic_0001>
#map = affine_map<(d0, d1) -> (0, 0)>
#map1 = affine_map<(d0, d1) -> (0)>
module attributes {stable_mosaic.version = 14 : i64} {
  func.func @gk(%arg0: i32, %arg1: i32, %arg2: memref<1200x256xf32, #tpu.memory_space<hbm>>, %arg3: memref<1200x256xf32, #tpu.memory_space<hbm>>, %arg4: memref<1200x256xf32, #tpu.memory_space<hbm>>, %arg5: memref<36000xi32, #tpu.memory_space<hbm>>, %arg6: memref<36000xi32, #tpu.memory_space<hbm>>, %arg7: memref<36000x256xf32, #tpu.memory_space<hbm>>, %arg8: memref<36000x256xf32, #tpu.memory_space<hbm>>, %arg9: memref<36000x256xf32, #tpu.memory_space<hbm>>, %arg10: memref<36000x256xf32, #tpu.memory_space<hbm>>, %arg11: memref<2x48xi32, #tpu.memory_space<vmem>>, %arg12: memref<2x48xi32, #tpu.memory_space<vmem>>, %arg13: memref<2x48x256xf32, #tpu.memory_space<vmem>>, %arg14: memref<2x48x256xf32, #tpu.memory_space<vmem>>, %arg15: memref<2x48x256xf32, #tpu.memory_space<vmem>>, %arg16: memref<2x48x256xf32, #tpu.memory_space<vmem>>, %arg17: memref<!tpu.dma_semaphore, #tpu.memory_space<semaphore_mem>>, %arg18: memref<!tpu.dma_semaphore, #tpu.memory_space<semaphore_mem>>) attributes {dimension_semantics = [#tpu.dimension_semantics<core_parallel>, #tpu.dimension_semantics<subcore_parallel>], iteration_bounds = array<i64: 2, 16>, scalar_prefetch = 0 : i64, scratch_operands = 8 : i64, tpu.core_type = #tpu.core_type<sc_vector_subcore>, window_params = [{transform_indices = #map}, {transform_indices = #map}, {transform_indices = #map}, {transform_indices = #map1}, {transform_indices = #map1}, {transform_indices = #map}, {transform_indices = #map}, {transform_indices = #map}, {transform_indices = #map}]} {
    %mul3A = arith.constant 2 : i32
    %mul3A_0 = arith.muli %arg1, %mul3A : i32
    %add3A = arith.addi %mul3A_0, %arg0 : i32
    %scan3A = arith.constant 0 : i32
    %scan3A_1 = arith.constant 0 : i32
    %scan3A_2 = arith.constant 24 : i32
    %scan3A_3 = arith.addi %scan3A_1, %scan3A_2 : i32
    %scan3A_4 = arith.constant 1 : i32
    scf.for %scan3A_17 = %scan3A_1 to %scan3A_3 step %scan3A_4  : i32 {
      %mul3A_18 = arith.constant 32 : i32
      %mul3A_19 = arith.muli %mul3A_18, %scan3A_17 : i32
      %add3A_20 = arith.addi %add3A, %mul3A_19 : i32
      %rem3A = arith.constant 2 : i32
      %rem3A_21 = arith.remsi %scan3A_17, %rem3A : i32
      %lt3A_22 = arith.constant 750 : i32
      %lt3A_23 = arith.cmpi slt, %add3A_20, %lt3A_22 : i32
      %convert_element_type3A_24 = arith.extui %lt3A_23 : i1 to i32
      %cond3A_25 = arith.constant 0 : i32
      %cond3A_26 = arith.cmpi ne, %convert_element_type3A_24, %cond3A_25 : i32
      scf.if %cond3A_26 {
        %ge3A = arith.constant 2 : i32
        %ge3A_27 = arith.cmpi sge, %scan3A_17, %ge3A : i32
        %convert_element_type3A_28 = arith.extui %ge3A_27 : i1 to i32
        %cond3A_29 = arith.constant 0 : i32
        %cond3A_30 = arith.cmpi ne, %convert_element_type3A_28, %cond3A_29 : i32
        scf.if %cond3A_30 {
          %sub3A = arith.constant 64 : i32
          %sub3A_161 = arith.subi %add3A_20, %sub3A : i32
          %mul3A_162 = arith.constant 48 : i32
          %mul3A_163 = arith.muli %sub3A_161, %mul3A_162 : i32
          %dma_wait3A_164 = arith.constant 0 : i32
          %dma_wait3A_165 = arith.constant 0 : i32
          %dma_wait3A_166 = tpu.memref_slice %arg13[%rem3A_21, %dma_wait3A_164, %dma_wait3A_165] : memref<2x48x256xf32, #tpu.memory_space<vmem>> -> memref<1x48x256xf32, #tpu.memory_space<vmem>>
          %dma_wait3A_167 = tpu.memref_squeeze %dma_wait3A_166 : memref<1x48x256xf32, #tpu.memory_space<vmem>> -> memref<48x256xf32, #tpu.memory_space<vmem>>
          %dma_wait3A_168 = arith.constant 0 : i32
          %dma_wait3A_169 = tpu.memref_slice %arg7[%mul3A_163, %dma_wait3A_168] : memref<36000x256xf32, #tpu.memory_space<hbm>> -> memref<48x256xf32, #tpu.memory_space<hbm>>
          %dma_wait3A_170 = arith.constant 0 : i32
          %dma_wait3A_171 = tpu.memref_slice %arg7[%mul3A_163, %dma_wait3A_170] : memref<36000x256xf32, #tpu.memory_space<hbm>> -> memref<48x256xf32, #tpu.memory_space<hbm>>
          %dma_wait3A_172 = arith.constant 0 : i32
          %dma_wait3A_173 = arith.constant 0 : i32
          %dma_wait3A_174 = tpu.memref_slice %arg13[%rem3A_21, %dma_wait3A_172, %dma_wait3A_173] : memref<2x48x256xf32, #tpu.memory_space<vmem>> -> memref<1x48x256xf32, #tpu.memory_space<vmem>>
          %dma_wait3A_175 = tpu.memref_squeeze %dma_wait3A_174 : memref<1x48x256xf32, #tpu.memory_space<vmem>> -> memref<48x256xf32, #tpu.memory_space<vmem>>
          tpu.wait_dma2 semaphore(%arg18 : memref<!tpu.dma_semaphore, #tpu.memory_space<semaphore_mem>>) src(%dma_wait3A_175 : memref<48x256xf32, #tpu.memory_space<vmem>>) dst(%dma_wait3A_171 : memref<48x256xf32, #tpu.memory_space<hbm>>)
          %dma_wait3A_176 = arith.constant 0 : i32
          %dma_wait3A_177 = arith.constant 0 : i32
          %dma_wait3A_178 = tpu.memref_slice %arg14[%rem3A_21, %dma_wait3A_176, %dma_wait3A_177] : memref<2x48x256xf32, #tpu.memory_space<vmem>> -> memref<1x48x256xf32, #tpu.memory_space<vmem>>
          %dma_wait3A_179 = tpu.memref_squeeze %dma_wait3A_178 : memref<1x48x256xf32, #tpu.memory_space<vmem>> -> memref<48x256xf32, #tpu.memory_space<vmem>>
          %dma_wait3A_180 = arith.constant 0 : i32
          %dma_wait3A_181 = tpu.memref_slice %arg8[%mul3A_163, %dma_wait3A_180] : memref<36000x256xf32, #tpu.memory_space<hbm>> -> memref<48x256xf32, #tpu.memory_space<hbm>>
          %dma_wait3A_182 = arith.constant 0 : i32
          %dma_wait3A_183 = tpu.memref_slice %arg8[%mul3A_163, %dma_wait3A_182] : memref<36000x256xf32, #tpu.memory_space<hbm>> -> memref<48x256xf32, #tpu.memory_space<hbm>>
          %dma_wait3A_184 = arith.constant 0 : i32
          %dma_wait3A_185 = arith.constant 0 : i32
          %dma_wait3A_186 = tpu.memref_slice %arg14[%rem3A_21, %dma_wait3A_184, %dma_wait3A_185] : memref<2x48x256xf32, #tpu.memory_space<vmem>> -> memref<1x48x256xf32, #tpu.memory_space<vmem>>
          %dma_wait3A_187 = tpu.memref_squeeze %dma_wait3A_186 : memref<1x48x256xf32, #tpu.memory_space<vmem>> -> memref<48x256xf32, #tpu.memory_space<vmem>>
          tpu.wait_dma2 semaphore(%arg18 : memref<!tpu.dma_semaphore, #tpu.memory_space<semaphore_mem>>) src(%dma_wait3A_187 : memref<48x256xf32, #tpu.memory_space<vmem>>) dst(%dma_wait3A_183 : memref<48x256xf32, #tpu.memory_space<hbm>>)
          %dma_wait3A_188 = arith.constant 0 : i32
          %dma_wait3A_189 = arith.constant 0 : i32
          %dma_wait3A_190 = tpu.memref_slice %arg15[%rem3A_21, %dma_wait3A_188, %dma_wait3A_189] : memref<2x48x256xf32, #tpu.memory_space<vmem>> -> memref<1x48x256xf32, #tpu.memory_space<vmem>>
          %dma_wait3A_191 = tpu.memref_squeeze %dma_wait3A_190 : memref<1x48x256xf32, #tpu.memory_space<vmem>> -> memref<48x256xf32, #tpu.memory_space<vmem>>
          %dma_wait3A_192 = arith.constant 0 : i32
          %dma_wait3A_193 = tpu.memref_slice %arg9[%mul3A_163, %dma_wait3A_192] : memref<36000x256xf32, #tpu.memory_space<hbm>> -> memref<48x256xf32, #tpu.memory_space<hbm>>
          %dma_wait3A_194 = arith.constant 0 : i32
          %dma_wait3A_195 = tpu.memref_slice %arg9[%mul3A_163, %dma_wait3A_194] : memref<36000x256xf32, #tpu.memory_space<hbm>> -> memref<48x256xf32, #tpu.memory_space<hbm>>
          %dma_wait3A_196 = arith.constant 0 : i32
          %dma_wait3A_197 = arith.constant 0 : i32
          %dma_wait3A_198 = tpu.memref_slice %arg15[%rem3A_21, %dma_wait3A_196, %dma_wait3A_197] : memref<2x48x256xf32, #tpu.memory_space<vmem>> -> memref<1x48x256xf32, #tpu.memory_space<vmem>>
          %dma_wait3A_199 = tpu.memref_squeeze %dma_wait3A_198 : memref<1x48x256xf32, #tpu.memory_space<vmem>> -> memref<48x256xf32, #tpu.memory_space<vmem>>
          tpu.wait_dma2 semaphore(%arg18 : memref<!tpu.dma_semaphore, #tpu.memory_space<semaphore_mem>>) src(%dma_wait3A_199 : memref<48x256xf32, #tpu.memory_space<vmem>>) dst(%dma_wait3A_195 : memref<48x256xf32, #tpu.memory_space<hbm>>)
          %dma_wait3A_200 = arith.constant 0 : i32
          %dma_wait3A_201 = arith.constant 0 : i32
          %dma_wait3A_202 = tpu.memref_slice %arg16[%rem3A_21, %dma_wait3A_200, %dma_wait3A_201] : memref<2x48x256xf32, #tpu.memory_space<vmem>> -> memref<1x48x256xf32, #tpu.memory_space<vmem>>
          %dma_wait3A_203 = tpu.memref_squeeze %dma_wait3A_202 : memref<1x48x256xf32, #tpu.memory_space<vmem>> -> memref<48x256xf32, #tpu.memory_space<vmem>>
          %dma_wait3A_204 = arith.constant 0 : i32
          %dma_wait3A_205 = tpu.memref_slice %arg10[%mul3A_163, %dma_wait3A_204] : memref<36000x256xf32, #tpu.memory_space<hbm>> -> memref<48x256xf32, #tpu.memory_space<hbm>>
          %dma_wait3A_206 = arith.constant 0 : i32
          %dma_wait3A_207 = tpu.memref_slice %arg10[%mul3A_163, %dma_wait3A_206] : memref<36000x256xf32, #tpu.memory_space<hbm>> -> memref<48x256xf32, #tpu.memory_space<hbm>>
          %dma_wait3A_208 = arith.constant 0 : i32
          %dma_wait3A_209 = arith.constant 0 : i32
          %dma_wait3A_210 = tpu.memref_slice %arg16[%rem3A_21, %dma_wait3A_208, %dma_wait3A_209] : memref<2x48x256xf32, #tpu.memory_space<vmem>> -> memref<1x48x256xf32, #tpu.memory_space<vmem>>
          %dma_wait3A_211 = tpu.memref_squeeze %dma_wait3A_210 : memref<1x48x256xf32, #tpu.memory_space<vmem>> -> memref<48x256xf32, #tpu.memory_space<vmem>>
          tpu.wait_dma2 semaphore(%arg18 : memref<!tpu.dma_semaphore, #tpu.memory_space<semaphore_mem>>) src(%dma_wait3A_211 : memref<48x256xf32, #tpu.memory_space<vmem>>) dst(%dma_wait3A_207 : memref<48x256xf32, #tpu.memory_space<hbm>>)
        } else {
        }
        %mul3A_31 = arith.constant 48 : i32
        %mul3A_32 = arith.muli %add3A_20, %mul3A_31 : i32
        "tpu.region"() ({
          %run_scoped3A = tpu.sem_alloc : memref<!tpu.dma_semaphore, #tpu.memory_space<semaphore_mem>>
          %dma_start3A_161 = arith.constant 0 : i32
          %dma_start3A_162 = tpu.memref_slice %arg11[%rem3A_21, %dma_start3A_161] : memref<2x48xi32, #tpu.memory_space<vmem>> -> memref<1x48xi32, #tpu.memory_space<vmem>>
          %dma_start3A_163 = tpu.memref_squeeze %dma_start3A_162 : memref<1x48xi32, #tpu.memory_space<vmem>> -> memref<48xi32, #tpu.memory_space<vmem>>
          %dma_start3A_164 = tpu.memref_slice %arg5[%mul3A_32] : memref<36000xi32, #tpu.memory_space<hbm>> -> memref<48xi32, #tpu.memory_space<hbm>>
          %dma_start3A_165 = arith.constant 0 : i32
          %dma_start3A_166 = tpu.memref_slice %arg11[%rem3A_21, %dma_start3A_165] : memref<2x48xi32, #tpu.memory_space<vmem>> -> memref<1x48xi32, #tpu.memory_space<vmem>>
          %dma_start3A_167 = tpu.memref_squeeze %dma_start3A_166 : memref<1x48xi32, #tpu.memory_space<vmem>> -> memref<48xi32, #tpu.memory_space<vmem>>
          %dma_start3A_168 = tpu.memref_slice %arg5[%mul3A_32] : memref<36000xi32, #tpu.memory_space<hbm>> -> memref<48xi32, #tpu.memory_space<hbm>>
          tpu.enqueue_dma source(%dma_start3A_168 : memref<48xi32, #tpu.memory_space<hbm>>) target(%dma_start3A_167 : memref<48xi32, #tpu.memory_space<vmem>>) target_semaphore(%run_scoped3A : memref<!tpu.dma_semaphore, #tpu.memory_space<semaphore_mem>>)
          %dma_wait3A_169 = arith.constant 0 : i32
          %dma_wait3A_170 = tpu.memref_slice %arg11[%rem3A_21, %dma_wait3A_169] : memref<2x48xi32, #tpu.memory_space<vmem>> -> memref<1x48xi32, #tpu.memory_space<vmem>>
          %dma_wait3A_171 = tpu.memref_squeeze %dma_wait3A_170 : memref<1x48xi32, #tpu.memory_space<vmem>> -> memref<48xi32, #tpu.memory_space<vmem>>
          %dma_wait3A_172 = tpu.memref_slice %arg5[%mul3A_32] : memref<36000xi32, #tpu.memory_space<hbm>> -> memref<48xi32, #tpu.memory_space<hbm>>
          %dma_wait3A_173 = arith.constant 0 : i32
          %dma_wait3A_174 = tpu.memref_slice %arg11[%rem3A_21, %dma_wait3A_173] : memref<2x48xi32, #tpu.memory_space<vmem>> -> memref<1x48xi32, #tpu.memory_space<vmem>>
          %dma_wait3A_175 = tpu.memref_squeeze %dma_wait3A_174 : memref<1x48xi32, #tpu.memory_space<vmem>> -> memref<48xi32, #tpu.memory_space<vmem>>
          %dma_wait3A_176 = tpu.memref_slice %arg5[%mul3A_32] : memref<36000xi32, #tpu.memory_space<hbm>> -> memref<48xi32, #tpu.memory_space<hbm>>
          tpu.wait_dma2 semaphore(%run_scoped3A : memref<!tpu.dma_semaphore, #tpu.memory_space<semaphore_mem>>) src(%dma_wait3A_176 : memref<48xi32, #tpu.memory_space<hbm>>) dst(%dma_wait3A_175 : memref<48xi32, #tpu.memory_space<vmem>>)
          tpu.yield
        }) : () -> ()
        "tpu.region"() ({
          %run_scoped3A = tpu.sem_alloc : memref<!tpu.dma_semaphore, #tpu.memory_space<semaphore_mem>>
          %dma_start3A_161 = arith.constant 0 : i32
          %dma_start3A_162 = tpu.memref_slice %arg12[%rem3A_21, %dma_start3A_161] : memref<2x48xi32, #tpu.memory_space<vmem>> -> memref<1x48xi32, #tpu.memory_space<vmem>>
          %dma_start3A_163 = tpu.memref_squeeze %dma_start3A_162 : memref<1x48xi32, #tpu.memory_space<vmem>> -> memref<48xi32, #tpu.memory_space<vmem>>
          %dma_start3A_164 = tpu.memref_slice %arg6[%mul3A_32] : memref<36000xi32, #tpu.memory_space<hbm>> -> memref<48xi32, #tpu.memory_space<hbm>>
          %dma_start3A_165 = arith.constant 0 : i32
          %dma_start3A_166 = tpu.memref_slice %arg12[%rem3A_21, %dma_start3A_165] : memref<2x48xi32, #tpu.memory_space<vmem>> -> memref<1x48xi32, #tpu.memory_space<vmem>>
          %dma_start3A_167 = tpu.memref_squeeze %dma_start3A_166 : memref<1x48xi32, #tpu.memory_space<vmem>> -> memref<48xi32, #tpu.memory_space<vmem>>
          %dma_start3A_168 = tpu.memref_slice %arg6[%mul3A_32] : memref<36000xi32, #tpu.memory_space<hbm>> -> memref<48xi32, #tpu.memory_space<hbm>>
          tpu.enqueue_dma source(%dma_start3A_168 : memref<48xi32, #tpu.memory_space<hbm>>) target(%dma_start3A_167 : memref<48xi32, #tpu.memory_space<vmem>>) target_semaphore(%run_scoped3A : memref<!tpu.dma_semaphore, #tpu.memory_space<semaphore_mem>>)
          %dma_wait3A_169 = arith.constant 0 : i32
          %dma_wait3A_170 = tpu.memref_slice %arg12[%rem3A_21, %dma_wait3A_169] : memref<2x48xi32, #tpu.memory_space<vmem>> -> memref<1x48xi32, #tpu.memory_space<vmem>>
          %dma_wait3A_171 = tpu.memref_squeeze %dma_wait3A_170 : memref<1x48xi32, #tpu.memory_space<vmem>> -> memref<48xi32, #tpu.memory_space<vmem>>
          %dma_wait3A_172 = tpu.memref_slice %arg6[%mul3A_32] : memref<36000xi32, #tpu.memory_space<hbm>> -> memref<48xi32, #tpu.memory_space<hbm>>
          %dma_wait3A_173 = arith.constant 0 : i32
          %dma_wait3A_174 = tpu.memref_slice %arg12[%rem3A_21, %dma_wait3A_173] : memref<2x48xi32, #tpu.memory_space<vmem>> -> memref<1x48xi32, #tpu.memory_space<vmem>>
          %dma_wait3A_175 = tpu.memref_squeeze %dma_wait3A_174 : memref<1x48xi32, #tpu.memory_space<vmem>> -> memref<48xi32, #tpu.memory_space<vmem>>
          %dma_wait3A_176 = tpu.memref_slice %arg6[%mul3A_32] : memref<36000xi32, #tpu.memory_space<hbm>> -> memref<48xi32, #tpu.memory_space<hbm>>
          tpu.wait_dma2 semaphore(%run_scoped3A : memref<!tpu.dma_semaphore, #tpu.memory_space<semaphore_mem>>) src(%dma_wait3A_176 : memref<48xi32, #tpu.memory_space<hbm>>) dst(%dma_wait3A_175 : memref<48xi32, #tpu.memory_space<vmem>>)
          tpu.yield
        }) : () -> ()
        %dma_start3A = arith.constant 0 : i32
        %dma_start3A_33 = arith.constant 0 : i32
        %dma_start3A_34 = tpu.memref_slice %arg13[%rem3A_21, %dma_start3A, %dma_start3A_33] : memref<2x48x256xf32, #tpu.memory_space<vmem>> -> memref<1x48x256xf32, #tpu.memory_space<vmem>>
        %dma_start3A_35 = tpu.memref_squeeze %dma_start3A_34 : memref<1x48x256xf32, #tpu.memory_space<vmem>> -> memref<48x256xf32, #tpu.memory_space<vmem>>
        %dma_start3A_36 = arith.constant 0 : i32
        %dma_start3A_37 = tpu.memref_slice %arg11[%rem3A_21, %dma_start3A_36] : memref<2x48xi32, #tpu.memory_space<vmem>> -> memref<1x48xi32, #tpu.memory_space<vmem>>
        %dma_start3A_38 = tpu.memref_squeeze %dma_start3A_37 : memref<1x48xi32, #tpu.memory_space<vmem>> -> memref<48xi32, #tpu.memory_space<vmem>>
        %dma_start3A_39 = arith.constant 0 : i32
        %dma_start3A_40 = arith.constant 0 : i32
        %dma_start3A_41 = tpu.memref_slice %arg2[%dma_start3A_39, %dma_start3A_40] : memref<1200x256xf32, #tpu.memory_space<hbm>> -> memref<1200x256xf32, #tpu.memory_space<hbm>>
        tpu.enqueue_indirect_dma source(%dma_start3A_41 : memref<1200x256xf32, #tpu.memory_space<hbm>>) target(%dma_start3A_35 : memref<48x256xf32, #tpu.memory_space<vmem>>) offsets(%dma_start3A_38 : memref<48xi32, #tpu.memory_space<vmem>>) semaphore(%arg17 : memref<!tpu.dma_semaphore, #tpu.memory_space<semaphore_mem>>)
        %dma_start3A_42 = arith.constant 0 : i32
        %dma_start3A_43 = arith.constant 0 : i32
        %dma_start3A_44 = tpu.memref_slice %arg14[%rem3A_21, %dma_start3A_42, %dma_start3A_43] : memref<2x48x256xf32, #tpu.memory_space<vmem>> -> memref<1x48x256xf32, #tpu.memory_space<vmem>>
        %dma_start3A_45 = tpu.memref_squeeze %dma_start3A_44 : memref<1x48x256xf32, #tpu.memory_space<vmem>> -> memref<48x256xf32, #tpu.memory_space<vmem>>
        %dma_start3A_46 = arith.constant 0 : i32
        %dma_start3A_47 = tpu.memref_slice %arg12[%rem3A_21, %dma_start3A_46] : memref<2x48xi32, #tpu.memory_space<vmem>> -> memref<1x48xi32, #tpu.memory_space<vmem>>
        %dma_start3A_48 = tpu.memref_squeeze %dma_start3A_47 : memref<1x48xi32, #tpu.memory_space<vmem>> -> memref<48xi32, #tpu.memory_space<vmem>>
        %dma_start3A_49 = arith.constant 0 : i32
        %dma_start3A_50 = arith.constant 0 : i32
        %dma_start3A_51 = tpu.memref_slice %arg3[%dma_start3A_49, %dma_start3A_50] : memref<1200x256xf32, #tpu.memory_space<hbm>> -> memref<1200x256xf32, #tpu.memory_space<hbm>>
        tpu.enqueue_indirect_dma source(%dma_start3A_51 : memref<1200x256xf32, #tpu.memory_space<hbm>>) target(%dma_start3A_45 : memref<48x256xf32, #tpu.memory_space<vmem>>) offsets(%dma_start3A_48 : memref<48xi32, #tpu.memory_space<vmem>>) semaphore(%arg17 : memref<!tpu.dma_semaphore, #tpu.memory_space<semaphore_mem>>)
        %dma_start3A_52 = arith.constant 0 : i32
        %dma_start3A_53 = arith.constant 0 : i32
        %dma_start3A_54 = tpu.memref_slice %arg15[%rem3A_21, %dma_start3A_52, %dma_start3A_53] : memref<2x48x256xf32, #tpu.memory_space<vmem>> -> memref<1x48x256xf32, #tpu.memory_space<vmem>>
        %dma_start3A_55 = tpu.memref_squeeze %dma_start3A_54 : memref<1x48x256xf32, #tpu.memory_space<vmem>> -> memref<48x256xf32, #tpu.memory_space<vmem>>
        %dma_start3A_56 = arith.constant 0 : i32
        %dma_start3A_57 = tpu.memref_slice %arg11[%rem3A_21, %dma_start3A_56] : memref<2x48xi32, #tpu.memory_space<vmem>> -> memref<1x48xi32, #tpu.memory_space<vmem>>
        %dma_start3A_58 = tpu.memref_squeeze %dma_start3A_57 : memref<1x48xi32, #tpu.memory_space<vmem>> -> memref<48xi32, #tpu.memory_space<vmem>>
        %dma_start3A_59 = arith.constant 0 : i32
        %dma_start3A_60 = arith.constant 0 : i32
        %dma_start3A_61 = tpu.memref_slice %arg4[%dma_start3A_59, %dma_start3A_60] : memref<1200x256xf32, #tpu.memory_space<hbm>> -> memref<1200x256xf32, #tpu.memory_space<hbm>>
        tpu.enqueue_indirect_dma source(%dma_start3A_61 : memref<1200x256xf32, #tpu.memory_space<hbm>>) target(%dma_start3A_55 : memref<48x256xf32, #tpu.memory_space<vmem>>) offsets(%dma_start3A_58 : memref<48xi32, #tpu.memory_space<vmem>>) semaphore(%arg17 : memref<!tpu.dma_semaphore, #tpu.memory_space<semaphore_mem>>)
        %dma_start3A_62 = arith.constant 0 : i32
        %dma_start3A_63 = arith.constant 0 : i32
        %dma_start3A_64 = tpu.memref_slice %arg16[%rem3A_21, %dma_start3A_62, %dma_start3A_63] : memref<2x48x256xf32, #tpu.memory_space<vmem>> -> memref<1x48x256xf32, #tpu.memory_space<vmem>>
        %dma_start3A_65 = tpu.memref_squeeze %dma_start3A_64 : memref<1x48x256xf32, #tpu.memory_space<vmem>> -> memref<48x256xf32, #tpu.memory_space<vmem>>
        %dma_start3A_66 = arith.constant 0 : i32
        %dma_start3A_67 = tpu.memref_slice %arg12[%rem3A_21, %dma_start3A_66] : memref<2x48xi32, #tpu.memory_space<vmem>> -> memref<1x48xi32, #tpu.memory_space<vmem>>
        %dma_start3A_68 = tpu.memref_squeeze %dma_start3A_67 : memref<1x48xi32, #tpu.memory_space<vmem>> -> memref<48xi32, #tpu.memory_space<vmem>>
        %dma_start3A_69 = arith.constant 0 : i32
        %dma_start3A_70 = arith.constant 0 : i32
        %dma_start3A_71 = tpu.memref_slice %arg4[%dma_start3A_69, %dma_start3A_70] : memref<1200x256xf32, #tpu.memory_space<hbm>> -> memref<1200x256xf32, #tpu.memory_space<hbm>>
        tpu.enqueue_indirect_dma source(%dma_start3A_71 : memref<1200x256xf32, #tpu.memory_space<hbm>>) target(%dma_start3A_65 : memref<48x256xf32, #tpu.memory_space<vmem>>) offsets(%dma_start3A_68 : memref<48xi32, #tpu.memory_space<vmem>>) semaphore(%arg17 : memref<!tpu.dma_semaphore, #tpu.memory_space<semaphore_mem>>)
        %dma_wait3A = arith.constant 0 : i32
        %dma_wait3A_72 = arith.constant 0 : i32
        %dma_wait3A_73 = tpu.memref_slice %arg13[%rem3A_21, %dma_wait3A, %dma_wait3A_72] : memref<2x48x256xf32, #tpu.memory_space<vmem>> -> memref<1x48x256xf32, #tpu.memory_space<vmem>>
        %dma_wait3A_74 = tpu.memref_squeeze %dma_wait3A_73 : memref<1x48x256xf32, #tpu.memory_space<vmem>> -> memref<48x256xf32, #tpu.memory_space<vmem>>
        %dma_wait3A_75 = arith.constant 0 : i32
        %dma_wait3A_76 = tpu.memref_slice %arg11[%rem3A_21, %dma_wait3A_75] : memref<2x48xi32, #tpu.memory_space<vmem>> -> memref<1x48xi32, #tpu.memory_space<vmem>>
        %dma_wait3A_77 = tpu.memref_squeeze %dma_wait3A_76 : memref<1x48xi32, #tpu.memory_space<vmem>> -> memref<48xi32, #tpu.memory_space<vmem>>
        %dma_wait3A_78 = arith.constant 0 : i32
        %dma_wait3A_79 = arith.constant 0 : i32
        %dma_wait3A_80 = tpu.memref_slice %arg2[%dma_wait3A_78, %dma_wait3A_79] : memref<1200x256xf32, #tpu.memory_space<hbm>> -> memref<1200x256xf32, #tpu.memory_space<hbm>>
        tpu.wait_indirect_dma semaphore(%arg17 : memref<!tpu.dma_semaphore, #tpu.memory_space<semaphore_mem>>) src(%dma_wait3A_80 : memref<1200x256xf32, #tpu.memory_space<hbm>>) dst(%dma_wait3A_74 : memref<48x256xf32, #tpu.memory_space<vmem>>)
        %dma_wait3A_81 = arith.constant 0 : i32
        %dma_wait3A_82 = arith.constant 0 : i32
        %dma_wait3A_83 = tpu.memref_slice %arg14[%rem3A_21, %dma_wait3A_81, %dma_wait3A_82] : memref<2x48x256xf32, #tpu.memory_space<vmem>> -> memref<1x48x256xf32, #tpu.memory_space<vmem>>
        %dma_wait3A_84 = tpu.memref_squeeze %dma_wait3A_83 : memref<1x48x256xf32, #tpu.memory_space<vmem>> -> memref<48x256xf32, #tpu.memory_space<vmem>>
        %dma_wait3A_85 = arith.constant 0 : i32
        %dma_wait3A_86 = tpu.memref_slice %arg12[%rem3A_21, %dma_wait3A_85] : memref<2x48xi32, #tpu.memory_space<vmem>> -> memref<1x48xi32, #tpu.memory_space<vmem>>
        %dma_wait3A_87 = tpu.memref_squeeze %dma_wait3A_86 : memref<1x48xi32, #tpu.memory_space<vmem>> -> memref<48xi32, #tpu.memory_space<vmem>>
        %dma_wait3A_88 = arith.constant 0 : i32
        %dma_wait3A_89 = arith.constant 0 : i32
        %dma_wait3A_90 = tpu.memref_slice %arg3[%dma_wait3A_88, %dma_wait3A_89] : memref<1200x256xf32, #tpu.memory_space<hbm>> -> memref<1200x256xf32, #tpu.memory_space<hbm>>
        tpu.wait_indirect_dma semaphore(%arg17 : memref<!tpu.dma_semaphore, #tpu.memory_space<semaphore_mem>>) src(%dma_wait3A_90 : memref<1200x256xf32, #tpu.memory_space<hbm>>) dst(%dma_wait3A_84 : memref<48x256xf32, #tpu.memory_space<vmem>>)
        %dma_wait3A_91 = arith.constant 0 : i32
        %dma_wait3A_92 = arith.constant 0 : i32
        %dma_wait3A_93 = tpu.memref_slice %arg15[%rem3A_21, %dma_wait3A_91, %dma_wait3A_92] : memref<2x48x256xf32, #tpu.memory_space<vmem>> -> memref<1x48x256xf32, #tpu.memory_space<vmem>>
        %dma_wait3A_94 = tpu.memref_squeeze %dma_wait3A_93 : memref<1x48x256xf32, #tpu.memory_space<vmem>> -> memref<48x256xf32, #tpu.memory_space<vmem>>
        %dma_wait3A_95 = arith.constant 0 : i32
        %dma_wait3A_96 = tpu.memref_slice %arg11[%rem3A_21, %dma_wait3A_95] : memref<2x48xi32, #tpu.memory_space<vmem>> -> memref<1x48xi32, #tpu.memory_space<vmem>>
        %dma_wait3A_97 = tpu.memref_squeeze %dma_wait3A_96 : memref<1x48xi32, #tpu.memory_space<vmem>> -> memref<48xi32, #tpu.memory_space<vmem>>
        %dma_wait3A_98 = arith.constant 0 : i32
        %dma_wait3A_99 = arith.constant 0 : i32
        %dma_wait3A_100 = tpu.memref_slice %arg4[%dma_wait3A_98, %dma_wait3A_99] : memref<1200x256xf32, #tpu.memory_space<hbm>> -> memref<1200x256xf32, #tpu.memory_space<hbm>>
        tpu.wait_indirect_dma semaphore(%arg17 : memref<!tpu.dma_semaphore, #tpu.memory_space<semaphore_mem>>) src(%dma_wait3A_100 : memref<1200x256xf32, #tpu.memory_space<hbm>>) dst(%dma_wait3A_94 : memref<48x256xf32, #tpu.memory_space<vmem>>)
        %dma_wait3A_101 = arith.constant 0 : i32
        %dma_wait3A_102 = arith.constant 0 : i32
        %dma_wait3A_103 = tpu.memref_slice %arg16[%rem3A_21, %dma_wait3A_101, %dma_wait3A_102] : memref<2x48x256xf32, #tpu.memory_space<vmem>> -> memref<1x48x256xf32, #tpu.memory_space<vmem>>
        %dma_wait3A_104 = tpu.memref_squeeze %dma_wait3A_103 : memref<1x48x256xf32, #tpu.memory_space<vmem>> -> memref<48x256xf32, #tpu.memory_space<vmem>>
        %dma_wait3A_105 = arith.constant 0 : i32
        %dma_wait3A_106 = tpu.memref_slice %arg12[%rem3A_21, %dma_wait3A_105] : memref<2x48xi32, #tpu.memory_space<vmem>> -> memref<1x48xi32, #tpu.memory_space<vmem>>
        %dma_wait3A_107 = tpu.memref_squeeze %dma_wait3A_106 : memref<1x48xi32, #tpu.memory_space<vmem>> -> memref<48xi32, #tpu.memory_space<vmem>>
        %dma_wait3A_108 = arith.constant 0 : i32
        %dma_wait3A_109 = arith.constant 0 : i32
        %dma_wait3A_110 = tpu.memref_slice %arg4[%dma_wait3A_108, %dma_wait3A_109] : memref<1200x256xf32, #tpu.memory_space<hbm>> -> memref<1200x256xf32, #tpu.memory_space<hbm>>
        tpu.wait_indirect_dma semaphore(%arg17 : memref<!tpu.dma_semaphore, #tpu.memory_space<semaphore_mem>>) src(%dma_wait3A_110 : memref<1200x256xf32, #tpu.memory_space<hbm>>) dst(%dma_wait3A_104 : memref<48x256xf32, #tpu.memory_space<vmem>>)
        %mul3A_111 = arith.constant 48 : i32
        %mul3A_112 = arith.muli %add3A_20, %mul3A_111 : i32
        %dma_start3A_113 = arith.constant 0 : i32
        %dma_start3A_114 = arith.constant 0 : i32
        %dma_start3A_115 = tpu.memref_slice %arg13[%rem3A_21, %dma_start3A_113, %dma_start3A_114] : memref<2x48x256xf32, #tpu.memory_space<vmem>> -> memref<1x48x256xf32, #tpu.memory_space<vmem>>
        %dma_start3A_116 = tpu.memref_squeeze %dma_start3A_115 : memref<1x48x256xf32, #tpu.memory_space<vmem>> -> memref<48x256xf32, #tpu.memory_space<vmem>>
        %dma_start3A_117 = arith.constant 0 : i32
        %dma_start3A_118 = tpu.memref_slice %arg7[%mul3A_112, %dma_start3A_117] : memref<36000x256xf32, #tpu.memory_space<hbm>> -> memref<48x256xf32, #tpu.memory_space<hbm>>
        %dma_start3A_119 = arith.constant 0 : i32
        %dma_start3A_120 = tpu.memref_slice %arg7[%mul3A_112, %dma_start3A_119] : memref<36000x256xf32, #tpu.memory_space<hbm>> -> memref<48x256xf32, #tpu.memory_space<hbm>>
        %dma_start3A_121 = arith.constant 0 : i32
        %dma_start3A_122 = arith.constant 0 : i32
        %dma_start3A_123 = tpu.memref_slice %arg13[%rem3A_21, %dma_start3A_121, %dma_start3A_122] : memref<2x48x256xf32, #tpu.memory_space<vmem>> -> memref<1x48x256xf32, #tpu.memory_space<vmem>>
        %dma_start3A_124 = tpu.memref_squeeze %dma_start3A_123 : memref<1x48x256xf32, #tpu.memory_space<vmem>> -> memref<48x256xf32, #tpu.memory_space<vmem>>
        tpu.enqueue_dma source(%dma_start3A_124 : memref<48x256xf32, #tpu.memory_space<vmem>>) target(%dma_start3A_120 : memref<48x256xf32, #tpu.memory_space<hbm>>) target_semaphore(%arg18 : memref<!tpu.dma_semaphore, #tpu.memory_space<semaphore_mem>>)
        %dma_start3A_125 = arith.constant 0 : i32
        %dma_start3A_126 = arith.constant 0 : i32
        %dma_start3A_127 = tpu.memref_slice %arg14[%rem3A_21, %dma_start3A_125, %dma_start3A_126] : memref<2x48x256xf32, #tpu.memory_space<vmem>> -> memref<1x48x256xf32, #tpu.memory_space<vmem>>
        %dma_start3A_128 = tpu.memref_squeeze %dma_start3A_127 : memref<1x48x256xf32, #tpu.memory_space<vmem>> -> memref<48x256xf32, #tpu.memory_space<vmem>>
        %dma_start3A_129 = arith.constant 0 : i32
        %dma_start3A_130 = tpu.memref_slice %arg8[%mul3A_112, %dma_start3A_129] : memref<36000x256xf32, #tpu.memory_space<hbm>> -> memref<48x256xf32, #tpu.memory_space<hbm>>
        %dma_start3A_131 = arith.constant 0 : i32
        %dma_start3A_132 = tpu.memref_slice %arg8[%mul3A_112, %dma_start3A_131] : memref<36000x256xf32, #tpu.memory_space<hbm>> -> memref<48x256xf32, #tpu.memory_space<hbm>>
        %dma_start3A_133 = arith.constant 0 : i32
        %dma_start3A_134 = arith.constant 0 : i32
        %dma_start3A_135 = tpu.memref_slice %arg14[%rem3A_21, %dma_start3A_133, %dma_start3A_134] : memref<2x48x256xf32, #tpu.memory_space<vmem>> -> memref<1x48x256xf32, #tpu.memory_space<vmem>>
        %dma_start3A_136 = tpu.memref_squeeze %dma_start3A_135 : memref<1x48x256xf32, #tpu.memory_space<vmem>> -> memref<48x256xf32, #tpu.memory_space<vmem>>
        tpu.enqueue_dma source(%dma_start3A_136 : memref<48x256xf32, #tpu.memory_space<vmem>>) target(%dma_start3A_132 : memref<48x256xf32, #tpu.memory_space<hbm>>) target_semaphore(%arg18 : memref<!tpu.dma_semaphore, #tpu.memory_space<semaphore_mem>>)
        %dma_start3A_137 = arith.constant 0 : i32
        %dma_start3A_138 = arith.constant 0 : i32
        %dma_start3A_139 = tpu.memref_slice %arg15[%rem3A_21, %dma_start3A_137, %dma_start3A_138] : memref<2x48x256xf32, #tpu.memory_space<vmem>> -> memref<1x48x256xf32, #tpu.memory_space<vmem>>
        %dma_start3A_140 = tpu.memref_squeeze %dma_start3A_139 : memref<1x48x256xf32, #tpu.memory_space<vmem>> -> memref<48x256xf32, #tpu.memory_space<vmem>>
        %dma_start3A_141 = arith.constant 0 : i32
        %dma_start3A_142 = tpu.memref_slice %arg9[%mul3A_112, %dma_start3A_141] : memref<36000x256xf32, #tpu.memory_space<hbm>> -> memref<48x256xf32, #tpu.memory_space<hbm>>
        %dma_start3A_143 = arith.constant 0 : i32
        %dma_start3A_144 = tpu.memref_slice %arg9[%mul3A_112, %dma_start3A_143] : memref<36000x256xf32, #tpu.memory_space<hbm>> -> memref<48x256xf32, #tpu.memory_space<hbm>>
        %dma_start3A_145 = arith.constant 0 : i32
        %dma_start3A_146 = arith.constant 0 : i32
        %dma_start3A_147 = tpu.memref_slice %arg15[%rem3A_21, %dma_start3A_145, %dma_start3A_146] : memref<2x48x256xf32, #tpu.memory_space<vmem>> -> memref<1x48x256xf32, #tpu.memory_space<vmem>>
        %dma_start3A_148 = tpu.memref_squeeze %dma_start3A_147 : memref<1x48x256xf32, #tpu.memory_space<vmem>> -> memref<48x256xf32, #tpu.memory_space<vmem>>
        tpu.enqueue_dma source(%dma_start3A_148 : memref<48x256xf32, #tpu.memory_space<vmem>>) target(%dma_start3A_144 : memref<48x256xf32, #tpu.memory_space<hbm>>) target_semaphore(%arg18 : memref<!tpu.dma_semaphore, #tpu.memory_space<semaphore_mem>>)
        %dma_start3A_149 = arith.constant 0 : i32
        %dma_start3A_150 = arith.constant 0 : i32
        %dma_start3A_151 = tpu.memref_slice %arg16[%rem3A_21, %dma_start3A_149, %dma_start3A_150] : memref<2x48x256xf32, #tpu.memory_space<vmem>> -> memref<1x48x256xf32, #tpu.memory_space<vmem>>
        %dma_start3A_152 = tpu.memref_squeeze %dma_start3A_151 : memref<1x48x256xf32, #tpu.memory_space<vmem>> -> memref<48x256xf32, #tpu.memory_space<vmem>>
        %dma_start3A_153 = arith.constant 0 : i32
        %dma_start3A_154 = tpu.memref_slice %arg10[%mul3A_112, %dma_start3A_153] : memref<36000x256xf32, #tpu.memory_space<hbm>> -> memref<48x256xf32, #tpu.memory_space<hbm>>
        %dma_start3A_155 = arith.constant 0 : i32
        %dma_start3A_156 = tpu.memref_slice %arg10[%mul3A_112, %dma_start3A_155] : memref<36000x256xf32, #tpu.memory_space<hbm>> -> memref<48x256xf32, #tpu.memory_space<hbm>>
        %dma_start3A_157 = arith.constant 0 : i32
        %dma_start3A_158 = arith.constant 0 : i32
        %dma_start3A_159 = tpu.memref_slice %arg16[%rem3A_21, %dma_start3A_157, %dma_start3A_158] : memref<2x48x256xf32, #tpu.memory_space<vmem>> -> memref<1x48x256xf32, #tpu.memory_space<vmem>>
        %dma_start3A_160 = tpu.memref_squeeze %dma_start3A_159 : memref<1x48x256xf32, #tpu.memory_space<vmem>> -> memref<48x256xf32, #tpu.memory_space<vmem>>
        tpu.enqueue_dma source(%dma_start3A_160 : memref<48x256xf32, #tpu.memory_space<vmem>>) target(%dma_start3A_156 : memref<48x256xf32, #tpu.memory_space<hbm>>) target_semaphore(%arg18 : memref<!tpu.dma_semaphore, #tpu.memory_space<semaphore_mem>>)
      } else {
      }
    }
    %scan3A_5 = arith.constant 24 : i32
    %add3A_6 = arith.constant 704 : i32
    %add3A_7 = arith.addi %add3A, %add3A_6 : i32
    %lt3A = arith.constant 750 : i32
    %lt3A_8 = arith.cmpi slt, %add3A_7, %lt3A : i32
    %convert_element_type3A = arith.extui %lt3A_8 : i1 to i32
    %cond3A = arith.constant 0 : i32
    %cond3A_9 = arith.cmpi ne, %convert_element_type3A, %cond3A : i32
    scf.if %cond3A_9 {
      %mul3A_17 = arith.constant 48 : i32
      %mul3A_18 = arith.muli %add3A_7, %mul3A_17 : i32
      %dma_wait3A = arith.constant 0 : i32
      %dma_wait3A_19 = arith.constant 0 : i32
      %dma_wait3A_20 = arith.constant 0 : i32
      %dma_wait3A_21 = tpu.memref_slice %arg13[%dma_wait3A, %dma_wait3A_19, %dma_wait3A_20] : memref<2x48x256xf32, #tpu.memory_space<vmem>> -> memref<1x48x256xf32, #tpu.memory_space<vmem>>
      %dma_wait3A_22 = tpu.memref_squeeze %dma_wait3A_21 : memref<1x48x256xf32, #tpu.memory_space<vmem>> -> memref<48x256xf32, #tpu.memory_space<vmem>>
      %dma_wait3A_23 = arith.constant 0 : i32
      %dma_wait3A_24 = tpu.memref_slice %arg7[%mul3A_18, %dma_wait3A_23] : memref<36000x256xf32, #tpu.memory_space<hbm>> -> memref<48x256xf32, #tpu.memory_space<hbm>>
      %dma_wait3A_25 = arith.constant 0 : i32
      %dma_wait3A_26 = tpu.memref_slice %arg7[%mul3A_18, %dma_wait3A_25] : memref<36000x256xf32, #tpu.memory_space<hbm>> -> memref<48x256xf32, #tpu.memory_space<hbm>>
      %dma_wait3A_27 = arith.constant 0 : i32
      %dma_wait3A_28 = arith.constant 0 : i32
      %dma_wait3A_29 = tpu.memref_slice %arg13[%dma_wait3A, %dma_wait3A_27, %dma_wait3A_28] : memref<2x48x256xf32, #tpu.memory_space<vmem>> -> memref<1x48x256xf32, #tpu.memory_space<vmem>>
      %dma_wait3A_30 = tpu.memref_squeeze %dma_wait3A_29 : memref<1x48x256xf32, #tpu.memory_space<vmem>> -> memref<48x256xf32, #tpu.memory_space<vmem>>
      tpu.wait_dma2 semaphore(%arg18 : memref<!tpu.dma_semaphore, #tpu.memory_space<semaphore_mem>>) src(%dma_wait3A_30 : memref<48x256xf32, #tpu.memory_space<vmem>>) dst(%dma_wait3A_26 : memref<48x256xf32, #tpu.memory_space<hbm>>)
      %dma_wait3A_31 = arith.constant 0 : i32
      %dma_wait3A_32 = arith.constant 0 : i32
      %dma_wait3A_33 = arith.constant 0 : i32
      %dma_wait3A_34 = tpu.memref_slice %arg14[%dma_wait3A_31, %dma_wait3A_32, %dma_wait3A_33] : memref<2x48x256xf32, #tpu.memory_space<vmem>> -> memref<1x48x256xf32, #tpu.memory_space<vmem>>
      %dma_wait3A_35 = tpu.memref_squeeze %dma_wait3A_34 : memref<1x48x256xf32, #tpu.memory_space<vmem>> -> memref<48x256xf32, #tpu.memory_space<vmem>>
      %dma_wait3A_36 = arith.constant 0 : i32
      %dma_wait3A_37 = tpu.memref_slice %arg8[%mul3A_18, %dma_wait3A_36] : memref<36000x256xf32, #tpu.memory_space<hbm>> -> memref<48x256xf32, #tpu.memory_space<hbm>>
      %dma_wait3A_38 = arith.constant 0 : i32
      %dma_wait3A_39 = tpu.memref_slice %arg8[%mul3A_18, %dma_wait3A_38] : memref<36000x256xf32, #tpu.memory_space<hbm>> -> memref<48x256xf32, #tpu.memory_space<hbm>>
      %dma_wait3A_40 = arith.constant 0 : i32
      %dma_wait3A_41 = arith.constant 0 : i32
      %dma_wait3A_42 = tpu.memref_slice %arg14[%dma_wait3A_31, %dma_wait3A_40, %dma_wait3A_41] : memref<2x48x256xf32, #tpu.memory_space<vmem>> -> memref<1x48x256xf32, #tpu.memory_space<vmem>>
      %dma_wait3A_43 = tpu.memref_squeeze %dma_wait3A_42 : memref<1x48x256xf32, #tpu.memory_space<vmem>> -> memref<48x256xf32, #tpu.memory_space<vmem>>
      tpu.wait_dma2 semaphore(%arg18 : memref<!tpu.dma_semaphore, #tpu.memory_space<semaphore_mem>>) src(%dma_wait3A_43 : memref<48x256xf32, #tpu.memory_space<vmem>>) dst(%dma_wait3A_39 : memref<48x256xf32, #tpu.memory_space<hbm>>)
      %dma_wait3A_44 = arith.constant 0 : i32
      %dma_wait3A_45 = arith.constant 0 : i32
      %dma_wait3A_46 = arith.constant 0 : i32
      %dma_wait3A_47 = tpu.memref_slice %arg15[%dma_wait3A_44, %dma_wait3A_45, %dma_wait3A_46] : memref<2x48x256xf32, #tpu.memory_space<vmem>> -> memref<1x48x256xf32, #tpu.memory_space<vmem>>
      %dma_wait3A_48 = tpu.memref_squeeze %dma_wait3A_47 : memref<1x48x256xf32, #tpu.memory_space<vmem>> -> memref<48x256xf32, #tpu.memory_space<vmem>>
      %dma_wait3A_49 = arith.constant 0 : i32
      %dma_wait3A_50 = tpu.memref_slice %arg9[%mul3A_18, %dma_wait3A_49] : memref<36000x256xf32, #tpu.memory_space<hbm>> -> memref<48x256xf32, #tpu.memory_space<hbm>>
      %dma_wait3A_51 = arith.constant 0 : i32
      %dma_wait3A_52 = tpu.memref_slice %arg9[%mul3A_18, %dma_wait3A_51] : memref<36000x256xf32, #tpu.memory_space<hbm>> -> memref<48x256xf32, #tpu.memory_space<hbm>>
      %dma_wait3A_53 = arith.constant 0 : i32
      %dma_wait3A_54 = arith.constant 0 : i32
      %dma_wait3A_55 = tpu.memref_slice %arg15[%dma_wait3A_44, %dma_wait3A_53, %dma_wait3A_54] : memref<2x48x256xf32, #tpu.memory_space<vmem>> -> memref<1x48x256xf32, #tpu.memory_space<vmem>>
      %dma_wait3A_56 = tpu.memref_squeeze %dma_wait3A_55 : memref<1x48x256xf32, #tpu.memory_space<vmem>> -> memref<48x256xf32, #tpu.memory_space<vmem>>
      tpu.wait_dma2 semaphore(%arg18 : memref<!tpu.dma_semaphore, #tpu.memory_space<semaphore_mem>>) src(%dma_wait3A_56 : memref<48x256xf32, #tpu.memory_space<vmem>>) dst(%dma_wait3A_52 : memref<48x256xf32, #tpu.memory_space<hbm>>)
      %dma_wait3A_57 = arith.constant 0 : i32
      %dma_wait3A_58 = arith.constant 0 : i32
      %dma_wait3A_59 = arith.constant 0 : i32
      %dma_wait3A_60 = tpu.memref_slice %arg16[%dma_wait3A_57, %dma_wait3A_58, %dma_wait3A_59] : memref<2x48x256xf32, #tpu.memory_space<vmem>> -> memref<1x48x256xf32, #tpu.memory_space<vmem>>
      %dma_wait3A_61 = tpu.memref_squeeze %dma_wait3A_60 : memref<1x48x256xf32, #tpu.memory_space<vmem>> -> memref<48x256xf32, #tpu.memory_space<vmem>>
      %dma_wait3A_62 = arith.constant 0 : i32
      %dma_wait3A_63 = tpu.memref_slice %arg10[%mul3A_18, %dma_wait3A_62] : memref<36000x256xf32, #tpu.memory_space<hbm>> -> memref<48x256xf32, #tpu.memory_space<hbm>>
      %dma_wait3A_64 = arith.constant 0 : i32
      %dma_wait3A_65 = tpu.memref_slice %arg10[%mul3A_18, %dma_wait3A_64] : memref<36000x256xf32, #tpu.memory_space<hbm>> -> memref<48x256xf32, #tpu.memory_space<hbm>>
      %dma_wait3A_66 = arith.constant 0 : i32
      %dma_wait3A_67 = arith.constant 0 : i32
      %dma_wait3A_68 = tpu.memref_slice %arg16[%dma_wait3A_57, %dma_wait3A_66, %dma_wait3A_67] : memref<2x48x256xf32, #tpu.memory_space<vmem>> -> memref<1x48x256xf32, #tpu.memory_space<vmem>>
      %dma_wait3A_69 = tpu.memref_squeeze %dma_wait3A_68 : memref<1x48x256xf32, #tpu.memory_space<vmem>> -> memref<48x256xf32, #tpu.memory_space<vmem>>
      tpu.wait_dma2 semaphore(%arg18 : memref<!tpu.dma_semaphore, #tpu.memory_space<semaphore_mem>>) src(%dma_wait3A_69 : memref<48x256xf32, #tpu.memory_space<vmem>>) dst(%dma_wait3A_65 : memref<48x256xf32, #tpu.memory_space<hbm>>)
    } else {
    }
    %add3A_10 = arith.constant 736 : i32
    %add3A_11 = arith.addi %add3A, %add3A_10 : i32
    %lt3A_12 = arith.constant 750 : i32
    %lt3A_13 = arith.cmpi slt, %add3A_11, %lt3A_12 : i32
    %convert_element_type3A_14 = arith.extui %lt3A_13 : i1 to i32
    %cond3A_15 = arith.constant 0 : i32
    %cond3A_16 = arith.cmpi ne, %convert_element_type3A_14, %cond3A_15 : i32
    scf.if %cond3A_16 {
      %mul3A_17 = arith.constant 48 : i32
      %mul3A_18 = arith.muli %add3A_11, %mul3A_17 : i32
      %dma_wait3A = arith.constant 1 : i32
      %dma_wait3A_19 = arith.constant 0 : i32
      %dma_wait3A_20 = arith.constant 0 : i32
      %dma_wait3A_21 = tpu.memref_slice %arg13[%dma_wait3A, %dma_wait3A_19, %dma_wait3A_20] : memref<2x48x256xf32, #tpu.memory_space<vmem>> -> memref<1x48x256xf32, #tpu.memory_space<vmem>>
      %dma_wait3A_22 = tpu.memref_squeeze %dma_wait3A_21 : memref<1x48x256xf32, #tpu.memory_space<vmem>> -> memref<48x256xf32, #tpu.memory_space<vmem>>
      %dma_wait3A_23 = arith.constant 0 : i32
      %dma_wait3A_24 = tpu.memref_slice %arg7[%mul3A_18, %dma_wait3A_23] : memref<36000x256xf32, #tpu.memory_space<hbm>> -> memref<48x256xf32, #tpu.memory_space<hbm>>
      %dma_wait3A_25 = arith.constant 0 : i32
      %dma_wait3A_26 = tpu.memref_slice %arg7[%mul3A_18, %dma_wait3A_25] : memref<36000x256xf32, #tpu.memory_space<hbm>> -> memref<48x256xf32, #tpu.memory_space<hbm>>
      %dma_wait3A_27 = arith.constant 0 : i32
      %dma_wait3A_28 = arith.constant 0 : i32
      %dma_wait3A_29 = tpu.memref_slice %arg13[%dma_wait3A, %dma_wait3A_27, %dma_wait3A_28] : memref<2x48x256xf32, #tpu.memory_space<vmem>> -> memref<1x48x256xf32, #tpu.memory_space<vmem>>
      %dma_wait3A_30 = tpu.memref_squeeze %dma_wait3A_29 : memref<1x48x256xf32, #tpu.memory_space<vmem>> -> memref<48x256xf32, #tpu.memory_space<vmem>>
      tpu.wait_dma2 semaphore(%arg18 : memref<!tpu.dma_semaphore, #tpu.memory_space<semaphore_mem>>) src(%dma_wait3A_30 : memref<48x256xf32, #tpu.memory_space<vmem>>) dst(%dma_wait3A_26 : memref<48x256xf32, #tpu.memory_space<hbm>>)
      %dma_wait3A_31 = arith.constant 1 : i32
      %dma_wait3A_32 = arith.constant 0 : i32
      %dma_wait3A_33 = arith.constant 0 : i32
      %dma_wait3A_34 = tpu.memref_slice %arg14[%dma_wait3A_31, %dma_wait3A_32, %dma_wait3A_33] : memref<2x48x256xf32, #tpu.memory_space<vmem>> -> memref<1x48x256xf32, #tpu.memory_space<vmem>>
      %dma_wait3A_35 = tpu.memref_squeeze %dma_wait3A_34 : memref<1x48x256xf32, #tpu.memory_space<vmem>> -> memref<48x256xf32, #tpu.memory_space<vmem>>
      %dma_wait3A_36 = arith.constant 0 : i32
      %dma_wait3A_37 = tpu.memref_slice %arg8[%mul3A_18, %dma_wait3A_36] : memref<36000x256xf32, #tpu.memory_space<hbm>> -> memref<48x256xf32, #tpu.memory_space<hbm>>
      %dma_wait3A_38 = arith.constant 0 : i32
      %dma_wait3A_39 = tpu.memref_slice %arg8[%mul3A_18, %dma_wait3A_38] : memref<36000x256xf32, #tpu.memory_space<hbm>> -> memref<48x256xf32, #tpu.memory_space<hbm>>
      %dma_wait3A_40 = arith.constant 0 : i32
      %dma_wait3A_41 = arith.constant 0 : i32
      %dma_wait3A_42 = tpu.memref_slice %arg14[%dma_wait3A_31, %dma_wait3A_40, %dma_wait3A_41] : memref<2x48x256xf32, #tpu.memory_space<vmem>> -> memref<1x48x256xf32, #tpu.memory_space<vmem>>
      %dma_wait3A_43 = tpu.memref_squeeze %dma_wait3A_42 : memref<1x48x256xf32, #tpu.memory_space<vmem>> -> memref<48x256xf32, #tpu.memory_space<vmem>>
      tpu.wait_dma2 semaphore(%arg18 : memref<!tpu.dma_semaphore, #tpu.memory_space<semaphore_mem>>) src(%dma_wait3A_43 : memref<48x256xf32, #tpu.memory_space<vmem>>) dst(%dma_wait3A_39 : memref<48x256xf32, #tpu.memory_space<hbm>>)
      %dma_wait3A_44 = arith.constant 1 : i32
      %dma_wait3A_45 = arith.constant 0 : i32
      %dma_wait3A_46 = arith.constant 0 : i32
      %dma_wait3A_47 = tpu.memref_slice %arg15[%dma_wait3A_44, %dma_wait3A_45, %dma_wait3A_46] : memref<2x48x256xf32, #tpu.memory_space<vmem>> -> memref<1x48x256xf32, #tpu.memory_space<vmem>>
      %dma_wait3A_48 = tpu.memref_squeeze %dma_wait3A_47 : memref<1x48x256xf32, #tpu.memory_space<vmem>> -> memref<48x256xf32, #tpu.memory_space<vmem>>
      %dma_wait3A_49 = arith.constant 0 : i32
      %dma_wait3A_50 = tpu.memref_slice %arg9[%mul3A_18, %dma_wait3A_49] : memref<36000x256xf32, #tpu.memory_space<hbm>> -> memref<48x256xf32, #tpu.memory_space<hbm>>
      %dma_wait3A_51 = arith.constant 0 : i32
      %dma_wait3A_52 = tpu.memref_slice %arg9[%mul3A_18, %dma_wait3A_51] : memref<36000x256xf32, #tpu.memory_space<hbm>> -> memref<48x256xf32, #tpu.memory_space<hbm>>
      %dma_wait3A_53 = arith.constant 0 : i32
      %dma_wait3A_54 = arith.constant 0 : i32
      %dma_wait3A_55 = tpu.memref_slice %arg15[%dma_wait3A_44, %dma_wait3A_53, %dma_wait3A_54] : memref<2x48x256xf32, #tpu.memory_space<vmem>> -> memref<1x48x256xf32, #tpu.memory_space<vmem>>
      %dma_wait3A_56 = tpu.memref_squeeze %dma_wait3A_55 : memref<1x48x256xf32, #tpu.memory_space<vmem>> -> memref<48x256xf32, #tpu.memory_space<vmem>>
      tpu.wait_dma2 semaphore(%arg18 : memref<!tpu.dma_semaphore, #tpu.memory_space<semaphore_mem>>) src(%dma_wait3A_56 : memref<48x256xf32, #tpu.memory_space<vmem>>) dst(%dma_wait3A_52 : memref<48x256xf32, #tpu.memory_space<hbm>>)
      %dma_wait3A_57 = arith.constant 1 : i32
      %dma_wait3A_58 = arith.constant 0 : i32
      %dma_wait3A_59 = arith.constant 0 : i32
      %dma_wait3A_60 = tpu.memref_slice %arg16[%dma_wait3A_57, %dma_wait3A_58, %dma_wait3A_59] : memref<2x48x256xf32, #tpu.memory_space<vmem>> -> memref<1x48x256xf32, #tpu.memory_space<vmem>>
      %dma_wait3A_61 = tpu.memref_squeeze %dma_wait3A_60 : memref<1x48x256xf32, #tpu.memory_space<vmem>> -> memref<48x256xf32, #tpu.memory_space<vmem>>
      %dma_wait3A_62 = arith.constant 0 : i32
      %dma_wait3A_63 = tpu.memref_slice %arg10[%mul3A_18, %dma_wait3A_62] : memref<36000x256xf32, #tpu.memory_space<hbm>> -> memref<48x256xf32, #tpu.memory_space<hbm>>
      %dma_wait3A_64 = arith.constant 0 : i32
      %dma_wait3A_65 = tpu.memref_slice %arg10[%mul3A_18, %dma_wait3A_64] : memref<36000x256xf32, #tpu.memory_space<hbm>> -> memref<48x256xf32, #tpu.memory_space<hbm>>
      %dma_wait3A_66 = arith.constant 0 : i32
      %dma_wait3A_67 = arith.constant 0 : i32
      %dma_wait3A_68 = tpu.memref_slice %arg16[%dma_wait3A_57, %dma_wait3A_66, %dma_wait3A_67] : memref<2x48x256xf32, #tpu.memory_space<vmem>> -> memref<1x48x256xf32, #tpu.memory_space<vmem>>
      %dma_wait3A_69 = tpu.memref_squeeze %dma_wait3A_68 : memref<1x48x256xf32, #tpu.memory_space<vmem>> -> memref<48x256xf32, #tpu.memory_space<vmem>>
      tpu.wait_dma2 semaphore(%arg18 : memref<!tpu.dma_semaphore, #tpu.memory_space<semaphore_mem>>) src(%dma_wait3A_69 : memref<48x256xf32, #tpu.memory_space<vmem>>) dst(%dma_wait3A_65 : memref<48x256xf32, #tpu.memory_space<hbm>>)
    } else {
    }
    return
  }
}

#map = affine_map<(d0, d1) -> (0, 0)>
#map1 = affine_map<(d0, d1) -> (0)>
module attributes {stable_mosaic.version = 14 : i64} {
  func.func @gk(%arg0: i32, %arg1: i32, %arg2: memref<1200x256xf32, #tpu.memory_space<hbm>>, %arg3: memref<1200x256xf32, #tpu.memory_space<hbm>>, %arg4: memref<1200x256xf32, #tpu.memory_space<hbm>>, %arg5: memref<36000xi32, #tpu.memory_space<hbm>>, %arg6: memref<36000xi32, #tpu.memory_space<hbm>>, %arg7: memref<36000x256xf32, #tpu.memory_space<hbm>>, %arg8: memref<36000x256xf32, #tpu.memory_space<hbm>>, %arg9: memref<36000x256xf32, #tpu.memory_space<hbm>>, %arg10: memref<36000x256xf32, #tpu.memory_space<hbm>>, %arg11: memref<2x48xi32, #tpu.memory_space<vmem>>, %arg12: memref<2x48xi32, #tpu.memory_space<vmem>>, %arg13: memref<2x48x256xf32, #tpu.memory_space<vmem>>, %arg14: memref<2x48x256xf32, #tpu.memory_space<vmem>>, %arg15: memref<2x48x256xf32, #tpu.memory_space<vmem>>, %arg16: memref<2x48x256xf32, #tpu.memory_space<vmem>>, %arg17: memref<!tpu.dma_semaphore, #tpu.memory_space<semaphore_mem>>, %arg18: memref<!tpu.dma_semaphore, #tpu.memory_space<semaphore_mem>>) attributes {dimension_semantics = [#tpu.dimension_semantics<core_parallel>, #tpu.dimension_semantics<subcore_parallel>], iteration_bounds = array<i64: 2, 16>, scalar_prefetch = 0 : i64, scratch_operands = 8 : i64, tpu.core_type = #tpu.core_type<sc_vector_subcore>, window_params = [{transform_indices = #map}, {transform_indices = #map}, {transform_indices = #map}, {transform_indices = #map1}, {transform_indices = #map1}, {transform_indices = #map}, {transform_indices = #map}, {transform_indices = #map}, {transform_indices = #map}]} {
    %mul3A = arith.constant 2 : i32
    %mul3A_0 = arith.muli %arg1, %mul3A : i32
    %add3A = arith.addi %mul3A_0, %arg0 : i32
    %scan3A = arith.constant 0 : i32
    %scan3A_1 = arith.constant 0 : i32
    %scan3A_2 = arith.constant 24 : i32
    %scan3A_3 = arith.addi %scan3A_1, %scan3A_2 : i32
    %scan3A_4 = arith.constant 1 : i32
    scf.for %scan3A_17 = %scan3A_1 to %scan3A_3 step %scan3A_4  : i32 {
      %mul3A_18 = arith.constant 32 : i32
      %mul3A_19 = arith.muli %mul3A_18, %scan3A_17 : i32
      %add3A_20 = arith.addi %add3A, %mul3A_19 : i32
      %rem3A = arith.constant 2 : i32
      %rem3A_21 = arith.remsi %scan3A_17, %rem3A : i32
      %lt3A_22 = arith.constant 750 : i32
      %lt3A_23 = arith.cmpi slt, %add3A_20, %lt3A_22 : i32
      %convert_element_type3A_24 = arith.extui %lt3A_23 : i1 to i32
      %cond3A_25 = arith.constant 0 : i32
      %cond3A_26 = arith.cmpi ne, %convert_element_type3A_24, %cond3A_25 : i32
      scf.if %cond3A_26 {
        %ge3A = arith.constant 2 : i32
        %ge3A_27 = arith.cmpi sge, %scan3A_17, %ge3A : i32
        %convert_element_type3A_28 = arith.extui %ge3A_27 : i1 to i32
        %cond3A_29 = arith.constant 0 : i32
        %cond3A_30 = arith.cmpi ne, %convert_element_type3A_28, %cond3A_29 : i32
        scf.if %cond3A_30 {
          %sub3A = arith.constant 64 : i32
          %sub3A_161 = arith.subi %add3A_20, %sub3A : i32
          %mul3A_162 = arith.constant 48 : i32
          %mul3A_163 = arith.muli %sub3A_161, %mul3A_162 : i32
          %dma_wait3A_164 = arith.constant 0 : i32
          %dma_wait3A_165 = arith.constant 0 : i32
          %dma_wait3A_166 = tpu.memref_slice %arg13[%rem3A_21, %dma_wait3A_164, %dma_wait3A_165] : memref<2x48x256xf32, #tpu.memory_space<vmem>> -> memref<1x48x256xf32, #tpu.memory_space<vmem>>
          %dma_wait3A_167 = tpu.memref_squeeze %dma_wait3A_166 : memref<1x48x256xf32, #tpu.memory_space<vmem>> -> memref<48x256xf32, #tpu.memory_space<vmem>>
          %dma_wait3A_168 = arith.constant 0 : i32
          %dma_wait3A_169 = tpu.memref_slice %arg7[%mul3A_163, %dma_wait3A_168] : memref<36000x256xf32, #tpu.memory_space<hbm>> -> memref<48x256xf32, #tpu.memory_space<hbm>>
          %dma_wait3A_170 = arith.constant 0 : i32
          %dma_wait3A_171 = tpu.memref_slice %arg7[%mul3A_163, %dma_wait3A_170] : memref<36000x256xf32, #tpu.memory_space<hbm>> -> memref<48x256xf32, #tpu.memory_space<hbm>>
          %dma_wait3A_172 = arith.constant 0 : i32
          %dma_wait3A_173 = arith.constant 0 : i32
          %dma_wait3A_174 = tpu.memref_slice %arg13[%rem3A_21, %dma_wait3A_172, %dma_wait3A_173] : memref<2x48x256xf32, #tpu.memory_space<vmem>> -> memref<1x48x256xf32, #tpu.memory_space<vmem>>
          %dma_wait3A_175 = tpu.memref_squeeze %dma_wait3A_174 : memref<1x48x256xf32, #tpu.memory_space<vmem>> -> memref<48x256xf32, #tpu.memory_space<vmem>>
          tpu.wait_dma2 semaphore(%arg18 : memref<!tpu.dma_semaphore, #tpu.memory_space<semaphore_mem>>) src(%dma_wait3A_175 : memref<48x256xf32, #tpu.memory_space<vmem>>) dst(%dma_wait3A_171 : memref<48x256xf32, #tpu.memory_space<hbm>>)
          %dma_wait3A_176 = arith.constant 0 : i32
          %dma_wait3A_177 = arith.constant 0 : i32
          %dma_wait3A_178 = tpu.memref_slice %arg14[%rem3A_21, %dma_wait3A_176, %dma_wait3A_177] : memref<2x48x256xf32, #tpu.memory_space<vmem>> -> memref<1x48x256xf32, #tpu.memory_space<vmem>>
          %dma_wait3A_179 = tpu.memref_squeeze %dma_wait3A_178 : memref<1x48x256xf32, #tpu.memory_space<vmem>> -> memref<48x256xf32, #tpu.memory_space<vmem>>
          %dma_wait3A_180 = arith.constant 0 : i32
          %dma_wait3A_181 = tpu.memref_slice %arg8[%mul3A_163, %dma_wait3A_180] : memref<36000x256xf32, #tpu.memory_space<hbm>> -> memref<48x256xf32, #tpu.memory_space<hbm>>
          %dma_wait3A_182 = arith.constant 0 : i32
          %dma_wait3A_183 = tpu.memref_slice %arg8[%mul3A_163, %dma_wait3A_182] : memref<36000x256xf32, #tpu.memory_space<hbm>> -> memref<48x256xf32, #tpu.memory_space<hbm>>
          %dma_wait3A_184 = arith.constant 0 : i32
          %dma_wait3A_185 = arith.constant 0 : i32
          %dma_wait3A_186 = tpu.memref_slice %arg14[%rem3A_21, %dma_wait3A_184, %dma_wait3A_185] : memref<2x48x256xf32, #tpu.memory_space<vmem>> -> memref<1x48x256xf32, #tpu.memory_space<vmem>>
          %dma_wait3A_187 = tpu.memref_squeeze %dma_wait3A_186 : memref<1x48x256xf32, #tpu.memory_space<vmem>> -> memref<48x256xf32, #tpu.memory_space<vmem>>
          tpu.wait_dma2 semaphore(%arg18 : memref<!tpu.dma_semaphore, #tpu.memory_space<semaphore_mem>>) src(%dma_wait3A_187 : memref<48x256xf32, #tpu.memory_space<vmem>>) dst(%dma_wait3A_183 : memref<48x256xf32, #tpu.memory_space<hbm>>)
          %dma_wait3A_188 = arith.constant 0 : i32
          %dma_wait3A_189 = arith.constant 0 : i32
          %dma_wait3A_190 = tpu.memref_slice %arg15[%rem3A_21, %dma_wait3A_188, %dma_wait3A_189] : memref<2x48x256xf32, #tpu.memory_space<vmem>> -> memref<1x48x256xf32, #tpu.memory_space<vmem>>
          %dma_wait3A_191 = tpu.memref_squeeze %dma_wait3A_190 : memref<1x48x256xf32, #tpu.memory_space<vmem>> -> memref<48x256xf32, #tpu.memory_space<vmem>>
          %dma_wait3A_192 = arith.constant 0 : i32
          %dma_wait3A_193 = tpu.memref_slice %arg9[%mul3A_163, %dma_wait3A_192] : memref<36000x256xf32, #tpu.memory_space<hbm>> -> memref<48x256xf32, #tpu.memory_space<hbm>>
          %dma_wait3A_194 = arith.constant 0 : i32
          %dma_wait3A_195 = tpu.memref_slice %arg9[%mul3A_163, %dma_wait3A_194] : memref<36000x256xf32, #tpu.memory_space<hbm>> -> memref<48x256xf32, #tpu.memory_space<hbm>>
          %dma_wait3A_196 = arith.constant 0 : i32
          %dma_wait3A_197 = arith.constant 0 : i32
          %dma_wait3A_198 = tpu.memref_slice %arg15[%rem3A_21, %dma_wait3A_196, %dma_wait3A_197] : memref<2x48x256xf32, #tpu.memory_space<vmem>> -> memref<1x48x256xf32, #tpu.memory_space<vmem>>
          %dma_wait3A_199 = tpu.memref_squeeze %dma_wait3A_198 : memref<1x48x256xf32, #tpu.memory_space<vmem>> -> memref<48x256xf32, #tpu.memory_space<vmem>>
          tpu.wait_dma2 semaphore(%arg18 : memref<!tpu.dma_semaphore, #tpu.memory_space<semaphore_mem>>) src(%dma_wait3A_199 : memref<48x256xf32, #tpu.memory_space<vmem>>) dst(%dma_wait3A_195 : memref<48x256xf32, #tpu.memory_space<hbm>>)
          %dma_wait3A_200 = arith.constant 0 : i32
          %dma_wait3A_201 = arith.constant 0 : i32
          %dma_wait3A_202 = tpu.memref_slice %arg16[%rem3A_21, %dma_wait3A_200, %dma_wait3A_201] : memref<2x48x256xf32, #tpu.memory_space<vmem>> -> memref<1x48x256xf32, #tpu.memory_space<vmem>>
          %dma_wait3A_203 = tpu.memref_squeeze %dma_wait3A_202 : memref<1x48x256xf32, #tpu.memory_space<vmem>> -> memref<48x256xf32, #tpu.memory_space<vmem>>
          %dma_wait3A_204 = arith.constant 0 : i32
          %dma_wait3A_205 = tpu.memref_slice %arg10[%mul3A_163, %dma_wait3A_204] : memref<36000x256xf32, #tpu.memory_space<hbm>> -> memref<48x256xf32, #tpu.memory_space<hbm>>
          %dma_wait3A_206 = arith.constant 0 : i32
          %dma_wait3A_207 = tpu.memref_slice %arg10[%mul3A_163, %dma_wait3A_206] : memref<36000x256xf32, #tpu.memory_space<hbm>> -> memref<48x256xf32, #tpu.memory_space<hbm>>
          %dma_wait3A_208 = arith.constant 0 : i32
          %dma_wait3A_209 = arith.constant 0 : i32
          %dma_wait3A_210 = tpu.memref_slice %arg16[%rem3A_21, %dma_wait3A_208, %dma_wait3A_209] : memref<2x48x256xf32, #tpu.memory_space<vmem>> -> memref<1x48x256xf32, #tpu.memory_space<vmem>>
          %dma_wait3A_211 = tpu.memref_squeeze %dma_wait3A_210 : memref<1x48x256xf32, #tpu.memory_space<vmem>> -> memref<48x256xf32, #tpu.memory_space<vmem>>
          tpu.wait_dma2 semaphore(%arg18 : memref<!tpu.dma_semaphore, #tpu.memory_space<semaphore_mem>>) src(%dma_wait3A_211 : memref<48x256xf32, #tpu.memory_space<vmem>>) dst(%dma_wait3A_207 : memref<48x256xf32, #tpu.memory_space<hbm>>)
        } else {
        }
        %mul3A_31 = arith.constant 48 : i32
        %mul3A_32 = arith.muli %add3A_20, %mul3A_31 : i32
        "tpu.region"() ({
          %run_scoped3A = tpu.sem_alloc : memref<!tpu.dma_semaphore, #tpu.memory_space<semaphore_mem>>
          %dma_start3A_161 = arith.constant 0 : i32
          %dma_start3A_162 = tpu.memref_slice %arg11[%rem3A_21, %dma_start3A_161] : memref<2x48xi32, #tpu.memory_space<vmem>> -> memref<1x48xi32, #tpu.memory_space<vmem>>
          %dma_start3A_163 = tpu.memref_squeeze %dma_start3A_162 : memref<1x48xi32, #tpu.memory_space<vmem>> -> memref<48xi32, #tpu.memory_space<vmem>>
          %dma_start3A_164 = tpu.memref_slice %arg5[%mul3A_32] : memref<36000xi32, #tpu.memory_space<hbm>> -> memref<48xi32, #tpu.memory_space<hbm>>
          %dma_start3A_165 = arith.constant 0 : i32
          %dma_start3A_166 = tpu.memref_slice %arg11[%rem3A_21, %dma_start3A_165] : memref<2x48xi32, #tpu.memory_space<vmem>> -> memref<1x48xi32, #tpu.memory_space<vmem>>
          %dma_start3A_167 = tpu.memref_squeeze %dma_start3A_166 : memref<1x48xi32, #tpu.memory_space<vmem>> -> memref<48xi32, #tpu.memory_space<vmem>>
          %dma_start3A_168 = tpu.memref_slice %arg5[%mul3A_32] : memref<36000xi32, #tpu.memory_space<hbm>> -> memref<48xi32, #tpu.memory_space<hbm>>
          tpu.enqueue_dma source(%dma_start3A_168 : memref<48xi32, #tpu.memory_space<hbm>>) target(%dma_start3A_167 : memref<48xi32, #tpu.memory_space<vmem>>) target_semaphore(%run_scoped3A : memref<!tpu.dma_semaphore, #tpu.memory_space<semaphore_mem>>)
          %dma_wait3A_169 = arith.constant 0 : i32
          %dma_wait3A_170 = tpu.memref_slice %arg11[%rem3A_21, %dma_wait3A_169] : memref<2x48xi32, #tpu.memory_space<vmem>> -> memref<1x48xi32, #tpu.memory_space<vmem>>
          %dma_wait3A_171 = tpu.memref_squeeze %dma_wait3A_170 : memref<1x48xi32, #tpu.memory_space<vmem>> -> memref<48xi32, #tpu.memory_space<vmem>>
          %dma_wait3A_172 = tpu.memref_slice %arg5[%mul3A_32] : memref<36000xi32, #tpu.memory_space<hbm>> -> memref<48xi32, #tpu.memory_space<hbm>>
          %dma_wait3A_173 = arith.constant 0 : i32
          %dma_wait3A_174 = tpu.memref_slice %arg11[%rem3A_21, %dma_wait3A_173] : memref<2x48xi32, #tpu.memory_space<vmem>> -> memref<1x48xi32, #tpu.memory_space<vmem>>
          %dma_wait3A_175 = tpu.memref_squeeze %dma_wait3A_174 : memref<1x48xi32, #tpu.memory_space<vmem>> -> memref<48xi32, #tpu.memory_space<vmem>>
          %dma_wait3A_176 = tpu.memref_slice %arg5[%mul3A_32] : memref<36000xi32, #tpu.memory_space<hbm>> -> memref<48xi32, #tpu.memory_space<hbm>>
          tpu.wait_dma2 semaphore(%run_scoped3A : memref<!tpu.dma_semaphore, #tpu.memory_space<semaphore_mem>>) src(%dma_wait3A_176 : memref<48xi32, #tpu.memory_space<hbm>>) dst(%dma_wait3A_175 : memref<48xi32, #tpu.memory_space<vmem>>)
          tpu.yield
        }) : () -> ()
        "tpu.region"() ({
          %run_scoped3A = tpu.sem_alloc : memref<!tpu.dma_semaphore, #tpu.memory_space<semaphore_mem>>
          %dma_start3A_161 = arith.constant 0 : i32
          %dma_start3A_162 = tpu.memref_slice %arg12[%rem3A_21, %dma_start3A_161] : memref<2x48xi32, #tpu.memory_space<vmem>> -> memref<1x48xi32, #tpu.memory_space<vmem>>
          %dma_start3A_163 = tpu.memref_squeeze %dma_start3A_162 : memref<1x48xi32, #tpu.memory_space<vmem>> -> memref<48xi32, #tpu.memory_space<vmem>>
          %dma_start3A_164 = tpu.memref_slice %arg6[%mul3A_32] : memref<36000xi32, #tpu.memory_space<hbm>> -> memref<48xi32, #tpu.memory_space<hbm>>
          %dma_start3A_165 = arith.constant 0 : i32
          %dma_start3A_166 = tpu.memref_slice %arg12[%rem3A_21, %dma_start3A_165] : memref<2x48xi32, #tpu.memory_space<vmem>> -> memref<1x48xi32, #tpu.memory_space<vmem>>
          %dma_start3A_167 = tpu.memref_squeeze %dma_start3A_166 : memref<1x48xi32, #tpu.memory_space<vmem>> -> memref<48xi32, #tpu.memory_space<vmem>>
          %dma_start3A_168 = tpu.memref_slice %arg6[%mul3A_32] : memref<36000xi32, #tpu.memory_space<hbm>> -> memref<48xi32, #tpu.memory_space<hbm>>
          tpu.enqueue_dma source(%dma_start3A_168 : memref<48xi32, #tpu.memory_space<hbm>>) target(%dma_start3A_167 : memref<48xi32, #tpu.memory_space<vmem>>) target_semaphore(%run_scoped3A : memref<!tpu.dma_semaphore, #tpu.memory_space<semaphore_mem>>)
          %dma_wait3A_169 = arith.constant 0 : i32
          %dma_wait3A_170 = tpu.memref_slice %arg12[%rem3A_21, %dma_wait3A_169] : memref<2x48xi32, #tpu.memory_space<vmem>> -> memref<1x48xi32, #tpu.memory_space<vmem>>
          %dma_wait3A_171 = tpu.memref_squeeze %dma_wait3A_170 : memref<1x48xi32, #tpu.memory_space<vmem>> -> memref<48xi32, #tpu.memory_space<vmem>>
          %dma_wait3A_172 = tpu.memref_slice %arg6[%mul3A_32] : memref<36000xi32, #tpu.memory_space<hbm>> -> memref<48xi32, #tpu.memory_space<hbm>>
          %dma_wait3A_173 = arith.constant 0 : i32
          %dma_wait3A_174 = tpu.memref_slice %arg12[%rem3A_21, %dma_wait3A_173] : memref<2x48xi32, #tpu.memory_space<vmem>> -> memref<1x48xi32, #tpu.memory_space<vmem>>
          %dma_wait3A_175 = tpu.memref_squeeze %dma_wait3A_174 : memref<1x48xi32, #tpu.memory_space<vmem>> -> memref<48xi32, #tpu.memory_space<vmem>>
          %dma_wait3A_176 = tpu.memref_slice %arg6[%mul3A_32] : memref<36000xi32, #tpu.memory_space<hbm>> -> memref<48xi32, #tpu.memory_space<hbm>>
          tpu.wait_dma2 semaphore(%run_scoped3A : memref<!tpu.dma_semaphore, #tpu.memory_space<semaphore_mem>>) src(%dma_wait3A_176 : memref<48xi32, #tpu.memory_space<hbm>>) dst(%dma_wait3A_175 : memref<48xi32, #tpu.memory_space<vmem>>)
          tpu.yield
        }) : () -> ()
        %dma_start3A = arith.constant 0 : i32
        %dma_start3A_33 = arith.constant 0 : i32
        %dma_start3A_34 = tpu.memref_slice %arg13[%rem3A_21, %dma_start3A, %dma_start3A_33] : memref<2x48x256xf32, #tpu.memory_space<vmem>> -> memref<1x48x256xf32, #tpu.memory_space<vmem>>
        %dma_start3A_35 = tpu.memref_squeeze %dma_start3A_34 : memref<1x48x256xf32, #tpu.memory_space<vmem>> -> memref<48x256xf32, #tpu.memory_space<vmem>>
        %dma_start3A_36 = arith.constant 0 : i32
        %dma_start3A_37 = tpu.memref_slice %arg11[%rem3A_21, %dma_start3A_36] : memref<2x48xi32, #tpu.memory_space<vmem>> -> memref<1x48xi32, #tpu.memory_space<vmem>>
        %dma_start3A_38 = tpu.memref_squeeze %dma_start3A_37 : memref<1x48xi32, #tpu.memory_space<vmem>> -> memref<48xi32, #tpu.memory_space<vmem>>
        %dma_start3A_39 = arith.constant 0 : i32
        %dma_start3A_40 = arith.constant 0 : i32
        %dma_start3A_41 = tpu.memref_slice %arg2[%dma_start3A_39, %dma_start3A_40] : memref<1200x256xf32, #tpu.memory_space<hbm>> -> memref<1200x256xf32, #tpu.memory_space<hbm>>
        tpu.enqueue_indirect_dma source(%dma_start3A_41 : memref<1200x256xf32, #tpu.memory_space<hbm>>) target(%dma_start3A_35 : memref<48x256xf32, #tpu.memory_space<vmem>>) offsets(%dma_start3A_38 : memref<48xi32, #tpu.memory_space<vmem>>) semaphore(%arg17 : memref<!tpu.dma_semaphore, #tpu.memory_space<semaphore_mem>>)
        %dma_start3A_42 = arith.constant 0 : i32
        %dma_start3A_43 = arith.constant 0 : i32
        %dma_start3A_44 = tpu.memref_slice %arg14[%rem3A_21, %dma_start3A_42, %dma_start3A_43] : memref<2x48x256xf32, #tpu.memory_space<vmem>> -> memref<1x48x256xf32, #tpu.memory_space<vmem>>
        %dma_start3A_45 = tpu.memref_squeeze %dma_start3A_44 : memref<1x48x256xf32, #tpu.memory_space<vmem>> -> memref<48x256xf32, #tpu.memory_space<vmem>>
        %dma_start3A_46 = arith.constant 0 : i32
        %dma_start3A_47 = tpu.memref_slice %arg12[%rem3A_21, %dma_start3A_46] : memref<2x48xi32, #tpu.memory_space<vmem>> -> memref<1x48xi32, #tpu.memory_space<vmem>>
        %dma_start3A_48 = tpu.memref_squeeze %dma_start3A_47 : memref<1x48xi32, #tpu.memory_space<vmem>> -> memref<48xi32, #tpu.memory_space<vmem>>
        %dma_start3A_49 = arith.constant 0 : i32
        %dma_start3A_50 = arith.constant 0 : i32
        %dma_start3A_51 = tpu.memref_slice %arg3[%dma_start3A_49, %dma_start3A_50] : memref<1200x256xf32, #tpu.memory_space<hbm>> -> memref<1200x256xf32, #tpu.memory_space<hbm>>
        tpu.enqueue_indirect_dma source(%dma_start3A_51 : memref<1200x256xf32, #tpu.memory_space<hbm>>) target(%dma_start3A_45 : memref<48x256xf32, #tpu.memory_space<vmem>>) offsets(%dma_start3A_48 : memref<48xi32, #tpu.memory_space<vmem>>) semaphore(%arg17 : memref<!tpu.dma_semaphore, #tpu.memory_space<semaphore_mem>>)
        %dma_start3A_52 = arith.constant 0 : i32
        %dma_start3A_53 = arith.constant 0 : i32
        %dma_start3A_54 = tpu.memref_slice %arg15[%rem3A_21, %dma_start3A_52, %dma_start3A_53] : memref<2x48x256xf32, #tpu.memory_space<vmem>> -> memref<1x48x256xf32, #tpu.memory_space<vmem>>
        %dma_start3A_55 = tpu.memref_squeeze %dma_start3A_54 : memref<1x48x256xf32, #tpu.memory_space<vmem>> -> memref<48x256xf32, #tpu.memory_space<vmem>>
        %dma_start3A_56 = arith.constant 0 : i32
        %dma_start3A_57 = tpu.memref_slice %arg11[%rem3A_21, %dma_start3A_56] : memref<2x48xi32, #tpu.memory_space<vmem>> -> memref<1x48xi32, #tpu.memory_space<vmem>>
        %dma_start3A_58 = tpu.memref_squeeze %dma_start3A_57 : memref<1x48xi32, #tpu.memory_space<vmem>> -> memref<48xi32, #tpu.memory_space<vmem>>
        %dma_start3A_59 = arith.constant 0 : i32
        %dma_start3A_60 = arith.constant 0 : i32
        %dma_start3A_61 = tpu.memref_slice %arg4[%dma_start3A_59, %dma_start3A_60] : memref<1200x256xf32, #tpu.memory_space<hbm>> -> memref<1200x256xf32, #tpu.memory_space<hbm>>
        tpu.enqueue_indirect_dma source(%dma_start3A_61 : memref<1200x256xf32, #tpu.memory_space<hbm>>) target(%dma_start3A_55 : memref<48x256xf32, #tpu.memory_space<vmem>>) offsets(%dma_start3A_58 : memref<48xi32, #tpu.memory_space<vmem>>) semaphore(%arg17 : memref<!tpu.dma_semaphore, #tpu.memory_space<semaphore_mem>>)
        %dma_start3A_62 = arith.constant 0 : i32
        %dma_start3A_63 = arith.constant 0 : i32
        %dma_start3A_64 = tpu.memref_slice %arg16[%rem3A_21, %dma_start3A_62, %dma_start3A_63] : memref<2x48x256xf32, #tpu.memory_space<vmem>> -> memref<1x48x256xf32, #tpu.memory_space<vmem>>
        %dma_start3A_65 = tpu.memref_squeeze %dma_start3A_64 : memref<1x48x256xf32, #tpu.memory_space<vmem>> -> memref<48x256xf32, #tpu.memory_space<vmem>>
        %dma_start3A_66 = arith.constant 0 : i32
        %dma_start3A_67 = tpu.memref_slice %arg12[%rem3A_21, %dma_start3A_66] : memref<2x48xi32, #tpu.memory_space<vmem>> -> memref<1x48xi32, #tpu.memory_space<vmem>>
        %dma_start3A_68 = tpu.memref_squeeze %dma_start3A_67 : memref<1x48xi32, #tpu.memory_space<vmem>> -> memref<48xi32, #tpu.memory_space<vmem>>
        %dma_start3A_69 = arith.constant 0 : i32
        %dma_start3A_70 = arith.constant 0 : i32
        %dma_start3A_71 = tpu.memref_slice %arg4[%dma_start3A_69, %dma_start3A_70] : memref<1200x256xf32, #tpu.memory_space<hbm>> -> memref<1200x256xf32, #tpu.memory_space<hbm>>
        tpu.enqueue_indirect_dma source(%dma_start3A_71 : memref<1200x256xf32, #tpu.memory_space<hbm>>) target(%dma_start3A_65 : memref<48x256xf32, #tpu.memory_space<vmem>>) offsets(%dma_start3A_68 : memref<48xi32, #tpu.memory_space<vmem>>) semaphore(%arg17 : memref<!tpu.dma_semaphore, #tpu.memory_space<semaphore_mem>>)
        %dma_wait3A = arith.constant 0 : i32
        %dma_wait3A_72 = arith.constant 0 : i32
        %dma_wait3A_73 = tpu.memref_slice %arg13[%rem3A_21, %dma_wait3A, %dma_wait3A_72] : memref<2x48x256xf32, #tpu.memory_space<vmem>> -> memref<1x48x256xf32, #tpu.memory_space<vmem>>
        %dma_wait3A_74 = tpu.memref_squeeze %dma_wait3A_73 : memref<1x48x256xf32, #tpu.memory_space<vmem>> -> memref<48x256xf32, #tpu.memory_space<vmem>>
        %dma_wait3A_75 = arith.constant 0 : i32
        %dma_wait3A_76 = tpu.memref_slice %arg11[%rem3A_21, %dma_wait3A_75] : memref<2x48xi32, #tpu.memory_space<vmem>> -> memref<1x48xi32, #tpu.memory_space<vmem>>
        %dma_wait3A_77 = tpu.memref_squeeze %dma_wait3A_76 : memref<1x48xi32, #tpu.memory_space<vmem>> -> memref<48xi32, #tpu.memory_space<vmem>>
        %dma_wait3A_78 = arith.constant 0 : i32
        %dma_wait3A_79 = arith.constant 0 : i32
        %dma_wait3A_80 = tpu.memref_slice %arg2[%dma_wait3A_78, %dma_wait3A_79] : memref<1200x256xf32, #tpu.memory_space<hbm>> -> memref<1200x256xf32, #tpu.memory_space<hbm>>
        tpu.wait_indirect_dma semaphore(%arg17 : memref<!tpu.dma_semaphore, #tpu.memory_space<semaphore_mem>>) src(%dma_wait3A_80 : memref<1200x256xf32, #tpu.memory_space<hbm>>) dst(%dma_wait3A_74 : memref<48x256xf32, #tpu.memory_space<vmem>>)
        %dma_wait3A_81 = arith.constant 0 : i32
        %dma_wait3A_82 = arith.constant 0 : i32
        %dma_wait3A_83 = tpu.memref_slice %arg14[%rem3A_21, %dma_wait3A_81, %dma_wait3A_82] : memref<2x48x256xf32, #tpu.memory_space<vmem>> -> memref<1x48x256xf32, #tpu.memory_space<vmem>>
        %dma_wait3A_84 = tpu.memref_squeeze %dma_wait3A_83 : memref<1x48x256xf32, #tpu.memory_space<vmem>> -> memref<48x256xf32, #tpu.memory_space<vmem>>
        %dma_wait3A_85 = arith.constant 0 : i32
        %dma_wait3A_86 = tpu.memref_slice %arg12[%rem3A_21, %dma_wait3A_85] : memref<2x48xi32, #tpu.memory_space<vmem>> -> memref<1x48xi32, #tpu.memory_space<vmem>>
        %dma_wait3A_87 = tpu.memref_squeeze %dma_wait3A_86 : memref<1x48xi32, #tpu.memory_space<vmem>> -> memref<48xi32, #tpu.memory_space<vmem>>
        %dma_wait3A_88 = arith.constant 0 : i32
        %dma_wait3A_89 = arith.constant 0 : i32
        %dma_wait3A_90 = tpu.memref_slice %arg3[%dma_wait3A_88, %dma_wait3A_89] : memref<1200x256xf32, #tpu.memory_space<hbm>> -> memref<1200x256xf32, #tpu.memory_space<hbm>>
        tpu.wait_indirect_dma semaphore(%arg17 : memref<!tpu.dma_semaphore, #tpu.memory_space<semaphore_mem>>) src(%dma_wait3A_90 : memref<1200x256xf32, #tpu.memory_space<hbm>>) dst(%dma_wait3A_84 : memref<48x256xf32, #tpu.memory_space<vmem>>)
        %dma_wait3A_91 = arith.constant 0 : i32
        %dma_wait3A_92 = arith.constant 0 : i32
        %dma_wait3A_93 = tpu.memref_slice %arg15[%rem3A_21, %dma_wait3A_91, %dma_wait3A_92] : memref<2x48x256xf32, #tpu.memory_space<vmem>> -> memref<1x48x256xf32, #tpu.memory_space<vmem>>
        %dma_wait3A_94 = tpu.memref_squeeze %dma_wait3A_93 : memref<1x48x256xf32, #tpu.memory_space<vmem>> -> memref<48x256xf32, #tpu.memory_space<vmem>>
        %dma_wait3A_95 = arith.constant 0 : i32
        %dma_wait3A_96 = tpu.memref_slice %arg11[%rem3A_21, %dma_wait3A_95] : memref<2x48xi32, #tpu.memory_space<vmem>> -> memref<1x48xi32, #tpu.memory_space<vmem>>
        %dma_wait3A_97 = tpu.memref_squeeze %dma_wait3A_96 : memref<1x48xi32, #tpu.memory_space<vmem>> -> memref<48xi32, #tpu.memory_space<vmem>>
        %dma_wait3A_98 = arith.constant 0 : i32
        %dma_wait3A_99 = arith.constant 0 : i32
        %dma_wait3A_100 = tpu.memref_slice %arg4[%dma_wait3A_98, %dma_wait3A_99] : memref<1200x256xf32, #tpu.memory_space<hbm>> -> memref<1200x256xf32, #tpu.memory_space<hbm>>
        tpu.wait_indirect_dma semaphore(%arg17 : memref<!tpu.dma_semaphore, #tpu.memory_space<semaphore_mem>>) src(%dma_wait3A_100 : memref<1200x256xf32, #tpu.memory_space<hbm>>) dst(%dma_wait3A_94 : memref<48x256xf32, #tpu.memory_space<vmem>>)
        %dma_wait3A_101 = arith.constant 0 : i32
        %dma_wait3A_102 = arith.constant 0 : i32
        %dma_wait3A_103 = tpu.memref_slice %arg16[%rem3A_21, %dma_wait3A_101, %dma_wait3A_102] : memref<2x48x256xf32, #tpu.memory_space<vmem>> -> memref<1x48x256xf32, #tpu.memory_space<vmem>>
        %dma_wait3A_104 = tpu.memref_squeeze %dma_wait3A_103 : memref<1x48x256xf32, #tpu.memory_space<vmem>> -> memref<48x256xf32, #tpu.memory_space<vmem>>
        %dma_wait3A_105 = arith.constant 0 : i32
        %dma_wait3A_106 = tpu.memref_slice %arg12[%rem3A_21, %dma_wait3A_105] : memref<2x48xi32, #tpu.memory_space<vmem>> -> memref<1x48xi32, #tpu.memory_space<vmem>>
        %dma_wait3A_107 = tpu.memref_squeeze %dma_wait3A_106 : memref<1x48xi32, #tpu.memory_space<vmem>> -> memref<48xi32, #tpu.memory_space<vmem>>
        %dma_wait3A_108 = arith.constant 0 : i32
        %dma_wait3A_109 = arith.constant 0 : i32
        %dma_wait3A_110 = tpu.memref_slice %arg4[%dma_wait3A_108, %dma_wait3A_109] : memref<1200x256xf32, #tpu.memory_space<hbm>> -> memref<1200x256xf32, #tpu.memory_space<hbm>>
        tpu.wait_indirect_dma semaphore(%arg17 : memref<!tpu.dma_semaphore, #tpu.memory_space<semaphore_mem>>) src(%dma_wait3A_110 : memref<1200x256xf32, #tpu.memory_space<hbm>>) dst(%dma_wait3A_104 : memref<48x256xf32, #tpu.memory_space<vmem>>)
        %mul3A_111 = arith.constant 48 : i32
        %mul3A_112 = arith.muli %add3A_20, %mul3A_111 : i32
        %dma_start3A_113 = arith.constant 0 : i32
        %dma_start3A_114 = arith.constant 0 : i32
        %dma_start3A_115 = tpu.memref_slice %arg13[%rem3A_21, %dma_start3A_113, %dma_start3A_114] : memref<2x48x256xf32, #tpu.memory_space<vmem>> -> memref<1x48x256xf32, #tpu.memory_space<vmem>>
        %dma_start3A_116 = tpu.memref_squeeze %dma_start3A_115 : memref<1x48x256xf32, #tpu.memory_space<vmem>> -> memref<48x256xf32, #tpu.memory_space<vmem>>
        %dma_start3A_117 = arith.constant 0 : i32
        %dma_start3A_118 = tpu.memref_slice %arg7[%mul3A_112, %dma_start3A_117] : memref<36000x256xf32, #tpu.memory_space<hbm>> -> memref<48x256xf32, #tpu.memory_space<hbm>>
        %dma_start3A_119 = arith.constant 0 : i32
        %dma_start3A_120 = tpu.memref_slice %arg7[%mul3A_112, %dma_start3A_119] : memref<36000x256xf32, #tpu.memory_space<hbm>> -> memref<48x256xf32, #tpu.memory_space<hbm>>
        %dma_start3A_121 = arith.constant 0 : i32
        %dma_start3A_122 = arith.constant 0 : i32
        %dma_start3A_123 = tpu.memref_slice %arg13[%rem3A_21, %dma_start3A_121, %dma_start3A_122] : memref<2x48x256xf32, #tpu.memory_space<vmem>> -> memref<1x48x256xf32, #tpu.memory_space<vmem>>
        %dma_start3A_124 = tpu.memref_squeeze %dma_start3A_123 : memref<1x48x256xf32, #tpu.memory_space<vmem>> -> memref<48x256xf32, #tpu.memory_space<vmem>>
        tpu.enqueue_dma source(%dma_start3A_124 : memref<48x256xf32, #tpu.memory_space<vmem>>) target(%dma_start3A_120 : memref<48x256xf32, #tpu.memory_space<hbm>>) target_semaphore(%arg18 : memref<!tpu.dma_semaphore, #tpu.memory_space<semaphore_mem>>)
        %dma_start3A_125 = arith.constant 0 : i32
        %dma_start3A_126 = arith.constant 0 : i32
        %dma_start3A_127 = tpu.memref_slice %arg14[%rem3A_21, %dma_start3A_125, %dma_start3A_126] : memref<2x48x256xf32, #tpu.memory_space<vmem>> -> memref<1x48x256xf32, #tpu.memory_space<vmem>>
        %dma_start3A_128 = tpu.memref_squeeze %dma_start3A_127 : memref<1x48x256xf32, #tpu.memory_space<vmem>> -> memref<48x256xf32, #tpu.memory_space<vmem>>
        %dma_start3A_129 = arith.constant 0 : i32
        %dma_start3A_130 = tpu.memref_slice %arg8[%mul3A_112, %dma_start3A_129] : memref<36000x256xf32, #tpu.memory_space<hbm>> -> memref<48x256xf32, #tpu.memory_space<hbm>>
        %dma_start3A_131 = arith.constant 0 : i32
        %dma_start3A_132 = tpu.memref_slice %arg8[%mul3A_112, %dma_start3A_131] : memref<36000x256xf32, #tpu.memory_space<hbm>> -> memref<48x256xf32, #tpu.memory_space<hbm>>
        %dma_start3A_133 = arith.constant 0 : i32
        %dma_start3A_134 = arith.constant 0 : i32
        %dma_start3A_135 = tpu.memref_slice %arg14[%rem3A_21, %dma_start3A_133, %dma_start3A_134] : memref<2x48x256xf32, #tpu.memory_space<vmem>> -> memref<1x48x256xf32, #tpu.memory_space<vmem>>
        %dma_start3A_136 = tpu.memref_squeeze %dma_start3A_135 : memref<1x48x256xf32, #tpu.memory_space<vmem>> -> memref<48x256xf32, #tpu.memory_space<vmem>>
        tpu.enqueue_dma source(%dma_start3A_136 : memref<48x256xf32, #tpu.memory_space<vmem>>) target(%dma_start3A_132 : memref<48x256xf32, #tpu.memory_space<hbm>>) target_semaphore(%arg18 : memref<!tpu.dma_semaphore, #tpu.memory_space<semaphore_mem>>)
        %dma_start3A_137 = arith.constant 0 : i32
        %dma_start3A_138 = arith.constant 0 : i32
        %dma_start3A_139 = tpu.memref_slice %arg15[%rem3A_21, %dma_start3A_137, %dma_start3A_138] : memref<2x48x256xf32, #tpu.memory_space<vmem>> -> memref<1x48x256xf32, #tpu.memory_space<vmem>>
        %dma_start3A_140 = tpu.memref_squeeze %dma_start3A_139 : memref<1x48x256xf32, #tpu.memory_space<vmem>> -> memref<48x256xf32, #tpu.memory_space<vmem>>
        %dma_start3A_141 = arith.constant 0 : i32
        %dma_start3A_142 = tpu.memref_slice %arg9[%mul3A_112, %dma_start3A_141] : memref<36000x256xf32, #tpu.memory_space<hbm>> -> memref<48x256xf32, #tpu.memory_space<hbm>>
        %dma_start3A_143 = arith.constant 0 : i32
        %dma_start3A_144 = tpu.memref_slice %arg9[%mul3A_112, %dma_start3A_143] : memref<36000x256xf32, #tpu.memory_space<hbm>> -> memref<48x256xf32, #tpu.memory_space<hbm>>
        %dma_start3A_145 = arith.constant 0 : i32
        %dma_start3A_146 = arith.constant 0 : i32
        %dma_start3A_147 = tpu.memref_slice %arg15[%rem3A_21, %dma_start3A_145, %dma_start3A_146] : memref<2x48x256xf32, #tpu.memory_space<vmem>> -> memref<1x48x256xf32, #tpu.memory_space<vmem>>
        %dma_start3A_148 = tpu.memref_squeeze %dma_start3A_147 : memref<1x48x256xf32, #tpu.memory_space<vmem>> -> memref<48x256xf32, #tpu.memory_space<vmem>>
        tpu.enqueue_dma source(%dma_start3A_148 : memref<48x256xf32, #tpu.memory_space<vmem>>) target(%dma_start3A_144 : memref<48x256xf32, #tpu.memory_space<hbm>>) target_semaphore(%arg18 : memref<!tpu.dma_semaphore, #tpu.memory_space<semaphore_mem>>)
        %dma_start3A_149 = arith.constant 0 : i32
        %dma_start3A_150 = arith.constant 0 : i32
        %dma_start3A_151 = tpu.memref_slice %arg16[%rem3A_21, %dma_start3A_149, %dma_start3A_150] : memref<2x48x256xf32, #tpu.memory_space<vmem>> -> memref<1x48x256xf32, #tpu.memory_space<vmem>>
        %dma_start3A_152 = tpu.memref_squeeze %dma_start3A_151 : memref<1x48x256xf32, #tpu.memory_space<vmem>> -> memref<48x256xf32, #tpu.memory_space<vmem>>
        %dma_start3A_153 = arith.constant 0 : i32
        %dma_start3A_154 = tpu.memref_slice %arg10[%mul3A_112, %dma_start3A_153] : memref<36000x256xf32, #tpu.memory_space<hbm>> -> memref<48x256xf32, #tpu.memory_space<hbm>>
        %dma_start3A_155 = arith.constant 0 : i32
        %dma_start3A_156 = tpu.memref_slice %arg10[%mul3A_112, %dma_start3A_155] : memref<36000x256xf32, #tpu.memory_space<hbm>> -> memref<48x256xf32, #tpu.memory_space<hbm>>
        %dma_start3A_157 = arith.constant 0 : i32
        %dma_start3A_158 = arith.constant 0 : i32
        %dma_start3A_159 = tpu.memref_slice %arg16[%rem3A_21, %dma_start3A_157, %dma_start3A_158] : memref<2x48x256xf32, #tpu.memory_space<vmem>> -> memref<1x48x256xf32, #tpu.memory_space<vmem>>
        %dma_start3A_160 = tpu.memref_squeeze %dma_start3A_159 : memref<1x48x256xf32, #tpu.memory_space<vmem>> -> memref<48x256xf32, #tpu.memory_space<vmem>>
        tpu.enqueue_dma source(%dma_start3A_160 : memref<48x256xf32, #tpu.memory_space<vmem>>) target(%dma_start3A_156 : memref<48x256xf32, #tpu.memory_space<hbm>>) target_semaphore(%arg18 : memref<!tpu.dma_semaphore, #tpu.memory_space<semaphore_mem>>)
      } else {
      }
    }
    %scan3A_5 = arith.constant 24 : i32
    %add3A_6 = arith.constant 704 : i32
    %add3A_7 = arith.addi %add3A, %add3A_6 : i32
    %lt3A = arith.constant 750 : i32
    %lt3A_8 = arith.cmpi slt, %add3A_7, %lt3A : i32
    %convert_element_type3A = arith.extui %lt3A_8 : i1 to i32
    %cond3A = arith.constant 0 : i32
    %cond3A_9 = arith.cmpi ne, %convert_element_type3A, %cond3A : i32
    scf.if %cond3A_9 {
      %mul3A_17 = arith.constant 48 : i32
      %mul3A_18 = arith.muli %add3A_7, %mul3A_17 : i32
      %dma_wait3A = arith.constant 0 : i32
      %dma_wait3A_19 = arith.constant 0 : i32
      %dma_wait3A_20 = arith.constant 0 : i32
      %dma_wait3A_21 = tpu.memref_slice %arg13[%dma_wait3A, %dma_wait3A_19, %dma_wait3A_20] : memref<2x48x256xf32, #tpu.memory_space<vmem>> -> memref<1x48x256xf32, #tpu.memory_space<vmem>>
      %dma_wait3A_22 = tpu.memref_squeeze %dma_wait3A_21 : memref<1x48x256xf32, #tpu.memory_space<vmem>> -> memref<48x256xf32, #tpu.memory_space<vmem>>
      %dma_wait3A_23 = arith.constant 0 : i32
      %dma_wait3A_24 = tpu.memref_slice %arg7[%mul3A_18, %dma_wait3A_23] : memref<36000x256xf32, #tpu.memory_space<hbm>> -> memref<48x256xf32, #tpu.memory_space<hbm>>
      %dma_wait3A_25 = arith.constant 0 : i32
      %dma_wait3A_26 = tpu.memref_slice %arg7[%mul3A_18, %dma_wait3A_25] : memref<36000x256xf32, #tpu.memory_space<hbm>> -> memref<48x256xf32, #tpu.memory_space<hbm>>
      %dma_wait3A_27 = arith.constant 0 : i32
      %dma_wait3A_28 = arith.constant 0 : i32
      %dma_wait3A_29 = tpu.memref_slice %arg13[%dma_wait3A, %dma_wait3A_27, %dma_wait3A_28] : memref<2x48x256xf32, #tpu.memory_space<vmem>> -> memref<1x48x256xf32, #tpu.memory_space<vmem>>
      %dma_wait3A_30 = tpu.memref_squeeze %dma_wait3A_29 : memref<1x48x256xf32, #tpu.memory_space<vmem>> -> memref<48x256xf32, #tpu.memory_space<vmem>>
      tpu.wait_dma2 semaphore(%arg18 : memref<!tpu.dma_semaphore, #tpu.memory_space<semaphore_mem>>) src(%dma_wait3A_30 : memref<48x256xf32, #tpu.memory_space<vmem>>) dst(%dma_wait3A_26 : memref<48x256xf32, #tpu.memory_space<hbm>>)
      %dma_wait3A_31 = arith.constant 0 : i32
      %dma_wait3A_32 = arith.constant 0 : i32
      %dma_wait3A_33 = arith.constant 0 : i32
      %dma_wait3A_34 = tpu.memref_slice %arg14[%dma_wait3A_31, %dma_wait3A_32, %dma_wait3A_33] : memref<2x48x256xf32, #tpu.memory_space<vmem>> -> memref<1x48x256xf32, #tpu.memory_space<vmem>>
      %dma_wait3A_35 = tpu.memref_squeeze %dma_wait3A_34 : memref<1x48x256xf32, #tpu.memory_space<vmem>> -> memref<48x256xf32, #tpu.memory_space<vmem>>
      %dma_wait3A_36 = arith.constant 0 : i32
      %dma_wait3A_37 = tpu.memref_slice %arg8[%mul3A_18, %dma_wait3A_36] : memref<36000x256xf32, #tpu.memory_space<hbm>> -> memref<48x256xf32, #tpu.memory_space<hbm>>
      %dma_wait3A_38 = arith.constant 0 : i32
      %dma_wait3A_39 = tpu.memref_slice %arg8[%mul3A_18, %dma_wait3A_38] : memref<36000x256xf32, #tpu.memory_space<hbm>> -> memref<48x256xf32, #tpu.memory_space<hbm>>
      %dma_wait3A_40 = arith.constant 0 : i32
      %dma_wait3A_41 = arith.constant 0 : i32
      %dma_wait3A_42 = tpu.memref_slice %arg14[%dma_wait3A_31, %dma_wait3A_40, %dma_wait3A_41] : memref<2x48x256xf32, #tpu.memory_space<vmem>> -> memref<1x48x256xf32, #tpu.memory_space<vmem>>
      %dma_wait3A_43 = tpu.memref_squeeze %dma_wait3A_42 : memref<1x48x256xf32, #tpu.memory_space<vmem>> -> memref<48x256xf32, #tpu.memory_space<vmem>>
      tpu.wait_dma2 semaphore(%arg18 : memref<!tpu.dma_semaphore, #tpu.memory_space<semaphore_mem>>) src(%dma_wait3A_43 : memref<48x256xf32, #tpu.memory_space<vmem>>) dst(%dma_wait3A_39 : memref<48x256xf32, #tpu.memory_space<hbm>>)
      %dma_wait3A_44 = arith.constant 0 : i32
      %dma_wait3A_45 = arith.constant 0 : i32
      %dma_wait3A_46 = arith.constant 0 : i32
      %dma_wait3A_47 = tpu.memref_slice %arg15[%dma_wait3A_44, %dma_wait3A_45, %dma_wait3A_46] : memref<2x48x256xf32, #tpu.memory_space<vmem>> -> memref<1x48x256xf32, #tpu.memory_space<vmem>>
      %dma_wait3A_48 = tpu.memref_squeeze %dma_wait3A_47 : memref<1x48x256xf32, #tpu.memory_space<vmem>> -> memref<48x256xf32, #tpu.memory_space<vmem>>
      %dma_wait3A_49 = arith.constant 0 : i32
      %dma_wait3A_50 = tpu.memref_slice %arg9[%mul3A_18, %dma_wait3A_49] : memref<36000x256xf32, #tpu.memory_space<hbm>> -> memref<48x256xf32, #tpu.memory_space<hbm>>
      %dma_wait3A_51 = arith.constant 0 : i32
      %dma_wait3A_52 = tpu.memref_slice %arg9[%mul3A_18, %dma_wait3A_51] : memref<36000x256xf32, #tpu.memory_space<hbm>> -> memref<48x256xf32, #tpu.memory_space<hbm>>
      %dma_wait3A_53 = arith.constant 0 : i32
      %dma_wait3A_54 = arith.constant 0 : i32
      %dma_wait3A_55 = tpu.memref_slice %arg15[%dma_wait3A_44, %dma_wait3A_53, %dma_wait3A_54] : memref<2x48x256xf32, #tpu.memory_space<vmem>> -> memref<1x48x256xf32, #tpu.memory_space<vmem>>
      %dma_wait3A_56 = tpu.memref_squeeze %dma_wait3A_55 : memref<1x48x256xf32, #tpu.memory_space<vmem>> -> memref<48x256xf32, #tpu.memory_space<vmem>>
      tpu.wait_dma2 semaphore(%arg18 : memref<!tpu.dma_semaphore, #tpu.memory_space<semaphore_mem>>) src(%dma_wait3A_56 : memref<48x256xf32, #tpu.memory_space<vmem>>) dst(%dma_wait3A_52 : memref<48x256xf32, #tpu.memory_space<hbm>>)
      %dma_wait3A_57 = arith.constant 0 : i32
      %dma_wait3A_58 = arith.constant 0 : i32
      %dma_wait3A_59 = arith.constant 0 : i32
      %dma_wait3A_60 = tpu.memref_slice %arg16[%dma_wait3A_57, %dma_wait3A_58, %dma_wait3A_59] : memref<2x48x256xf32, #tpu.memory_space<vmem>> -> memref<1x48x256xf32, #tpu.memory_space<vmem>>
      %dma_wait3A_61 = tpu.memref_squeeze %dma_wait3A_60 : memref<1x48x256xf32, #tpu.memory_space<vmem>> -> memref<48x256xf32, #tpu.memory_space<vmem>>
      %dma_wait3A_62 = arith.constant 0 : i32
      %dma_wait3A_63 = tpu.memref_slice %arg10[%mul3A_18, %dma_wait3A_62] : memref<36000x256xf32, #tpu.memory_space<hbm>> -> memref<48x256xf32, #tpu.memory_space<hbm>>
      %dma_wait3A_64 = arith.constant 0 : i32
      %dma_wait3A_65 = tpu.memref_slice %arg10[%mul3A_18, %dma_wait3A_64] : memref<36000x256xf32, #tpu.memory_space<hbm>> -> memref<48x256xf32, #tpu.memory_space<hbm>>
      %dma_wait3A_66 = arith.constant 0 : i32
      %dma_wait3A_67 = arith.constant 0 : i32
      %dma_wait3A_68 = tpu.memref_slice %arg16[%dma_wait3A_57, %dma_wait3A_66, %dma_wait3A_67] : memref<2x48x256xf32, #tpu.memory_space<vmem>> -> memref<1x48x256xf32, #tpu.memory_space<vmem>>
      %dma_wait3A_69 = tpu.memref_squeeze %dma_wait3A_68 : memref<1x48x256xf32, #tpu.memory_space<vmem>> -> memref<48x256xf32, #tpu.memory_space<vmem>>
      tpu.wait_dma2 semaphore(%arg18 : memref<!tpu.dma_semaphore, #tpu.memory_space<semaphore_mem>>) src(%dma_wait3A_69 : memref<48x256xf32, #tpu.memory_space<vmem>>) dst(%dma_wait3A_65 : memref<48x256xf32, #tpu.memory_space<hbm>>)
    } else {
    }
    %add3A_10 = arith.constant 736 : i32
    %add3A_11 = arith.addi %add3A, %add3A_10 : i32
    %lt3A_12 = arith.constant 750 : i32
    %lt3A_13 = arith.cmpi slt, %add3A_11, %lt3A_12 : i32
    %convert_element_type3A_14 = arith.extui %lt3A_13 : i1 to i32
    %cond3A_15 = arith.constant 0 : i32
    %cond3A_16 = arith.cmpi ne, %convert_element_type3A_14, %cond3A_15 : i32
    scf.if %cond3A_16 {
      %mul3A_17 = arith.constant 48 : i32
      %mul3A_18 = arith.muli %add3A_11, %mul3A_17 : i32
      %dma_wait3A = arith.constant 1 : i32
      %dma_wait3A_19 = arith.constant 0 : i32
      %dma_wait3A_20 = arith.constant 0 : i32
      %dma_wait3A_21 = tpu.memref_slice %arg13[%dma_wait3A, %dma_wait3A_19, %dma_wait3A_20] : memref<2x48x256xf32, #tpu.memory_space<vmem>> -> memref<1x48x256xf32, #tpu.memory_space<vmem>>
      %dma_wait3A_22 = tpu.memref_squeeze %dma_wait3A_21 : memref<1x48x256xf32, #tpu.memory_space<vmem>> -> memref<48x256xf32, #tpu.memory_space<vmem>>
      %dma_wait3A_23 = arith.constant 0 : i32
      %dma_wait3A_24 = tpu.memref_slice %arg7[%mul3A_18, %dma_wait3A_23] : memref<36000x256xf32, #tpu.memory_space<hbm>> -> memref<48x256xf32, #tpu.memory_space<hbm>>
      %dma_wait3A_25 = arith.constant 0 : i32
      %dma_wait3A_26 = tpu.memref_slice %arg7[%mul3A_18, %dma_wait3A_25] : memref<36000x256xf32, #tpu.memory_space<hbm>> -> memref<48x256xf32, #tpu.memory_space<hbm>>
      %dma_wait3A_27 = arith.constant 0 : i32
      %dma_wait3A_28 = arith.constant 0 : i32
      %dma_wait3A_29 = tpu.memref_slice %arg13[%dma_wait3A, %dma_wait3A_27, %dma_wait3A_28] : memref<2x48x256xf32, #tpu.memory_space<vmem>> -> memref<1x48x256xf32, #tpu.memory_space<vmem>>
      %dma_wait3A_30 = tpu.memref_squeeze %dma_wait3A_29 : memref<1x48x256xf32, #tpu.memory_space<vmem>> -> memref<48x256xf32, #tpu.memory_space<vmem>>
      tpu.wait_dma2 semaphore(%arg18 : memref<!tpu.dma_semaphore, #tpu.memory_space<semaphore_mem>>) src(%dma_wait3A_30 : memref<48x256xf32, #tpu.memory_space<vmem>>) dst(%dma_wait3A_26 : memref<48x256xf32, #tpu.memory_space<hbm>>)
      %dma_wait3A_31 = arith.constant 1 : i32
      %dma_wait3A_32 = arith.constant 0 : i32
      %dma_wait3A_33 = arith.constant 0 : i32
      %dma_wait3A_34 = tpu.memref_slice %arg14[%dma_wait3A_31, %dma_wait3A_32, %dma_wait3A_33] : memref<2x48x256xf32, #tpu.memory_space<vmem>> -> memref<1x48x256xf32, #tpu.memory_space<vmem>>
      %dma_wait3A_35 = tpu.memref_squeeze %dma_wait3A_34 : memref<1x48x256xf32, #tpu.memory_space<vmem>> -> memref<48x256xf32, #tpu.memory_space<vmem>>
      %dma_wait3A_36 = arith.constant 0 : i32
      %dma_wait3A_37 = tpu.memref_slice %arg8[%mul3A_18, %dma_wait3A_36] : memref<36000x256xf32, #tpu.memory_space<hbm>> -> memref<48x256xf32, #tpu.memory_space<hbm>>
      %dma_wait3A_38 = arith.constant 0 : i32
      %dma_wait3A_39 = tpu.memref_slice %arg8[%mul3A_18, %dma_wait3A_38] : memref<36000x256xf32, #tpu.memory_space<hbm>> -> memref<48x256xf32, #tpu.memory_space<hbm>>
      %dma_wait3A_40 = arith.constant 0 : i32
      %dma_wait3A_41 = arith.constant 0 : i32
      %dma_wait3A_42 = tpu.memref_slice %arg14[%dma_wait3A_31, %dma_wait3A_40, %dma_wait3A_41] : memref<2x48x256xf32, #tpu.memory_space<vmem>> -> memref<1x48x256xf32, #tpu.memory_space<vmem>>
      %dma_wait3A_43 = tpu.memref_squeeze %dma_wait3A_42 : memref<1x48x256xf32, #tpu.memory_space<vmem>> -> memref<48x256xf32, #tpu.memory_space<vmem>>
      tpu.wait_dma2 semaphore(%arg18 : memref<!tpu.dma_semaphore, #tpu.memory_space<semaphore_mem>>) src(%dma_wait3A_43 : memref<48x256xf32, #tpu.memory_space<vmem>>) dst(%dma_wait3A_39 : memref<48x256xf32, #tpu.memory_space<hbm>>)
      %dma_wait3A_44 = arith.constant 1 : i32
      %dma_wait3A_45 = arith.constant 0 : i32
      %dma_wait3A_46 = arith.constant 0 : i32
      %dma_wait3A_47 = tpu.memref_slice %arg15[%dma_wait3A_44, %dma_wait3A_45, %dma_wait3A_46] : memref<2x48x256xf32, #tpu.memory_space<vmem>> -> memref<1x48x256xf32, #tpu.memory_space<vmem>>
      %dma_wait3A_48 = tpu.memref_squeeze %dma_wait3A_47 : memref<1x48x256xf32, #tpu.memory_space<vmem>> -> memref<48x256xf32, #tpu.memory_space<vmem>>
      %dma_wait3A_49 = arith.constant 0 : i32
      %dma_wait3A_50 = tpu.memref_slice %arg9[%mul3A_18, %dma_wait3A_49] : memref<36000x256xf32, #tpu.memory_space<hbm>> -> memref<48x256xf32, #tpu.memory_space<hbm>>
      %dma_wait3A_51 = arith.constant 0 : i32
      %dma_wait3A_52 = tpu.memref_slice %arg9[%mul3A_18, %dma_wait3A_51] : memref<36000x256xf32, #tpu.memory_space<hbm>> -> memref<48x256xf32, #tpu.memory_space<hbm>>
      %dma_wait3A_53 = arith.constant 0 : i32
      %dma_wait3A_54 = arith.constant 0 : i32
      %dma_wait3A_55 = tpu.memref_slice %arg15[%dma_wait3A_44, %dma_wait3A_53, %dma_wait3A_54] : memref<2x48x256xf32, #tpu.memory_space<vmem>> -> memref<1x48x256xf32, #tpu.memory_space<vmem>>
      %dma_wait3A_56 = tpu.memref_squeeze %dma_wait3A_55 : memref<1x48x256xf32, #tpu.memory_space<vmem>> -> memref<48x256xf32, #tpu.memory_space<vmem>>
      tpu.wait_dma2 semaphore(%arg18 : memref<!tpu.dma_semaphore, #tpu.memory_space<semaphore_mem>>) src(%dma_wait3A_56 : memref<48x256xf32, #tpu.memory_space<vmem>>) dst(%dma_wait3A_52 : memref<48x256xf32, #tpu.memory_space<hbm>>)
      %dma_wait3A_57 = arith.constant 1 : i32
      %dma_wait3A_58 = arith.constant 0 : i32
      %dma_wait3A_59 = arith.constant 0 : i32
      %dma_wait3A_60 = tpu.memref_slice %arg16[%dma_wait3A_57, %dma_wait3A_58, %dma_wait3A_59] : memref<2x48x256xf32, #tpu.memory_space<vmem>> -> memref<1x48x256xf32, #tpu.memory_space<vmem>>
      %dma_wait3A_61 = tpu.memref_squeeze %dma_wait3A_60 : memref<1x48x256xf32, #tpu.memory_space<vmem>> -> memref<48x256xf32, #tpu.memory_space<vmem>>
      %dma_wait3A_62 = arith.constant 0 : i32
      %dma_wait3A_63 = tpu.memref_slice %arg10[%mul3A_18, %dma_wait3A_62] : memref<36000x256xf32, #tpu.memory_space<hbm>> -> memref<48x256xf32, #tpu.memory_space<hbm>>
      %dma_wait3A_64 = arith.constant 0 : i32
      %dma_wait3A_65 = tpu.memref_slice %arg10[%mul3A_18, %dma_wait3A_64] : memref<36000x256xf32, #tpu.memory_space<hbm>> -> memref<48x256xf32, #tpu.memory_space<hbm>>
      %dma_wait3A_66 = arith.constant 0 : i32
      %dma_wait3A_67 = arith.constant 0 : i32
      %dma_wait3A_68 = tpu.memref_slice %arg16[%dma_wait3A_57, %dma_wait3A_66, %dma_wait3A_67] : memref<2x48x256xf32, #tpu.memory_space<vmem>> -> memref<1x48x256xf32, #tpu.memory_space<vmem>>
      %dma_wait3A_69 = tpu.memref_squeeze %dma_wait3A_68 : memref<1x48x256xf32, #tpu.memory_space<vmem>> -> memref<48x256xf32, #tpu.memory_space<vmem>>
      tpu.wait_dma2 semaphore(%arg18 : memref<!tpu.dma_semaphore, #tpu.memory_space<semaphore_mem>>) src(%dma_wait3A_69 : memref<48x256xf32, #tpu.memory_space<vmem>>) dst(%dma_wait3A_65 : memref<48x256xf32, #tpu.memory_space<hbm>>)
    } else {
    }
    return
  }
}

#map = affine_map<(d0, d1) -> (0, 0)>
#map1 = affine_map<(d0, d1) -> (0)>
module attributes {stable_mosaic.version = 14 : i64} {
  func.func @gk(%arg0: i32, %arg1: i32, %arg2: memref<1200x256xf32, #tpu.memory_space<hbm>>, %arg3: memref<1200x256xf32, #tpu.memory_space<hbm>>, %arg4: memref<1200x256xf32, #tpu.memory_space<hbm>>, %arg5: memref<36000xi32, #tpu.memory_space<hbm>>, %arg6: memref<36000xi32, #tpu.memory_space<hbm>>, %arg7: memref<36000x256xf32, #tpu.memory_space<hbm>>, %arg8: memref<36000x256xf32, #tpu.memory_space<hbm>>, %arg9: memref<36000x256xf32, #tpu.memory_space<hbm>>, %arg10: memref<36000x256xf32, #tpu.memory_space<hbm>>, %arg11: memref<2x48xi32, #tpu.memory_space<vmem>>, %arg12: memref<2x48xi32, #tpu.memory_space<vmem>>, %arg13: memref<2x48x256xf32, #tpu.memory_space<vmem>>, %arg14: memref<2x48x256xf32, #tpu.memory_space<vmem>>, %arg15: memref<2x48x256xf32, #tpu.memory_space<vmem>>, %arg16: memref<2x48x256xf32, #tpu.memory_space<vmem>>, %arg17: memref<!tpu.dma_semaphore, #tpu.memory_space<semaphore_mem>>, %arg18: memref<!tpu.dma_semaphore, #tpu.memory_space<semaphore_mem>>) attributes {dimension_semantics = [#tpu.dimension_semantics<core_parallel>, #tpu.dimension_semantics<subcore_parallel>], iteration_bounds = array<i64: 2, 16>, scalar_prefetch = 0 : i64, scratch_operands = 8 : i64, tpu.core_type = #tpu.core_type<sc_vector_subcore>, window_params = [{transform_indices = #map}, {transform_indices = #map}, {transform_indices = #map}, {transform_indices = #map1}, {transform_indices = #map1}, {transform_indices = #map}, {transform_indices = #map}, {transform_indices = #map}, {transform_indices = #map}]} {
    %mul3A = arith.constant 2 : i32
    %mul3A_0 = arith.muli %arg1, %mul3A : i32
    %add3A = arith.addi %mul3A_0, %arg0 : i32
    %scan3A = arith.constant 0 : i32
    %scan3A_1 = arith.constant 0 : i32
    %scan3A_2 = arith.constant 24 : i32
    %scan3A_3 = arith.addi %scan3A_1, %scan3A_2 : i32
    %scan3A_4 = arith.constant 1 : i32
    scf.for %scan3A_17 = %scan3A_1 to %scan3A_3 step %scan3A_4  : i32 {
      %mul3A_18 = arith.constant 32 : i32
      %mul3A_19 = arith.muli %mul3A_18, %scan3A_17 : i32
      %add3A_20 = arith.addi %add3A, %mul3A_19 : i32
      %rem3A = arith.constant 2 : i32
      %rem3A_21 = arith.remsi %scan3A_17, %rem3A : i32
      %lt3A_22 = arith.constant 750 : i32
      %lt3A_23 = arith.cmpi slt, %add3A_20, %lt3A_22 : i32
      %convert_element_type3A_24 = arith.extui %lt3A_23 : i1 to i32
      %cond3A_25 = arith.constant 0 : i32
      %cond3A_26 = arith.cmpi ne, %convert_element_type3A_24, %cond3A_25 : i32
      scf.if %cond3A_26 {
        %ge3A = arith.constant 2 : i32
        %ge3A_27 = arith.cmpi sge, %scan3A_17, %ge3A : i32
        %convert_element_type3A_28 = arith.extui %ge3A_27 : i1 to i32
        %cond3A_29 = arith.constant 0 : i32
        %cond3A_30 = arith.cmpi ne, %convert_element_type3A_28, %cond3A_29 : i32
        scf.if %cond3A_30 {
          %sub3A = arith.constant 64 : i32
          %sub3A_161 = arith.subi %add3A_20, %sub3A : i32
          %mul3A_162 = arith.constant 48 : i32
          %mul3A_163 = arith.muli %sub3A_161, %mul3A_162 : i32
          %dma_wait3A_164 = arith.constant 0 : i32
          %dma_wait3A_165 = arith.constant 0 : i32
          %dma_wait3A_166 = tpu.memref_slice %arg13[%rem3A_21, %dma_wait3A_164, %dma_wait3A_165] : memref<2x48x256xf32, #tpu.memory_space<vmem>> -> memref<1x48x256xf32, #tpu.memory_space<vmem>>
          %dma_wait3A_167 = tpu.memref_squeeze %dma_wait3A_166 : memref<1x48x256xf32, #tpu.memory_space<vmem>> -> memref<48x256xf32, #tpu.memory_space<vmem>>
          %dma_wait3A_168 = arith.constant 0 : i32
          %dma_wait3A_169 = tpu.memref_slice %arg7[%mul3A_163, %dma_wait3A_168] : memref<36000x256xf32, #tpu.memory_space<hbm>> -> memref<48x256xf32, #tpu.memory_space<hbm>>
          %dma_wait3A_170 = arith.constant 0 : i32
          %dma_wait3A_171 = tpu.memref_slice %arg7[%mul3A_163, %dma_wait3A_170] : memref<36000x256xf32, #tpu.memory_space<hbm>> -> memref<48x256xf32, #tpu.memory_space<hbm>>
          %dma_wait3A_172 = arith.constant 0 : i32
          %dma_wait3A_173 = arith.constant 0 : i32
          %dma_wait3A_174 = tpu.memref_slice %arg13[%rem3A_21, %dma_wait3A_172, %dma_wait3A_173] : memref<2x48x256xf32, #tpu.memory_space<vmem>> -> memref<1x48x256xf32, #tpu.memory_space<vmem>>
          %dma_wait3A_175 = tpu.memref_squeeze %dma_wait3A_174 : memref<1x48x256xf32, #tpu.memory_space<vmem>> -> memref<48x256xf32, #tpu.memory_space<vmem>>
          tpu.wait_dma2 semaphore(%arg18 : memref<!tpu.dma_semaphore, #tpu.memory_space<semaphore_mem>>) src(%dma_wait3A_175 : memref<48x256xf32, #tpu.memory_space<vmem>>) dst(%dma_wait3A_171 : memref<48x256xf32, #tpu.memory_space<hbm>>)
          %dma_wait3A_176 = arith.constant 0 : i32
          %dma_wait3A_177 = arith.constant 0 : i32
          %dma_wait3A_178 = tpu.memref_slice %arg14[%rem3A_21, %dma_wait3A_176, %dma_wait3A_177] : memref<2x48x256xf32, #tpu.memory_space<vmem>> -> memref<1x48x256xf32, #tpu.memory_space<vmem>>
          %dma_wait3A_179 = tpu.memref_squeeze %dma_wait3A_178 : memref<1x48x256xf32, #tpu.memory_space<vmem>> -> memref<48x256xf32, #tpu.memory_space<vmem>>
          %dma_wait3A_180 = arith.constant 0 : i32
          %dma_wait3A_181 = tpu.memref_slice %arg8[%mul3A_163, %dma_wait3A_180] : memref<36000x256xf32, #tpu.memory_space<hbm>> -> memref<48x256xf32, #tpu.memory_space<hbm>>
          %dma_wait3A_182 = arith.constant 0 : i32
          %dma_wait3A_183 = tpu.memref_slice %arg8[%mul3A_163, %dma_wait3A_182] : memref<36000x256xf32, #tpu.memory_space<hbm>> -> memref<48x256xf32, #tpu.memory_space<hbm>>
          %dma_wait3A_184 = arith.constant 0 : i32
          %dma_wait3A_185 = arith.constant 0 : i32
          %dma_wait3A_186 = tpu.memref_slice %arg14[%rem3A_21, %dma_wait3A_184, %dma_wait3A_185] : memref<2x48x256xf32, #tpu.memory_space<vmem>> -> memref<1x48x256xf32, #tpu.memory_space<vmem>>
          %dma_wait3A_187 = tpu.memref_squeeze %dma_wait3A_186 : memref<1x48x256xf32, #tpu.memory_space<vmem>> -> memref<48x256xf32, #tpu.memory_space<vmem>>
          tpu.wait_dma2 semaphore(%arg18 : memref<!tpu.dma_semaphore, #tpu.memory_space<semaphore_mem>>) src(%dma_wait3A_187 : memref<48x256xf32, #tpu.memory_space<vmem>>) dst(%dma_wait3A_183 : memref<48x256xf32, #tpu.memory_space<hbm>>)
          %dma_wait3A_188 = arith.constant 0 : i32
          %dma_wait3A_189 = arith.constant 0 : i32
          %dma_wait3A_190 = tpu.memref_slice %arg15[%rem3A_21, %dma_wait3A_188, %dma_wait3A_189] : memref<2x48x256xf32, #tpu.memory_space<vmem>> -> memref<1x48x256xf32, #tpu.memory_space<vmem>>
          %dma_wait3A_191 = tpu.memref_squeeze %dma_wait3A_190 : memref<1x48x256xf32, #tpu.memory_space<vmem>> -> memref<48x256xf32, #tpu.memory_space<vmem>>
          %dma_wait3A_192 = arith.constant 0 : i32
          %dma_wait3A_193 = tpu.memref_slice %arg9[%mul3A_163, %dma_wait3A_192] : memref<36000x256xf32, #tpu.memory_space<hbm>> -> memref<48x256xf32, #tpu.memory_space<hbm>>
          %dma_wait3A_194 = arith.constant 0 : i32
          %dma_wait3A_195 = tpu.memref_slice %arg9[%mul3A_163, %dma_wait3A_194] : memref<36000x256xf32, #tpu.memory_space<hbm>> -> memref<48x256xf32, #tpu.memory_space<hbm>>
          %dma_wait3A_196 = arith.constant 0 : i32
          %dma_wait3A_197 = arith.constant 0 : i32
          %dma_wait3A_198 = tpu.memref_slice %arg15[%rem3A_21, %dma_wait3A_196, %dma_wait3A_197] : memref<2x48x256xf32, #tpu.memory_space<vmem>> -> memref<1x48x256xf32, #tpu.memory_space<vmem>>
          %dma_wait3A_199 = tpu.memref_squeeze %dma_wait3A_198 : memref<1x48x256xf32, #tpu.memory_space<vmem>> -> memref<48x256xf32, #tpu.memory_space<vmem>>
          tpu.wait_dma2 semaphore(%arg18 : memref<!tpu.dma_semaphore, #tpu.memory_space<semaphore_mem>>) src(%dma_wait3A_199 : memref<48x256xf32, #tpu.memory_space<vmem>>) dst(%dma_wait3A_195 : memref<48x256xf32, #tpu.memory_space<hbm>>)
          %dma_wait3A_200 = arith.constant 0 : i32
          %dma_wait3A_201 = arith.constant 0 : i32
          %dma_wait3A_202 = tpu.memref_slice %arg16[%rem3A_21, %dma_wait3A_200, %dma_wait3A_201] : memref<2x48x256xf32, #tpu.memory_space<vmem>> -> memref<1x48x256xf32, #tpu.memory_space<vmem>>
          %dma_wait3A_203 = tpu.memref_squeeze %dma_wait3A_202 : memref<1x48x256xf32, #tpu.memory_space<vmem>> -> memref<48x256xf32, #tpu.memory_space<vmem>>
          %dma_wait3A_204 = arith.constant 0 : i32
          %dma_wait3A_205 = tpu.memref_slice %arg10[%mul3A_163, %dma_wait3A_204] : memref<36000x256xf32, #tpu.memory_space<hbm>> -> memref<48x256xf32, #tpu.memory_space<hbm>>
          %dma_wait3A_206 = arith.constant 0 : i32
          %dma_wait3A_207 = tpu.memref_slice %arg10[%mul3A_163, %dma_wait3A_206] : memref<36000x256xf32, #tpu.memory_space<hbm>> -> memref<48x256xf32, #tpu.memory_space<hbm>>
          %dma_wait3A_208 = arith.constant 0 : i32
          %dma_wait3A_209 = arith.constant 0 : i32
          %dma_wait3A_210 = tpu.memref_slice %arg16[%rem3A_21, %dma_wait3A_208, %dma_wait3A_209] : memref<2x48x256xf32, #tpu.memory_space<vmem>> -> memref<1x48x256xf32, #tpu.memory_space<vmem>>
          %dma_wait3A_211 = tpu.memref_squeeze %dma_wait3A_210 : memref<1x48x256xf32, #tpu.memory_space<vmem>> -> memref<48x256xf32, #tpu.memory_space<vmem>>
          tpu.wait_dma2 semaphore(%arg18 : memref<!tpu.dma_semaphore, #tpu.memory_space<semaphore_mem>>) src(%dma_wait3A_211 : memref<48x256xf32, #tpu.memory_space<vmem>>) dst(%dma_wait3A_207 : memref<48x256xf32, #tpu.memory_space<hbm>>)
        } else {
        }
        %mul3A_31 = arith.constant 48 : i32
        %mul3A_32 = arith.muli %add3A_20, %mul3A_31 : i32
        "tpu.region"() ({
          %run_scoped3A = tpu.sem_alloc : memref<!tpu.dma_semaphore, #tpu.memory_space<semaphore_mem>>
          %dma_start3A_161 = arith.constant 0 : i32
          %dma_start3A_162 = tpu.memref_slice %arg11[%rem3A_21, %dma_start3A_161] : memref<2x48xi32, #tpu.memory_space<vmem>> -> memref<1x48xi32, #tpu.memory_space<vmem>>
          %dma_start3A_163 = tpu.memref_squeeze %dma_start3A_162 : memref<1x48xi32, #tpu.memory_space<vmem>> -> memref<48xi32, #tpu.memory_space<vmem>>
          %dma_start3A_164 = tpu.memref_slice %arg5[%mul3A_32] : memref<36000xi32, #tpu.memory_space<hbm>> -> memref<48xi32, #tpu.memory_space<hbm>>
          %dma_start3A_165 = arith.constant 0 : i32
          %dma_start3A_166 = tpu.memref_slice %arg11[%rem3A_21, %dma_start3A_165] : memref<2x48xi32, #tpu.memory_space<vmem>> -> memref<1x48xi32, #tpu.memory_space<vmem>>
          %dma_start3A_167 = tpu.memref_squeeze %dma_start3A_166 : memref<1x48xi32, #tpu.memory_space<vmem>> -> memref<48xi32, #tpu.memory_space<vmem>>
          %dma_start3A_168 = tpu.memref_slice %arg5[%mul3A_32] : memref<36000xi32, #tpu.memory_space<hbm>> -> memref<48xi32, #tpu.memory_space<hbm>>
          tpu.enqueue_dma source(%dma_start3A_168 : memref<48xi32, #tpu.memory_space<hbm>>) target(%dma_start3A_167 : memref<48xi32, #tpu.memory_space<vmem>>) target_semaphore(%run_scoped3A : memref<!tpu.dma_semaphore, #tpu.memory_space<semaphore_mem>>)
          %dma_wait3A_169 = arith.constant 0 : i32
          %dma_wait3A_170 = tpu.memref_slice %arg11[%rem3A_21, %dma_wait3A_169] : memref<2x48xi32, #tpu.memory_space<vmem>> -> memref<1x48xi32, #tpu.memory_space<vmem>>
          %dma_wait3A_171 = tpu.memref_squeeze %dma_wait3A_170 : memref<1x48xi32, #tpu.memory_space<vmem>> -> memref<48xi32, #tpu.memory_space<vmem>>
          %dma_wait3A_172 = tpu.memref_slice %arg5[%mul3A_32] : memref<36000xi32, #tpu.memory_space<hbm>> -> memref<48xi32, #tpu.memory_space<hbm>>
          %dma_wait3A_173 = arith.constant 0 : i32
          %dma_wait3A_174 = tpu.memref_slice %arg11[%rem3A_21, %dma_wait3A_173] : memref<2x48xi32, #tpu.memory_space<vmem>> -> memref<1x48xi32, #tpu.memory_space<vmem>>
          %dma_wait3A_175 = tpu.memref_squeeze %dma_wait3A_174 : memref<1x48xi32, #tpu.memory_space<vmem>> -> memref<48xi32, #tpu.memory_space<vmem>>
          %dma_wait3A_176 = tpu.memref_slice %arg5[%mul3A_32] : memref<36000xi32, #tpu.memory_space<hbm>> -> memref<48xi32, #tpu.memory_space<hbm>>
          tpu.wait_dma2 semaphore(%run_scoped3A : memref<!tpu.dma_semaphore, #tpu.memory_space<semaphore_mem>>) src(%dma_wait3A_176 : memref<48xi32, #tpu.memory_space<hbm>>) dst(%dma_wait3A_175 : memref<48xi32, #tpu.memory_space<vmem>>)
          tpu.yield
        }) : () -> ()
        "tpu.region"() ({
          %run_scoped3A = tpu.sem_alloc : memref<!tpu.dma_semaphore, #tpu.memory_space<semaphore_mem>>
          %dma_start3A_161 = arith.constant 0 : i32
          %dma_start3A_162 = tpu.memref_slice %arg12[%rem3A_21, %dma_start3A_161] : memref<2x48xi32, #tpu.memory_space<vmem>> -> memref<1x48xi32, #tpu.memory_space<vmem>>
          %dma_start3A_163 = tpu.memref_squeeze %dma_start3A_162 : memref<1x48xi32, #tpu.memory_space<vmem>> -> memref<48xi32, #tpu.memory_space<vmem>>
          %dma_start3A_164 = tpu.memref_slice %arg6[%mul3A_32] : memref<36000xi32, #tpu.memory_space<hbm>> -> memref<48xi32, #tpu.memory_space<hbm>>
          %dma_start3A_165 = arith.constant 0 : i32
          %dma_start3A_166 = tpu.memref_slice %arg12[%rem3A_21, %dma_start3A_165] : memref<2x48xi32, #tpu.memory_space<vmem>> -> memref<1x48xi32, #tpu.memory_space<vmem>>
          %dma_start3A_167 = tpu.memref_squeeze %dma_start3A_166 : memref<1x48xi32, #tpu.memory_space<vmem>> -> memref<48xi32, #tpu.memory_space<vmem>>
          %dma_start3A_168 = tpu.memref_slice %arg6[%mul3A_32] : memref<36000xi32, #tpu.memory_space<hbm>> -> memref<48xi32, #tpu.memory_space<hbm>>
          tpu.enqueue_dma source(%dma_start3A_168 : memref<48xi32, #tpu.memory_space<hbm>>) target(%dma_start3A_167 : memref<48xi32, #tpu.memory_space<vmem>>) target_semaphore(%run_scoped3A : memref<!tpu.dma_semaphore, #tpu.memory_space<semaphore_mem>>)
          %dma_wait3A_169 = arith.constant 0 : i32
          %dma_wait3A_170 = tpu.memref_slice %arg12[%rem3A_21, %dma_wait3A_169] : memref<2x48xi32, #tpu.memory_space<vmem>> -> memref<1x48xi32, #tpu.memory_space<vmem>>
          %dma_wait3A_171 = tpu.memref_squeeze %dma_wait3A_170 : memref<1x48xi32, #tpu.memory_space<vmem>> -> memref<48xi32, #tpu.memory_space<vmem>>
          %dma_wait3A_172 = tpu.memref_slice %arg6[%mul3A_32] : memref<36000xi32, #tpu.memory_space<hbm>> -> memref<48xi32, #tpu.memory_space<hbm>>
          %dma_wait3A_173 = arith.constant 0 : i32
          %dma_wait3A_174 = tpu.memref_slice %arg12[%rem3A_21, %dma_wait3A_173] : memref<2x48xi32, #tpu.memory_space<vmem>> -> memref<1x48xi32, #tpu.memory_space<vmem>>
          %dma_wait3A_175 = tpu.memref_squeeze %dma_wait3A_174 : memref<1x48xi32, #tpu.memory_space<vmem>> -> memref<48xi32, #tpu.memory_space<vmem>>
          %dma_wait3A_176 = tpu.memref_slice %arg6[%mul3A_32] : memref<36000xi32, #tpu.memory_space<hbm>> -> memref<48xi32, #tpu.memory_space<hbm>>
          tpu.wait_dma2 semaphore(%run_scoped3A : memref<!tpu.dma_semaphore, #tpu.memory_space<semaphore_mem>>) src(%dma_wait3A_176 : memref<48xi32, #tpu.memory_space<hbm>>) dst(%dma_wait3A_175 : memref<48xi32, #tpu.memory_space<vmem>>)
          tpu.yield
        }) : () -> ()
        %dma_start3A = arith.constant 0 : i32
        %dma_start3A_33 = arith.constant 0 : i32
        %dma_start3A_34 = tpu.memref_slice %arg13[%rem3A_21, %dma_start3A, %dma_start3A_33] : memref<2x48x256xf32, #tpu.memory_space<vmem>> -> memref<1x48x256xf32, #tpu.memory_space<vmem>>
        %dma_start3A_35 = tpu.memref_squeeze %dma_start3A_34 : memref<1x48x256xf32, #tpu.memory_space<vmem>> -> memref<48x256xf32, #tpu.memory_space<vmem>>
        %dma_start3A_36 = arith.constant 0 : i32
        %dma_start3A_37 = tpu.memref_slice %arg11[%rem3A_21, %dma_start3A_36] : memref<2x48xi32, #tpu.memory_space<vmem>> -> memref<1x48xi32, #tpu.memory_space<vmem>>
        %dma_start3A_38 = tpu.memref_squeeze %dma_start3A_37 : memref<1x48xi32, #tpu.memory_space<vmem>> -> memref<48xi32, #tpu.memory_space<vmem>>
        %dma_start3A_39 = arith.constant 0 : i32
        %dma_start3A_40 = arith.constant 0 : i32
        %dma_start3A_41 = tpu.memref_slice %arg2[%dma_start3A_39, %dma_start3A_40] : memref<1200x256xf32, #tpu.memory_space<hbm>> -> memref<1200x256xf32, #tpu.memory_space<hbm>>
        tpu.enqueue_indirect_dma source(%dma_start3A_41 : memref<1200x256xf32, #tpu.memory_space<hbm>>) target(%dma_start3A_35 : memref<48x256xf32, #tpu.memory_space<vmem>>) offsets(%dma_start3A_38 : memref<48xi32, #tpu.memory_space<vmem>>) semaphore(%arg17 : memref<!tpu.dma_semaphore, #tpu.memory_space<semaphore_mem>>)
        %dma_start3A_42 = arith.constant 0 : i32
        %dma_start3A_43 = arith.constant 0 : i32
        %dma_start3A_44 = tpu.memref_slice %arg14[%rem3A_21, %dma_start3A_42, %dma_start3A_43] : memref<2x48x256xf32, #tpu.memory_space<vmem>> -> memref<1x48x256xf32, #tpu.memory_space<vmem>>
        %dma_start3A_45 = tpu.memref_squeeze %dma_start3A_44 : memref<1x48x256xf32, #tpu.memory_space<vmem>> -> memref<48x256xf32, #tpu.memory_space<vmem>>
        %dma_start3A_46 = arith.constant 0 : i32
        %dma_start3A_47 = tpu.memref_slice %arg12[%rem3A_21, %dma_start3A_46] : memref<2x48xi32, #tpu.memory_space<vmem>> -> memref<1x48xi32, #tpu.memory_space<vmem>>
        %dma_start3A_48 = tpu.memref_squeeze %dma_start3A_47 : memref<1x48xi32, #tpu.memory_space<vmem>> -> memref<48xi32, #tpu.memory_space<vmem>>
        %dma_start3A_49 = arith.constant 0 : i32
        %dma_start3A_50 = arith.constant 0 : i32
        %dma_start3A_51 = tpu.memref_slice %arg3[%dma_start3A_49, %dma_start3A_50] : memref<1200x256xf32, #tpu.memory_space<hbm>> -> memref<1200x256xf32, #tpu.memory_space<hbm>>
        tpu.enqueue_indirect_dma source(%dma_start3A_51 : memref<1200x256xf32, #tpu.memory_space<hbm>>) target(%dma_start3A_45 : memref<48x256xf32, #tpu.memory_space<vmem>>) offsets(%dma_start3A_48 : memref<48xi32, #tpu.memory_space<vmem>>) semaphore(%arg17 : memref<!tpu.dma_semaphore, #tpu.memory_space<semaphore_mem>>)
        %dma_start3A_52 = arith.constant 0 : i32
        %dma_start3A_53 = arith.constant 0 : i32
        %dma_start3A_54 = tpu.memref_slice %arg15[%rem3A_21, %dma_start3A_52, %dma_start3A_53] : memref<2x48x256xf32, #tpu.memory_space<vmem>> -> memref<1x48x256xf32, #tpu.memory_space<vmem>>
        %dma_start3A_55 = tpu.memref_squeeze %dma_start3A_54 : memref<1x48x256xf32, #tpu.memory_space<vmem>> -> memref<48x256xf32, #tpu.memory_space<vmem>>
        %dma_start3A_56 = arith.constant 0 : i32
        %dma_start3A_57 = tpu.memref_slice %arg11[%rem3A_21, %dma_start3A_56] : memref<2x48xi32, #tpu.memory_space<vmem>> -> memref<1x48xi32, #tpu.memory_space<vmem>>
        %dma_start3A_58 = tpu.memref_squeeze %dma_start3A_57 : memref<1x48xi32, #tpu.memory_space<vmem>> -> memref<48xi32, #tpu.memory_space<vmem>>
        %dma_start3A_59 = arith.constant 0 : i32
        %dma_start3A_60 = arith.constant 0 : i32
        %dma_start3A_61 = tpu.memref_slice %arg4[%dma_start3A_59, %dma_start3A_60] : memref<1200x256xf32, #tpu.memory_space<hbm>> -> memref<1200x256xf32, #tpu.memory_space<hbm>>
        tpu.enqueue_indirect_dma source(%dma_start3A_61 : memref<1200x256xf32, #tpu.memory_space<hbm>>) target(%dma_start3A_55 : memref<48x256xf32, #tpu.memory_space<vmem>>) offsets(%dma_start3A_58 : memref<48xi32, #tpu.memory_space<vmem>>) semaphore(%arg17 : memref<!tpu.dma_semaphore, #tpu.memory_space<semaphore_mem>>)
        %dma_start3A_62 = arith.constant 0 : i32
        %dma_start3A_63 = arith.constant 0 : i32
        %dma_start3A_64 = tpu.memref_slice %arg16[%rem3A_21, %dma_start3A_62, %dma_start3A_63] : memref<2x48x256xf32, #tpu.memory_space<vmem>> -> memref<1x48x256xf32, #tpu.memory_space<vmem>>
        %dma_start3A_65 = tpu.memref_squeeze %dma_start3A_64 : memref<1x48x256xf32, #tpu.memory_space<vmem>> -> memref<48x256xf32, #tpu.memory_space<vmem>>
        %dma_start3A_66 = arith.constant 0 : i32
        %dma_start3A_67 = tpu.memref_slice %arg12[%rem3A_21, %dma_start3A_66] : memref<2x48xi32, #tpu.memory_space<vmem>> -> memref<1x48xi32, #tpu.memory_space<vmem>>
        %dma_start3A_68 = tpu.memref_squeeze %dma_start3A_67 : memref<1x48xi32, #tpu.memory_space<vmem>> -> memref<48xi32, #tpu.memory_space<vmem>>
        %dma_start3A_69 = arith.constant 0 : i32
        %dma_start3A_70 = arith.constant 0 : i32
        %dma_start3A_71 = tpu.memref_slice %arg4[%dma_start3A_69, %dma_start3A_70] : memref<1200x256xf32, #tpu.memory_space<hbm>> -> memref<1200x256xf32, #tpu.memory_space<hbm>>
        tpu.enqueue_indirect_dma source(%dma_start3A_71 : memref<1200x256xf32, #tpu.memory_space<hbm>>) target(%dma_start3A_65 : memref<48x256xf32, #tpu.memory_space<vmem>>) offsets(%dma_start3A_68 : memref<48xi32, #tpu.memory_space<vmem>>) semaphore(%arg17 : memref<!tpu.dma_semaphore, #tpu.memory_space<semaphore_mem>>)
        %dma_wait3A = arith.constant 0 : i32
        %dma_wait3A_72 = arith.constant 0 : i32
        %dma_wait3A_73 = tpu.memref_slice %arg13[%rem3A_21, %dma_wait3A, %dma_wait3A_72] : memref<2x48x256xf32, #tpu.memory_space<vmem>> -> memref<1x48x256xf32, #tpu.memory_space<vmem>>
        %dma_wait3A_74 = tpu.memref_squeeze %dma_wait3A_73 : memref<1x48x256xf32, #tpu.memory_space<vmem>> -> memref<48x256xf32, #tpu.memory_space<vmem>>
        %dma_wait3A_75 = arith.constant 0 : i32
        %dma_wait3A_76 = tpu.memref_slice %arg11[%rem3A_21, %dma_wait3A_75] : memref<2x48xi32, #tpu.memory_space<vmem>> -> memref<1x48xi32, #tpu.memory_space<vmem>>
        %dma_wait3A_77 = tpu.memref_squeeze %dma_wait3A_76 : memref<1x48xi32, #tpu.memory_space<vmem>> -> memref<48xi32, #tpu.memory_space<vmem>>
        %dma_wait3A_78 = arith.constant 0 : i32
        %dma_wait3A_79 = arith.constant 0 : i32
        %dma_wait3A_80 = tpu.memref_slice %arg2[%dma_wait3A_78, %dma_wait3A_79] : memref<1200x256xf32, #tpu.memory_space<hbm>> -> memref<1200x256xf32, #tpu.memory_space<hbm>>
        tpu.wait_indirect_dma semaphore(%arg17 : memref<!tpu.dma_semaphore, #tpu.memory_space<semaphore_mem>>) src(%dma_wait3A_80 : memref<1200x256xf32, #tpu.memory_space<hbm>>) dst(%dma_wait3A_74 : memref<48x256xf32, #tpu.memory_space<vmem>>)
        %dma_wait3A_81 = arith.constant 0 : i32
        %dma_wait3A_82 = arith.constant 0 : i32
        %dma_wait3A_83 = tpu.memref_slice %arg14[%rem3A_21, %dma_wait3A_81, %dma_wait3A_82] : memref<2x48x256xf32, #tpu.memory_space<vmem>> -> memref<1x48x256xf32, #tpu.memory_space<vmem>>
        %dma_wait3A_84 = tpu.memref_squeeze %dma_wait3A_83 : memref<1x48x256xf32, #tpu.memory_space<vmem>> -> memref<48x256xf32, #tpu.memory_space<vmem>>
        %dma_wait3A_85 = arith.constant 0 : i32
        %dma_wait3A_86 = tpu.memref_slice %arg12[%rem3A_21, %dma_wait3A_85] : memref<2x48xi32, #tpu.memory_space<vmem>> -> memref<1x48xi32, #tpu.memory_space<vmem>>
        %dma_wait3A_87 = tpu.memref_squeeze %dma_wait3A_86 : memref<1x48xi32, #tpu.memory_space<vmem>> -> memref<48xi32, #tpu.memory_space<vmem>>
        %dma_wait3A_88 = arith.constant 0 : i32
        %dma_wait3A_89 = arith.constant 0 : i32
        %dma_wait3A_90 = tpu.memref_slice %arg3[%dma_wait3A_88, %dma_wait3A_89] : memref<1200x256xf32, #tpu.memory_space<hbm>> -> memref<1200x256xf32, #tpu.memory_space<hbm>>
        tpu.wait_indirect_dma semaphore(%arg17 : memref<!tpu.dma_semaphore, #tpu.memory_space<semaphore_mem>>) src(%dma_wait3A_90 : memref<1200x256xf32, #tpu.memory_space<hbm>>) dst(%dma_wait3A_84 : memref<48x256xf32, #tpu.memory_space<vmem>>)
        %dma_wait3A_91 = arith.constant 0 : i32
        %dma_wait3A_92 = arith.constant 0 : i32
        %dma_wait3A_93 = tpu.memref_slice %arg15[%rem3A_21, %dma_wait3A_91, %dma_wait3A_92] : memref<2x48x256xf32, #tpu.memory_space<vmem>> -> memref<1x48x256xf32, #tpu.memory_space<vmem>>
        %dma_wait3A_94 = tpu.memref_squeeze %dma_wait3A_93 : memref<1x48x256xf32, #tpu.memory_space<vmem>> -> memref<48x256xf32, #tpu.memory_space<vmem>>
        %dma_wait3A_95 = arith.constant 0 : i32
        %dma_wait3A_96 = tpu.memref_slice %arg11[%rem3A_21, %dma_wait3A_95] : memref<2x48xi32, #tpu.memory_space<vmem>> -> memref<1x48xi32, #tpu.memory_space<vmem>>
        %dma_wait3A_97 = tpu.memref_squeeze %dma_wait3A_96 : memref<1x48xi32, #tpu.memory_space<vmem>> -> memref<48xi32, #tpu.memory_space<vmem>>
        %dma_wait3A_98 = arith.constant 0 : i32
        %dma_wait3A_99 = arith.constant 0 : i32
        %dma_wait3A_100 = tpu.memref_slice %arg4[%dma_wait3A_98, %dma_wait3A_99] : memref<1200x256xf32, #tpu.memory_space<hbm>> -> memref<1200x256xf32, #tpu.memory_space<hbm>>
        tpu.wait_indirect_dma semaphore(%arg17 : memref<!tpu.dma_semaphore, #tpu.memory_space<semaphore_mem>>) src(%dma_wait3A_100 : memref<1200x256xf32, #tpu.memory_space<hbm>>) dst(%dma_wait3A_94 : memref<48x256xf32, #tpu.memory_space<vmem>>)
        %dma_wait3A_101 = arith.constant 0 : i32
        %dma_wait3A_102 = arith.constant 0 : i32
        %dma_wait3A_103 = tpu.memref_slice %arg16[%rem3A_21, %dma_wait3A_101, %dma_wait3A_102] : memref<2x48x256xf32, #tpu.memory_space<vmem>> -> memref<1x48x256xf32, #tpu.memory_space<vmem>>
        %dma_wait3A_104 = tpu.memref_squeeze %dma_wait3A_103 : memref<1x48x256xf32, #tpu.memory_space<vmem>> -> memref<48x256xf32, #tpu.memory_space<vmem>>
        %dma_wait3A_105 = arith.constant 0 : i32
        %dma_wait3A_106 = tpu.memref_slice %arg12[%rem3A_21, %dma_wait3A_105] : memref<2x48xi32, #tpu.memory_space<vmem>> -> memref<1x48xi32, #tpu.memory_space<vmem>>
        %dma_wait3A_107 = tpu.memref_squeeze %dma_wait3A_106 : memref<1x48xi32, #tpu.memory_space<vmem>> -> memref<48xi32, #tpu.memory_space<vmem>>
        %dma_wait3A_108 = arith.constant 0 : i32
        %dma_wait3A_109 = arith.constant 0 : i32
        %dma_wait3A_110 = tpu.memref_slice %arg4[%dma_wait3A_108, %dma_wait3A_109] : memref<1200x256xf32, #tpu.memory_space<hbm>> -> memref<1200x256xf32, #tpu.memory_space<hbm>>
        tpu.wait_indirect_dma semaphore(%arg17 : memref<!tpu.dma_semaphore, #tpu.memory_space<semaphore_mem>>) src(%dma_wait3A_110 : memref<1200x256xf32, #tpu.memory_space<hbm>>) dst(%dma_wait3A_104 : memref<48x256xf32, #tpu.memory_space<vmem>>)
        %mul3A_111 = arith.constant 48 : i32
        %mul3A_112 = arith.muli %add3A_20, %mul3A_111 : i32
        %dma_start3A_113 = arith.constant 0 : i32
        %dma_start3A_114 = arith.constant 0 : i32
        %dma_start3A_115 = tpu.memref_slice %arg13[%rem3A_21, %dma_start3A_113, %dma_start3A_114] : memref<2x48x256xf32, #tpu.memory_space<vmem>> -> memref<1x48x256xf32, #tpu.memory_space<vmem>>
        %dma_start3A_116 = tpu.memref_squeeze %dma_start3A_115 : memref<1x48x256xf32, #tpu.memory_space<vmem>> -> memref<48x256xf32, #tpu.memory_space<vmem>>
        %dma_start3A_117 = arith.constant 0 : i32
        %dma_start3A_118 = tpu.memref_slice %arg7[%mul3A_112, %dma_start3A_117] : memref<36000x256xf32, #tpu.memory_space<hbm>> -> memref<48x256xf32, #tpu.memory_space<hbm>>
        %dma_start3A_119 = arith.constant 0 : i32
        %dma_start3A_120 = tpu.memref_slice %arg7[%mul3A_112, %dma_start3A_119] : memref<36000x256xf32, #tpu.memory_space<hbm>> -> memref<48x256xf32, #tpu.memory_space<hbm>>
        %dma_start3A_121 = arith.constant 0 : i32
        %dma_start3A_122 = arith.constant 0 : i32
        %dma_start3A_123 = tpu.memref_slice %arg13[%rem3A_21, %dma_start3A_121, %dma_start3A_122] : memref<2x48x256xf32, #tpu.memory_space<vmem>> -> memref<1x48x256xf32, #tpu.memory_space<vmem>>
        %dma_start3A_124 = tpu.memref_squeeze %dma_start3A_123 : memref<1x48x256xf32, #tpu.memory_space<vmem>> -> memref<48x256xf32, #tpu.memory_space<vmem>>
        tpu.enqueue_dma source(%dma_start3A_124 : memref<48x256xf32, #tpu.memory_space<vmem>>) target(%dma_start3A_120 : memref<48x256xf32, #tpu.memory_space<hbm>>) target_semaphore(%arg18 : memref<!tpu.dma_semaphore, #tpu.memory_space<semaphore_mem>>)
        %dma_start3A_125 = arith.constant 0 : i32
        %dma_start3A_126 = arith.constant 0 : i32
        %dma_start3A_127 = tpu.memref_slice %arg14[%rem3A_21, %dma_start3A_125, %dma_start3A_126] : memref<2x48x256xf32, #tpu.memory_space<vmem>> -> memref<1x48x256xf32, #tpu.memory_space<vmem>>
        %dma_start3A_128 = tpu.memref_squeeze %dma_start3A_127 : memref<1x48x256xf32, #tpu.memory_space<vmem>> -> memref<48x256xf32, #tpu.memory_space<vmem>>
        %dma_start3A_129 = arith.constant 0 : i32
        %dma_start3A_130 = tpu.memref_slice %arg8[%mul3A_112, %dma_start3A_129] : memref<36000x256xf32, #tpu.memory_space<hbm>> -> memref<48x256xf32, #tpu.memory_space<hbm>>
        %dma_start3A_131 = arith.constant 0 : i32
        %dma_start3A_132 = tpu.memref_slice %arg8[%mul3A_112, %dma_start3A_131] : memref<36000x256xf32, #tpu.memory_space<hbm>> -> memref<48x256xf32, #tpu.memory_space<hbm>>
        %dma_start3A_133 = arith.constant 0 : i32
        %dma_start3A_134 = arith.constant 0 : i32
        %dma_start3A_135 = tpu.memref_slice %arg14[%rem3A_21, %dma_start3A_133, %dma_start3A_134] : memref<2x48x256xf32, #tpu.memory_space<vmem>> -> memref<1x48x256xf32, #tpu.memory_space<vmem>>
        %dma_start3A_136 = tpu.memref_squeeze %dma_start3A_135 : memref<1x48x256xf32, #tpu.memory_space<vmem>> -> memref<48x256xf32, #tpu.memory_space<vmem>>
        tpu.enqueue_dma source(%dma_start3A_136 : memref<48x256xf32, #tpu.memory_space<vmem>>) target(%dma_start3A_132 : memref<48x256xf32, #tpu.memory_space<hbm>>) target_semaphore(%arg18 : memref<!tpu.dma_semaphore, #tpu.memory_space<semaphore_mem>>)
        %dma_start3A_137 = arith.constant 0 : i32
        %dma_start3A_138 = arith.constant 0 : i32
        %dma_start3A_139 = tpu.memref_slice %arg15[%rem3A_21, %dma_start3A_137, %dma_start3A_138] : memref<2x48x256xf32, #tpu.memory_space<vmem>> -> memref<1x48x256xf32, #tpu.memory_space<vmem>>
        %dma_start3A_140 = tpu.memref_squeeze %dma_start3A_139 : memref<1x48x256xf32, #tpu.memory_space<vmem>> -> memref<48x256xf32, #tpu.memory_space<vmem>>
        %dma_start3A_141 = arith.constant 0 : i32
        %dma_start3A_142 = tpu.memref_slice %arg9[%mul3A_112, %dma_start3A_141] : memref<36000x256xf32, #tpu.memory_space<hbm>> -> memref<48x256xf32, #tpu.memory_space<hbm>>
        %dma_start3A_143 = arith.constant 0 : i32
        %dma_start3A_144 = tpu.memref_slice %arg9[%mul3A_112, %dma_start3A_143] : memref<36000x256xf32, #tpu.memory_space<hbm>> -> memref<48x256xf32, #tpu.memory_space<hbm>>
        %dma_start3A_145 = arith.constant 0 : i32
        %dma_start3A_146 = arith.constant 0 : i32
        %dma_start3A_147 = tpu.memref_slice %arg15[%rem3A_21, %dma_start3A_145, %dma_start3A_146] : memref<2x48x256xf32, #tpu.memory_space<vmem>> -> memref<1x48x256xf32, #tpu.memory_space<vmem>>
        %dma_start3A_148 = tpu.memref_squeeze %dma_start3A_147 : memref<1x48x256xf32, #tpu.memory_space<vmem>> -> memref<48x256xf32, #tpu.memory_space<vmem>>
        tpu.enqueue_dma source(%dma_start3A_148 : memref<48x256xf32, #tpu.memory_space<vmem>>) target(%dma_start3A_144 : memref<48x256xf32, #tpu.memory_space<hbm>>) target_semaphore(%arg18 : memref<!tpu.dma_semaphore, #tpu.memory_space<semaphore_mem>>)
        %dma_start3A_149 = arith.constant 0 : i32
        %dma_start3A_150 = arith.constant 0 : i32
        %dma_start3A_151 = tpu.memref_slice %arg16[%rem3A_21, %dma_start3A_149, %dma_start3A_150] : memref<2x48x256xf32, #tpu.memory_space<vmem>> -> memref<1x48x256xf32, #tpu.memory_space<vmem>>
        %dma_start3A_152 = tpu.memref_squeeze %dma_start3A_151 : memref<1x48x256xf32, #tpu.memory_space<vmem>> -> memref<48x256xf32, #tpu.memory_space<vmem>>
        %dma_start3A_153 = arith.constant 0 : i32
        %dma_start3A_154 = tpu.memref_slice %arg10[%mul3A_112, %dma_start3A_153] : memref<36000x256xf32, #tpu.memory_space<hbm>> -> memref<48x256xf32, #tpu.memory_space<hbm>>
        %dma_start3A_155 = arith.constant 0 : i32
        %dma_start3A_156 = tpu.memref_slice %arg10[%mul3A_112, %dma_start3A_155] : memref<36000x256xf32, #tpu.memory_space<hbm>> -> memref<48x256xf32, #tpu.memory_space<hbm>>
        %dma_start3A_157 = arith.constant 0 : i32
        %dma_start3A_158 = arith.constant 0 : i32
        %dma_start3A_159 = tpu.memref_slice %arg16[%rem3A_21, %dma_start3A_157, %dma_start3A_158] : memref<2x48x256xf32, #tpu.memory_space<vmem>> -> memref<1x48x256xf32, #tpu.memory_space<vmem>>
        %dma_start3A_160 = tpu.memref_squeeze %dma_start3A_159 : memref<1x48x256xf32, #tpu.memory_space<vmem>> -> memref<48x256xf32, #tpu.memory_space<vmem>>
        tpu.enqueue_dma source(%dma_start3A_160 : memref<48x256xf32, #tpu.memory_space<vmem>>) target(%dma_start3A_156 : memref<48x256xf32, #tpu.memory_space<hbm>>) target_semaphore(%arg18 : memref<!tpu.dma_semaphore, #tpu.memory_space<semaphore_mem>>)
      } else {
      }
    }
    %scan3A_5 = arith.constant 24 : i32
    %add3A_6 = arith.constant 704 : i32
    %add3A_7 = arith.addi %add3A, %add3A_6 : i32
    %lt3A = arith.constant 750 : i32
    %lt3A_8 = arith.cmpi slt, %add3A_7, %lt3A : i32
    %convert_element_type3A = arith.extui %lt3A_8 : i1 to i32
    %cond3A = arith.constant 0 : i32
    %cond3A_9 = arith.cmpi ne, %convert_element_type3A, %cond3A : i32
    scf.if %cond3A_9 {
      %mul3A_17 = arith.constant 48 : i32
      %mul3A_18 = arith.muli %add3A_7, %mul3A_17 : i32
      %dma_wait3A = arith.constant 0 : i32
      %dma_wait3A_19 = arith.constant 0 : i32
      %dma_wait3A_20 = arith.constant 0 : i32
      %dma_wait3A_21 = tpu.memref_slice %arg13[%dma_wait3A, %dma_wait3A_19, %dma_wait3A_20] : memref<2x48x256xf32, #tpu.memory_space<vmem>> -> memref<1x48x256xf32, #tpu.memory_space<vmem>>
      %dma_wait3A_22 = tpu.memref_squeeze %dma_wait3A_21 : memref<1x48x256xf32, #tpu.memory_space<vmem>> -> memref<48x256xf32, #tpu.memory_space<vmem>>
      %dma_wait3A_23 = arith.constant 0 : i32
      %dma_wait3A_24 = tpu.memref_slice %arg7[%mul3A_18, %dma_wait3A_23] : memref<36000x256xf32, #tpu.memory_space<hbm>> -> memref<48x256xf32, #tpu.memory_space<hbm>>
      %dma_wait3A_25 = arith.constant 0 : i32
      %dma_wait3A_26 = tpu.memref_slice %arg7[%mul3A_18, %dma_wait3A_25] : memref<36000x256xf32, #tpu.memory_space<hbm>> -> memref<48x256xf32, #tpu.memory_space<hbm>>
      %dma_wait3A_27 = arith.constant 0 : i32
      %dma_wait3A_28 = arith.constant 0 : i32
      %dma_wait3A_29 = tpu.memref_slice %arg13[%dma_wait3A, %dma_wait3A_27, %dma_wait3A_28] : memref<2x48x256xf32, #tpu.memory_space<vmem>> -> memref<1x48x256xf32, #tpu.memory_space<vmem>>
      %dma_wait3A_30 = tpu.memref_squeeze %dma_wait3A_29 : memref<1x48x256xf32, #tpu.memory_space<vmem>> -> memref<48x256xf32, #tpu.memory_space<vmem>>
      tpu.wait_dma2 semaphore(%arg18 : memref<!tpu.dma_semaphore, #tpu.memory_space<semaphore_mem>>) src(%dma_wait3A_30 : memref<48x256xf32, #tpu.memory_space<vmem>>) dst(%dma_wait3A_26 : memref<48x256xf32, #tpu.memory_space<hbm>>)
      %dma_wait3A_31 = arith.constant 0 : i32
      %dma_wait3A_32 = arith.constant 0 : i32
      %dma_wait3A_33 = arith.constant 0 : i32
      %dma_wait3A_34 = tpu.memref_slice %arg14[%dma_wait3A_31, %dma_wait3A_32, %dma_wait3A_33] : memref<2x48x256xf32, #tpu.memory_space<vmem>> -> memref<1x48x256xf32, #tpu.memory_space<vmem>>
      %dma_wait3A_35 = tpu.memref_squeeze %dma_wait3A_34 : memref<1x48x256xf32, #tpu.memory_space<vmem>> -> memref<48x256xf32, #tpu.memory_space<vmem>>
      %dma_wait3A_36 = arith.constant 0 : i32
      %dma_wait3A_37 = tpu.memref_slice %arg8[%mul3A_18, %dma_wait3A_36] : memref<36000x256xf32, #tpu.memory_space<hbm>> -> memref<48x256xf32, #tpu.memory_space<hbm>>
      %dma_wait3A_38 = arith.constant 0 : i32
      %dma_wait3A_39 = tpu.memref_slice %arg8[%mul3A_18, %dma_wait3A_38] : memref<36000x256xf32, #tpu.memory_space<hbm>> -> memref<48x256xf32, #tpu.memory_space<hbm>>
      %dma_wait3A_40 = arith.constant 0 : i32
      %dma_wait3A_41 = arith.constant 0 : i32
      %dma_wait3A_42 = tpu.memref_slice %arg14[%dma_wait3A_31, %dma_wait3A_40, %dma_wait3A_41] : memref<2x48x256xf32, #tpu.memory_space<vmem>> -> memref<1x48x256xf32, #tpu.memory_space<vmem>>
      %dma_wait3A_43 = tpu.memref_squeeze %dma_wait3A_42 : memref<1x48x256xf32, #tpu.memory_space<vmem>> -> memref<48x256xf32, #tpu.memory_space<vmem>>
      tpu.wait_dma2 semaphore(%arg18 : memref<!tpu.dma_semaphore, #tpu.memory_space<semaphore_mem>>) src(%dma_wait3A_43 : memref<48x256xf32, #tpu.memory_space<vmem>>) dst(%dma_wait3A_39 : memref<48x256xf32, #tpu.memory_space<hbm>>)
      %dma_wait3A_44 = arith.constant 0 : i32
      %dma_wait3A_45 = arith.constant 0 : i32
      %dma_wait3A_46 = arith.constant 0 : i32
      %dma_wait3A_47 = tpu.memref_slice %arg15[%dma_wait3A_44, %dma_wait3A_45, %dma_wait3A_46] : memref<2x48x256xf32, #tpu.memory_space<vmem>> -> memref<1x48x256xf32, #tpu.memory_space<vmem>>
      %dma_wait3A_48 = tpu.memref_squeeze %dma_wait3A_47 : memref<1x48x256xf32, #tpu.memory_space<vmem>> -> memref<48x256xf32, #tpu.memory_space<vmem>>
      %dma_wait3A_49 = arith.constant 0 : i32
      %dma_wait3A_50 = tpu.memref_slice %arg9[%mul3A_18, %dma_wait3A_49] : memref<36000x256xf32, #tpu.memory_space<hbm>> -> memref<48x256xf32, #tpu.memory_space<hbm>>
      %dma_wait3A_51 = arith.constant 0 : i32
      %dma_wait3A_52 = tpu.memref_slice %arg9[%mul3A_18, %dma_wait3A_51] : memref<36000x256xf32, #tpu.memory_space<hbm>> -> memref<48x256xf32, #tpu.memory_space<hbm>>
      %dma_wait3A_53 = arith.constant 0 : i32
      %dma_wait3A_54 = arith.constant 0 : i32
      %dma_wait3A_55 = tpu.memref_slice %arg15[%dma_wait3A_44, %dma_wait3A_53, %dma_wait3A_54] : memref<2x48x256xf32, #tpu.memory_space<vmem>> -> memref<1x48x256xf32, #tpu.memory_space<vmem>>
      %dma_wait3A_56 = tpu.memref_squeeze %dma_wait3A_55 : memref<1x48x256xf32, #tpu.memory_space<vmem>> -> memref<48x256xf32, #tpu.memory_space<vmem>>
      tpu.wait_dma2 semaphore(%arg18 : memref<!tpu.dma_semaphore, #tpu.memory_space<semaphore_mem>>) src(%dma_wait3A_56 : memref<48x256xf32, #tpu.memory_space<vmem>>) dst(%dma_wait3A_52 : memref<48x256xf32, #tpu.memory_space<hbm>>)
      %dma_wait3A_57 = arith.constant 0 : i32
      %dma_wait3A_58 = arith.constant 0 : i32
      %dma_wait3A_59 = arith.constant 0 : i32
      %dma_wait3A_60 = tpu.memref_slice %arg16[%dma_wait3A_57, %dma_wait3A_58, %dma_wait3A_59] : memref<2x48x256xf32, #tpu.memory_space<vmem>> -> memref<1x48x256xf32, #tpu.memory_space<vmem>>
      %dma_wait3A_61 = tpu.memref_squeeze %dma_wait3A_60 : memref<1x48x256xf32, #tpu.memory_space<vmem>> -> memref<48x256xf32, #tpu.memory_space<vmem>>
      %dma_wait3A_62 = arith.constant 0 : i32
      %dma_wait3A_63 = tpu.memref_slice %arg10[%mul3A_18, %dma_wait3A_62] : memref<36000x256xf32, #tpu.memory_space<hbm>> -> memref<48x256xf32, #tpu.memory_space<hbm>>
      %dma_wait3A_64 = arith.constant 0 : i32
      %dma_wait3A_65 = tpu.memref_slice %arg10[%mul3A_18, %dma_wait3A_64] : memref<36000x256xf32, #tpu.memory_space<hbm>> -> memref<48x256xf32, #tpu.memory_space<hbm>>
      %dma_wait3A_66 = arith.constant 0 : i32
      %dma_wait3A_67 = arith.constant 0 : i32
      %dma_wait3A_68 = tpu.memref_slice %arg16[%dma_wait3A_57, %dma_wait3A_66, %dma_wait3A_67] : memref<2x48x256xf32, #tpu.memory_space<vmem>> -> memref<1x48x256xf32, #tpu.memory_space<vmem>>
      %dma_wait3A_69 = tpu.memref_squeeze %dma_wait3A_68 : memref<1x48x256xf32, #tpu.memory_space<vmem>> -> memref<48x256xf32, #tpu.memory_space<vmem>>
      tpu.wait_dma2 semaphore(%arg18 : memref<!tpu.dma_semaphore, #tpu.memory_space<semaphore_mem>>) src(%dma_wait3A_69 : memref<48x256xf32, #tpu.memory_space<vmem>>) dst(%dma_wait3A_65 : memref<48x256xf32, #tpu.memory_space<hbm>>)
    } else {
    }
    %add3A_10 = arith.constant 736 : i32
    %add3A_11 = arith.addi %add3A, %add3A_10 : i32
    %lt3A_12 = arith.constant 750 : i32
    %lt3A_13 = arith.cmpi slt, %add3A_11, %lt3A_12 : i32
    %convert_element_type3A_14 = arith.extui %lt3A_13 : i1 to i32
    %cond3A_15 = arith.constant 0 : i32
    %cond3A_16 = arith.cmpi ne, %convert_element_type3A_14, %cond3A_15 : i32
    scf.if %cond3A_16 {
      %mul3A_17 = arith.constant 48 : i32
      %mul3A_18 = arith.muli %add3A_11, %mul3A_17 : i32
      %dma_wait3A = arith.constant 1 : i32
      %dma_wait3A_19 = arith.constant 0 : i32
      %dma_wait3A_20 = arith.constant 0 : i32
      %dma_wait3A_21 = tpu.memref_slice %arg13[%dma_wait3A, %dma_wait3A_19, %dma_wait3A_20] : memref<2x48x256xf32, #tpu.memory_space<vmem>> -> memref<1x48x256xf32, #tpu.memory_space<vmem>>
      %dma_wait3A_22 = tpu.memref_squeeze %dma_wait3A_21 : memref<1x48x256xf32, #tpu.memory_space<vmem>> -> memref<48x256xf32, #tpu.memory_space<vmem>>
      %dma_wait3A_23 = arith.constant 0 : i32
      %dma_wait3A_24 = tpu.memref_slice %arg7[%mul3A_18, %dma_wait3A_23] : memref<36000x256xf32, #tpu.memory_space<hbm>> -> memref<48x256xf32, #tpu.memory_space<hbm>>
      %dma_wait3A_25 = arith.constant 0 : i32
      %dma_wait3A_26 = tpu.memref_slice %arg7[%mul3A_18, %dma_wait3A_25] : memref<36000x256xf32, #tpu.memory_space<hbm>> -> memref<48x256xf32, #tpu.memory_space<hbm>>
      %dma_wait3A_27 = arith.constant 0 : i32
      %dma_wait3A_28 = arith.constant 0 : i32
      %dma_wait3A_29 = tpu.memref_slice %arg13[%dma_wait3A, %dma_wait3A_27, %dma_wait3A_28] : memref<2x48x256xf32, #tpu.memory_space<vmem>> -> memref<1x48x256xf32, #tpu.memory_space<vmem>>
      %dma_wait3A_30 = tpu.memref_squeeze %dma_wait3A_29 : memref<1x48x256xf32, #tpu.memory_space<vmem>> -> memref<48x256xf32, #tpu.memory_space<vmem>>
      tpu.wait_dma2 semaphore(%arg18 : memref<!tpu.dma_semaphore, #tpu.memory_space<semaphore_mem>>) src(%dma_wait3A_30 : memref<48x256xf32, #tpu.memory_space<vmem>>) dst(%dma_wait3A_26 : memref<48x256xf32, #tpu.memory_space<hbm>>)
      %dma_wait3A_31 = arith.constant 1 : i32
      %dma_wait3A_32 = arith.constant 0 : i32
      %dma_wait3A_33 = arith.constant 0 : i32
      %dma_wait3A_34 = tpu.memref_slice %arg14[%dma_wait3A_31, %dma_wait3A_32, %dma_wait3A_33] : memref<2x48x256xf32, #tpu.memory_space<vmem>> -> memref<1x48x256xf32, #tpu.memory_space<vmem>>
      %dma_wait3A_35 = tpu.memref_squeeze %dma_wait3A_34 : memref<1x48x256xf32, #tpu.memory_space<vmem>> -> memref<48x256xf32, #tpu.memory_space<vmem>>
      %dma_wait3A_36 = arith.constant 0 : i32
      %dma_wait3A_37 = tpu.memref_slice %arg8[%mul3A_18, %dma_wait3A_36] : memref<36000x256xf32, #tpu.memory_space<hbm>> -> memref<48x256xf32, #tpu.memory_space<hbm>>
      %dma_wait3A_38 = arith.constant 0 : i32
      %dma_wait3A_39 = tpu.memref_slice %arg8[%mul3A_18, %dma_wait3A_38] : memref<36000x256xf32, #tpu.memory_space<hbm>> -> memref<48x256xf32, #tpu.memory_space<hbm>>
      %dma_wait3A_40 = arith.constant 0 : i32
      %dma_wait3A_41 = arith.constant 0 : i32
      %dma_wait3A_42 = tpu.memref_slice %arg14[%dma_wait3A_31, %dma_wait3A_40, %dma_wait3A_41] : memref<2x48x256xf32, #tpu.memory_space<vmem>> -> memref<1x48x256xf32, #tpu.memory_space<vmem>>
      %dma_wait3A_43 = tpu.memref_squeeze %dma_wait3A_42 : memref<1x48x256xf32, #tpu.memory_space<vmem>> -> memref<48x256xf32, #tpu.memory_space<vmem>>
      tpu.wait_dma2 semaphore(%arg18 : memref<!tpu.dma_semaphore, #tpu.memory_space<semaphore_mem>>) src(%dma_wait3A_43 : memref<48x256xf32, #tpu.memory_space<vmem>>) dst(%dma_wait3A_39 : memref<48x256xf32, #tpu.memory_space<hbm>>)
      %dma_wait3A_44 = arith.constant 1 : i32
      %dma_wait3A_45 = arith.constant 0 : i32
      %dma_wait3A_46 = arith.constant 0 : i32
      %dma_wait3A_47 = tpu.memref_slice %arg15[%dma_wait3A_44, %dma_wait3A_45, %dma_wait3A_46] : memref<2x48x256xf32, #tpu.memory_space<vmem>> -> memref<1x48x256xf32, #tpu.memory_space<vmem>>
      %dma_wait3A_48 = tpu.memref_squeeze %dma_wait3A_47 : memref<1x48x256xf32, #tpu.memory_space<vmem>> -> memref<48x256xf32, #tpu.memory_space<vmem>>
      %dma_wait3A_49 = arith.constant 0 : i32
      %dma_wait3A_50 = tpu.memref_slice %arg9[%mul3A_18, %dma_wait3A_49] : memref<36000x256xf32, #tpu.memory_space<hbm>> -> memref<48x256xf32, #tpu.memory_space<hbm>>
      %dma_wait3A_51 = arith.constant 0 : i32
      %dma_wait3A_52 = tpu.memref_slice %arg9[%mul3A_18, %dma_wait3A_51] : memref<36000x256xf32, #tpu.memory_space<hbm>> -> memref<48x256xf32, #tpu.memory_space<hbm>>
      %dma_wait3A_53 = arith.constant 0 : i32
      %dma_wait3A_54 = arith.constant 0 : i32
      %dma_wait3A_55 = tpu.memref_slice %arg15[%dma_wait3A_44, %dma_wait3A_53, %dma_wait3A_54] : memref<2x48x256xf32, #tpu.memory_space<vmem>> -> memref<1x48x256xf32, #tpu.memory_space<vmem>>
      %dma_wait3A_56 = tpu.memref_squeeze %dma_wait3A_55 : memref<1x48x256xf32, #tpu.memory_space<vmem>> -> memref<48x256xf32, #tpu.memory_space<vmem>>
      tpu.wait_dma2 semaphore(%arg18 : memref<!tpu.dma_semaphore, #tpu.memory_space<semaphore_mem>>) src(%dma_wait3A_56 : memref<48x256xf32, #tpu.memory_space<vmem>>) dst(%dma_wait3A_52 : memref<48x256xf32, #tpu.memory_space<hbm>>)
      %dma_wait3A_57 = arith.constant 1 : i32
      %dma_wait3A_58 = arith.constant 0 : i32
      %dma_wait3A_59 = arith.constant 0 : i32
      %dma_wait3A_60 = tpu.memref_slice %arg16[%dma_wait3A_57, %dma_wait3A_58, %dma_wait3A_59] : memref<2x48x256xf32, #tpu.memory_space<vmem>> -> memref<1x48x256xf32, #tpu.memory_space<vmem>>
      %dma_wait3A_61 = tpu.memref_squeeze %dma_wait3A_60 : memref<1x48x256xf32, #tpu.memory_space<vmem>> -> memref<48x256xf32, #tpu.memory_space<vmem>>
      %dma_wait3A_62 = arith.constant 0 : i32
      %dma_wait3A_63 = tpu.memref_slice %arg10[%mul3A_18, %dma_wait3A_62] : memref<36000x256xf32, #tpu.memory_space<hbm>> -> memref<48x256xf32, #tpu.memory_space<hbm>>
      %dma_wait3A_64 = arith.constant 0 : i32
      %dma_wait3A_65 = tpu.memref_slice %arg10[%mul3A_18, %dma_wait3A_64] : memref<36000x256xf32, #tpu.memory_space<hbm>> -> memref<48x256xf32, #tpu.memory_space<hbm>>
      %dma_wait3A_66 = arith.constant 0 : i32
      %dma_wait3A_67 = arith.constant 0 : i32
      %dma_wait3A_68 = tpu.memref_slice %arg16[%dma_wait3A_57, %dma_wait3A_66, %dma_wait3A_67] : memref<2x48x256xf32, #tpu.memory_space<vmem>> -> memref<1x48x256xf32, #tpu.memory_space<vmem>>
      %dma_wait3A_69 = tpu.memref_squeeze %dma_wait3A_68 : memref<1x48x256xf32, #tpu.memory_space<vmem>> -> memref<48x256xf32, #tpu.memory_space<vmem>>
      tpu.wait_dma2 semaphore(%arg18 : memref<!tpu.dma_semaphore, #tpu.memory_space<semaphore_mem>>) src(%dma_wait3A_69 : memref<48x256xf32, #tpu.memory_space<vmem>>) dst(%dma_wait3A_65 : memref<48x256xf32, #tpu.memory_space<hbm>>)
    } else {
    }
    return
  }
}

#map = affine_map<(d0, d1) -> (0, 0)>
#map1 = affine_map<(d0, d1) -> (0)>
module attributes {stable_mosaic.version = 14 : i64} {
  func.func @gk(%arg0: i32, %arg1: i32, %arg2: memref<1200x256xf32, #tpu.memory_space<hbm>>, %arg3: memref<1200x256xf32, #tpu.memory_space<hbm>>, %arg4: memref<1200x256xf32, #tpu.memory_space<hbm>>, %arg5: memref<36000xi32, #tpu.memory_space<hbm>>, %arg6: memref<36000xi32, #tpu.memory_space<hbm>>, %arg7: memref<36000x256xf32, #tpu.memory_space<hbm>>, %arg8: memref<36000x256xf32, #tpu.memory_space<hbm>>, %arg9: memref<36000x256xf32, #tpu.memory_space<hbm>>, %arg10: memref<36000x256xf32, #tpu.memory_space<hbm>>, %arg11: memref<2x48xi32, #tpu.memory_space<vmem>>, %arg12: memref<2x48xi32, #tpu.memory_space<vmem>>, %arg13: memref<2x48x256xf32, #tpu.memory_space<vmem>>, %arg14: memref<2x48x256xf32, #tpu.memory_space<vmem>>, %arg15: memref<2x48x256xf32, #tpu.memory_space<vmem>>, %arg16: memref<2x48x256xf32, #tpu.memory_space<vmem>>, %arg17: memref<!tpu.dma_semaphore, #tpu.memory_space<semaphore_mem>>, %arg18: memref<!tpu.dma_semaphore, #tpu.memory_space<semaphore_mem>>) attributes {dimension_semantics = [#tpu.dimension_semantics<core_parallel>, #tpu.dimension_semantics<subcore_parallel>], iteration_bounds = array<i64: 2, 16>, scalar_prefetch = 0 : i64, scratch_operands = 8 : i64, tpu.core_type = #tpu.core_type<sc_vector_subcore>, window_params = [{transform_indices = #map}, {transform_indices = #map}, {transform_indices = #map}, {transform_indices = #map1}, {transform_indices = #map1}, {transform_indices = #map}, {transform_indices = #map}, {transform_indices = #map}, {transform_indices = #map}]} {
    %mul3A = arith.constant 2 : i32
    %mul3A_0 = arith.muli %arg1, %mul3A : i32
    %add3A = arith.addi %mul3A_0, %arg0 : i32
    %scan3A = arith.constant 0 : i32
    %scan3A_1 = arith.constant 0 : i32
    %scan3A_2 = arith.constant 24 : i32
    %scan3A_3 = arith.addi %scan3A_1, %scan3A_2 : i32
    %scan3A_4 = arith.constant 1 : i32
    scf.for %scan3A_17 = %scan3A_1 to %scan3A_3 step %scan3A_4  : i32 {
      %mul3A_18 = arith.constant 32 : i32
      %mul3A_19 = arith.muli %mul3A_18, %scan3A_17 : i32
      %add3A_20 = arith.addi %add3A, %mul3A_19 : i32
      %rem3A = arith.constant 2 : i32
      %rem3A_21 = arith.remsi %scan3A_17, %rem3A : i32
      %lt3A_22 = arith.constant 750 : i32
      %lt3A_23 = arith.cmpi slt, %add3A_20, %lt3A_22 : i32
      %convert_element_type3A_24 = arith.extui %lt3A_23 : i1 to i32
      %cond3A_25 = arith.constant 0 : i32
      %cond3A_26 = arith.cmpi ne, %convert_element_type3A_24, %cond3A_25 : i32
      scf.if %cond3A_26 {
        %ge3A = arith.constant 2 : i32
        %ge3A_27 = arith.cmpi sge, %scan3A_17, %ge3A : i32
        %convert_element_type3A_28 = arith.extui %ge3A_27 : i1 to i32
        %cond3A_29 = arith.constant 0 : i32
        %cond3A_30 = arith.cmpi ne, %convert_element_type3A_28, %cond3A_29 : i32
        scf.if %cond3A_30 {
          %sub3A = arith.constant 64 : i32
          %sub3A_161 = arith.subi %add3A_20, %sub3A : i32
          %mul3A_162 = arith.constant 48 : i32
          %mul3A_163 = arith.muli %sub3A_161, %mul3A_162 : i32
          %dma_wait3A_164 = arith.constant 0 : i32
          %dma_wait3A_165 = arith.constant 0 : i32
          %dma_wait3A_166 = tpu.memref_slice %arg13[%rem3A_21, %dma_wait3A_164, %dma_wait3A_165] : memref<2x48x256xf32, #tpu.memory_space<vmem>> -> memref<1x48x256xf32, #tpu.memory_space<vmem>>
          %dma_wait3A_167 = tpu.memref_squeeze %dma_wait3A_166 : memref<1x48x256xf32, #tpu.memory_space<vmem>> -> memref<48x256xf32, #tpu.memory_space<vmem>>
          %dma_wait3A_168 = arith.constant 0 : i32
          %dma_wait3A_169 = tpu.memref_slice %arg7[%mul3A_163, %dma_wait3A_168] : memref<36000x256xf32, #tpu.memory_space<hbm>> -> memref<48x256xf32, #tpu.memory_space<hbm>>
          %dma_wait3A_170 = arith.constant 0 : i32
          %dma_wait3A_171 = tpu.memref_slice %arg7[%mul3A_163, %dma_wait3A_170] : memref<36000x256xf32, #tpu.memory_space<hbm>> -> memref<48x256xf32, #tpu.memory_space<hbm>>
          %dma_wait3A_172 = arith.constant 0 : i32
          %dma_wait3A_173 = arith.constant 0 : i32
          %dma_wait3A_174 = tpu.memref_slice %arg13[%rem3A_21, %dma_wait3A_172, %dma_wait3A_173] : memref<2x48x256xf32, #tpu.memory_space<vmem>> -> memref<1x48x256xf32, #tpu.memory_space<vmem>>
          %dma_wait3A_175 = tpu.memref_squeeze %dma_wait3A_174 : memref<1x48x256xf32, #tpu.memory_space<vmem>> -> memref<48x256xf32, #tpu.memory_space<vmem>>
          tpu.wait_dma2 semaphore(%arg18 : memref<!tpu.dma_semaphore, #tpu.memory_space<semaphore_mem>>) src(%dma_wait3A_175 : memref<48x256xf32, #tpu.memory_space<vmem>>) dst(%dma_wait3A_171 : memref<48x256xf32, #tpu.memory_space<hbm>>)
          %dma_wait3A_176 = arith.constant 0 : i32
          %dma_wait3A_177 = arith.constant 0 : i32
          %dma_wait3A_178 = tpu.memref_slice %arg14[%rem3A_21, %dma_wait3A_176, %dma_wait3A_177] : memref<2x48x256xf32, #tpu.memory_space<vmem>> -> memref<1x48x256xf32, #tpu.memory_space<vmem>>
          %dma_wait3A_179 = tpu.memref_squeeze %dma_wait3A_178 : memref<1x48x256xf32, #tpu.memory_space<vmem>> -> memref<48x256xf32, #tpu.memory_space<vmem>>
          %dma_wait3A_180 = arith.constant 0 : i32
          %dma_wait3A_181 = tpu.memref_slice %arg8[%mul3A_163, %dma_wait3A_180] : memref<36000x256xf32, #tpu.memory_space<hbm>> -> memref<48x256xf32, #tpu.memory_space<hbm>>
          %dma_wait3A_182 = arith.constant 0 : i32
          %dma_wait3A_183 = tpu.memref_slice %arg8[%mul3A_163, %dma_wait3A_182] : memref<36000x256xf32, #tpu.memory_space<hbm>> -> memref<48x256xf32, #tpu.memory_space<hbm>>
          %dma_wait3A_184 = arith.constant 0 : i32
          %dma_wait3A_185 = arith.constant 0 : i32
          %dma_wait3A_186 = tpu.memref_slice %arg14[%rem3A_21, %dma_wait3A_184, %dma_wait3A_185] : memref<2x48x256xf32, #tpu.memory_space<vmem>> -> memref<1x48x256xf32, #tpu.memory_space<vmem>>
          %dma_wait3A_187 = tpu.memref_squeeze %dma_wait3A_186 : memref<1x48x256xf32, #tpu.memory_space<vmem>> -> memref<48x256xf32, #tpu.memory_space<vmem>>
          tpu.wait_dma2 semaphore(%arg18 : memref<!tpu.dma_semaphore, #tpu.memory_space<semaphore_mem>>) src(%dma_wait3A_187 : memref<48x256xf32, #tpu.memory_space<vmem>>) dst(%dma_wait3A_183 : memref<48x256xf32, #tpu.memory_space<hbm>>)
          %dma_wait3A_188 = arith.constant 0 : i32
          %dma_wait3A_189 = arith.constant 0 : i32
          %dma_wait3A_190 = tpu.memref_slice %arg15[%rem3A_21, %dma_wait3A_188, %dma_wait3A_189] : memref<2x48x256xf32, #tpu.memory_space<vmem>> -> memref<1x48x256xf32, #tpu.memory_space<vmem>>
          %dma_wait3A_191 = tpu.memref_squeeze %dma_wait3A_190 : memref<1x48x256xf32, #tpu.memory_space<vmem>> -> memref<48x256xf32, #tpu.memory_space<vmem>>
          %dma_wait3A_192 = arith.constant 0 : i32
          %dma_wait3A_193 = tpu.memref_slice %arg9[%mul3A_163, %dma_wait3A_192] : memref<36000x256xf32, #tpu.memory_space<hbm>> -> memref<48x256xf32, #tpu.memory_space<hbm>>
          %dma_wait3A_194 = arith.constant 0 : i32
          %dma_wait3A_195 = tpu.memref_slice %arg9[%mul3A_163, %dma_wait3A_194] : memref<36000x256xf32, #tpu.memory_space<hbm>> -> memref<48x256xf32, #tpu.memory_space<hbm>>
          %dma_wait3A_196 = arith.constant 0 : i32
          %dma_wait3A_197 = arith.constant 0 : i32
          %dma_wait3A_198 = tpu.memref_slice %arg15[%rem3A_21, %dma_wait3A_196, %dma_wait3A_197] : memref<2x48x256xf32, #tpu.memory_space<vmem>> -> memref<1x48x256xf32, #tpu.memory_space<vmem>>
          %dma_wait3A_199 = tpu.memref_squeeze %dma_wait3A_198 : memref<1x48x256xf32, #tpu.memory_space<vmem>> -> memref<48x256xf32, #tpu.memory_space<vmem>>
          tpu.wait_dma2 semaphore(%arg18 : memref<!tpu.dma_semaphore, #tpu.memory_space<semaphore_mem>>) src(%dma_wait3A_199 : memref<48x256xf32, #tpu.memory_space<vmem>>) dst(%dma_wait3A_195 : memref<48x256xf32, #tpu.memory_space<hbm>>)
          %dma_wait3A_200 = arith.constant 0 : i32
          %dma_wait3A_201 = arith.constant 0 : i32
          %dma_wait3A_202 = tpu.memref_slice %arg16[%rem3A_21, %dma_wait3A_200, %dma_wait3A_201] : memref<2x48x256xf32, #tpu.memory_space<vmem>> -> memref<1x48x256xf32, #tpu.memory_space<vmem>>
          %dma_wait3A_203 = tpu.memref_squeeze %dma_wait3A_202 : memref<1x48x256xf32, #tpu.memory_space<vmem>> -> memref<48x256xf32, #tpu.memory_space<vmem>>
          %dma_wait3A_204 = arith.constant 0 : i32
          %dma_wait3A_205 = tpu.memref_slice %arg10[%mul3A_163, %dma_wait3A_204] : memref<36000x256xf32, #tpu.memory_space<hbm>> -> memref<48x256xf32, #tpu.memory_space<hbm>>
          %dma_wait3A_206 = arith.constant 0 : i32
          %dma_wait3A_207 = tpu.memref_slice %arg10[%mul3A_163, %dma_wait3A_206] : memref<36000x256xf32, #tpu.memory_space<hbm>> -> memref<48x256xf32, #tpu.memory_space<hbm>>
          %dma_wait3A_208 = arith.constant 0 : i32
          %dma_wait3A_209 = arith.constant 0 : i32
          %dma_wait3A_210 = tpu.memref_slice %arg16[%rem3A_21, %dma_wait3A_208, %dma_wait3A_209] : memref<2x48x256xf32, #tpu.memory_space<vmem>> -> memref<1x48x256xf32, #tpu.memory_space<vmem>>
          %dma_wait3A_211 = tpu.memref_squeeze %dma_wait3A_210 : memref<1x48x256xf32, #tpu.memory_space<vmem>> -> memref<48x256xf32, #tpu.memory_space<vmem>>
          tpu.wait_dma2 semaphore(%arg18 : memref<!tpu.dma_semaphore, #tpu.memory_space<semaphore_mem>>) src(%dma_wait3A_211 : memref<48x256xf32, #tpu.memory_space<vmem>>) dst(%dma_wait3A_207 : memref<48x256xf32, #tpu.memory_space<hbm>>)
        } else {
        }
        %mul3A_31 = arith.constant 48 : i32
        %mul3A_32 = arith.muli %add3A_20, %mul3A_31 : i32
        "tpu.region"() ({
          %run_scoped3A = tpu.sem_alloc : memref<!tpu.dma_semaphore, #tpu.memory_space<semaphore_mem>>
          %dma_start3A_161 = arith.constant 0 : i32
          %dma_start3A_162 = tpu.memref_slice %arg11[%rem3A_21, %dma_start3A_161] : memref<2x48xi32, #tpu.memory_space<vmem>> -> memref<1x48xi32, #tpu.memory_space<vmem>>
          %dma_start3A_163 = tpu.memref_squeeze %dma_start3A_162 : memref<1x48xi32, #tpu.memory_space<vmem>> -> memref<48xi32, #tpu.memory_space<vmem>>
          %dma_start3A_164 = tpu.memref_slice %arg5[%mul3A_32] : memref<36000xi32, #tpu.memory_space<hbm>> -> memref<48xi32, #tpu.memory_space<hbm>>
          %dma_start3A_165 = arith.constant 0 : i32
          %dma_start3A_166 = tpu.memref_slice %arg11[%rem3A_21, %dma_start3A_165] : memref<2x48xi32, #tpu.memory_space<vmem>> -> memref<1x48xi32, #tpu.memory_space<vmem>>
          %dma_start3A_167 = tpu.memref_squeeze %dma_start3A_166 : memref<1x48xi32, #tpu.memory_space<vmem>> -> memref<48xi32, #tpu.memory_space<vmem>>
          %dma_start3A_168 = tpu.memref_slice %arg5[%mul3A_32] : memref<36000xi32, #tpu.memory_space<hbm>> -> memref<48xi32, #tpu.memory_space<hbm>>
          tpu.enqueue_dma source(%dma_start3A_168 : memref<48xi32, #tpu.memory_space<hbm>>) target(%dma_start3A_167 : memref<48xi32, #tpu.memory_space<vmem>>) target_semaphore(%run_scoped3A : memref<!tpu.dma_semaphore, #tpu.memory_space<semaphore_mem>>)
          %dma_wait3A_169 = arith.constant 0 : i32
          %dma_wait3A_170 = tpu.memref_slice %arg11[%rem3A_21, %dma_wait3A_169] : memref<2x48xi32, #tpu.memory_space<vmem>> -> memref<1x48xi32, #tpu.memory_space<vmem>>
          %dma_wait3A_171 = tpu.memref_squeeze %dma_wait3A_170 : memref<1x48xi32, #tpu.memory_space<vmem>> -> memref<48xi32, #tpu.memory_space<vmem>>
          %dma_wait3A_172 = tpu.memref_slice %arg5[%mul3A_32] : memref<36000xi32, #tpu.memory_space<hbm>> -> memref<48xi32, #tpu.memory_space<hbm>>
          %dma_wait3A_173 = arith.constant 0 : i32
          %dma_wait3A_174 = tpu.memref_slice %arg11[%rem3A_21, %dma_wait3A_173] : memref<2x48xi32, #tpu.memory_space<vmem>> -> memref<1x48xi32, #tpu.memory_space<vmem>>
          %dma_wait3A_175 = tpu.memref_squeeze %dma_wait3A_174 : memref<1x48xi32, #tpu.memory_space<vmem>> -> memref<48xi32, #tpu.memory_space<vmem>>
          %dma_wait3A_176 = tpu.memref_slice %arg5[%mul3A_32] : memref<36000xi32, #tpu.memory_space<hbm>> -> memref<48xi32, #tpu.memory_space<hbm>>
          tpu.wait_dma2 semaphore(%run_scoped3A : memref<!tpu.dma_semaphore, #tpu.memory_space<semaphore_mem>>) src(%dma_wait3A_176 : memref<48xi32, #tpu.memory_space<hbm>>) dst(%dma_wait3A_175 : memref<48xi32, #tpu.memory_space<vmem>>)
          tpu.yield
        }) : () -> ()
        "tpu.region"() ({
          %run_scoped3A = tpu.sem_alloc : memref<!tpu.dma_semaphore, #tpu.memory_space<semaphore_mem>>
          %dma_start3A_161 = arith.constant 0 : i32
          %dma_start3A_162 = tpu.memref_slice %arg12[%rem3A_21, %dma_start3A_161] : memref<2x48xi32, #tpu.memory_space<vmem>> -> memref<1x48xi32, #tpu.memory_space<vmem>>
          %dma_start3A_163 = tpu.memref_squeeze %dma_start3A_162 : memref<1x48xi32, #tpu.memory_space<vmem>> -> memref<48xi32, #tpu.memory_space<vmem>>
          %dma_start3A_164 = tpu.memref_slice %arg6[%mul3A_32] : memref<36000xi32, #tpu.memory_space<hbm>> -> memref<48xi32, #tpu.memory_space<hbm>>
          %dma_start3A_165 = arith.constant 0 : i32
          %dma_start3A_166 = tpu.memref_slice %arg12[%rem3A_21, %dma_start3A_165] : memref<2x48xi32, #tpu.memory_space<vmem>> -> memref<1x48xi32, #tpu.memory_space<vmem>>
          %dma_start3A_167 = tpu.memref_squeeze %dma_start3A_166 : memref<1x48xi32, #tpu.memory_space<vmem>> -> memref<48xi32, #tpu.memory_space<vmem>>
          %dma_start3A_168 = tpu.memref_slice %arg6[%mul3A_32] : memref<36000xi32, #tpu.memory_space<hbm>> -> memref<48xi32, #tpu.memory_space<hbm>>
          tpu.enqueue_dma source(%dma_start3A_168 : memref<48xi32, #tpu.memory_space<hbm>>) target(%dma_start3A_167 : memref<48xi32, #tpu.memory_space<vmem>>) target_semaphore(%run_scoped3A : memref<!tpu.dma_semaphore, #tpu.memory_space<semaphore_mem>>)
          %dma_wait3A_169 = arith.constant 0 : i32
          %dma_wait3A_170 = tpu.memref_slice %arg12[%rem3A_21, %dma_wait3A_169] : memref<2x48xi32, #tpu.memory_space<vmem>> -> memref<1x48xi32, #tpu.memory_space<vmem>>
          %dma_wait3A_171 = tpu.memref_squeeze %dma_wait3A_170 : memref<1x48xi32, #tpu.memory_space<vmem>> -> memref<48xi32, #tpu.memory_space<vmem>>
          %dma_wait3A_172 = tpu.memref_slice %arg6[%mul3A_32] : memref<36000xi32, #tpu.memory_space<hbm>> -> memref<48xi32, #tpu.memory_space<hbm>>
          %dma_wait3A_173 = arith.constant 0 : i32
          %dma_wait3A_174 = tpu.memref_slice %arg12[%rem3A_21, %dma_wait3A_173] : memref<2x48xi32, #tpu.memory_space<vmem>> -> memref<1x48xi32, #tpu.memory_space<vmem>>
          %dma_wait3A_175 = tpu.memref_squeeze %dma_wait3A_174 : memref<1x48xi32, #tpu.memory_space<vmem>> -> memref<48xi32, #tpu.memory_space<vmem>>
          %dma_wait3A_176 = tpu.memref_slice %arg6[%mul3A_32] : memref<36000xi32, #tpu.memory_space<hbm>> -> memref<48xi32, #tpu.memory_space<hbm>>
          tpu.wait_dma2 semaphore(%run_scoped3A : memref<!tpu.dma_semaphore, #tpu.memory_space<semaphore_mem>>) src(%dma_wait3A_176 : memref<48xi32, #tpu.memory_space<hbm>>) dst(%dma_wait3A_175 : memref<48xi32, #tpu.memory_space<vmem>>)
          tpu.yield
        }) : () -> ()
        %dma_start3A = arith.constant 0 : i32
        %dma_start3A_33 = arith.constant 0 : i32
        %dma_start3A_34 = tpu.memref_slice %arg13[%rem3A_21, %dma_start3A, %dma_start3A_33] : memref<2x48x256xf32, #tpu.memory_space<vmem>> -> memref<1x48x256xf32, #tpu.memory_space<vmem>>
        %dma_start3A_35 = tpu.memref_squeeze %dma_start3A_34 : memref<1x48x256xf32, #tpu.memory_space<vmem>> -> memref<48x256xf32, #tpu.memory_space<vmem>>
        %dma_start3A_36 = arith.constant 0 : i32
        %dma_start3A_37 = tpu.memref_slice %arg11[%rem3A_21, %dma_start3A_36] : memref<2x48xi32, #tpu.memory_space<vmem>> -> memref<1x48xi32, #tpu.memory_space<vmem>>
        %dma_start3A_38 = tpu.memref_squeeze %dma_start3A_37 : memref<1x48xi32, #tpu.memory_space<vmem>> -> memref<48xi32, #tpu.memory_space<vmem>>
        %dma_start3A_39 = arith.constant 0 : i32
        %dma_start3A_40 = arith.constant 0 : i32
        %dma_start3A_41 = tpu.memref_slice %arg2[%dma_start3A_39, %dma_start3A_40] : memref<1200x256xf32, #tpu.memory_space<hbm>> -> memref<1200x256xf32, #tpu.memory_space<hbm>>
        tpu.enqueue_indirect_dma source(%dma_start3A_41 : memref<1200x256xf32, #tpu.memory_space<hbm>>) target(%dma_start3A_35 : memref<48x256xf32, #tpu.memory_space<vmem>>) offsets(%dma_start3A_38 : memref<48xi32, #tpu.memory_space<vmem>>) semaphore(%arg17 : memref<!tpu.dma_semaphore, #tpu.memory_space<semaphore_mem>>)
        %dma_start3A_42 = arith.constant 0 : i32
        %dma_start3A_43 = arith.constant 0 : i32
        %dma_start3A_44 = tpu.memref_slice %arg14[%rem3A_21, %dma_start3A_42, %dma_start3A_43] : memref<2x48x256xf32, #tpu.memory_space<vmem>> -> memref<1x48x256xf32, #tpu.memory_space<vmem>>
        %dma_start3A_45 = tpu.memref_squeeze %dma_start3A_44 : memref<1x48x256xf32, #tpu.memory_space<vmem>> -> memref<48x256xf32, #tpu.memory_space<vmem>>
        %dma_start3A_46 = arith.constant 0 : i32
        %dma_start3A_47 = tpu.memref_slice %arg12[%rem3A_21, %dma_start3A_46] : memref<2x48xi32, #tpu.memory_space<vmem>> -> memref<1x48xi32, #tpu.memory_space<vmem>>
        %dma_start3A_48 = tpu.memref_squeeze %dma_start3A_47 : memref<1x48xi32, #tpu.memory_space<vmem>> -> memref<48xi32, #tpu.memory_space<vmem>>
        %dma_start3A_49 = arith.constant 0 : i32
        %dma_start3A_50 = arith.constant 0 : i32
        %dma_start3A_51 = tpu.memref_slice %arg3[%dma_start3A_49, %dma_start3A_50] : memref<1200x256xf32, #tpu.memory_space<hbm>> -> memref<1200x256xf32, #tpu.memory_space<hbm>>
        tpu.enqueue_indirect_dma source(%dma_start3A_51 : memref<1200x256xf32, #tpu.memory_space<hbm>>) target(%dma_start3A_45 : memref<48x256xf32, #tpu.memory_space<vmem>>) offsets(%dma_start3A_48 : memref<48xi32, #tpu.memory_space<vmem>>) semaphore(%arg17 : memref<!tpu.dma_semaphore, #tpu.memory_space<semaphore_mem>>)
        %dma_start3A_52 = arith.constant 0 : i32
        %dma_start3A_53 = arith.constant 0 : i32
        %dma_start3A_54 = tpu.memref_slice %arg15[%rem3A_21, %dma_start3A_52, %dma_start3A_53] : memref<2x48x256xf32, #tpu.memory_space<vmem>> -> memref<1x48x256xf32, #tpu.memory_space<vmem>>
        %dma_start3A_55 = tpu.memref_squeeze %dma_start3A_54 : memref<1x48x256xf32, #tpu.memory_space<vmem>> -> memref<48x256xf32, #tpu.memory_space<vmem>>
        %dma_start3A_56 = arith.constant 0 : i32
        %dma_start3A_57 = tpu.memref_slice %arg11[%rem3A_21, %dma_start3A_56] : memref<2x48xi32, #tpu.memory_space<vmem>> -> memref<1x48xi32, #tpu.memory_space<vmem>>
        %dma_start3A_58 = tpu.memref_squeeze %dma_start3A_57 : memref<1x48xi32, #tpu.memory_space<vmem>> -> memref<48xi32, #tpu.memory_space<vmem>>
        %dma_start3A_59 = arith.constant 0 : i32
        %dma_start3A_60 = arith.constant 0 : i32
        %dma_start3A_61 = tpu.memref_slice %arg4[%dma_start3A_59, %dma_start3A_60] : memref<1200x256xf32, #tpu.memory_space<hbm>> -> memref<1200x256xf32, #tpu.memory_space<hbm>>
        tpu.enqueue_indirect_dma source(%dma_start3A_61 : memref<1200x256xf32, #tpu.memory_space<hbm>>) target(%dma_start3A_55 : memref<48x256xf32, #tpu.memory_space<vmem>>) offsets(%dma_start3A_58 : memref<48xi32, #tpu.memory_space<vmem>>) semaphore(%arg17 : memref<!tpu.dma_semaphore, #tpu.memory_space<semaphore_mem>>)
        %dma_start3A_62 = arith.constant 0 : i32
        %dma_start3A_63 = arith.constant 0 : i32
        %dma_start3A_64 = tpu.memref_slice %arg16[%rem3A_21, %dma_start3A_62, %dma_start3A_63] : memref<2x48x256xf32, #tpu.memory_space<vmem>> -> memref<1x48x256xf32, #tpu.memory_space<vmem>>
        %dma_start3A_65 = tpu.memref_squeeze %dma_start3A_64 : memref<1x48x256xf32, #tpu.memory_space<vmem>> -> memref<48x256xf32, #tpu.memory_space<vmem>>
        %dma_start3A_66 = arith.constant 0 : i32
        %dma_start3A_67 = tpu.memref_slice %arg12[%rem3A_21, %dma_start3A_66] : memref<2x48xi32, #tpu.memory_space<vmem>> -> memref<1x48xi32, #tpu.memory_space<vmem>>
        %dma_start3A_68 = tpu.memref_squeeze %dma_start3A_67 : memref<1x48xi32, #tpu.memory_space<vmem>> -> memref<48xi32, #tpu.memory_space<vmem>>
        %dma_start3A_69 = arith.constant 0 : i32
        %dma_start3A_70 = arith.constant 0 : i32
        %dma_start3A_71 = tpu.memref_slice %arg4[%dma_start3A_69, %dma_start3A_70] : memref<1200x256xf32, #tpu.memory_space<hbm>> -> memref<1200x256xf32, #tpu.memory_space<hbm>>
        tpu.enqueue_indirect_dma source(%dma_start3A_71 : memref<1200x256xf32, #tpu.memory_space<hbm>>) target(%dma_start3A_65 : memref<48x256xf32, #tpu.memory_space<vmem>>) offsets(%dma_start3A_68 : memref<48xi32, #tpu.memory_space<vmem>>) semaphore(%arg17 : memref<!tpu.dma_semaphore, #tpu.memory_space<semaphore_mem>>)
        %dma_wait3A = arith.constant 0 : i32
        %dma_wait3A_72 = arith.constant 0 : i32
        %dma_wait3A_73 = tpu.memref_slice %arg13[%rem3A_21, %dma_wait3A, %dma_wait3A_72] : memref<2x48x256xf32, #tpu.memory_space<vmem>> -> memref<1x48x256xf32, #tpu.memory_space<vmem>>
        %dma_wait3A_74 = tpu.memref_squeeze %dma_wait3A_73 : memref<1x48x256xf32, #tpu.memory_space<vmem>> -> memref<48x256xf32, #tpu.memory_space<vmem>>
        %dma_wait3A_75 = arith.constant 0 : i32
        %dma_wait3A_76 = tpu.memref_slice %arg11[%rem3A_21, %dma_wait3A_75] : memref<2x48xi32, #tpu.memory_space<vmem>> -> memref<1x48xi32, #tpu.memory_space<vmem>>
        %dma_wait3A_77 = tpu.memref_squeeze %dma_wait3A_76 : memref<1x48xi32, #tpu.memory_space<vmem>> -> memref<48xi32, #tpu.memory_space<vmem>>
        %dma_wait3A_78 = arith.constant 0 : i32
        %dma_wait3A_79 = arith.constant 0 : i32
        %dma_wait3A_80 = tpu.memref_slice %arg2[%dma_wait3A_78, %dma_wait3A_79] : memref<1200x256xf32, #tpu.memory_space<hbm>> -> memref<1200x256xf32, #tpu.memory_space<hbm>>
        tpu.wait_indirect_dma semaphore(%arg17 : memref<!tpu.dma_semaphore, #tpu.memory_space<semaphore_mem>>) src(%dma_wait3A_80 : memref<1200x256xf32, #tpu.memory_space<hbm>>) dst(%dma_wait3A_74 : memref<48x256xf32, #tpu.memory_space<vmem>>)
        %dma_wait3A_81 = arith.constant 0 : i32
        %dma_wait3A_82 = arith.constant 0 : i32
        %dma_wait3A_83 = tpu.memref_slice %arg14[%rem3A_21, %dma_wait3A_81, %dma_wait3A_82] : memref<2x48x256xf32, #tpu.memory_space<vmem>> -> memref<1x48x256xf32, #tpu.memory_space<vmem>>
        %dma_wait3A_84 = tpu.memref_squeeze %dma_wait3A_83 : memref<1x48x256xf32, #tpu.memory_space<vmem>> -> memref<48x256xf32, #tpu.memory_space<vmem>>
        %dma_wait3A_85 = arith.constant 0 : i32
        %dma_wait3A_86 = tpu.memref_slice %arg12[%rem3A_21, %dma_wait3A_85] : memref<2x48xi32, #tpu.memory_space<vmem>> -> memref<1x48xi32, #tpu.memory_space<vmem>>
        %dma_wait3A_87 = tpu.memref_squeeze %dma_wait3A_86 : memref<1x48xi32, #tpu.memory_space<vmem>> -> memref<48xi32, #tpu.memory_space<vmem>>
        %dma_wait3A_88 = arith.constant 0 : i32
        %dma_wait3A_89 = arith.constant 0 : i32
        %dma_wait3A_90 = tpu.memref_slice %arg3[%dma_wait3A_88, %dma_wait3A_89] : memref<1200x256xf32, #tpu.memory_space<hbm>> -> memref<1200x256xf32, #tpu.memory_space<hbm>>
        tpu.wait_indirect_dma semaphore(%arg17 : memref<!tpu.dma_semaphore, #tpu.memory_space<semaphore_mem>>) src(%dma_wait3A_90 : memref<1200x256xf32, #tpu.memory_space<hbm>>) dst(%dma_wait3A_84 : memref<48x256xf32, #tpu.memory_space<vmem>>)
        %dma_wait3A_91 = arith.constant 0 : i32
        %dma_wait3A_92 = arith.constant 0 : i32
        %dma_wait3A_93 = tpu.memref_slice %arg15[%rem3A_21, %dma_wait3A_91, %dma_wait3A_92] : memref<2x48x256xf32, #tpu.memory_space<vmem>> -> memref<1x48x256xf32, #tpu.memory_space<vmem>>
        %dma_wait3A_94 = tpu.memref_squeeze %dma_wait3A_93 : memref<1x48x256xf32, #tpu.memory_space<vmem>> -> memref<48x256xf32, #tpu.memory_space<vmem>>
        %dma_wait3A_95 = arith.constant 0 : i32
        %dma_wait3A_96 = tpu.memref_slice %arg11[%rem3A_21, %dma_wait3A_95] : memref<2x48xi32, #tpu.memory_space<vmem>> -> memref<1x48xi32, #tpu.memory_space<vmem>>
        %dma_wait3A_97 = tpu.memref_squeeze %dma_wait3A_96 : memref<1x48xi32, #tpu.memory_space<vmem>> -> memref<48xi32, #tpu.memory_space<vmem>>
        %dma_wait3A_98 = arith.constant 0 : i32
        %dma_wait3A_99 = arith.constant 0 : i32
        %dma_wait3A_100 = tpu.memref_slice %arg4[%dma_wait3A_98, %dma_wait3A_99] : memref<1200x256xf32, #tpu.memory_space<hbm>> -> memref<1200x256xf32, #tpu.memory_space<hbm>>
        tpu.wait_indirect_dma semaphore(%arg17 : memref<!tpu.dma_semaphore, #tpu.memory_space<semaphore_mem>>) src(%dma_wait3A_100 : memref<1200x256xf32, #tpu.memory_space<hbm>>) dst(%dma_wait3A_94 : memref<48x256xf32, #tpu.memory_space<vmem>>)
        %dma_wait3A_101 = arith.constant 0 : i32
        %dma_wait3A_102 = arith.constant 0 : i32
        %dma_wait3A_103 = tpu.memref_slice %arg16[%rem3A_21, %dma_wait3A_101, %dma_wait3A_102] : memref<2x48x256xf32, #tpu.memory_space<vmem>> -> memref<1x48x256xf32, #tpu.memory_space<vmem>>
        %dma_wait3A_104 = tpu.memref_squeeze %dma_wait3A_103 : memref<1x48x256xf32, #tpu.memory_space<vmem>> -> memref<48x256xf32, #tpu.memory_space<vmem>>
        %dma_wait3A_105 = arith.constant 0 : i32
        %dma_wait3A_106 = tpu.memref_slice %arg12[%rem3A_21, %dma_wait3A_105] : memref<2x48xi32, #tpu.memory_space<vmem>> -> memref<1x48xi32, #tpu.memory_space<vmem>>
        %dma_wait3A_107 = tpu.memref_squeeze %dma_wait3A_106 : memref<1x48xi32, #tpu.memory_space<vmem>> -> memref<48xi32, #tpu.memory_space<vmem>>
        %dma_wait3A_108 = arith.constant 0 : i32
        %dma_wait3A_109 = arith.constant 0 : i32
        %dma_wait3A_110 = tpu.memref_slice %arg4[%dma_wait3A_108, %dma_wait3A_109] : memref<1200x256xf32, #tpu.memory_space<hbm>> -> memref<1200x256xf32, #tpu.memory_space<hbm>>
        tpu.wait_indirect_dma semaphore(%arg17 : memref<!tpu.dma_semaphore, #tpu.memory_space<semaphore_mem>>) src(%dma_wait3A_110 : memref<1200x256xf32, #tpu.memory_space<hbm>>) dst(%dma_wait3A_104 : memref<48x256xf32, #tpu.memory_space<vmem>>)
        %mul3A_111 = arith.constant 48 : i32
        %mul3A_112 = arith.muli %add3A_20, %mul3A_111 : i32
        %dma_start3A_113 = arith.constant 0 : i32
        %dma_start3A_114 = arith.constant 0 : i32
        %dma_start3A_115 = tpu.memref_slice %arg13[%rem3A_21, %dma_start3A_113, %dma_start3A_114] : memref<2x48x256xf32, #tpu.memory_space<vmem>> -> memref<1x48x256xf32, #tpu.memory_space<vmem>>
        %dma_start3A_116 = tpu.memref_squeeze %dma_start3A_115 : memref<1x48x256xf32, #tpu.memory_space<vmem>> -> memref<48x256xf32, #tpu.memory_space<vmem>>
        %dma_start3A_117 = arith.constant 0 : i32
        %dma_start3A_118 = tpu.memref_slice %arg7[%mul3A_112, %dma_start3A_117] : memref<36000x256xf32, #tpu.memory_space<hbm>> -> memref<48x256xf32, #tpu.memory_space<hbm>>
        %dma_start3A_119 = arith.constant 0 : i32
        %dma_start3A_120 = tpu.memref_slice %arg7[%mul3A_112, %dma_start3A_119] : memref<36000x256xf32, #tpu.memory_space<hbm>> -> memref<48x256xf32, #tpu.memory_space<hbm>>
        %dma_start3A_121 = arith.constant 0 : i32
        %dma_start3A_122 = arith.constant 0 : i32
        %dma_start3A_123 = tpu.memref_slice %arg13[%rem3A_21, %dma_start3A_121, %dma_start3A_122] : memref<2x48x256xf32, #tpu.memory_space<vmem>> -> memref<1x48x256xf32, #tpu.memory_space<vmem>>
        %dma_start3A_124 = tpu.memref_squeeze %dma_start3A_123 : memref<1x48x256xf32, #tpu.memory_space<vmem>> -> memref<48x256xf32, #tpu.memory_space<vmem>>
        tpu.enqueue_dma source(%dma_start3A_124 : memref<48x256xf32, #tpu.memory_space<vmem>>) target(%dma_start3A_120 : memref<48x256xf32, #tpu.memory_space<hbm>>) target_semaphore(%arg18 : memref<!tpu.dma_semaphore, #tpu.memory_space<semaphore_mem>>)
        %dma_start3A_125 = arith.constant 0 : i32
        %dma_start3A_126 = arith.constant 0 : i32
        %dma_start3A_127 = tpu.memref_slice %arg14[%rem3A_21, %dma_start3A_125, %dma_start3A_126] : memref<2x48x256xf32, #tpu.memory_space<vmem>> -> memref<1x48x256xf32, #tpu.memory_space<vmem>>
        %dma_start3A_128 = tpu.memref_squeeze %dma_start3A_127 : memref<1x48x256xf32, #tpu.memory_space<vmem>> -> memref<48x256xf32, #tpu.memory_space<vmem>>
        %dma_start3A_129 = arith.constant 0 : i32
        %dma_start3A_130 = tpu.memref_slice %arg8[%mul3A_112, %dma_start3A_129] : memref<36000x256xf32, #tpu.memory_space<hbm>> -> memref<48x256xf32, #tpu.memory_space<hbm>>
        %dma_start3A_131 = arith.constant 0 : i32
        %dma_start3A_132 = tpu.memref_slice %arg8[%mul3A_112, %dma_start3A_131] : memref<36000x256xf32, #tpu.memory_space<hbm>> -> memref<48x256xf32, #tpu.memory_space<hbm>>
        %dma_start3A_133 = arith.constant 0 : i32
        %dma_start3A_134 = arith.constant 0 : i32
        %dma_start3A_135 = tpu.memref_slice %arg14[%rem3A_21, %dma_start3A_133, %dma_start3A_134] : memref<2x48x256xf32, #tpu.memory_space<vmem>> -> memref<1x48x256xf32, #tpu.memory_space<vmem>>
        %dma_start3A_136 = tpu.memref_squeeze %dma_start3A_135 : memref<1x48x256xf32, #tpu.memory_space<vmem>> -> memref<48x256xf32, #tpu.memory_space<vmem>>
        tpu.enqueue_dma source(%dma_start3A_136 : memref<48x256xf32, #tpu.memory_space<vmem>>) target(%dma_start3A_132 : memref<48x256xf32, #tpu.memory_space<hbm>>) target_semaphore(%arg18 : memref<!tpu.dma_semaphore, #tpu.memory_space<semaphore_mem>>)
        %dma_start3A_137 = arith.constant 0 : i32
        %dma_start3A_138 = arith.constant 0 : i32
        %dma_start3A_139 = tpu.memref_slice %arg15[%rem3A_21, %dma_start3A_137, %dma_start3A_138] : memref<2x48x256xf32, #tpu.memory_space<vmem>> -> memref<1x48x256xf32, #tpu.memory_space<vmem>>
        %dma_start3A_140 = tpu.memref_squeeze %dma_start3A_139 : memref<1x48x256xf32, #tpu.memory_space<vmem>> -> memref<48x256xf32, #tpu.memory_space<vmem>>
        %dma_start3A_141 = arith.constant 0 : i32
        %dma_start3A_142 = tpu.memref_slice %arg9[%mul3A_112, %dma_start3A_141] : memref<36000x256xf32, #tpu.memory_space<hbm>> -> memref<48x256xf32, #tpu.memory_space<hbm>>
        %dma_start3A_143 = arith.constant 0 : i32
        %dma_start3A_144 = tpu.memref_slice %arg9[%mul3A_112, %dma_start3A_143] : memref<36000x256xf32, #tpu.memory_space<hbm>> -> memref<48x256xf32, #tpu.memory_space<hbm>>
        %dma_start3A_145 = arith.constant 0 : i32
        %dma_start3A_146 = arith.constant 0 : i32
        %dma_start3A_147 = tpu.memref_slice %arg15[%rem3A_21, %dma_start3A_145, %dma_start3A_146] : memref<2x48x256xf32, #tpu.memory_space<vmem>> -> memref<1x48x256xf32, #tpu.memory_space<vmem>>
        %dma_start3A_148 = tpu.memref_squeeze %dma_start3A_147 : memref<1x48x256xf32, #tpu.memory_space<vmem>> -> memref<48x256xf32, #tpu.memory_space<vmem>>
        tpu.enqueue_dma source(%dma_start3A_148 : memref<48x256xf32, #tpu.memory_space<vmem>>) target(%dma_start3A_144 : memref<48x256xf32, #tpu.memory_space<hbm>>) target_semaphore(%arg18 : memref<!tpu.dma_semaphore, #tpu.memory_space<semaphore_mem>>)
        %dma_start3A_149 = arith.constant 0 : i32
        %dma_start3A_150 = arith.constant 0 : i32
        %dma_start3A_151 = tpu.memref_slice %arg16[%rem3A_21, %dma_start3A_149, %dma_start3A_150] : memref<2x48x256xf32, #tpu.memory_space<vmem>> -> memref<1x48x256xf32, #tpu.memory_space<vmem>>
        %dma_start3A_152 = tpu.memref_squeeze %dma_start3A_151 : memref<1x48x256xf32, #tpu.memory_space<vmem>> -> memref<48x256xf32, #tpu.memory_space<vmem>>
        %dma_start3A_153 = arith.constant 0 : i32
        %dma_start3A_154 = tpu.memref_slice %arg10[%mul3A_112, %dma_start3A_153] : memref<36000x256xf32, #tpu.memory_space<hbm>> -> memref<48x256xf32, #tpu.memory_space<hbm>>
        %dma_start3A_155 = arith.constant 0 : i32
        %dma_start3A_156 = tpu.memref_slice %arg10[%mul3A_112, %dma_start3A_155] : memref<36000x256xf32, #tpu.memory_space<hbm>> -> memref<48x256xf32, #tpu.memory_space<hbm>>
        %dma_start3A_157 = arith.constant 0 : i32
        %dma_start3A_158 = arith.constant 0 : i32
        %dma_start3A_159 = tpu.memref_slice %arg16[%rem3A_21, %dma_start3A_157, %dma_start3A_158] : memref<2x48x256xf32, #tpu.memory_space<vmem>> -> memref<1x48x256xf32, #tpu.memory_space<vmem>>
        %dma_start3A_160 = tpu.memref_squeeze %dma_start3A_159 : memref<1x48x256xf32, #tpu.memory_space<vmem>> -> memref<48x256xf32, #tpu.memory_space<vmem>>
        tpu.enqueue_dma source(%dma_start3A_160 : memref<48x256xf32, #tpu.memory_space<vmem>>) target(%dma_start3A_156 : memref<48x256xf32, #tpu.memory_space<hbm>>) target_semaphore(%arg18 : memref<!tpu.dma_semaphore, #tpu.memory_space<semaphore_mem>>)
      } else {
      }
    }
    %scan3A_5 = arith.constant 24 : i32
    %add3A_6 = arith.constant 704 : i32
    %add3A_7 = arith.addi %add3A, %add3A_6 : i32
    %lt3A = arith.constant 750 : i32
    %lt3A_8 = arith.cmpi slt, %add3A_7, %lt3A : i32
    %convert_element_type3A = arith.extui %lt3A_8 : i1 to i32
    %cond3A = arith.constant 0 : i32
    %cond3A_9 = arith.cmpi ne, %convert_element_type3A, %cond3A : i32
    scf.if %cond3A_9 {
      %mul3A_17 = arith.constant 48 : i32
      %mul3A_18 = arith.muli %add3A_7, %mul3A_17 : i32
      %dma_wait3A = arith.constant 0 : i32
      %dma_wait3A_19 = arith.constant 0 : i32
      %dma_wait3A_20 = arith.constant 0 : i32
      %dma_wait3A_21 = tpu.memref_slice %arg13[%dma_wait3A, %dma_wait3A_19, %dma_wait3A_20] : memref<2x48x256xf32, #tpu.memory_space<vmem>> -> memref<1x48x256xf32, #tpu.memory_space<vmem>>
      %dma_wait3A_22 = tpu.memref_squeeze %dma_wait3A_21 : memref<1x48x256xf32, #tpu.memory_space<vmem>> -> memref<48x256xf32, #tpu.memory_space<vmem>>
      %dma_wait3A_23 = arith.constant 0 : i32
      %dma_wait3A_24 = tpu.memref_slice %arg7[%mul3A_18, %dma_wait3A_23] : memref<36000x256xf32, #tpu.memory_space<hbm>> -> memref<48x256xf32, #tpu.memory_space<hbm>>
      %dma_wait3A_25 = arith.constant 0 : i32
      %dma_wait3A_26 = tpu.memref_slice %arg7[%mul3A_18, %dma_wait3A_25] : memref<36000x256xf32, #tpu.memory_space<hbm>> -> memref<48x256xf32, #tpu.memory_space<hbm>>
      %dma_wait3A_27 = arith.constant 0 : i32
      %dma_wait3A_28 = arith.constant 0 : i32
      %dma_wait3A_29 = tpu.memref_slice %arg13[%dma_wait3A, %dma_wait3A_27, %dma_wait3A_28] : memref<2x48x256xf32, #tpu.memory_space<vmem>> -> memref<1x48x256xf32, #tpu.memory_space<vmem>>
      %dma_wait3A_30 = tpu.memref_squeeze %dma_wait3A_29 : memref<1x48x256xf32, #tpu.memory_space<vmem>> -> memref<48x256xf32, #tpu.memory_space<vmem>>
      tpu.wait_dma2 semaphore(%arg18 : memref<!tpu.dma_semaphore, #tpu.memory_space<semaphore_mem>>) src(%dma_wait3A_30 : memref<48x256xf32, #tpu.memory_space<vmem>>) dst(%dma_wait3A_26 : memref<48x256xf32, #tpu.memory_space<hbm>>)
      %dma_wait3A_31 = arith.constant 0 : i32
      %dma_wait3A_32 = arith.constant 0 : i32
      %dma_wait3A_33 = arith.constant 0 : i32
      %dma_wait3A_34 = tpu.memref_slice %arg14[%dma_wait3A_31, %dma_wait3A_32, %dma_wait3A_33] : memref<2x48x256xf32, #tpu.memory_space<vmem>> -> memref<1x48x256xf32, #tpu.memory_space<vmem>>
      %dma_wait3A_35 = tpu.memref_squeeze %dma_wait3A_34 : memref<1x48x256xf32, #tpu.memory_space<vmem>> -> memref<48x256xf32, #tpu.memory_space<vmem>>
      %dma_wait3A_36 = arith.constant 0 : i32
      %dma_wait3A_37 = tpu.memref_slice %arg8[%mul3A_18, %dma_wait3A_36] : memref<36000x256xf32, #tpu.memory_space<hbm>> -> memref<48x256xf32, #tpu.memory_space<hbm>>
      %dma_wait3A_38 = arith.constant 0 : i32
      %dma_wait3A_39 = tpu.memref_slice %arg8[%mul3A_18, %dma_wait3A_38] : memref<36000x256xf32, #tpu.memory_space<hbm>> -> memref<48x256xf32, #tpu.memory_space<hbm>>
      %dma_wait3A_40 = arith.constant 0 : i32
      %dma_wait3A_41 = arith.constant 0 : i32
      %dma_wait3A_42 = tpu.memref_slice %arg14[%dma_wait3A_31, %dma_wait3A_40, %dma_wait3A_41] : memref<2x48x256xf32, #tpu.memory_space<vmem>> -> memref<1x48x256xf32, #tpu.memory_space<vmem>>
      %dma_wait3A_43 = tpu.memref_squeeze %dma_wait3A_42 : memref<1x48x256xf32, #tpu.memory_space<vmem>> -> memref<48x256xf32, #tpu.memory_space<vmem>>
      tpu.wait_dma2 semaphore(%arg18 : memref<!tpu.dma_semaphore, #tpu.memory_space<semaphore_mem>>) src(%dma_wait3A_43 : memref<48x256xf32, #tpu.memory_space<vmem>>) dst(%dma_wait3A_39 : memref<48x256xf32, #tpu.memory_space<hbm>>)
      %dma_wait3A_44 = arith.constant 0 : i32
      %dma_wait3A_45 = arith.constant 0 : i32
      %dma_wait3A_46 = arith.constant 0 : i32
      %dma_wait3A_47 = tpu.memref_slice %arg15[%dma_wait3A_44, %dma_wait3A_45, %dma_wait3A_46] : memref<2x48x256xf32, #tpu.memory_space<vmem>> -> memref<1x48x256xf32, #tpu.memory_space<vmem>>
      %dma_wait3A_48 = tpu.memref_squeeze %dma_wait3A_47 : memref<1x48x256xf32, #tpu.memory_space<vmem>> -> memref<48x256xf32, #tpu.memory_space<vmem>>
      %dma_wait3A_49 = arith.constant 0 : i32
      %dma_wait3A_50 = tpu.memref_slice %arg9[%mul3A_18, %dma_wait3A_49] : memref<36000x256xf32, #tpu.memory_space<hbm>> -> memref<48x256xf32, #tpu.memory_space<hbm>>
      %dma_wait3A_51 = arith.constant 0 : i32
      %dma_wait3A_52 = tpu.memref_slice %arg9[%mul3A_18, %dma_wait3A_51] : memref<36000x256xf32, #tpu.memory_space<hbm>> -> memref<48x256xf32, #tpu.memory_space<hbm>>
      %dma_wait3A_53 = arith.constant 0 : i32
      %dma_wait3A_54 = arith.constant 0 : i32
      %dma_wait3A_55 = tpu.memref_slice %arg15[%dma_wait3A_44, %dma_wait3A_53, %dma_wait3A_54] : memref<2x48x256xf32, #tpu.memory_space<vmem>> -> memref<1x48x256xf32, #tpu.memory_space<vmem>>
      %dma_wait3A_56 = tpu.memref_squeeze %dma_wait3A_55 : memref<1x48x256xf32, #tpu.memory_space<vmem>> -> memref<48x256xf32, #tpu.memory_space<vmem>>
      tpu.wait_dma2 semaphore(%arg18 : memref<!tpu.dma_semaphore, #tpu.memory_space<semaphore_mem>>) src(%dma_wait3A_56 : memref<48x256xf32, #tpu.memory_space<vmem>>) dst(%dma_wait3A_52 : memref<48x256xf32, #tpu.memory_space<hbm>>)
      %dma_wait3A_57 = arith.constant 0 : i32
      %dma_wait3A_58 = arith.constant 0 : i32
      %dma_wait3A_59 = arith.constant 0 : i32
      %dma_wait3A_60 = tpu.memref_slice %arg16[%dma_wait3A_57, %dma_wait3A_58, %dma_wait3A_59] : memref<2x48x256xf32, #tpu.memory_space<vmem>> -> memref<1x48x256xf32, #tpu.memory_space<vmem>>
      %dma_wait3A_61 = tpu.memref_squeeze %dma_wait3A_60 : memref<1x48x256xf32, #tpu.memory_space<vmem>> -> memref<48x256xf32, #tpu.memory_space<vmem>>
      %dma_wait3A_62 = arith.constant 0 : i32
      %dma_wait3A_63 = tpu.memref_slice %arg10[%mul3A_18, %dma_wait3A_62] : memref<36000x256xf32, #tpu.memory_space<hbm>> -> memref<48x256xf32, #tpu.memory_space<hbm>>
      %dma_wait3A_64 = arith.constant 0 : i32
      %dma_wait3A_65 = tpu.memref_slice %arg10[%mul3A_18, %dma_wait3A_64] : memref<36000x256xf32, #tpu.memory_space<hbm>> -> memref<48x256xf32, #tpu.memory_space<hbm>>
      %dma_wait3A_66 = arith.constant 0 : i32
      %dma_wait3A_67 = arith.constant 0 : i32
      %dma_wait3A_68 = tpu.memref_slice %arg16[%dma_wait3A_57, %dma_wait3A_66, %dma_wait3A_67] : memref<2x48x256xf32, #tpu.memory_space<vmem>> -> memref<1x48x256xf32, #tpu.memory_space<vmem>>
      %dma_wait3A_69 = tpu.memref_squeeze %dma_wait3A_68 : memref<1x48x256xf32, #tpu.memory_space<vmem>> -> memref<48x256xf32, #tpu.memory_space<vmem>>
      tpu.wait_dma2 semaphore(%arg18 : memref<!tpu.dma_semaphore, #tpu.memory_space<semaphore_mem>>) src(%dma_wait3A_69 : memref<48x256xf32, #tpu.memory_space<vmem>>) dst(%dma_wait3A_65 : memref<48x256xf32, #tpu.memory_space<hbm>>)
    } else {
    }
    %add3A_10 = arith.constant 736 : i32
    %add3A_11 = arith.addi %add3A, %add3A_10 : i32
    %lt3A_12 = arith.constant 750 : i32
    %lt3A_13 = arith.cmpi slt, %add3A_11, %lt3A_12 : i32
    %convert_element_type3A_14 = arith.extui %lt3A_13 : i1 to i32
    %cond3A_15 = arith.constant 0 : i32
    %cond3A_16 = arith.cmpi ne, %convert_element_type3A_14, %cond3A_15 : i32
    scf.if %cond3A_16 {
      %mul3A_17 = arith.constant 48 : i32
      %mul3A_18 = arith.muli %add3A_11, %mul3A_17 : i32
      %dma_wait3A = arith.constant 1 : i32
      %dma_wait3A_19 = arith.constant 0 : i32
      %dma_wait3A_20 = arith.constant 0 : i32
      %dma_wait3A_21 = tpu.memref_slice %arg13[%dma_wait3A, %dma_wait3A_19, %dma_wait3A_20] : memref<2x48x256xf32, #tpu.memory_space<vmem>> -> memref<1x48x256xf32, #tpu.memory_space<vmem>>
      %dma_wait3A_22 = tpu.memref_squeeze %dma_wait3A_21 : memref<1x48x256xf32, #tpu.memory_space<vmem>> -> memref<48x256xf32, #tpu.memory_space<vmem>>
      %dma_wait3A_23 = arith.constant 0 : i32
      %dma_wait3A_24 = tpu.memref_slice %arg7[%mul3A_18, %dma_wait3A_23] : memref<36000x256xf32, #tpu.memory_space<hbm>> -> memref<48x256xf32, #tpu.memory_space<hbm>>
      %dma_wait3A_25 = arith.constant 0 : i32
      %dma_wait3A_26 = tpu.memref_slice %arg7[%mul3A_18, %dma_wait3A_25] : memref<36000x256xf32, #tpu.memory_space<hbm>> -> memref<48x256xf32, #tpu.memory_space<hbm>>
      %dma_wait3A_27 = arith.constant 0 : i32
      %dma_wait3A_28 = arith.constant 0 : i32
      %dma_wait3A_29 = tpu.memref_slice %arg13[%dma_wait3A, %dma_wait3A_27, %dma_wait3A_28] : memref<2x48x256xf32, #tpu.memory_space<vmem>> -> memref<1x48x256xf32, #tpu.memory_space<vmem>>
      %dma_wait3A_30 = tpu.memref_squeeze %dma_wait3A_29 : memref<1x48x256xf32, #tpu.memory_space<vmem>> -> memref<48x256xf32, #tpu.memory_space<vmem>>
      tpu.wait_dma2 semaphore(%arg18 : memref<!tpu.dma_semaphore, #tpu.memory_space<semaphore_mem>>) src(%dma_wait3A_30 : memref<48x256xf32, #tpu.memory_space<vmem>>) dst(%dma_wait3A_26 : memref<48x256xf32, #tpu.memory_space<hbm>>)
      %dma_wait3A_31 = arith.constant 1 : i32
      %dma_wait3A_32 = arith.constant 0 : i32
      %dma_wait3A_33 = arith.constant 0 : i32
      %dma_wait3A_34 = tpu.memref_slice %arg14[%dma_wait3A_31, %dma_wait3A_32, %dma_wait3A_33] : memref<2x48x256xf32, #tpu.memory_space<vmem>> -> memref<1x48x256xf32, #tpu.memory_space<vmem>>
      %dma_wait3A_35 = tpu.memref_squeeze %dma_wait3A_34 : memref<1x48x256xf32, #tpu.memory_space<vmem>> -> memref<48x256xf32, #tpu.memory_space<vmem>>
      %dma_wait3A_36 = arith.constant 0 : i32
      %dma_wait3A_37 = tpu.memref_slice %arg8[%mul3A_18, %dma_wait3A_36] : memref<36000x256xf32, #tpu.memory_space<hbm>> -> memref<48x256xf32, #tpu.memory_space<hbm>>
      %dma_wait3A_38 = arith.constant 0 : i32
      %dma_wait3A_39 = tpu.memref_slice %arg8[%mul3A_18, %dma_wait3A_38] : memref<36000x256xf32, #tpu.memory_space<hbm>> -> memref<48x256xf32, #tpu.memory_space<hbm>>
      %dma_wait3A_40 = arith.constant 0 : i32
      %dma_wait3A_41 = arith.constant 0 : i32
      %dma_wait3A_42 = tpu.memref_slice %arg14[%dma_wait3A_31, %dma_wait3A_40, %dma_wait3A_41] : memref<2x48x256xf32, #tpu.memory_space<vmem>> -> memref<1x48x256xf32, #tpu.memory_space<vmem>>
      %dma_wait3A_43 = tpu.memref_squeeze %dma_wait3A_42 : memref<1x48x256xf32, #tpu.memory_space<vmem>> -> memref<48x256xf32, #tpu.memory_space<vmem>>
      tpu.wait_dma2 semaphore(%arg18 : memref<!tpu.dma_semaphore, #tpu.memory_space<semaphore_mem>>) src(%dma_wait3A_43 : memref<48x256xf32, #tpu.memory_space<vmem>>) dst(%dma_wait3A_39 : memref<48x256xf32, #tpu.memory_space<hbm>>)
      %dma_wait3A_44 = arith.constant 1 : i32
      %dma_wait3A_45 = arith.constant 0 : i32
      %dma_wait3A_46 = arith.constant 0 : i32
      %dma_wait3A_47 = tpu.memref_slice %arg15[%dma_wait3A_44, %dma_wait3A_45, %dma_wait3A_46] : memref<2x48x256xf32, #tpu.memory_space<vmem>> -> memref<1x48x256xf32, #tpu.memory_space<vmem>>
      %dma_wait3A_48 = tpu.memref_squeeze %dma_wait3A_47 : memref<1x48x256xf32, #tpu.memory_space<vmem>> -> memref<48x256xf32, #tpu.memory_space<vmem>>
      %dma_wait3A_49 = arith.constant 0 : i32
      %dma_wait3A_50 = tpu.memref_slice %arg9[%mul3A_18, %dma_wait3A_49] : memref<36000x256xf32, #tpu.memory_space<hbm>> -> memref<48x256xf32, #tpu.memory_space<hbm>>
      %dma_wait3A_51 = arith.constant 0 : i32
      %dma_wait3A_52 = tpu.memref_slice %arg9[%mul3A_18, %dma_wait3A_51] : memref<36000x256xf32, #tpu.memory_space<hbm>> -> memref<48x256xf32, #tpu.memory_space<hbm>>
      %dma_wait3A_53 = arith.constant 0 : i32
      %dma_wait3A_54 = arith.constant 0 : i32
      %dma_wait3A_55 = tpu.memref_slice %arg15[%dma_wait3A_44, %dma_wait3A_53, %dma_wait3A_54] : memref<2x48x256xf32, #tpu.memory_space<vmem>> -> memref<1x48x256xf32, #tpu.memory_space<vmem>>
      %dma_wait3A_56 = tpu.memref_squeeze %dma_wait3A_55 : memref<1x48x256xf32, #tpu.memory_space<vmem>> -> memref<48x256xf32, #tpu.memory_space<vmem>>
      tpu.wait_dma2 semaphore(%arg18 : memref<!tpu.dma_semaphore, #tpu.memory_space<semaphore_mem>>) src(%dma_wait3A_56 : memref<48x256xf32, #tpu.memory_space<vmem>>) dst(%dma_wait3A_52 : memref<48x256xf32, #tpu.memory_space<hbm>>)
      %dma_wait3A_57 = arith.constant 1 : i32
      %dma_wait3A_58 = arith.constant 0 : i32
      %dma_wait3A_59 = arith.constant 0 : i32
      %dma_wait3A_60 = tpu.memref_slice %arg16[%dma_wait3A_57, %dma_wait3A_58, %dma_wait3A_59] : memref<2x48x256xf32, #tpu.memory_space<vmem>> -> memref<1x48x256xf32, #tpu.memory_space<vmem>>
      %dma_wait3A_61 = tpu.memref_squeeze %dma_wait3A_60 : memref<1x48x256xf32, #tpu.memory_space<vmem>> -> memref<48x256xf32, #tpu.memory_space<vmem>>
      %dma_wait3A_62 = arith.constant 0 : i32
      %dma_wait3A_63 = tpu.memref_slice %arg10[%mul3A_18, %dma_wait3A_62] : memref<36000x256xf32, #tpu.memory_space<hbm>> -> memref<48x256xf32, #tpu.memory_space<hbm>>
      %dma_wait3A_64 = arith.constant 0 : i32
      %dma_wait3A_65 = tpu.memref_slice %arg10[%mul3A_18, %dma_wait3A_64] : memref<36000x256xf32, #tpu.memory_space<hbm>> -> memref<48x256xf32, #tpu.memory_space<hbm>>
      %dma_wait3A_66 = arith.constant 0 : i32
      %dma_wait3A_67 = arith.constant 0 : i32
      %dma_wait3A_68 = tpu.memref_slice %arg16[%dma_wait3A_57, %dma_wait3A_66, %dma_wait3A_67] : memref<2x48x256xf32, #tpu.memory_space<vmem>> -> memref<1x48x256xf32, #tpu.memory_space<vmem>>
      %dma_wait3A_69 = tpu.memref_squeeze %dma_wait3A_68 : memref<1x48x256xf32, #tpu.memory_space<vmem>> -> memref<48x256xf32, #tpu.memory_space<vmem>>
      tpu.wait_dma2 semaphore(%arg18 : memref<!tpu.dma_semaphore, #tpu.memory_space<semaphore_mem>>) src(%dma_wait3A_69 : memref<48x256xf32, #tpu.memory_space<vmem>>) dst(%dma_wait3A_65 : memref<48x256xf32, #tpu.memory_space<hbm>>)
    } else {
    }
    return
  }
}

module attributes {stable_mosaic.version = 14 : i64} {
  func.func @_embed_body(%arg0: i32, %arg1: memref<240x2586xf32, #tpu.memory_space<vmem>>, %arg2: memref<240x150xf32, #tpu.memory_space<vmem>>, %arg3: memref<150x64xf32, #tpu.memory_space<vmem>>, %arg4: memref<150x64xf32, #tpu.memory_space<vmem>>, %arg5: memref<150x64xf32, #tpu.memory_space<vmem>>, %arg6: memref<2586x256xf32, #tpu.memory_space<vmem>>, %arg7: memref<64x256xf32, #tpu.memory_space<vmem>>, %arg8: memref<1x256xf32, #tpu.memory_space<vmem>>, %arg9: memref<64x64xf32, #tpu.memory_space<vmem>>, %arg10: memref<256x64xf32, #tpu.memory_space<vmem>>, %arg11: memref<1x64xf32, #tpu.memory_space<vmem>>, %arg12: memref<1x256xf32, #tpu.memory_space<vmem>>, %arg13: memref<1x256xf32, #tpu.memory_space<vmem>>, %arg14: memref<240x256xf32, #tpu.memory_space<vmem>>, %arg15: memref<240x256xf32, #tpu.memory_space<vmem>>) attributes {dimension_semantics = [#tpu.dimension_semantics<arbitrary>], iteration_bounds = array<i64: 5>, scalar_prefetch = 0 : i64, scratch_operands = 0 : i64, tpu.core_type = #tpu.core_type<tc>, window_params = [{transform_indices = @transform_0, window_bounds = array<i64: 240, 2586>}, {transform_indices = @transform_1, window_bounds = array<i64: 240, 150>}, {pipeline_mode = #tpu.pipeline_mode<synchronous>, transform_indices = @transform_2, window_bounds = array<i64: 150, 64>}, {pipeline_mode = #tpu.pipeline_mode<synchronous>, transform_indices = @transform_3, window_bounds = array<i64: 150, 64>}, {pipeline_mode = #tpu.pipeline_mode<synchronous>, transform_indices = @transform_4, window_bounds = array<i64: 150, 64>}, {pipeline_mode = #tpu.pipeline_mode<synchronous>, transform_indices = @transform_5, window_bounds = array<i64: 2586, 256>}, {pipeline_mode = #tpu.pipeline_mode<synchronous>, transform_indices = @transform_6, window_bounds = array<i64: 64, 256>}, {pipeline_mode = #tpu.pipeline_mode<synchronous>, transform_indices = @transform_7, window_bounds = array<i64: 1, 256>}, {pipeline_mode = #tpu.pipeline_mode<synchronous>, transform_indices = @transform_8, window_bounds = array<i64: 64, 64>}, {pipeline_mode = #tpu.pipeline_mode<synchronous>, transform_indices = @transform_9, window_bounds = array<i64: 256, 64>}, {pipeline_mode = #tpu.pipeline_mode<synchronous>, transform_indices = @transform_10, window_bounds = array<i64: 1, 64>}, {pipeline_mode = #tpu.pipeline_mode<synchronous>, transform_indices = @transform_11, window_bounds = array<i64: 1, 256>}, {pipeline_mode = #tpu.pipeline_mode<synchronous>, transform_indices = @transform_12, window_bounds = array<i64: 1, 256>}, {transform_indices = @transform_13, window_bounds = array<i64: 240, 256>}, {transform_indices = @transform_14, window_bounds = array<i64: 240, 256>}]} {
    %get3A = arith.constant 0 : index
    %get3A_0 = arith.constant 0 : index
    %get3A_1 = vector.load %arg2[%get3A, %get3A_0] : memref<240x150xf32, #tpu.memory_space<vmem>>, vector<240x150xf32>
    %get3A_2 = arith.constant 0 : index
    %get3A_3 = arith.constant 0 : index
    %get3A_4 = vector.load %arg3[%get3A_2, %get3A_3] : memref<150x64xf32, #tpu.memory_space<vmem>>, vector<150x64xf32>
    %dot_general3A = arith.constant dense<0.000000e+00> : vector<240x64xf32>
    %dot_general3A_5 = tpu.matmul %get3A_1, %get3A_4, %dot_general3A {dimension_numbers = #tpu.dot_dimension_numbers<[1], [0], [0], [1], [0, 0, 1, 1], [], []>, transpose_lhs_hint = false} : vector<240x150xf32>, vector<150x64xf32>, vector<240x64xf32> -> vector<240x64xf32>
    %get3A_6 = arith.constant 0 : index
    %get3A_7 = arith.constant 0 : index
    %get3A_8 = vector.load %arg4[%get3A_6, %get3A_7] : memref<150x64xf32, #tpu.memory_space<vmem>>, vector<150x64xf32>
    %dot_general3A_9 = arith.constant dense<0.000000e+00> : vector<240x64xf32>
    %dot_general3A_10 = tpu.matmul %get3A_1, %get3A_8, %dot_general3A_9 {dimension_numbers = #tpu.dot_dimension_numbers<[1], [0], [0], [1], [0, 0, 1, 1], [], []>, transpose_lhs_hint = false} : vector<240x150xf32>, vector<150x64xf32>, vector<240x64xf32> -> vector<240x64xf32>
    %get3A_11 = arith.constant 0 : index
    %get3A_12 = arith.constant 0 : index
    %get3A_13 = vector.load %arg5[%get3A_11, %get3A_12] : memref<150x64xf32, #tpu.memory_space<vmem>>, vector<150x64xf32>
    %dot_general3A_14 = arith.constant dense<0.000000e+00> : vector<240x64xf32>
    %dot_general3A_15 = tpu.matmul %get3A_1, %get3A_13, %dot_general3A_14 {dimension_numbers = #tpu.dot_dimension_numbers<[1], [0], [0], [1], [0, 0, 1, 1], [], []>, transpose_lhs_hint = false} : vector<240x150xf32>, vector<150x64xf32>, vector<240x64xf32> -> vector<240x64xf32>
    %mul3A = arith.mulf %dot_general3A_5, %dot_general3A_5 : vector<240x64xf32>
    %mul3A_16 = arith.mulf %dot_general3A_10, %dot_general3A_10 : vector<240x64xf32>
    %add3A = arith.addf %mul3A, %mul3A_16 : vector<240x64xf32>
    %mul3A_17 = arith.mulf %dot_general3A_15, %dot_general3A_15 : vector<240x64xf32>
    %add3A_18 = arith.addf %add3A, %mul3A_17 : vector<240x64xf32>
    %max3A = arith.constant 9.99999993E-9 : f32
    %max3A_19 = vector.broadcast %max3A : f32 to vector<240x64xf32>
    %max3A_20 = arith.maximumf %add3A_18, %max3A_19 : vector<240x64xf32>
    %sqrt3A = math.sqrt %max3A_20 : vector<240x64xf32>
    %get3A_21 = arith.constant 0 : index
    %get3A_22 = arith.constant 0 : index
    %get3A_23 = vector.load %arg1[%get3A_21, %get3A_22] : memref<240x2586xf32, #tpu.memory_space<vmem>>, vector<240x2586xf32>
    %get3A_24 = arith.constant 0 : index
    %get3A_25 = arith.constant 0 : index
    %get3A_26 = vector.load %arg6[%get3A_24, %get3A_25] : memref<2586x256xf32, #tpu.memory_space<vmem>>, vector<2586x256xf32>
    %dot_general3A_27 = arith.constant dense<0.000000e+00> : vector<240x256xf32>
    %dot_general3A_28 = tpu.matmul %get3A_23, %get3A_26, %dot_general3A_27 {dimension_numbers = #tpu.dot_dimension_numbers<[1], [0], [0], [1], [0, 0, 1, 1], [], []>, transpose_lhs_hint = false} : vector<240x2586xf32>, vector<2586x256xf32>, vector<240x256xf32> -> vector<240x256xf32>
    %get3A_29 = arith.constant 0 : index
    %get3A_30 = arith.constant 0 : index
    %get3A_31 = vector.load %arg7[%get3A_29, %get3A_30] : memref<64x256xf32, #tpu.memory_space<vmem>>, vector<64x256xf32>
    %dot_general3A_32 = arith.constant dense<0.000000e+00> : vector<240x256xf32>
    %dot_general3A_33 = tpu.matmul %sqrt3A, %get3A_31, %dot_general3A_32 {dimension_numbers = #tpu.dot_dimension_numbers<[1], [0], [0], [1], [0, 0, 1, 1], [], []>, transpose_lhs_hint = false} : vector<240x64xf32>, vector<64x256xf32>, vector<240x256xf32> -> vector<240x256xf32>
    %add3A_34 = arith.addf %dot_general3A_28, %dot_general3A_33 : vector<240x256xf32>
    %get3A_35 = arith.constant 0 : index
    %get3A_36 = arith.constant 0 : index
    %get3A_37 = vector.load %arg8[%get3A_35, %get3A_36] : memref<1x256xf32, #tpu.memory_space<vmem>>, vector<1x256xf32>
    %add3A_38 = vector.broadcast %get3A_37 : vector<1x256xf32> to vector<240x256xf32>
    %add3A_39 = arith.addf %add3A_34, %add3A_38 : vector<240x256xf32>
    %get3A_40 = arith.constant 0 : index
    %get3A_41 = arith.constant 0 : index
    %get3A_42 = vector.load %arg10[%get3A_40, %get3A_41] : memref<256x64xf32, #tpu.memory_space<vmem>>, vector<256x64xf32>
    %dot_general3A_43 = arith.constant dense<0.000000e+00> : vector<240x64xf32>
    %dot_general3A_44 = tpu.matmul %add3A_39, %get3A_42, %dot_general3A_43 {dimension_numbers = #tpu.dot_dimension_numbers<[1], [0], [0], [1], [0, 0, 1, 1], [], []>, transpose_lhs_hint = false} : vector<240x256xf32>, vector<256x64xf32>, vector<240x64xf32> -> vector<240x64xf32>
    %get3A_45 = arith.constant 0 : index
    %get3A_46 = arith.constant 0 : index
    %get3A_47 = vector.load %arg11[%get3A_45, %get3A_46] : memref<1x64xf32, #tpu.memory_space<vmem>>, vector<1x64xf32>
    %add3A_48 = vector.broadcast %get3A_47 : vector<1x64xf32> to vector<240x64xf32>
    %add3A_49 = arith.addf %dot_general3A_44, %add3A_48 : vector<240x64xf32>
    %logistic3A = arith.negf %add3A_49 : vector<240x64xf32>
    %logistic3A_50 = math.exp %logistic3A : vector<240x64xf32>
    %logistic3A_51 = arith.constant 1.000000e+00 : f32
    %logistic3A_52 = vector.broadcast %logistic3A_51 : f32 to vector<240x64xf32>
    %logistic3A_53 = arith.addf %logistic3A_52, %logistic3A_50 : vector<240x64xf32>
    %logistic3A_54 = arith.divf %logistic3A_52, %logistic3A_53 : vector<240x64xf32>
    %get3A_55 = arith.constant 0 : index
    %get3A_56 = arith.constant 0 : index
    %get3A_57 = vector.load %arg9[%get3A_55, %get3A_56] : memref<64x64xf32, #tpu.memory_space<vmem>>, vector<64x64xf32>
    %dot_general3A_58 = arith.constant dense<0.000000e+00> : vector<240x64xf32>
    %dot_general3A_59 = tpu.matmul %dot_general3A_5, %get3A_57, %dot_general3A_58 {dimension_numbers = #tpu.dot_dimension_numbers<[1], [0], [0], [1], [0, 0, 1, 1], [], []>, transpose_lhs_hint = false} : vector<240x64xf32>, vector<64x64xf32>, vector<240x64xf32> -> vector<240x64xf32>
    %mul3A_60 = arith.mulf %dot_general3A_59, %logistic3A_54 : vector<240x64xf32>
    %get3A_61 = arith.constant 0 : index
    %get3A_62 = arith.constant 0 : index
    %get3A_63 = vector.load %arg9[%get3A_61, %get3A_62] : memref<64x64xf32, #tpu.memory_space<vmem>>, vector<64x64xf32>
    %dot_general3A_64 = arith.constant dense<0.000000e+00> : vector<240x64xf32>
    %dot_general3A_65 = tpu.matmul %dot_general3A_10, %get3A_63, %dot_general3A_64 {dimension_numbers = #tpu.dot_dimension_numbers<[1], [0], [0], [1], [0, 0, 1, 1], [], []>, transpose_lhs_hint = false} : vector<240x64xf32>, vector<64x64xf32>, vector<240x64xf32> -> vector<240x64xf32>
    %mul3A_66 = arith.mulf %dot_general3A_65, %logistic3A_54 : vector<240x64xf32>
    %get3A_67 = arith.constant 0 : index
    %get3A_68 = arith.constant 0 : index
    %get3A_69 = vector.load %arg9[%get3A_67, %get3A_68] : memref<64x64xf32, #tpu.memory_space<vmem>>, vector<64x64xf32>
    %dot_general3A_70 = arith.constant dense<0.000000e+00> : vector<240x64xf32>
    %dot_general3A_71 = tpu.matmul %dot_general3A_15, %get3A_69, %dot_general3A_70 {dimension_numbers = #tpu.dot_dimension_numbers<[1], [0], [0], [1], [0, 0, 1, 1], [], []>, transpose_lhs_hint = false} : vector<240x64xf32>, vector<64x64xf32>, vector<240x64xf32> -> vector<240x64xf32>
    %mul3A_72 = arith.mulf %dot_general3A_71, %logistic3A_54 : vector<240x64xf32>
    %get3A_73 = arith.constant 0 : index
    %get3A_74 = arith.constant 0 : index
    %get3A_75 = vector.load %arg12[%get3A_73, %get3A_74] : memref<1x256xf32, #tpu.memory_space<vmem>>, vector<1x256xf32>
    %get3A_76 = arith.constant 0 : index
    %get3A_77 = arith.constant 0 : index
    %get3A_78 = vector.load %arg13[%get3A_76, %get3A_77] : memref<1x256xf32, #tpu.memory_space<vmem>>, vector<1x256xf32>
    %reduce_sum3A = arith.constant dense<0.000000e+00> : vector<240xf32>
    %reduce_sum3A_79 = vector.multi_reduction <add>, %add3A_39, %reduce_sum3A [1] : vector<240x256xf32> to vector<240xf32>
    %broadcast_in_dim3A = vector.shape_cast %reduce_sum3A_79 : vector<240xf32> to vector<240x1xf32>
    %div3A = arith.constant 2.560000e+02 : f32
    %div3A_80 = vector.broadcast %div3A : f32 to vector<240x1xf32>
    %div3A_81 = arith.divf %broadcast_in_dim3A, %div3A_80 : vector<240x1xf32>
    %sub3A = vector.broadcast %div3A_81 : vector<240x1xf32> to vector<240x256xf32>
    %sub3A_82 = arith.subf %add3A_39, %sub3A : vector<240x256xf32>
    %mul3A_83 = arith.mulf %sub3A_82, %sub3A_82 : vector<240x256xf32>
    %reduce_sum3A_84 = arith.constant dense<0.000000e+00> : vector<240xf32>
    %reduce_sum3A_85 = vector.multi_reduction <add>, %mul3A_83, %reduce_sum3A_84 [1] : vector<240x256xf32> to vector<240xf32>
    %broadcast_in_dim3A_86 = vector.shape_cast %reduce_sum3A_85 : vector<240xf32> to vector<240x1xf32>
    %div3A_87 = arith.constant 2.560000e+02 : f32
    %div3A_88 = vector.broadcast %div3A_87 : f32 to vector<240x1xf32>
    %div3A_89 = arith.divf %broadcast_in_dim3A_86, %div3A_88 : vector<240x1xf32>
    %add3A_90 = arith.constant 9.99999974E-6 : f32
    %add3A_91 = vector.broadcast %add3A_90 : f32 to vector<240x1xf32>
    %add3A_92 = arith.addf %div3A_89, %add3A_91 : vector<240x1xf32>
    %rsqrt3A = math.rsqrt %add3A_92 : vector<240x1xf32>
    %mul3A_93 = vector.broadcast %rsqrt3A : vector<240x1xf32> to vector<240x256xf32>
    %mul3A_94 = arith.mulf %sub3A_82, %mul3A_93 : vector<240x256xf32>
    %mul3A_95 = vector.broadcast %get3A_75 : vector<1x256xf32> to vector<240x256xf32>
    %mul3A_96 = arith.mulf %mul3A_94, %mul3A_95 : vector<240x256xf32>
    %add3A_97 = vector.broadcast %get3A_78 : vector<1x256xf32> to vector<240x256xf32>
    %add3A_98 = arith.addf %mul3A_96, %add3A_97 : vector<240x256xf32>
    %mul3A_99 = arith.mulf %mul3A_60, %mul3A_60 : vector<240x64xf32>
    %mul3A_100 = arith.mulf %mul3A_66, %mul3A_66 : vector<240x64xf32>
    %add3A_101 = arith.addf %mul3A_99, %mul3A_100 : vector<240x64xf32>
    %mul3A_102 = arith.mulf %mul3A_72, %mul3A_72 : vector<240x64xf32>
    %add3A_103 = arith.addf %add3A_101, %mul3A_102 : vector<240x64xf32>
    %max3A_104 = arith.constant 9.99999993E-9 : f32
    %max3A_105 = vector.broadcast %max3A_104 : f32 to vector<240x64xf32>
    %max3A_106 = arith.maximumf %add3A_103, %max3A_105 : vector<240x64xf32>
    %reduce_sum3A_107 = arith.constant dense<0.000000e+00> : vector<240xf32>
    %reduce_sum3A_108 = vector.multi_reduction <add>, %max3A_106, %reduce_sum3A_107 [1] : vector<240x64xf32> to vector<240xf32>
    %broadcast_in_dim3A_109 = vector.shape_cast %reduce_sum3A_108 : vector<240xf32> to vector<240x1xf32>
    %div3A_110 = arith.constant 6.400000e+01 : f32
    %div3A_111 = vector.broadcast %div3A_110 : f32 to vector<240x1xf32>
    %div3A_112 = arith.divf %broadcast_in_dim3A_109, %div3A_111 : vector<240x1xf32>
    %sqrt3A_113 = math.sqrt %div3A_112 : vector<240x1xf32>
    %div3A_114 = vector.broadcast %sqrt3A_113 : vector<240x1xf32> to vector<240x64xf32>
    %div3A_115 = arith.divf %mul3A_60, %div3A_114 : vector<240x64xf32>
    %div3A_116 = vector.broadcast %sqrt3A_113 : vector<240x1xf32> to vector<240x64xf32>
    %div3A_117 = arith.divf %mul3A_66, %div3A_116 : vector<240x64xf32>
    %div3A_118 = vector.broadcast %sqrt3A_113 : vector<240x1xf32> to vector<240x64xf32>
    %div3A_119 = arith.divf %mul3A_72, %div3A_118 : vector<240x64xf32>
    %swap3A = arith.constant 0 : index
    %swap3A_120 = arith.constant 0 : index
    %swap3A_121 = vector.load %arg14[%swap3A, %swap3A_120] : memref<240x256xf32, #tpu.memory_space<vmem>>, vector<240x256xf32>
    tpu.vector_store %arg14[%swap3A, %swap3A_120], %add3A_98 {strides = array<i32>} : memref<240x256xf32, #tpu.memory_space<vmem>>, vector<240x256xf32>,
    %broadcast_in_dim3A_122 = arith.constant 0.000000e+00 : f32
    %broadcast_in_dim3A_123 = vector.broadcast %broadcast_in_dim3A_122 : f32 to vector<240x64xf32>
    %concatenate3A = tpu.concatenate %div3A_115, %div3A_117, %div3A_119, %broadcast_in_dim3A_123 in 1 : vector<240x64xf32>, vector<240x64xf32>, vector<240x64xf32>, vector<240x64xf32> -> vector<240x256xf32>
    %swap3A_124 = arith.constant 0 : index
    %swap3A_125 = arith.constant 0 : index
    %swap3A_126 = vector.load %arg15[%swap3A_124, %swap3A_125] : memref<240x256xf32, #tpu.memory_space<vmem>>, vector<240x256xf32>
    tpu.vector_store %arg15[%swap3A_124, %swap3A_125], %concatenate3A {strides = array<i32>} : memref<240x256xf32, #tpu.memory_space<vmem>>, vector<240x256xf32>,
    return
  }
  func.func @transform_0(%arg0: i32) -> (i32, i32) {
    %c0_i32 = arith.constant 0 : i32
    %c0_i32_0 = arith.constant 0 : i32
    return %arg0, %c0_i32 : i32, i32
  }
  func.func @transform_1(%arg0: i32) -> (i32, i32) {
    %c0_i32 = arith.constant 0 : i32
    %c0_i32_0 = arith.constant 0 : i32
    return %arg0, %c0_i32 : i32, i32
  }
  func.func @transform_2(%arg0: i32) -> (i32, i32) {
    %c0_i32 = arith.constant 0 : i32
    %c0_i32_0 = arith.constant 0 : i32
    %c0_i32_1 = arith.constant 0 : i32
    return %c0_i32, %c0_i32_0 : i32, i32
  }
  func.func @transform_3(%arg0: i32) -> (i32, i32) {
    %c0_i32 = arith.constant 0 : i32
    %c0_i32_0 = arith.constant 0 : i32
    %c0_i32_1 = arith.constant 0 : i32
    return %c0_i32, %c0_i32_0 : i32, i32
  }
  func.func @transform_4(%arg0: i32) -> (i32, i32) {
    %c0_i32 = arith.constant 0 : i32
    %c0_i32_0 = arith.constant 0 : i32
    %c0_i32_1 = arith.constant 0 : i32
    return %c0_i32, %c0_i32_0 : i32, i32
  }
  func.func @transform_5(%arg0: i32) -> (i32, i32) {
    %c0_i32 = arith.constant 0 : i32
    %c0_i32_0 = arith.constant 0 : i32
    %c0_i32_1 = arith.constant 0 : i32
    return %c0_i32, %c0_i32_0 : i32, i32
  }
  func.func @transform_6(%arg0: i32) -> (i32, i32) {
    %c0_i32 = arith.constant 0 : i32
    %c0_i32_0 = arith.constant 0 : i32
    %c0_i32_1 = arith.constant 0 : i32
    return %c0_i32, %c0_i32_0 : i32, i32
  }
  func.func @transform_7(%arg0: i32) -> (i32, i32) {
    %c0_i32 = arith.constant 0 : i32
    %c0_i32_0 = arith.constant 0 : i32
    %c0_i32_1 = arith.constant 0 : i32
    return %c0_i32, %c0_i32_0 : i32, i32
  }
  func.func @transform_8(%arg0: i32) -> (i32, i32) {
    %c0_i32 = arith.constant 0 : i32
    %c0_i32_0 = arith.constant 0 : i32
    %c0_i32_1 = arith.constant 0 : i32
    return %c0_i32, %c0_i32_0 : i32, i32
  }
  func.func @transform_9(%arg0: i32) -> (i32, i32) {
    %c0_i32 = arith.constant 0 : i32
    %c0_i32_0 = arith.constant 0 : i32
    %c0_i32_1 = arith.constant 0 : i32
    return %c0_i32, %c0_i32_0 : i32, i32
  }
  func.func @transform_10(%arg0: i32) -> (i32, i32) {
    %c0_i32 = arith.constant 0 : i32
    %c0_i32_0 = arith.constant 0 : i32
    %c0_i32_1 = arith.constant 0 : i32
    return %c0_i32, %c0_i32_0 : i32, i32
  }
  func.func @transform_11(%arg0: i32) -> (i32, i32) {
    %c0_i32 = arith.constant 0 : i32
    %c0_i32_0 = arith.constant 0 : i32
    %c0_i32_1 = arith.constant 0 : i32
    return %c0_i32, %c0_i32_0 : i32, i32
  }
  func.func @transform_12(%arg0: i32) -> (i32, i32) {
    %c0_i32 = arith.constant 0 : i32
    %c0_i32_0 = arith.constant 0 : i32
    %c0_i32_1 = arith.constant 0 : i32
    return %c0_i32, %c0_i32_0 : i32, i32
  }
  func.func @transform_13(%arg0: i32) -> (i32, i32) {
    %c0_i32 = arith.constant 0 : i32
    %c0_i32_0 = arith.constant 0 : i32
    return %arg0, %c0_i32 : i32, i32
  }
  func.func @transform_14(%arg0: i32) -> (i32, i32) {
    %c0_i32 = arith.constant 0 : i32
    %c0_i32_0 = arith.constant 0 : i32
    return %arg0, %c0_i32 : i32, i32
  }
}

module attributes {stable_mosaic.version = 14 : i64} {
  func.func @_prep_body(%arg0: i32, %arg1: memref<240x256xf32, #tpu.memory_space<vmem>>, %arg2: memref<256x256xbf16, #tpu.memory_space<vmem>>, %arg3: memref<256x256xbf16, #tpu.memory_space<vmem>>, %arg4: memref<240x256xf32, #tpu.memory_space<vmem>>, %arg5: memref<240x256xf32, #tpu.memory_space<vmem>>) attributes {dimension_semantics = [#tpu.dimension_semantics<arbitrary>], iteration_bounds = array<i64: 5>, scalar_prefetch = 0 : i64, scratch_operands = 0 : i64, tpu.core_type = #tpu.core_type<tc>, window_params = [{transform_indices = @transform_0, window_bounds = array<i64: 240, 256>}, {pipeline_mode = #tpu.pipeline_mode<synchronous>, transform_indices = @transform_1, window_bounds = array<i64: 256, 256>}, {pipeline_mode = #tpu.pipeline_mode<synchronous>, transform_indices = @transform_2, window_bounds = array<i64: 256, 256>}, {transform_indices = @transform_3, window_bounds = array<i64: 240, 256>}, {transform_indices = @transform_4, window_bounds = array<i64: 240, 256>}]} {
    %get3A = arith.constant 0 : index
    %get3A_0 = arith.constant 0 : index
    %get3A_1 = vector.load %arg1[%get3A, %get3A_0] : memref<240x256xf32, #tpu.memory_space<vmem>>, vector<240x256xf32>
    %get3A_2 = arith.constant 0 : index
    %get3A_3 = arith.constant 0 : index
    %get3A_4 = vector.load %arg2[%get3A_2, %get3A_3] : memref<256x256xbf16, #tpu.memory_space<vmem>>, vector<256x256xbf16>
    %convert_element_type3A = arith.truncf %get3A_1 : vector<240x256xf32> to vector<240x256xbf16>
    %dot_general3A = arith.constant dense<0.000000e+00> : vector<240x256xf32>
    %dot_general3A_5 = tpu.matmul %convert_element_type3A, %get3A_4, %dot_general3A {dimension_numbers = #tpu.dot_dimension_numbers<[1], [0], [0], [1], [0, 0, 1, 1], [], []>, transpose_lhs_hint = false} : vector<240x256xbf16>, vector<256x256xbf16>, vector<240x256xf32> -> vector<240x256xf32>
    %swap3A = arith.constant 0 : index
    %swap3A_6 = arith.constant 0 : index
    %swap3A_7 = vector.load %arg4[%swap3A, %swap3A_6] : memref<240x256xf32, #tpu.memory_space<vmem>>, vector<240x256xf32>
    tpu.vector_store %arg4[%swap3A, %swap3A_6], %dot_general3A_5 {strides = array<i32>} : memref<240x256xf32, #tpu.memory_space<vmem>>, vector<240x256xf32>,
    %get3A_8 = arith.constant 0 : index
    %get3A_9 = arith.constant 0 : index
    %get3A_10 = vector.load %arg3[%get3A_8, %get3A_9] : memref<256x256xbf16, #tpu.memory_space<vmem>>, vector<256x256xbf16>
    %convert_element_type3A_11 = arith.truncf %get3A_1 : vector<240x256xf32> to vector<240x256xbf16>
    %dot_general3A_12 = arith.constant dense<0.000000e+00> : vector<240x256xf32>
    %dot_general3A_13 = tpu.matmul %convert_element_type3A_11, %get3A_10, %dot_general3A_12 {dimension_numbers = #tpu.dot_dimension_numbers<[1], [0], [0], [1], [0, 0, 1, 1], [], []>, transpose_lhs_hint = false} : vector<240x256xbf16>, vector<256x256xbf16>, vector<240x256xf32> -> vector<240x256xf32>
    %swap3A_14 = arith.constant 0 : index
    %swap3A_15 = arith.constant 0 : index
    %swap3A_16 = vector.load %arg5[%swap3A_14, %swap3A_15] : memref<240x256xf32, #tpu.memory_space<vmem>>, vector<240x256xf32>
    tpu.vector_store %arg5[%swap3A_14, %swap3A_15], %dot_general3A_13 {strides = array<i32>} : memref<240x256xf32, #tpu.memory_space<vmem>>, vector<240x256xf32>,
    return
  }
  func.func @transform_0(%arg0: i32) -> (i32, i32) {
    %c0_i32 = arith.constant 0 : i32
    %c0_i32_0 = arith.constant 0 : i32
    return %arg0, %c0_i32 : i32, i32
  }
  func.func @transform_1(%arg0: i32) -> (i32, i32) {
    %c0_i32 = arith.constant 0 : i32
    %c0_i32_0 = arith.constant 0 : i32
    %c0_i32_1 = arith.constant 0 : i32
    return %c0_i32, %c0_i32_0 : i32, i32
  }
  func.func @transform_2(%arg0: i32) -> (i32, i32) {
    %c0_i32 = arith.constant 0 : i32
    %c0_i32_0 = arith.constant 0 : i32
    %c0_i32_1 = arith.constant 0 : i32
    return %c0_i32, %c0_i32_0 : i32, i32
  }
  func.func @transform_3(%arg0: i32) -> (i32, i32) {
    %c0_i32 = arith.constant 0 : i32
    %c0_i32_0 = arith.constant 0 : i32
    return %arg0, %c0_i32 : i32, i32
  }
  func.func @transform_4(%arg0: i32) -> (i32, i32) {
    %c0_i32 = arith.constant 0 : i32
    %c0_i32_0 = arith.constant 0 : i32
    return %arg0, %c0_i32 : i32, i32
  }
}

module attributes {stable_mosaic.version = 14 : i64} {
  func.func @_edge_body(%arg0: i32, %arg1: memref<1200x256xf32, #tpu.memory_space<vmem>>, %arg2: memref<1200x256xf32, #tpu.memory_space<vmem>>, %arg3: memref<1200x256xf32, #tpu.memory_space<vmem>>, %arg4: memref<1200x256xf32, #tpu.memory_space<vmem>>, %arg5: memref<1200x432xf32, #tpu.memory_space<vmem>>, %arg6: memref<1200x75xf32, #tpu.memory_space<vmem>>, %arg7: memref<1x1x1200xi32, #tpu.memory_space<vmem>>, %arg8: memref<64x153xbf16, #tpu.memory_space<vmem>>, %arg9: memref<75x153xbf16, #tpu.memory_space<vmem>>, %arg10: memref<75x153xbf16, #tpu.memory_space<vmem>>, %arg11: memref<75x153xbf16, #tpu.memory_space<vmem>>, %arg12: memref<64x153xbf16, #tpu.memory_space<vmem>>, %arg13: memref<432x256xbf16, #tpu.memory_space<vmem>>, %arg14: memref<153x256xbf16, #tpu.memory_space<vmem>>, %arg15: memref<1x256xf32, #tpu.memory_space<vmem>>, %arg16: memref<153x64xbf16, #tpu.memory_space<vmem>>, %arg17: memref<256x64xbf16, #tpu.memory_space<vmem>>, %arg18: memref<1x64xf32, #tpu.memory_space<vmem>>, %arg19: memref<64x64xbf16, #tpu.memory_space<vmem>>, %arg20: memref<256x256xbf16, #tpu.memory_space<vmem>>, %arg21: memref<64x256xbf16, #tpu.memory_space<vmem>>, %arg22: memref<1x256xf32, #tpu.memory_space<vmem>>, %arg23: memref<64x64xbf16, #tpu.memory_space<vmem>>, %arg24: memref<256x64xbf16, #tpu.memory_space<vmem>>, %arg25: memref<1x64xf32, #tpu.memory_space<vmem>>, %arg26: memref<64x64xbf16, #tpu.memory_space<vmem>>, %arg27: memref<256x256xbf16, #tpu.memory_space<vmem>>, %arg28: memref<64x256xbf16, #tpu.memory_space<vmem>>, %arg29: memref<1x256xf32, #tpu.memory_space<vmem>>, %arg30: memref<64x64xbf16, #tpu.memory_space<vmem>>, %arg31: memref<256x64xbf16, #tpu.memory_space<vmem>>, %arg32: memref<1x64xf32, #tpu.memory_space<vmem>>, %arg33: memref<1200x512xf32, #tpu.memory_space<vmem>>) attributes {dimension_semantics = [#tpu.dimension_semantics<arbitrary>], iteration_bounds = array<i64: 30>, scalar_prefetch = 0 : i64, scratch_operands = 0 : i64, tpu.core_type = #tpu.core_type<tc>, window_params = [{transform_indices = @transform_0, window_bounds = array<i64: 1200, 256>}, {transform_indices = @transform_1, window_bounds = array<i64: 1200, 256>}, {transform_indices = @transform_2, window_bounds = array<i64: 1200, 256>}, {transform_indices = @transform_3, window_bounds = array<i64: 1200, 256>}, {transform_indices = @transform_4, window_bounds = array<i64: 1200, 432>}, {transform_indices = @transform_5, window_bounds = array<i64: 1200, 75>}, {transform_indices = @transform_6, window_bounds = array<i64: 1, 1, 1200>}, {pipeline_mode = #tpu.pipeline_mode<synchronous>, transform_indices = @transform_7, window_bounds = array<i64: 64, 153>}, {pipeline_mode = #tpu.pipeline_mode<synchronous>, transform_indices = @transform_8, window_bounds = array<i64: 75, 153>}, {pipeline_mode = #tpu.pipeline_mode<synchronous>, transform_indices = @transform_9, window_bounds = array<i64: 75, 153>}, {pipeline_mode = #tpu.pipeline_mode<synchronous>, transform_indices = @transform_10, window_bounds = array<i64: 75, 153>}, {pipeline_mode = #tpu.pipeline_mode<synchronous>, transform_indices = @transform_11, window_bounds = array<i64: 64, 153>}, {pipeline_mode = #tpu.pipeline_mode<synchronous>, transform_indices = @transform_12, window_bounds = array<i64: 432, 256>}, {pipeline_mode = #tpu.pipeline_mode<synchronous>, transform_indices = @transform_13, window_bounds = array<i64: 153, 256>}, {pipeline_mode = #tpu.pipeline_mode<synchronous>, transform_indices = @transform_14, window_bounds = array<i64: 1, 256>}, {pipeline_mode = #tpu.pipeline_mode<synchronous>, transform_indices = @transform_15, window_bounds = array<i64: 153, 64>}, {pipeline_mode = #tpu.pipeline_mode<synchronous>, transform_indices = @transform_16, window_bounds = array<i64: 256, 64>}, {pipeline_mode = #tpu.pipeline_mode<synchronous>, transform_indices = @transform_17, window_bounds = array<i64: 1, 64>}, {pipeline_mode = #tpu.pipeline_mode<synchronous>, transform_indices = @transform_18, window_bounds = array<i64: 64, 64>}, {pipeline_mode = #tpu.pipeline_mode<synchronous>, transform_indices = @transform_19, window_bounds = array<i64: 256, 256>}, {pipeline_mode = #tpu.pipeline_mode<synchronous>, transform_indices = @transform_20, window_bounds = array<i64: 64, 256>}, {pipeline_mode = #tpu.pipeline_mode<synchronous>, transform_indices = @transform_21, window_bounds = array<i64: 1, 256>}, {pipeline_mode = #tpu.pipeline_mode<synchronous>, transform_indices = @transform_22, window_bounds = array<i64: 64, 64>}, {pipeline_mode = #tpu.pipeline_mode<synchronous>, transform_indices = @transform_23, window_bounds = array<i64: 256, 64>}, {pipeline_mode = #tpu.pipeline_mode<synchronous>, transform_indices = @transform_24, window_bounds = array<i64: 1, 64>}, {pipeline_mode = #tpu.pipeline_mode<synchronous>, transform_indices = @transform_25, window_bounds = array<i64: 64, 64>}, {pipeline_mode = #tpu.pipeline_mode<synchronous>, transform_indices = @transform_26, window_bounds = array<i64: 256, 256>}, {pipeline_mode = #tpu.pipeline_mode<synchronous>, transform_indices = @transform_27, window_bounds = array<i64: 64, 256>}, {pipeline_mode = #tpu.pipeline_mode<synchronous>, transform_indices = @transform_28, window_bounds = array<i64: 1, 256>}, {pipeline_mode = #tpu.pipeline_mode<synchronous>, transform_indices = @transform_29, window_bounds = array<i64: 64, 64>}, {pipeline_mode = #tpu.pipeline_mode<synchronous>, transform_indices = @transform_30, window_bounds = array<i64: 256, 64>}, {pipeline_mode = #tpu.pipeline_mode<synchronous>, transform_indices = @transform_31, window_bounds = array<i64: 1, 64>}, {pipeline_mode = #tpu.pipeline_mode<synchronous>, transform_indices = @transform_32, window_bounds = array<i64: 1200, 512>}]} {
    %get3A = arith.constant 0 : index
    %get3A_0 = arith.constant 0 : index
    %get3A_1 = vector.load %arg3[%get3A, %get3A_0] : memref<1200x256xf32, #tpu.memory_space<vmem>>, vector<1200x256xf32>
    %slice3A = vector.extract_strided_slice %get3A_1 {offsets = [0, 0], sizes = [1200, 64], strides = [1, 1]} : vector<1200x256xf32> to vector<1200x64xf32>
    %slice3A_2 = vector.extract_strided_slice %get3A_1 {offsets = [0, 64], sizes = [1200, 64], strides = [1, 1]} : vector<1200x256xf32> to vector<1200x64xf32>
    %slice3A_3 = vector.extract_strided_slice %get3A_1 {offsets = [0, 128], sizes = [1200, 64], strides = [1, 1]} : vector<1200x256xf32> to vector<1200x64xf32>
    %get3A_4 = arith.constant 0 : index
    %get3A_5 = arith.constant 0 : index
    %get3A_6 = vector.load %arg4[%get3A_4, %get3A_5] : memref<1200x256xf32, #tpu.memory_space<vmem>>, vector<1200x256xf32>
    %slice3A_7 = vector.extract_strided_slice %get3A_6 {offsets = [0, 0], sizes = [1200, 64], strides = [1, 1]} : vector<1200x256xf32> to vector<1200x64xf32>
    %slice3A_8 = vector.extract_strided_slice %get3A_6 {offsets = [0, 64], sizes = [1200, 64], strides = [1, 1]} : vector<1200x256xf32> to vector<1200x64xf32>
    %slice3A_9 = vector.extract_strided_slice %get3A_6 {offsets = [0, 128], sizes = [1200, 64], strides = [1, 1]} : vector<1200x256xf32> to vector<1200x64xf32>
    %get3A_10 = arith.constant 0 : index
    %get3A_11 = arith.constant 0 : index
    %get3A_12 = vector.load %arg6[%get3A_10, %get3A_11] : memref<1200x75xf32, #tpu.memory_space<vmem>>, vector<1200x75xf32>
    %get3A_13 = arith.constant 0 : index
    %get3A_14 = arith.constant 0 : index
    %get3A_15 = vector.load %arg8[%get3A_13, %get3A_14] : memref<64x153xbf16, #tpu.memory_space<vmem>>, vector<64x153xbf16>
    %convert_element_type3A = arith.truncf %slice3A : vector<1200x64xf32> to vector<1200x64xbf16>
    %dot_general3A = arith.constant dense<0.000000e+00> : vector<1200x153xf32>
    %dot_general3A_16 = tpu.matmul %convert_element_type3A, %get3A_15, %dot_general3A {dimension_numbers = #tpu.dot_dimension_numbers<[1], [0], [0], [1], [0, 0, 1, 1], [], []>, transpose_lhs_hint = false} : vector<1200x64xbf16>, vector<64x153xbf16>, vector<1200x153xf32> -> vector<1200x153xf32>
    %get3A_17 = arith.constant 0 : index
    %get3A_18 = arith.constant 0 : index
    %get3A_19 = vector.load %arg9[%get3A_17, %get3A_18] : memref<75x153xbf16, #tpu.memory_space<vmem>>, vector<75x153xbf16>
    %convert_element_type3A_20 = arith.truncf %get3A_12 : vector<1200x75xf32> to vector<1200x75xbf16>
    %dot_general3A_21 = arith.constant dense<0.000000e+00> : vector<1200x153xf32>
    %dot_general3A_22 = tpu.matmul %convert_element_type3A_20, %get3A_19, %dot_general3A_21 {dimension_numbers = #tpu.dot_dimension_numbers<[1], [0], [0], [1], [0, 0, 1, 1], [], []>, transpose_lhs_hint = false} : vector<1200x75xbf16>, vector<75x153xbf16>, vector<1200x153xf32> -> vector<1200x153xf32>
    %add3A = arith.addf %dot_general3A_16, %dot_general3A_22 : vector<1200x153xf32>
    %get3A_23 = arith.constant 0 : index
    %get3A_24 = arith.constant 0 : index
    %get3A_25 = vector.load %arg12[%get3A_23, %get3A_24] : memref<64x153xbf16, #tpu.memory_space<vmem>>, vector<64x153xbf16>
    %convert_element_type3A_26 = arith.truncf %slice3A_7 : vector<1200x64xf32> to vector<1200x64xbf16>
    %dot_general3A_27 = arith.constant dense<0.000000e+00> : vector<1200x153xf32>
    %dot_general3A_28 = tpu.matmul %convert_element_type3A_26, %get3A_25, %dot_general3A_27 {dimension_numbers = #tpu.dot_dimension_numbers<[1], [0], [0], [1], [0, 0, 1, 1], [], []>, transpose_lhs_hint = false} : vector<1200x64xbf16>, vector<64x153xbf16>, vector<1200x153xf32> -> vector<1200x153xf32>
    %add3A_29 = arith.addf %add3A, %dot_general3A_28 : vector<1200x153xf32>
    %get3A_30 = arith.constant 0 : index
    %get3A_31 = arith.constant 0 : index
    %get3A_32 = vector.load %arg8[%get3A_30, %get3A_31] : memref<64x153xbf16, #tpu.memory_space<vmem>>, vector<64x153xbf16>
    %convert_element_type3A_33 = arith.truncf %slice3A_2 : vector<1200x64xf32> to vector<1200x64xbf16>
    %dot_general3A_34 = arith.constant dense<0.000000e+00> : vector<1200x153xf32>
    %dot_general3A_35 = tpu.matmul %convert_element_type3A_33, %get3A_32, %dot_general3A_34 {dimension_numbers = #tpu.dot_dimension_numbers<[1], [0], [0], [1], [0, 0, 1, 1], [], []>, transpose_lhs_hint = false} : vector<1200x64xbf16>, vector<64x153xbf16>, vector<1200x153xf32> -> vector<1200x153xf32>
    %get3A_36 = arith.constant 0 : index
    %get3A_37 = arith.constant 0 : index
    %get3A_38 = vector.load %arg10[%get3A_36, %get3A_37] : memref<75x153xbf16, #tpu.memory_space<vmem>>, vector<75x153xbf16>
    %convert_element_type3A_39 = arith.truncf %get3A_12 : vector<1200x75xf32> to vector<1200x75xbf16>
    %dot_general3A_40 = arith.constant dense<0.000000e+00> : vector<1200x153xf32>
    %dot_general3A_41 = tpu.matmul %convert_element_type3A_39, %get3A_38, %dot_general3A_40 {dimension_numbers = #tpu.dot_dimension_numbers<[1], [0], [0], [1], [0, 0, 1, 1], [], []>, transpose_lhs_hint = false} : vector<1200x75xbf16>, vector<75x153xbf16>, vector<1200x153xf32> -> vector<1200x153xf32>
    %add3A_42 = arith.addf %dot_general3A_35, %dot_general3A_41 : vector<1200x153xf32>
    %get3A_43 = arith.constant 0 : index
    %get3A_44 = arith.constant 0 : index
    %get3A_45 = vector.load %arg12[%get3A_43, %get3A_44] : memref<64x153xbf16, #tpu.memory_space<vmem>>, vector<64x153xbf16>
    %convert_element_type3A_46 = arith.truncf %slice3A_8 : vector<1200x64xf32> to vector<1200x64xbf16>
    %dot_general3A_47 = arith.constant dense<0.000000e+00> : vector<1200x153xf32>
    %dot_general3A_48 = tpu.matmul %convert_element_type3A_46, %get3A_45, %dot_general3A_47 {dimension_numbers = #tpu.dot_dimension_numbers<[1], [0], [0], [1], [0, 0, 1, 1], [], []>, transpose_lhs_hint = false} : vector<1200x64xbf16>, vector<64x153xbf16>, vector<1200x153xf32> -> vector<1200x153xf32>
    %add3A_49 = arith.addf %add3A_42, %dot_general3A_48 : vector<1200x153xf32>
    %get3A_50 = arith.constant 0 : index
    %get3A_51 = arith.constant 0 : index
    %get3A_52 = vector.load %arg8[%get3A_50, %get3A_51] : memref<64x153xbf16, #tpu.memory_space<vmem>>, vector<64x153xbf16>
    %convert_element_type3A_53 = arith.truncf %slice3A_3 : vector<1200x64xf32> to vector<1200x64xbf16>
    %dot_general3A_54 = arith.constant dense<0.000000e+00> : vector<1200x153xf32>
    %dot_general3A_55 = tpu.matmul %convert_element_type3A_53, %get3A_52, %dot_general3A_54 {dimension_numbers = #tpu.dot_dimension_numbers<[1], [0], [0], [1], [0, 0, 1, 1], [], []>, transpose_lhs_hint = false} : vector<1200x64xbf16>, vector<64x153xbf16>, vector<1200x153xf32> -> vector<1200x153xf32>
    %get3A_56 = arith.constant 0 : index
    %get3A_57 = arith.constant 0 : index
    %get3A_58 = vector.load %arg11[%get3A_56, %get3A_57] : memref<75x153xbf16, #tpu.memory_space<vmem>>, vector<75x153xbf16>
    %convert_element_type3A_59 = arith.truncf %get3A_12 : vector<1200x75xf32> to vector<1200x75xbf16>
    %dot_general3A_60 = arith.constant dense<0.000000e+00> : vector<1200x153xf32>
    %dot_general3A_61 = tpu.matmul %convert_element_type3A_59, %get3A_58, %dot_general3A_60 {dimension_numbers = #tpu.dot_dimension_numbers<[1], [0], [0], [1], [0, 0, 1, 1], [], []>, transpose_lhs_hint = false} : vector<1200x75xbf16>, vector<75x153xbf16>, vector<1200x153xf32> -> vector<1200x153xf32>
    %add3A_62 = arith.addf %dot_general3A_55, %dot_general3A_61 : vector<1200x153xf32>
    %get3A_63 = arith.constant 0 : index
    %get3A_64 = arith.constant 0 : index
    %get3A_65 = vector.load %arg12[%get3A_63, %get3A_64] : memref<64x153xbf16, #tpu.memory_space<vmem>>, vector<64x153xbf16>
    %convert_element_type3A_66 = arith.truncf %slice3A_9 : vector<1200x64xf32> to vector<1200x64xbf16>
    %dot_general3A_67 = arith.constant dense<0.000000e+00> : vector<1200x153xf32>
    %dot_general3A_68 = tpu.matmul %convert_element_type3A_66, %get3A_65, %dot_general3A_67 {dimension_numbers = #tpu.dot_dimension_numbers<[1], [0], [0], [1], [0, 0, 1, 1], [], []>, transpose_lhs_hint = false} : vector<1200x64xbf16>, vector<64x153xbf16>, vector<1200x153xf32> -> vector<1200x153xf32>
    %add3A_69 = arith.addf %add3A_62, %dot_general3A_68 : vector<1200x153xf32>
    %mul3A = arith.mulf %add3A_29, %add3A_29 : vector<1200x153xf32>
    %mul3A_70 = arith.mulf %add3A_49, %add3A_49 : vector<1200x153xf32>
    %add3A_71 = arith.addf %mul3A, %mul3A_70 : vector<1200x153xf32>
    %mul3A_72 = arith.mulf %add3A_69, %add3A_69 : vector<1200x153xf32>
    %add3A_73 = arith.addf %add3A_71, %mul3A_72 : vector<1200x153xf32>
    %max3A = arith.constant 9.99999993E-9 : f32
    %max3A_74 = vector.broadcast %max3A : f32 to vector<1200x153xf32>
    %max3A_75 = arith.maximumf %add3A_73, %max3A_74 : vector<1200x153xf32>
    %sqrt3A = math.sqrt %max3A_75 : vector<1200x153xf32>
    %get3A_76 = arith.constant 0 : index
    %get3A_77 = arith.constant 0 : index
    %get3A_78 = vector.load %arg1[%get3A_76, %get3A_77] : memref<1200x256xf32, #tpu.memory_space<vmem>>, vector<1200x256xf32>
    %get3A_79 = arith.constant 0 : index
    %get3A_80 = arith.constant 0 : index
    %get3A_81 = vector.load %arg2[%get3A_79, %get3A_80] : memref<1200x256xf32, #tpu.memory_space<vmem>>, vector<1200x256xf32>
    %add3A_82 = arith.addf %get3A_78, %get3A_81 : vector<1200x256xf32>
    %get3A_83 = arith.constant 0 : index
    %get3A_84 = arith.constant 0 : index
    %get3A_85 = vector.load %arg5[%get3A_83, %get3A_84] : memref<1200x432xf32, #tpu.memory_space<vmem>>, vector<1200x432xf32>
    %get3A_86 = arith.constant 0 : index
    %get3A_87 = arith.constant 0 : index
    %get3A_88 = vector.load %arg13[%get3A_86, %get3A_87] : memref<432x256xbf16, #tpu.memory_space<vmem>>, vector<432x256xbf16>
    %convert_element_type3A_89 = arith.truncf %get3A_85 : vector<1200x432xf32> to vector<1200x432xbf16>
    %dot_general3A_90 = arith.constant dense<0.000000e+00> : vector<1200x256xf32>
    %dot_general3A_91 = tpu.matmul %convert_element_type3A_89, %get3A_88, %dot_general3A_90 {dimension_numbers = #tpu.dot_dimension_numbers<[1], [0], [0], [1], [0, 0, 1, 1], [], []>, transpose_lhs_hint = false} : vector<1200x432xbf16>, vector<432x256xbf16>, vector<1200x256xf32> -> vector<1200x256xf32>
    %add3A_92 = arith.addf %add3A_82, %dot_general3A_91 : vector<1200x256xf32>
    %get3A_93 = arith.constant 0 : index
    %get3A_94 = arith.constant 0 : index
    %get3A_95 = vector.load %arg14[%get3A_93, %get3A_94] : memref<153x256xbf16, #tpu.memory_space<vmem>>, vector<153x256xbf16>
    %convert_element_type3A_96 = arith.truncf %sqrt3A : vector<1200x153xf32> to vector<1200x153xbf16>
    %dot_general3A_97 = arith.constant dense<0.000000e+00> : vector<1200x256xf32>
    %dot_general3A_98 = tpu.matmul %convert_element_type3A_96, %get3A_95, %dot_general3A_97 {dimension_numbers = #tpu.dot_dimension_numbers<[1], [0], [0], [1], [0, 0, 1, 1], [], []>, transpose_lhs_hint = false} : vector<1200x153xbf16>, vector<153x256xbf16>, vector<1200x256xf32> -> vector<1200x256xf32>
    %add3A_99 = arith.addf %add3A_92, %dot_general3A_98 : vector<1200x256xf32>
    %get3A_100 = arith.constant 0 : index
    %get3A_101 = arith.constant 0 : index
    %get3A_102 = vector.load %arg15[%get3A_100, %get3A_101] : memref<1x256xf32, #tpu.memory_space<vmem>>, vector<1x256xf32>
    %add3A_103 = vector.broadcast %get3A_102 : vector<1x256xf32> to vector<1200x256xf32>
    %add3A_104 = arith.addf %add3A_99, %add3A_103 : vector<1200x256xf32>
    %logistic3A = arith.negf %add3A_104 : vector<1200x256xf32>
    %logistic3A_105 = math.exp %logistic3A : vector<1200x256xf32>
    %logistic3A_106 = arith.constant 1.000000e+00 : f32
    %logistic3A_107 = vector.broadcast %logistic3A_106 : f32 to vector<1200x256xf32>
    %logistic3A_108 = arith.addf %logistic3A_107, %logistic3A_105 : vector<1200x256xf32>
    %logistic3A_109 = arith.divf %logistic3A_107, %logistic3A_108 : vector<1200x256xf32>
    %get3A_110 = arith.constant 0 : index
    %get3A_111 = arith.constant 0 : index
    %get3A_112 = vector.load %arg17[%get3A_110, %get3A_111] : memref<256x64xbf16, #tpu.memory_space<vmem>>, vector<256x64xbf16>
    %convert_element_type3A_113 = arith.truncf %logistic3A_109 : vector<1200x256xf32> to vector<1200x256xbf16>
    %dot_general3A_114 = arith.constant dense<0.000000e+00> : vector<1200x64xf32>
    %dot_general3A_115 = tpu.matmul %convert_element_type3A_113, %get3A_112, %dot_general3A_114 {dimension_numbers = #tpu.dot_dimension_numbers<[1], [0], [0], [1], [0, 0, 1, 1], [], []>, transpose_lhs_hint = false} : vector<1200x256xbf16>, vector<256x64xbf16>, vector<1200x64xf32> -> vector<1200x64xf32>
    %get3A_116 = arith.constant 0 : index
    %get3A_117 = arith.constant 0 : index
    %get3A_118 = vector.load %arg18[%get3A_116, %get3A_117] : memref<1x64xf32, #tpu.memory_space<vmem>>, vector<1x64xf32>
    %add3A_119 = vector.broadcast %get3A_118 : vector<1x64xf32> to vector<1200x64xf32>
    %add3A_120 = arith.addf %dot_general3A_115, %add3A_119 : vector<1200x64xf32>
    %logistic3A_121 = arith.negf %add3A_120 : vector<1200x64xf32>
    %logistic3A_122 = math.exp %logistic3A_121 : vector<1200x64xf32>
    %logistic3A_123 = arith.constant 1.000000e+00 : f32
    %logistic3A_124 = vector.broadcast %logistic3A_123 : f32 to vector<1200x64xf32>
    %logistic3A_125 = arith.addf %logistic3A_124, %logistic3A_122 : vector<1200x64xf32>
    %logistic3A_126 = arith.divf %logistic3A_124, %logistic3A_125 : vector<1200x64xf32>
    %get3A_127 = arith.constant 0 : index
    %get3A_128 = arith.constant 0 : index
    %get3A_129 = vector.load %arg16[%get3A_127, %get3A_128] : memref<153x64xbf16, #tpu.memory_space<vmem>>, vector<153x64xbf16>
    %convert_element_type3A_130 = arith.truncf %add3A_29 : vector<1200x153xf32> to vector<1200x153xbf16>
    %dot_general3A_131 = arith.constant dense<0.000000e+00> : vector<1200x64xf32>
    %dot_general3A_132 = tpu.matmul %convert_element_type3A_130, %get3A_129, %dot_general3A_131 {dimension_numbers = #tpu.dot_dimension_numbers<[1], [0], [0], [1], [0, 0, 1, 1], [], []>, transpose_lhs_hint = false} : vector<1200x153xbf16>, vector<153x64xbf16>, vector<1200x64xf32> -> vector<1200x64xf32>
    %mul3A_133 = arith.mulf %dot_general3A_132, %logistic3A_126 : vector<1200x64xf32>
    %get3A_134 = arith.constant 0 : index
    %get3A_135 = arith.constant 0 : index
    %get3A_136 = vector.load %arg16[%get3A_134, %get3A_135] : memref<153x64xbf16, #tpu.memory_space<vmem>>, vector<153x64xbf16>
    %convert_element_type3A_137 = arith.truncf %add3A_49 : vector<1200x153xf32> to vector<1200x153xbf16>
    %dot_general3A_138 = arith.constant dense<0.000000e+00> : vector<1200x64xf32>
    %dot_general3A_139 = tpu.matmul %convert_element_type3A_137, %get3A_136, %dot_general3A_138 {dimension_numbers = #tpu.dot_dimension_numbers<[1], [0], [0], [1], [0, 0, 1, 1], [], []>, transpose_lhs_hint = false} : vector<1200x153xbf16>, vector<153x64xbf16>, vector<1200x64xf32> -> vector<1200x64xf32>
    %mul3A_140 = arith.mulf %dot_general3A_139, %logistic3A_126 : vector<1200x64xf32>
    %get3A_141 = arith.constant 0 : index
    %get3A_142 = arith.constant 0 : index
    %get3A_143 = vector.load %arg16[%get3A_141, %get3A_142] : memref<153x64xbf16, #tpu.memory_space<vmem>>, vector<153x64xbf16>
    %convert_element_type3A_144 = arith.truncf %add3A_69 : vector<1200x153xf32> to vector<1200x153xbf16>
    %dot_general3A_145 = arith.constant dense<0.000000e+00> : vector<1200x64xf32>
    %dot_general3A_146 = tpu.matmul %convert_element_type3A_144, %get3A_143, %dot_general3A_145 {dimension_numbers = #tpu.dot_dimension_numbers<[1], [0], [0], [1], [0, 0, 1, 1], [], []>, transpose_lhs_hint = false} : vector<1200x153xbf16>, vector<153x64xbf16>, vector<1200x64xf32> -> vector<1200x64xf32>
    %mul3A_147 = arith.mulf %dot_general3A_146, %logistic3A_126 : vector<1200x64xf32>
    %max3A_148 = arith.constant 0.000000e+00 : f32
    %max3A_149 = vector.broadcast %max3A_148 : f32 to vector<1200x256xf32>
    %max3A_150 = arith.maximumf %add3A_104, %max3A_149 : vector<1200x256xf32>
    %get3A_151 = arith.constant 0 : index
    %get3A_152 = arith.constant 0 : index
    %get3A_153 = vector.load %arg19[%get3A_151, %get3A_152] : memref<64x64xbf16, #tpu.memory_space<vmem>>, vector<64x64xbf16>
    %get3A_154 = arith.constant 0 : index
    %get3A_155 = arith.constant 0 : index
    %get3A_156 = vector.load %arg20[%get3A_154, %get3A_155] : memref<256x256xbf16, #tpu.memory_space<vmem>>, vector<256x256xbf16>
    %get3A_157 = arith.constant 0 : index
    %get3A_158 = arith.constant 0 : index
    %get3A_159 = vector.load %arg21[%get3A_157, %get3A_158] : memref<64x256xbf16, #tpu.memory_space<vmem>>, vector<64x256xbf16>
    %get3A_160 = arith.constant 0 : index
    %get3A_161 = arith.constant 0 : index
    %get3A_162 = vector.load %arg22[%get3A_160, %get3A_161] : memref<1x256xf32, #tpu.memory_space<vmem>>, vector<1x256xf32>
    %get3A_163 = arith.constant 0 : index
    %get3A_164 = arith.constant 0 : index
    %get3A_165 = vector.load %arg23[%get3A_163, %get3A_164] : memref<64x64xbf16, #tpu.memory_space<vmem>>, vector<64x64xbf16>
    %get3A_166 = arith.constant 0 : index
    %get3A_167 = arith.constant 0 : index
    %get3A_168 = vector.load %arg24[%get3A_166, %get3A_167] : memref<256x64xbf16, #tpu.memory_space<vmem>>, vector<256x64xbf16>
    %get3A_169 = arith.constant 0 : index
    %get3A_170 = arith.constant 0 : index
    %get3A_171 = vector.load %arg25[%get3A_169, %get3A_170] : memref<1x64xf32, #tpu.memory_space<vmem>>, vector<1x64xf32>
    %convert_element_type3A_172 = arith.truncf %mul3A_133 : vector<1200x64xf32> to vector<1200x64xbf16>
    %dot_general3A_173 = arith.constant dense<0.000000e+00> : vector<1200x64xf32>
    %dot_general3A_174 = tpu.matmul %convert_element_type3A_172, %get3A_153, %dot_general3A_173 {dimension_numbers = #tpu.dot_dimension_numbers<[1], [0], [0], [1], [0, 0, 1, 1], [], []>, transpose_lhs_hint = false} : vector<1200x64xbf16>, vector<64x64xbf16>, vector<1200x64xf32> -> vector<1200x64xf32>
    %convert_element_type3A_175 = arith.truncf %mul3A_140 : vector<1200x64xf32> to vector<1200x64xbf16>
    %dot_general3A_176 = arith.constant dense<0.000000e+00> : vector<1200x64xf32>
    %dot_general3A_177 = tpu.matmul %convert_element_type3A_175, %get3A_153, %dot_general3A_176 {dimension_numbers = #tpu.dot_dimension_numbers<[1], [0], [0], [1], [0, 0, 1, 1], [], []>, transpose_lhs_hint = false} : vector<1200x64xbf16>, vector<64x64xbf16>, vector<1200x64xf32> -> vector<1200x64xf32>
    %convert_element_type3A_178 = arith.truncf %mul3A_147 : vector<1200x64xf32> to vector<1200x64xbf16>
    %dot_general3A_179 = arith.constant dense<0.000000e+00> : vector<1200x64xf32>
    %dot_general3A_180 = tpu.matmul %convert_element_type3A_178, %get3A_153, %dot_general3A_179 {dimension_numbers = #tpu.dot_dimension_numbers<[1], [0], [0], [1], [0, 0, 1, 1], [], []>, transpose_lhs_hint = false} : vector<1200x64xbf16>, vector<64x64xbf16>, vector<1200x64xf32> -> vector<1200x64xf32>
    %mul3A_181 = arith.mulf %dot_general3A_174, %dot_general3A_174 : vector<1200x64xf32>
    %mul3A_182 = arith.mulf %dot_general3A_177, %dot_general3A_177 : vector<1200x64xf32>
    %add3A_183 = arith.addf %mul3A_181, %mul3A_182 : vector<1200x64xf32>
    %mul3A_184 = arith.mulf %dot_general3A_180, %dot_general3A_180 : vector<1200x64xf32>
    %add3A_185 = arith.addf %add3A_183, %mul3A_184 : vector<1200x64xf32>
    %max3A_186 = arith.constant 9.99999993E-9 : f32
    %max3A_187 = vector.broadcast %max3A_186 : f32 to vector<1200x64xf32>
    %max3A_188 = arith.maximumf %add3A_185, %max3A_187 : vector<1200x64xf32>
    %sqrt3A_189 = math.sqrt %max3A_188 : vector<1200x64xf32>
    %convert_element_type3A_190 = arith.truncf %max3A_150 : vector<1200x256xf32> to vector<1200x256xbf16>
    %dot_general3A_191 = arith.constant dense<0.000000e+00> : vector<1200x256xf32>
    %dot_general3A_192 = tpu.matmul %convert_element_type3A_190, %get3A_156, %dot_general3A_191 {dimension_numbers = #tpu.dot_dimension_numbers<[1], [0], [0], [1], [0, 0, 1, 1], [], []>, transpose_lhs_hint = false} : vector<1200x256xbf16>, vector<256x256xbf16>, vector<1200x256xf32> -> vector<1200x256xf32>
    %convert_element_type3A_193 = arith.truncf %sqrt3A_189 : vector<1200x64xf32> to vector<1200x64xbf16>
    %dot_general3A_194 = arith.constant dense<0.000000e+00> : vector<1200x256xf32>
    %dot_general3A_195 = tpu.matmul %convert_element_type3A_193, %get3A_159, %dot_general3A_194 {dimension_numbers = #tpu.dot_dimension_numbers<[1], [0], [0], [1], [0, 0, 1, 1], [], []>, transpose_lhs_hint = false} : vector<1200x64xbf16>, vector<64x256xbf16>, vector<1200x256xf32> -> vector<1200x256xf32>
    %add3A_196 = arith.addf %dot_general3A_192, %dot_general3A_195 : vector<1200x256xf32>
    %add3A_197 = vector.broadcast %get3A_162 : vector<1x256xf32> to vector<1200x256xf32>
    %add3A_198 = arith.addf %add3A_196, %add3A_197 : vector<1200x256xf32>
    %logistic3A_199 = arith.negf %add3A_198 : vector<1200x256xf32>
    %logistic3A_200 = math.exp %logistic3A_199 : vector<1200x256xf32>
    %logistic3A_201 = arith.constant 1.000000e+00 : f32
    %logistic3A_202 = vector.broadcast %logistic3A_201 : f32 to vector<1200x256xf32>
    %logistic3A_203 = arith.addf %logistic3A_202, %logistic3A_200 : vector<1200x256xf32>
    %logistic3A_204 = arith.divf %logistic3A_202, %logistic3A_203 : vector<1200x256xf32>
    %convert_element_type3A_205 = arith.truncf %logistic3A_204 : vector<1200x256xf32> to vector<1200x256xbf16>
    %dot_general3A_206 = arith.constant dense<0.000000e+00> : vector<1200x64xf32>
    %dot_general3A_207 = tpu.matmul %convert_element_type3A_205, %get3A_168, %dot_general3A_206 {dimension_numbers = #tpu.dot_dimension_numbers<[1], [0], [0], [1], [0, 0, 1, 1], [], []>, transpose_lhs_hint = false} : vector<1200x256xbf16>, vector<256x64xbf16>, vector<1200x64xf32> -> vector<1200x64xf32>
    %add3A_208 = vector.broadcast %get3A_171 : vector<1x64xf32> to vector<1200x64xf32>
    %add3A_209 = arith.addf %dot_general3A_207, %add3A_208 : vector<1200x64xf32>
    %logistic3A_210 = arith.negf %add3A_209 : vector<1200x64xf32>
    %logistic3A_211 = math.exp %logistic3A_210 : vector<1200x64xf32>
    %logistic3A_212 = arith.constant 1.000000e+00 : f32
    %logistic3A_213 = vector.broadcast %logistic3A_212 : f32 to vector<1200x64xf32>
    %logistic3A_214 = arith.addf %logistic3A_213, %logistic3A_211 : vector<1200x64xf32>
    %logistic3A_215 = arith.divf %logistic3A_213, %logistic3A_214 : vector<1200x64xf32>
    %convert_element_type3A_216 = arith.truncf %dot_general3A_174 : vector<1200x64xf32> to vector<1200x64xbf16>
    %dot_general3A_217 = arith.constant dense<0.000000e+00> : vector<1200x64xf32>
    %dot_general3A_218 = tpu.matmul %convert_element_type3A_216, %get3A_165, %dot_general3A_217 {dimension_numbers = #tpu.dot_dimension_numbers<[1], [0], [0], [1], [0, 0, 1, 1], [], []>, transpose_lhs_hint = false} : vector<1200x64xbf16>, vector<64x64xbf16>, vector<1200x64xf32> -> vector<1200x64xf32>
    %mul3A_219 = arith.mulf %dot_general3A_218, %logistic3A_215 : vector<1200x64xf32>
    %convert_element_type3A_220 = arith.truncf %dot_general3A_177 : vector<1200x64xf32> to vector<1200x64xbf16>
    %dot_general3A_221 = arith.constant dense<0.000000e+00> : vector<1200x64xf32>
    %dot_general3A_222 = tpu.matmul %convert_element_type3A_220, %get3A_165, %dot_general3A_221 {dimension_numbers = #tpu.dot_dimension_numbers<[1], [0], [0], [1], [0, 0, 1, 1], [], []>, transpose_lhs_hint = false} : vector<1200x64xbf16>, vector<64x64xbf16>, vector<1200x64xf32> -> vector<1200x64xf32>
    %mul3A_223 = arith.mulf %dot_general3A_222, %logistic3A_215 : vector<1200x64xf32>
    %convert_element_type3A_224 = arith.truncf %dot_general3A_180 : vector<1200x64xf32> to vector<1200x64xbf16>
    %dot_general3A_225 = arith.constant dense<0.000000e+00> : vector<1200x64xf32>
    %dot_general3A_226 = tpu.matmul %convert_element_type3A_224, %get3A_165, %dot_general3A_225 {dimension_numbers = #tpu.dot_dimension_numbers<[1], [0], [0], [1], [0, 0, 1, 1], [], []>, transpose_lhs_hint = false} : vector<1200x64xbf16>, vector<64x64xbf16>, vector<1200x64xf32> -> vector<1200x64xf32>
    %mul3A_227 = arith.mulf %dot_general3A_226, %logistic3A_215 : vector<1200x64xf32>
    %max3A_228 = arith.constant 0.000000e+00 : f32
    %max3A_229 = vector.broadcast %max3A_228 : f32 to vector<1200x256xf32>
    %max3A_230 = arith.maximumf %add3A_198, %max3A_229 : vector<1200x256xf32>
    %get3A_231 = arith.constant 0 : index
    %get3A_232 = arith.constant 0 : index
    %get3A_233 = vector.load %arg26[%get3A_231, %get3A_232] : memref<64x64xbf16, #tpu.memory_space<vmem>>, vector<64x64xbf16>
    %get3A_234 = arith.constant 0 : index
    %get3A_235 = arith.constant 0 : index
    %get3A_236 = vector.load %arg27[%get3A_234, %get3A_235] : memref<256x256xbf16, #tpu.memory_space<vmem>>, vector<256x256xbf16>
    %get3A_237 = arith.constant 0 : index
    %get3A_238 = arith.constant 0 : index
    %get3A_239 = vector.load %arg28[%get3A_237, %get3A_238] : memref<64x256xbf16, #tpu.memory_space<vmem>>, vector<64x256xbf16>
    %get3A_240 = arith.constant 0 : index
    %get3A_241 = arith.constant 0 : index
    %get3A_242 = vector.load %arg29[%get3A_240, %get3A_241] : memref<1x256xf32, #tpu.memory_space<vmem>>, vector<1x256xf32>
    %get3A_243 = arith.constant 0 : index
    %get3A_244 = arith.constant 0 : index
    %get3A_245 = vector.load %arg30[%get3A_243, %get3A_244] : memref<64x64xbf16, #tpu.memory_space<vmem>>, vector<64x64xbf16>
    %get3A_246 = arith.constant 0 : index
    %get3A_247 = arith.constant 0 : index
    %get3A_248 = vector.load %arg31[%get3A_246, %get3A_247] : memref<256x64xbf16, #tpu.memory_space<vmem>>, vector<256x64xbf16>
    %get3A_249 = arith.constant 0 : index
    %get3A_250 = arith.constant 0 : index
    %get3A_251 = vector.load %arg32[%get3A_249, %get3A_250] : memref<1x64xf32, #tpu.memory_space<vmem>>, vector<1x64xf32>
    %convert_element_type3A_252 = arith.truncf %mul3A_219 : vector<1200x64xf32> to vector<1200x64xbf16>
    %dot_general3A_253 = arith.constant dense<0.000000e+00> : vector<1200x64xf32>
    %dot_general3A_254 = tpu.matmul %convert_element_type3A_252, %get3A_233, %dot_general3A_253 {dimension_numbers = #tpu.dot_dimension_numbers<[1], [0], [0], [1], [0, 0, 1, 1], [], []>, transpose_lhs_hint = false} : vector<1200x64xbf16>, vector<64x64xbf16>, vector<1200x64xf32> -> vector<1200x64xf32>
    %convert_element_type3A_255 = arith.truncf %mul3A_223 : vector<1200x64xf32> to vector<1200x64xbf16>
    %dot_general3A_256 = arith.constant dense<0.000000e+00> : vector<1200x64xf32>
    %dot_general3A_257 = tpu.matmul %convert_element_type3A_255, %get3A_233, %dot_general3A_256 {dimension_numbers = #tpu.dot_dimension_numbers<[1], [0], [0], [1], [0, 0, 1, 1], [], []>, transpose_lhs_hint = false} : vector<1200x64xbf16>, vector<64x64xbf16>, vector<1200x64xf32> -> vector<1200x64xf32>
    %convert_element_type3A_258 = arith.truncf %mul3A_227 : vector<1200x64xf32> to vector<1200x64xbf16>
    %dot_general3A_259 = arith.constant dense<0.000000e+00> : vector<1200x64xf32>
    %dot_general3A_260 = tpu.matmul %convert_element_type3A_258, %get3A_233, %dot_general3A_259 {dimension_numbers = #tpu.dot_dimension_numbers<[1], [0], [0], [1], [0, 0, 1, 1], [], []>, transpose_lhs_hint = false} : vector<1200x64xbf16>, vector<64x64xbf16>, vector<1200x64xf32> -> vector<1200x64xf32>
    %mul3A_261 = arith.mulf %dot_general3A_254, %dot_general3A_254 : vector<1200x64xf32>
    %mul3A_262 = arith.mulf %dot_general3A_257, %dot_general3A_257 : vector<1200x64xf32>
    %add3A_263 = arith.addf %mul3A_261, %mul3A_262 : vector<1200x64xf32>
    %mul3A_264 = arith.mulf %dot_general3A_260, %dot_general3A_260 : vector<1200x64xf32>
    %add3A_265 = arith.addf %add3A_263, %mul3A_264 : vector<1200x64xf32>
    %max3A_266 = arith.constant 9.99999993E-9 : f32
    %max3A_267 = vector.broadcast %max3A_266 : f32 to vector<1200x64xf32>
    %max3A_268 = arith.maximumf %add3A_265, %max3A_267 : vector<1200x64xf32>
    %sqrt3A_269 = math.sqrt %max3A_268 : vector<1200x64xf32>
    %convert_element_type3A_270 = arith.truncf %max3A_230 : vector<1200x256xf32> to vector<1200x256xbf16>
    %dot_general3A_271 = arith.constant dense<0.000000e+00> : vector<1200x256xf32>
    %dot_general3A_272 = tpu.matmul %convert_element_type3A_270, %get3A_236, %dot_general3A_271 {dimension_numbers = #tpu.dot_dimension_numbers<[1], [0], [0], [1], [0, 0, 1, 1], [], []>, transpose_lhs_hint = false} : vector<1200x256xbf16>, vector<256x256xbf16>, vector<1200x256xf32> -> vector<1200x256xf32>
    %convert_element_type3A_273 = arith.truncf %sqrt3A_269 : vector<1200x64xf32> to vector<1200x64xbf16>
    %dot_general3A_274 = arith.constant dense<0.000000e+00> : vector<1200x256xf32>
    %dot_general3A_275 = tpu.matmul %convert_element_type3A_273, %get3A_239, %dot_general3A_274 {dimension_numbers = #tpu.dot_dimension_numbers<[1], [0], [0], [1], [0, 0, 1, 1], [], []>, transpose_lhs_hint = false} : vector<1200x64xbf16>, vector<64x256xbf16>, vector<1200x256xf32> -> vector<1200x256xf32>
    %add3A_276 = arith.addf %dot_general3A_272, %dot_general3A_275 : vector<1200x256xf32>
    %add3A_277 = vector.broadcast %get3A_242 : vector<1x256xf32> to vector<1200x256xf32>
    %add3A_278 = arith.addf %add3A_276, %add3A_277 : vector<1200x256xf32>
    %convert_element_type3A_279 = arith.truncf %add3A_278 : vector<1200x256xf32> to vector<1200x256xbf16>
    %dot_general3A_280 = arith.constant dense<0.000000e+00> : vector<1200x64xf32>
    %dot_general3A_281 = tpu.matmul %convert_element_type3A_279, %get3A_248, %dot_general3A_280 {dimension_numbers = #tpu.dot_dimension_numbers<[1], [0], [0], [1], [0, 0, 1, 1], [], []>, transpose_lhs_hint = false} : vector<1200x256xbf16>, vector<256x64xbf16>, vector<1200x64xf32> -> vector<1200x64xf32>
    %add3A_282 = vector.broadcast %get3A_251 : vector<1x64xf32> to vector<1200x64xf32>
    %add3A_283 = arith.addf %dot_general3A_281, %add3A_282 : vector<1200x64xf32>
    %logistic3A_284 = arith.negf %add3A_283 : vector<1200x64xf32>
    %logistic3A_285 = math.exp %logistic3A_284 : vector<1200x64xf32>
    %logistic3A_286 = arith.constant 1.000000e+00 : f32
    %logistic3A_287 = vector.broadcast %logistic3A_286 : f32 to vector<1200x64xf32>
    %logistic3A_288 = arith.addf %logistic3A_287, %logistic3A_285 : vector<1200x64xf32>
    %logistic3A_289 = arith.divf %logistic3A_287, %logistic3A_288 : vector<1200x64xf32>
    %convert_element_type3A_290 = arith.truncf %dot_general3A_254 : vector<1200x64xf32> to vector<1200x64xbf16>
    %dot_general3A_291 = arith.constant dense<0.000000e+00> : vector<1200x64xf32>
    %dot_general3A_292 = tpu.matmul %convert_element_type3A_290, %get3A_245, %dot_general3A_291 {dimension_numbers = #tpu.dot_dimension_numbers<[1], [0], [0], [1], [0, 0, 1, 1], [], []>, transpose_lhs_hint = false} : vector<1200x64xbf16>, vector<64x64xbf16>, vector<1200x64xf32> -> vector<1200x64xf32>
    %mul3A_293 = arith.mulf %dot_general3A_292, %logistic3A_289 : vector<1200x64xf32>
    %convert_element_type3A_294 = arith.truncf %dot_general3A_257 : vector<1200x64xf32> to vector<1200x64xbf16>
    %dot_general3A_295 = arith.constant dense<0.000000e+00> : vector<1200x64xf32>
    %dot_general3A_296 = tpu.matmul %convert_element_type3A_294, %get3A_245, %dot_general3A_295 {dimension_numbers = #tpu.dot_dimension_numbers<[1], [0], [0], [1], [0, 0, 1, 1], [], []>, transpose_lhs_hint = false} : vector<1200x64xbf16>, vector<64x64xbf16>, vector<1200x64xf32> -> vector<1200x64xf32>
    %mul3A_297 = arith.mulf %dot_general3A_296, %logistic3A_289 : vector<1200x64xf32>
    %convert_element_type3A_298 = arith.truncf %dot_general3A_260 : vector<1200x64xf32> to vector<1200x64xbf16>
    %dot_general3A_299 = arith.constant dense<0.000000e+00> : vector<1200x64xf32>
    %dot_general3A_300 = tpu.matmul %convert_element_type3A_298, %get3A_245, %dot_general3A_299 {dimension_numbers = #tpu.dot_dimension_numbers<[1], [0], [0], [1], [0, 0, 1, 1], [], []>, transpose_lhs_hint = false} : vector<1200x64xbf16>, vector<64x64xbf16>, vector<1200x64xf32> -> vector<1200x64xf32>
    %mul3A_301 = arith.mulf %dot_general3A_300, %logistic3A_289 : vector<1200x64xf32>
    %broadcast_in_dim3A = arith.constant 1.000000e+00 : f32
    %broadcast_in_dim3A_302 = vector.broadcast %broadcast_in_dim3A : f32 to vector<1200x64xf32>
    %concatenate3A = tpu.concatenate %mul3A_293, %mul3A_297, %mul3A_301, %broadcast_in_dim3A_302 in 1 : vector<1200x64xf32>, vector<1200x64xf32>, vector<1200x64xf32>, vector<1200x64xf32> -> vector<1200x256xf32>
    %concatenate3A_303 = tpu.concatenate %add3A_278, %concatenate3A in 1 : vector<1200x256xf32>, vector<1200x256xf32> -> vector<1200x512xf32>
    %get3A_304 = arith.constant 0 : index
    %get3A_305 = arith.constant 0 : index
    %get3A_306 = arith.constant 0 : index
    %get3A_307 = vector.load %arg7[%get3A_304, %get3A_305, %get3A_306] : memref<1x1x1200xi32, #tpu.memory_space<vmem>>, vector<1x1x1200xi32>
    %squeeze3A = vector.shape_cast %get3A_307 : vector<1x1x1200xi32> to vector<1x1200xi32>
    %iota3A = tpu.iota {dimensions = array<i32: 0>} : vector<1200x1200xi32>
    %eq3A = vector.broadcast %squeeze3A : vector<1x1200xi32> to vector<1200x1200xi32>
    %eq3A_308 = arith.cmpi eq, %iota3A, %eq3A : vector<1200x1200xi32>
    %jit3A = arith.constant 1.000000e+00 : f32
    %jit3A_309 = arith.constant 0.000000e+00 : f32
    %broadcast_in_dim3A_310 = vector.broadcast %jit3A : f32 to vector<1200x1200xf32>
    %broadcast_in_dim3A_311 = vector.broadcast %jit3A_309 : f32 to vector<1200x1200xf32>
    %select_n3A = arith.select %eq3A_308, %broadcast_in_dim3A_310, %broadcast_in_dim3A_311 : vector<1200x1200xi1>, vector<1200x1200xf32>
    %convert_element_type3A_312 = arith.truncf %select_n3A : vector<1200x1200xf32> to vector<1200x1200xbf16>
    %eq3A_313 = arith.constant 0 : i32
    %eq3A_314 = arith.cmpi eq, %arg0, %eq3A_313 : i32
    %convert_element_type3A_315 = arith.extui %eq3A_314 : i1 to i32
    %cond3A = arith.constant 0 : i32
    %cond3A_316 = arith.cmpi ne, %convert_element_type3A_315, %cond3A : i32
    scf.if %cond3A_316 {
      %broadcast_in_dim3A_326 = arith.constant 0.000000e+00 : f32
      %broadcast_in_dim3A_327 = vector.broadcast %broadcast_in_dim3A_326 : f32 to vector<1200x512xf32>
      %swap3A_328 = arith.constant 0 : index
      %swap3A_329 = arith.constant 0 : index
      %swap3A_330 = vector.load %arg33[%swap3A_328, %swap3A_329] : memref<1200x512xf32, #tpu.memory_space<vmem>>, vector<1200x512xf32>
      tpu.vector_store %arg33[%swap3A_328, %swap3A_329], %broadcast_in_dim3A_327 {strides = array<i32>} : memref<1200x512xf32, #tpu.memory_space<vmem>>, vector<1200x512xf32>,
    } else {
    }
    %get3A_317 = arith.constant 0 : index
    %get3A_318 = arith.constant 0 : index
    %get3A_319 = vector.load %arg33[%get3A_317, %get3A_318] : memref<1200x512xf32, #tpu.memory_space<vmem>>, vector<1200x512xf32>
    %convert_element_type3A_320 = arith.truncf %concatenate3A_303 : vector<1200x512xf32> to vector<1200x512xbf16>
    %dot_general3A_321 = arith.constant dense<0.000000e+00> : vector<1200x512xf32>
    %dot_general3A_322 = tpu.matmul %convert_element_type3A_312, %convert_element_type3A_320, %dot_general3A_321 {dimension_numbers = #tpu.dot_dimension_numbers<[1], [0], [0], [1], [0, 0, 1, 1], [], []>, transpose_lhs_hint = false} : vector<1200x1200xbf16>, vector<1200x512xbf16>, vector<1200x512xf32> -> vector<1200x512xf32>
    %add3A_323 = arith.addf %get3A_319, %dot_general3A_322 : vector<1200x512xf32>
    %swap3A = arith.constant 0 : index
    %swap3A_324 = arith.constant 0 : index
    %swap3A_325 = vector.load %arg33[%swap3A, %swap3A_324] : memref<1200x512xf32, #tpu.memory_space<vmem>>, vector<1200x512xf32>
    tpu.vector_store %arg33[%swap3A, %swap3A_324], %add3A_323 {strides = array<i32>} : memref<1200x512xf32, #tpu.memory_space<vmem>>, vector<1200x512xf32>,
    return
  }
  func.func @transform_0(%arg0: i32) -> (i32, i32) {
    %c0_i32 = arith.constant 0 : i32
    %c0_i32_0 = arith.constant 0 : i32
    return %arg0, %c0_i32 : i32, i32
  }
  func.func @transform_1(%arg0: i32) -> (i32, i32) {
    %c0_i32 = arith.constant 0 : i32
    %c0_i32_0 = arith.constant 0 : i32
    return %arg0, %c0_i32 : i32, i32
  }
  func.func @transform_2(%arg0: i32) -> (i32, i32) {
    %c0_i32 = arith.constant 0 : i32
    %c0_i32_0 = arith.constant 0 : i32
    return %arg0, %c0_i32 : i32, i32
  }
  func.func @transform_3(%arg0: i32) -> (i32, i32) {
    %c0_i32 = arith.constant 0 : i32
    %c0_i32_0 = arith.constant 0 : i32
    return %arg0, %c0_i32 : i32, i32
  }
  func.func @transform_4(%arg0: i32) -> (i32, i32) {
    %c0_i32 = arith.constant 0 : i32
    %c0_i32_0 = arith.constant 0 : i32
    return %arg0, %c0_i32 : i32, i32
  }
  func.func @transform_5(%arg0: i32) -> (i32, i32) {
    %c0_i32 = arith.constant 0 : i32
    %c0_i32_0 = arith.constant 0 : i32
    return %arg0, %c0_i32 : i32, i32
  }
  func.func @transform_6(%arg0: i32) -> (i32, i32, i32) {
    %c0_i32 = arith.constant 0 : i32
    %c0_i32_0 = arith.constant 0 : i32
    %c0_i32_1 = arith.constant 0 : i32
    return %arg0, %c0_i32, %c0_i32_0 : i32, i32, i32
  }
  func.func @transform_7(%arg0: i32) -> (i32, i32) {
    %c0_i32 = arith.constant 0 : i32
    %c0_i32_0 = arith.constant 0 : i32
    %c0_i32_1 = arith.constant 0 : i32
    return %c0_i32, %c0_i32_0 : i32, i32
  }
  func.func @transform_8(%arg0: i32) -> (i32, i32) {
    %c0_i32 = arith.constant 0 : i32
    %c0_i32_0 = arith.constant 0 : i32
    %c0_i32_1 = arith.constant 0 : i32
    return %c0_i32, %c0_i32_0 : i32, i32
  }
  func.func @transform_9(%arg0: i32) -> (i32, i32) {
    %c0_i32 = arith.constant 0 : i32
    %c0_i32_0 = arith.constant 0 : i32
    %c0_i32_1 = arith.constant 0 : i32
    return %c0_i32, %c0_i32_0 : i32, i32
  }
  func.func @transform_10(%arg0: i32) -> (i32, i32) {
    %c0_i32 = arith.constant 0 : i32
    %c0_i32_0 = arith.constant 0 : i32
    %c0_i32_1 = arith.constant 0 : i32
    return %c0_i32, %c0_i32_0 : i32, i32
  }
  func.func @transform_11(%arg0: i32) -> (i32, i32) {
    %c0_i32 = arith.constant 0 : i32
    %c0_i32_0 = arith.constant 0 : i32
    %c0_i32_1 = arith.constant 0 : i32
    return %c0_i32, %c0_i32_0 : i32, i32
  }
  func.func @transform_12(%arg0: i32) -> (i32, i32) {
    %c0_i32 = arith.constant 0 : i32
    %c0_i32_0 = arith.constant 0 : i32
    %c0_i32_1 = arith.constant 0 : i32
    return %c0_i32, %c0_i32_0 : i32, i32
  }
  func.func @transform_13(%arg0: i32) -> (i32, i32) {
    %c0_i32 = arith.constant 0 : i32
    %c0_i32_0 = arith.constant 0 : i32
    %c0_i32_1 = arith.constant 0 : i32
    return %c0_i32, %c0_i32_0 : i32, i32
  }
  func.func @transform_14(%arg0: i32) -> (i32, i32) {
    %c0_i32 = arith.constant 0 : i32
    %c0_i32_0 = arith.constant 0 : i32
    %c0_i32_1 = arith.constant 0 : i32
    return %c0_i32, %c0_i32_0 : i32, i32
  }
  func.func @transform_15(%arg0: i32) -> (i32, i32) {
    %c0_i32 = arith.constant 0 : i32
    %c0_i32_0 = arith.constant 0 : i32
    %c0_i32_1 = arith.constant 0 : i32
    return %c0_i32, %c0_i32_0 : i32, i32
  }
  func.func @transform_16(%arg0: i32) -> (i32, i32) {
    %c0_i32 = arith.constant 0 : i32
    %c0_i32_0 = arith.constant 0 : i32
    %c0_i32_1 = arith.constant 0 : i32
    return %c0_i32, %c0_i32_0 : i32, i32
  }
  func.func @transform_17(%arg0: i32) -> (i32, i32) {
    %c0_i32 = arith.constant 0 : i32
    %c0_i32_0 = arith.constant 0 : i32
    %c0_i32_1 = arith.constant 0 : i32
    return %c0_i32, %c0_i32_0 : i32, i32
  }
  func.func @transform_18(%arg0: i32) -> (i32, i32) {
    %c0_i32 = arith.constant 0 : i32
    %c0_i32_0 = arith.constant 0 : i32
    %c0_i32_1 = arith.constant 0 : i32
    return %c0_i32, %c0_i32_0 : i32, i32
  }
  func.func @transform_19(%arg0: i32) -> (i32, i32) {
    %c0_i32 = arith.constant 0 : i32
    %c0_i32_0 = arith.constant 0 : i32
    %c0_i32_1 = arith.constant 0 : i32
    return %c0_i32, %c0_i32_0 : i32, i32
  }
  func.func @transform_20(%arg0: i32) -> (i32, i32) {
    %c0_i32 = arith.constant 0 : i32
    %c0_i32_0 = arith.constant 0 : i32
    %c0_i32_1 = arith.constant 0 : i32
    return %c0_i32, %c0_i32_0 : i32, i32
  }
  func.func @transform_21(%arg0: i32) -> (i32, i32) {
    %c0_i32 = arith.constant 0 : i32
    %c0_i32_0 = arith.constant 0 : i32
    %c0_i32_1 = arith.constant 0 : i32
    return %c0_i32, %c0_i32_0 : i32, i32
  }
  func.func @transform_22(%arg0: i32) -> (i32, i32) {
    %c0_i32 = arith.constant 0 : i32
    %c0_i32_0 = arith.constant 0 : i32
    %c0_i32_1 = arith.constant 0 : i32
    return %c0_i32, %c0_i32_0 : i32, i32
  }
  func.func @transform_23(%arg0: i32) -> (i32, i32) {
    %c0_i32 = arith.constant 0 : i32
    %c0_i32_0 = arith.constant 0 : i32
    %c0_i32_1 = arith.constant 0 : i32
    return %c0_i32, %c0_i32_0 : i32, i32
  }
  func.func @transform_24(%arg0: i32) -> (i32, i32) {
    %c0_i32 = arith.constant 0 : i32
    %c0_i32_0 = arith.constant 0 : i32
    %c0_i32_1 = arith.constant 0 : i32
    return %c0_i32, %c0_i32_0 : i32, i32
  }
  func.func @transform_25(%arg0: i32) -> (i32, i32) {
    %c0_i32 = arith.constant 0 : i32
    %c0_i32_0 = arith.constant 0 : i32
    %c0_i32_1 = arith.constant 0 : i32
    return %c0_i32, %c0_i32_0 : i32, i32
  }
  func.func @transform_26(%arg0: i32) -> (i32, i32) {
    %c0_i32 = arith.constant 0 : i32
    %c0_i32_0 = arith.constant 0 : i32
    %c0_i32_1 = arith.constant 0 : i32
    return %c0_i32, %c0_i32_0 : i32, i32
  }
  func.func @transform_27(%arg0: i32) -> (i32, i32) {
    %c0_i32 = arith.constant 0 : i32
    %c0_i32_0 = arith.constant 0 : i32
    %c0_i32_1 = arith.constant 0 : i32
    return %c0_i32, %c0_i32_0 : i32, i32
  }
  func.func @transform_28(%arg0: i32) -> (i32, i32) {
    %c0_i32 = arith.constant 0 : i32
    %c0_i32_0 = arith.constant 0 : i32
    %c0_i32_1 = arith.constant 0 : i32
    return %c0_i32, %c0_i32_0 : i32, i32
  }
  func.func @transform_29(%arg0: i32) -> (i32, i32) {
    %c0_i32 = arith.constant 0 : i32
    %c0_i32_0 = arith.constant 0 : i32
    %c0_i32_1 = arith.constant 0 : i32
    return %c0_i32, %c0_i32_0 : i32, i32
  }
  func.func @transform_30(%arg0: i32) -> (i32, i32) {
    %c0_i32 = arith.constant 0 : i32
    %c0_i32_0 = arith.constant 0 : i32
    %c0_i32_1 = arith.constant 0 : i32
    return %c0_i32, %c0_i32_0 : i32, i32
  }
  func.func @transform_31(%arg0: i32) -> (i32, i32) {
    %c0_i32 = arith.constant 0 : i32
    %c0_i32_0 = arith.constant 0 : i32
    %c0_i32_1 = arith.constant 0 : i32
    return %c0_i32, %c0_i32_0 : i32, i32
  }
  func.func @transform_32(%arg0: i32) -> (i32, i32) {
    %c0_i32 = arith.constant 0 : i32
    %c0_i32_0 = arith.constant 0 : i32
    %c0_i32_1 = arith.constant 0 : i32
    return %c0_i32, %c0_i32_0 : i32, i32
  }
}

module attributes {stable_mosaic.version = 14 : i64} {
  func.func @_node_body(%arg0: i32, %arg1: memref<240x256xf32, #tpu.memory_space<vmem>>, %arg2: memref<240x256xf32, #tpu.memory_space<vmem>>, %arg3: memref<240x512xf32, #tpu.memory_space<vmem>>, %arg4: memref<1x256xf32, #tpu.memory_space<vmem>>, %arg5: memref<1x256xf32, #tpu.memory_space<vmem>>, %arg6: memref<64x128xf32, #tpu.memory_space<vmem>>, %arg7: memref<256x1024xf32, #tpu.memory_space<vmem>>, %arg8: memref<128x1024xf32, #tpu.memory_space<vmem>>, %arg9: memref<1x1024xf32, #tpu.memory_space<vmem>>, %arg10: memref<128x128xf32, #tpu.memory_space<vmem>>, %arg11: memref<1024x128xf32, #tpu.memory_space<vmem>>, %arg12: memref<1x128xf32, #tpu.memory_space<vmem>>, %arg13: memref<128x128xf32, #tpu.memory_space<vmem>>, %arg14: memref<1024x256xf32, #tpu.memory_space<vmem>>, %arg15: memref<128x256xf32, #tpu.memory_space<vmem>>, %arg16: memref<1x256xf32, #tpu.memory_space<vmem>>, %arg17: memref<128x64xf32, #tpu.memory_space<vmem>>, %arg18: memref<256x64xf32, #tpu.memory_space<vmem>>, %arg19: memref<1x64xf32, #tpu.memory_space<vmem>>, %arg20: memref<1x256xf32, #tpu.memory_space<vmem>>, %arg21: memref<1x256xf32, #tpu.memory_space<vmem>>, %arg22: memref<240x256xf32, #tpu.memory_space<vmem>>, %arg23: memref<240x256xf32, #tpu.memory_space<vmem>>) attributes {dimension_semantics = [#tpu.dimension_semantics<arbitrary>], iteration_bounds = array<i64: 5>, scalar_prefetch = 0 : i64, scratch_operands = 0 : i64, tpu.core_type = #tpu.core_type<tc>, window_params = [{transform_indices = @transform_0, window_bounds = array<i64: 240, 256>}, {transform_indices = @transform_1, window_bounds = array<i64: 240, 256>}, {transform_indices = @transform_2, window_bounds = array<i64: 240, 512>}, {pipeline_mode = #tpu.pipeline_mode<synchronous>, transform_indices = @transform_3, window_bounds = array<i64: 1, 256>}, {pipeline_mode = #tpu.pipeline_mode<synchronous>, transform_indices = @transform_4, window_bounds = array<i64: 1, 256>}, {pipeline_mode = #tpu.pipeline_mode<synchronous>, transform_indices = @transform_5, window_bounds = array<i64: 64, 128>}, {pipeline_mode = #tpu.pipeline_mode<synchronous>, transform_indices = @transform_6, window_bounds = array<i64: 256, 1024>}, {pipeline_mode = #tpu.pipeline_mode<synchronous>, transform_indices = @transform_7, window_bounds = array<i64: 128, 1024>}, {pipeline_mode = #tpu.pipeline_mode<synchronous>, transform_indices = @transform_8, window_bounds = array<i64: 1, 1024>}, {pipeline_mode = #tpu.pipeline_mode<synchronous>, transform_indices = @transform_9, window_bounds = array<i64: 128, 128>}, {pipeline_mode = #tpu.pipeline_mode<synchronous>, transform_indices = @transform_10, window_bounds = array<i64: 1024, 128>}, {pipeline_mode = #tpu.pipeline_mode<synchronous>, transform_indices = @transform_11, window_bounds = array<i64: 1, 128>}, {pipeline_mode = #tpu.pipeline_mode<synchronous>, transform_indices = @transform_12, window_bounds = array<i64: 128, 128>}, {pipeline_mode = #tpu.pipeline_mode<synchronous>, transform_indices = @transform_13, window_bounds = array<i64: 1024, 256>}, {pipeline_mode = #tpu.pipeline_mode<synchronous>, transform_indices = @transform_14, window_bounds = array<i64: 128, 256>}, {pipeline_mode = #tpu.pipeline_mode<synchronous>, transform_indices = @transform_15, window_bounds = array<i64: 1, 256>}, {pipeline_mode = #tpu.pipeline_mode<synchronous>, transform_indices = @transform_16, window_bounds = array<i64: 128, 64>}, {pipeline_mode = #tpu.pipeline_mode<synchronous>, transform_indices = @transform_17, window_bounds = array<i64: 256, 64>}, {pipeline_mode = #tpu.pipeline_mode<synchronous>, transform_indices = @transform_18, window_bounds = array<i64: 1, 64>}, {pipeline_mode = #tpu.pipeline_mode<synchronous>, transform_indices = @transform_19, window_bounds = array<i64: 1, 256>}, {pipeline_mode = #tpu.pipeline_mode<synchronous>, transform_indices = @transform_20, window_bounds = array<i64: 1, 256>}, {transform_indices = @transform_21, window_bounds = array<i64: 240, 256>}, {transform_indices = @transform_22, window_bounds = array<i64: 240, 256>}]} {
    %get3A = arith.constant 0 : index
    %get3A_0 = arith.constant 0 : index
    %get3A_1 = vector.load %arg3[%get3A, %get3A_0] : memref<240x512xf32, #tpu.memory_space<vmem>>, vector<240x512xf32>
    %slice3A = vector.extract_strided_slice %get3A_1 {offsets = [0, 448], sizes = [240, 1], strides = [1, 1]} : vector<240x512xf32> to vector<240x1xf32>
    %max3A = arith.constant 1.000000e+00 : f32
    %max3A_2 = vector.broadcast %max3A : f32 to vector<240x1xf32>
    %max3A_3 = arith.maximumf %slice3A, %max3A_2 : vector<240x1xf32>
    %get3A_4 = arith.constant 0 : index
    %get3A_5 = arith.constant 0 : index
    %get3A_6 = vector.load %arg1[%get3A_4, %get3A_5] : memref<240x256xf32, #tpu.memory_space<vmem>>, vector<240x256xf32>
    %slice3A_7 = vector.extract_strided_slice %get3A_1 {offsets = [0, 0], sizes = [240, 256], strides = [1, 1]} : vector<240x512xf32> to vector<240x256xf32>
    %div3A = vector.broadcast %max3A_3 : vector<240x1xf32> to vector<240x256xf32>
    %div3A_8 = arith.divf %slice3A_7, %div3A : vector<240x256xf32>
    %add3A = arith.addf %get3A_6, %div3A_8 : vector<240x256xf32>
    %get3A_9 = arith.constant 0 : index
    %get3A_10 = arith.constant 0 : index
    %get3A_11 = vector.load %arg2[%get3A_9, %get3A_10] : memref<240x256xf32, #tpu.memory_space<vmem>>, vector<240x256xf32>
    %slice3A_12 = vector.extract_strided_slice %get3A_11 {offsets = [0, 0], sizes = [240, 64], strides = [1, 1]} : vector<240x256xf32> to vector<240x64xf32>
    %slice3A_13 = vector.extract_strided_slice %get3A_11 {offsets = [0, 64], sizes = [240, 64], strides = [1, 1]} : vector<240x256xf32> to vector<240x64xf32>
    %slice3A_14 = vector.extract_strided_slice %get3A_11 {offsets = [0, 128], sizes = [240, 64], strides = [1, 1]} : vector<240x256xf32> to vector<240x64xf32>
    %slice3A_15 = vector.extract_strided_slice %get3A_1 {offsets = [0, 256], sizes = [240, 256], strides = [1, 1]} : vector<240x512xf32> to vector<240x256xf32>
    %slice3A_16 = vector.extract_strided_slice %slice3A_15 {offsets = [0, 0], sizes = [240, 64], strides = [1, 1]} : vector<240x256xf32> to vector<240x64xf32>
    %slice3A_17 = vector.extract_strided_slice %slice3A_15 {offsets = [0, 64], sizes = [240, 64], strides = [1, 1]} : vector<240x256xf32> to vector<240x64xf32>
    %slice3A_18 = vector.extract_strided_slice %slice3A_15 {offsets = [0, 128], sizes = [240, 64], strides = [1, 1]} : vector<240x256xf32> to vector<240x64xf32>
    %div3A_19 = vector.broadcast %max3A_3 : vector<240x1xf32> to vector<240x64xf32>
    %div3A_20 = arith.divf %slice3A_16, %div3A_19 : vector<240x64xf32>
    %add3A_21 = arith.addf %slice3A_12, %div3A_20 : vector<240x64xf32>
    %div3A_22 = vector.broadcast %max3A_3 : vector<240x1xf32> to vector<240x64xf32>
    %div3A_23 = arith.divf %slice3A_17, %div3A_22 : vector<240x64xf32>
    %add3A_24 = arith.addf %slice3A_13, %div3A_23 : vector<240x64xf32>
    %div3A_25 = vector.broadcast %max3A_3 : vector<240x1xf32> to vector<240x64xf32>
    %div3A_26 = arith.divf %slice3A_18, %div3A_25 : vector<240x64xf32>
    %add3A_27 = arith.addf %slice3A_14, %div3A_26 : vector<240x64xf32>
    %get3A_28 = arith.constant 0 : index
    %get3A_29 = arith.constant 0 : index
    %get3A_30 = vector.load %arg4[%get3A_28, %get3A_29] : memref<1x256xf32, #tpu.memory_space<vmem>>, vector<1x256xf32>
    %get3A_31 = arith.constant 0 : index
    %get3A_32 = arith.constant 0 : index
    %get3A_33 = vector.load %arg5[%get3A_31, %get3A_32] : memref<1x256xf32, #tpu.memory_space<vmem>>, vector<1x256xf32>
    %reduce_sum3A = arith.constant dense<0.000000e+00> : vector<240xf32>
    %reduce_sum3A_34 = vector.multi_reduction <add>, %add3A, %reduce_sum3A [1] : vector<240x256xf32> to vector<240xf32>
    %broadcast_in_dim3A = vector.shape_cast %reduce_sum3A_34 : vector<240xf32> to vector<240x1xf32>
    %div3A_35 = arith.constant 2.560000e+02 : f32
    %div3A_36 = vector.broadcast %div3A_35 : f32 to vector<240x1xf32>
    %div3A_37 = arith.divf %broadcast_in_dim3A, %div3A_36 : vector<240x1xf32>
    %sub3A = vector.broadcast %div3A_37 : vector<240x1xf32> to vector<240x256xf32>
    %sub3A_38 = arith.subf %add3A, %sub3A : vector<240x256xf32>
    %mul3A = arith.mulf %sub3A_38, %sub3A_38 : vector<240x256xf32>
    %reduce_sum3A_39 = arith.constant dense<0.000000e+00> : vector<240xf32>
    %reduce_sum3A_40 = vector.multi_reduction <add>, %mul3A, %reduce_sum3A_39 [1] : vector<240x256xf32> to vector<240xf32>
    %broadcast_in_dim3A_41 = vector.shape_cast %reduce_sum3A_40 : vector<240xf32> to vector<240x1xf32>
    %div3A_42 = arith.constant 2.560000e+02 : f32
    %div3A_43 = vector.broadcast %div3A_42 : f32 to vector<240x1xf32>
    %div3A_44 = arith.divf %broadcast_in_dim3A_41, %div3A_43 : vector<240x1xf32>
    %add3A_45 = arith.constant 9.99999974E-6 : f32
    %add3A_46 = vector.broadcast %add3A_45 : f32 to vector<240x1xf32>
    %add3A_47 = arith.addf %div3A_44, %add3A_46 : vector<240x1xf32>
    %rsqrt3A = math.rsqrt %add3A_47 : vector<240x1xf32>
    %mul3A_48 = vector.broadcast %rsqrt3A : vector<240x1xf32> to vector<240x256xf32>
    %mul3A_49 = arith.mulf %sub3A_38, %mul3A_48 : vector<240x256xf32>
    %mul3A_50 = vector.broadcast %get3A_30 : vector<1x256xf32> to vector<240x256xf32>
    %mul3A_51 = arith.mulf %mul3A_49, %mul3A_50 : vector<240x256xf32>
    %add3A_52 = vector.broadcast %get3A_33 : vector<1x256xf32> to vector<240x256xf32>
    %add3A_53 = arith.addf %mul3A_51, %add3A_52 : vector<240x256xf32>
    %mul3A_54 = arith.mulf %add3A_21, %add3A_21 : vector<240x64xf32>
    %mul3A_55 = arith.mulf %add3A_24, %add3A_24 : vector<240x64xf32>
    %add3A_56 = arith.addf %mul3A_54, %mul3A_55 : vector<240x64xf32>
    %mul3A_57 = arith.mulf %add3A_27, %add3A_27 : vector<240x64xf32>
    %add3A_58 = arith.addf %add3A_56, %mul3A_57 : vector<240x64xf32>
    %max3A_59 = arith.constant 9.99999993E-9 : f32
    %max3A_60 = vector.broadcast %max3A_59 : f32 to vector<240x64xf32>
    %max3A_61 = arith.maximumf %add3A_58, %max3A_60 : vector<240x64xf32>
    %reduce_sum3A_62 = arith.constant dense<0.000000e+00> : vector<240xf32>
    %reduce_sum3A_63 = vector.multi_reduction <add>, %max3A_61, %reduce_sum3A_62 [1] : vector<240x64xf32> to vector<240xf32>
    %broadcast_in_dim3A_64 = vector.shape_cast %reduce_sum3A_63 : vector<240xf32> to vector<240x1xf32>
    %div3A_65 = arith.constant 6.400000e+01 : f32
    %div3A_66 = vector.broadcast %div3A_65 : f32 to vector<240x1xf32>
    %div3A_67 = arith.divf %broadcast_in_dim3A_64, %div3A_66 : vector<240x1xf32>
    %sqrt3A = math.sqrt %div3A_67 : vector<240x1xf32>
    %div3A_68 = vector.broadcast %sqrt3A : vector<240x1xf32> to vector<240x64xf32>
    %div3A_69 = arith.divf %add3A_21, %div3A_68 : vector<240x64xf32>
    %div3A_70 = vector.broadcast %sqrt3A : vector<240x1xf32> to vector<240x64xf32>
    %div3A_71 = arith.divf %add3A_24, %div3A_70 : vector<240x64xf32>
    %div3A_72 = vector.broadcast %sqrt3A : vector<240x1xf32> to vector<240x64xf32>
    %div3A_73 = arith.divf %add3A_27, %div3A_72 : vector<240x64xf32>
    %get3A_74 = arith.constant 0 : index
    %get3A_75 = arith.constant 0 : index
    %get3A_76 = vector.load %arg6[%get3A_74, %get3A_75] : memref<64x128xf32, #tpu.memory_space<vmem>>, vector<64x128xf32>
    %get3A_77 = arith.constant 0 : index
    %get3A_78 = arith.constant 0 : index
    %get3A_79 = vector.load %arg7[%get3A_77, %get3A_78] : memref<256x1024xf32, #tpu.memory_space<vmem>>, vector<256x1024xf32>
    %get3A_80 = arith.constant 0 : index
    %get3A_81 = arith.constant 0 : index
    %get3A_82 = vector.load %arg8[%get3A_80, %get3A_81] : memref<128x1024xf32, #tpu.memory_space<vmem>>, vector<128x1024xf32>
    %get3A_83 = arith.constant 0 : index
    %get3A_84 = arith.constant 0 : index
    %get3A_85 = vector.load %arg9[%get3A_83, %get3A_84] : memref<1x1024xf32, #tpu.memory_space<vmem>>, vector<1x1024xf32>
    %get3A_86 = arith.constant 0 : index
    %get3A_87 = arith.constant 0 : index
    %get3A_88 = vector.load %arg10[%get3A_86, %get3A_87] : memref<128x128xf32, #tpu.memory_space<vmem>>, vector<128x128xf32>
    %get3A_89 = arith.constant 0 : index
    %get3A_90 = arith.constant 0 : index
    %get3A_91 = vector.load %arg11[%get3A_89, %get3A_90] : memref<1024x128xf32, #tpu.memory_space<vmem>>, vector<1024x128xf32>
    %get3A_92 = arith.constant 0 : index
    %get3A_93 = arith.constant 0 : index
    %get3A_94 = vector.load %arg12[%get3A_92, %get3A_93] : memref<1x128xf32, #tpu.memory_space<vmem>>, vector<1x128xf32>
    %convert_element_type3A = arith.truncf %div3A_69 : vector<240x64xf32> to vector<240x64xbf16>
    %convert_element_type3A_95 = arith.truncf %get3A_76 : vector<64x128xf32> to vector<64x128xbf16>
    %dot_general3A = arith.constant dense<0.000000e+00> : vector<240x128xf32>
    %dot_general3A_96 = tpu.matmul %convert_element_type3A, %convert_element_type3A_95, %dot_general3A {dimension_numbers = #tpu.dot_dimension_numbers<[1], [0], [0], [1], [0, 0, 1, 1], [], []>, transpose_lhs_hint = false} : vector<240x64xbf16>, vector<64x128xbf16>, vector<240x128xf32> -> vector<240x128xf32>
    %convert_element_type3A_97 = arith.truncf %div3A_71 : vector<240x64xf32> to vector<240x64xbf16>
    %convert_element_type3A_98 = arith.truncf %get3A_76 : vector<64x128xf32> to vector<64x128xbf16>
    %dot_general3A_99 = arith.constant dense<0.000000e+00> : vector<240x128xf32>
    %dot_general3A_100 = tpu.matmul %convert_element_type3A_97, %convert_element_type3A_98, %dot_general3A_99 {dimension_numbers = #tpu.dot_dimension_numbers<[1], [0], [0], [1], [0, 0, 1, 1], [], []>, transpose_lhs_hint = false} : vector<240x64xbf16>, vector<64x128xbf16>, vector<240x128xf32> -> vector<240x128xf32>
    %convert_element_type3A_101 = arith.truncf %div3A_73 : vector<240x64xf32> to vector<240x64xbf16>
    %convert_element_type3A_102 = arith.truncf %get3A_76 : vector<64x128xf32> to vector<64x128xbf16>
    %dot_general3A_103 = arith.constant dense<0.000000e+00> : vector<240x128xf32>
    %dot_general3A_104 = tpu.matmul %convert_element_type3A_101, %convert_element_type3A_102, %dot_general3A_103 {dimension_numbers = #tpu.dot_dimension_numbers<[1], [0], [0], [1], [0, 0, 1, 1], [], []>, transpose_lhs_hint = false} : vector<240x64xbf16>, vector<64x128xbf16>, vector<240x128xf32> -> vector<240x128xf32>
    %mul3A_105 = arith.mulf %dot_general3A_96, %dot_general3A_96 : vector<240x128xf32>
    %mul3A_106 = arith.mulf %dot_general3A_100, %dot_general3A_100 : vector<240x128xf32>
    %add3A_107 = arith.addf %mul3A_105, %mul3A_106 : vector<240x128xf32>
    %mul3A_108 = arith.mulf %dot_general3A_104, %dot_general3A_104 : vector<240x128xf32>
    %add3A_109 = arith.addf %add3A_107, %mul3A_108 : vector<240x128xf32>
    %max3A_110 = arith.constant 9.99999993E-9 : f32
    %max3A_111 = vector.broadcast %max3A_110 : f32 to vector<240x128xf32>
    %max3A_112 = arith.maximumf %add3A_109, %max3A_111 : vector<240x128xf32>
    %sqrt3A_113 = math.sqrt %max3A_112 : vector<240x128xf32>
    %convert_element_type3A_114 = arith.truncf %add3A_53 : vector<240x256xf32> to vector<240x256xbf16>
    %convert_element_type3A_115 = arith.truncf %get3A_79 : vector<256x1024xf32> to vector<256x1024xbf16>
    %dot_general3A_116 = arith.constant dense<0.000000e+00> : vector<240x1024xf32>
    %dot_general3A_117 = tpu.matmul %convert_element_type3A_114, %convert_element_type3A_115, %dot_general3A_116 {dimension_numbers = #tpu.dot_dimension_numbers<[1], [0], [0], [1], [0, 0, 1, 1], [], []>, transpose_lhs_hint = false} : vector<240x256xbf16>, vector<256x1024xbf16>, vector<240x1024xf32> -> vector<240x1024xf32>
    %convert_element_type3A_118 = arith.truncf %sqrt3A_113 : vector<240x128xf32> to vector<240x128xbf16>
    %convert_element_type3A_119 = arith.truncf %get3A_82 : vector<128x1024xf32> to vector<128x1024xbf16>
    %dot_general3A_120 = arith.constant dense<0.000000e+00> : vector<240x1024xf32>
    %dot_general3A_121 = tpu.matmul %convert_element_type3A_118, %convert_element_type3A_119, %dot_general3A_120 {dimension_numbers = #tpu.dot_dimension_numbers<[1], [0], [0], [1], [0, 0, 1, 1], [], []>, transpose_lhs_hint = false} : vector<240x128xbf16>, vector<128x1024xbf16>, vector<240x1024xf32> -> vector<240x1024xf32>
    %add3A_122 = arith.addf %dot_general3A_117, %dot_general3A_121 : vector<240x1024xf32>
    %add3A_123 = vector.broadcast %get3A_85 : vector<1x1024xf32> to vector<240x1024xf32>
    %add3A_124 = arith.addf %add3A_122, %add3A_123 : vector<240x1024xf32>
    %logistic3A = arith.negf %add3A_124 : vector<240x1024xf32>
    %logistic3A_125 = math.exp %logistic3A : vector<240x1024xf32>
    %logistic3A_126 = arith.constant 1.000000e+00 : f32
    %logistic3A_127 = vector.broadcast %logistic3A_126 : f32 to vector<240x1024xf32>
    %logistic3A_128 = arith.addf %logistic3A_127, %logistic3A_125 : vector<240x1024xf32>
    %logistic3A_129 = arith.divf %logistic3A_127, %logistic3A_128 : vector<240x1024xf32>
    %convert_element_type3A_130 = arith.truncf %logistic3A_129 : vector<240x1024xf32> to vector<240x1024xbf16>
    %convert_element_type3A_131 = arith.truncf %get3A_91 : vector<1024x128xf32> to vector<1024x128xbf16>
    %dot_general3A_132 = arith.constant dense<0.000000e+00> : vector<240x128xf32>
    %dot_general3A_133 = tpu.matmul %convert_element_type3A_130, %convert_element_type3A_131, %dot_general3A_132 {dimension_numbers = #tpu.dot_dimension_numbers<[1], [0], [0], [1], [0, 0, 1, 1], [], []>, transpose_lhs_hint = false} : vector<240x1024xbf16>, vector<1024x128xbf16>, vector<240x128xf32> -> vector<240x128xf32>
    %add3A_134 = vector.broadcast %get3A_94 : vector<1x128xf32> to vector<240x128xf32>
    %add3A_135 = arith.addf %dot_general3A_133, %add3A_134 : vector<240x128xf32>
    %logistic3A_136 = arith.negf %add3A_135 : vector<240x128xf32>
    %logistic3A_137 = math.exp %logistic3A_136 : vector<240x128xf32>
    %logistic3A_138 = arith.constant 1.000000e+00 : f32
    %logistic3A_139 = vector.broadcast %logistic3A_138 : f32 to vector<240x128xf32>
    %logistic3A_140 = arith.addf %logistic3A_139, %logistic3A_137 : vector<240x128xf32>
    %logistic3A_141 = arith.divf %logistic3A_139, %logistic3A_140 : vector<240x128xf32>
    %convert_element_type3A_142 = arith.truncf %dot_general3A_96 : vector<240x128xf32> to vector<240x128xbf16>
    %convert_element_type3A_143 = arith.truncf %get3A_88 : vector<128x128xf32> to vector<128x128xbf16>
    %dot_general3A_144 = arith.constant dense<0.000000e+00> : vector<240x128xf32>
    %dot_general3A_145 = tpu.matmul %convert_element_type3A_142, %convert_element_type3A_143, %dot_general3A_144 {dimension_numbers = #tpu.dot_dimension_numbers<[1], [0], [0], [1], [0, 0, 1, 1], [], []>, transpose_lhs_hint = false} : vector<240x128xbf16>, vector<128x128xbf16>, vector<240x128xf32> -> vector<240x128xf32>
    %mul3A_146 = arith.mulf %dot_general3A_145, %logistic3A_141 : vector<240x128xf32>
    %convert_element_type3A_147 = arith.truncf %dot_general3A_100 : vector<240x128xf32> to vector<240x128xbf16>
    %convert_element_type3A_148 = arith.truncf %get3A_88 : vector<128x128xf32> to vector<128x128xbf16>
    %dot_general3A_149 = arith.constant dense<0.000000e+00> : vector<240x128xf32>
    %dot_general3A_150 = tpu.matmul %convert_element_type3A_147, %convert_element_type3A_148, %dot_general3A_149 {dimension_numbers = #tpu.dot_dimension_numbers<[1], [0], [0], [1], [0, 0, 1, 1], [], []>, transpose_lhs_hint = false} : vector<240x128xbf16>, vector<128x128xbf16>, vector<240x128xf32> -> vector<240x128xf32>
    %mul3A_151 = arith.mulf %dot_general3A_150, %logistic3A_141 : vector<240x128xf32>
    %convert_element_type3A_152 = arith.truncf %dot_general3A_104 : vector<240x128xf32> to vector<240x128xbf16>
    %convert_element_type3A_153 = arith.truncf %get3A_88 : vector<128x128xf32> to vector<128x128xbf16>
    %dot_general3A_154 = arith.constant dense<0.000000e+00> : vector<240x128xf32>
    %dot_general3A_155 = tpu.matmul %convert_element_type3A_152, %convert_element_type3A_153, %dot_general3A_154 {dimension_numbers = #tpu.dot_dimension_numbers<[1], [0], [0], [1], [0, 0, 1, 1], [], []>, transpose_lhs_hint = false} : vector<240x128xbf16>, vector<128x128xbf16>, vector<240x128xf32> -> vector<240x128xf32>
    %mul3A_156 = arith.mulf %dot_general3A_155, %logistic3A_141 : vector<240x128xf32>
    %max3A_157 = arith.constant 0.000000e+00 : f32
    %max3A_158 = vector.broadcast %max3A_157 : f32 to vector<240x1024xf32>
    %max3A_159 = arith.maximumf %add3A_124, %max3A_158 : vector<240x1024xf32>
    %get3A_160 = arith.constant 0 : index
    %get3A_161 = arith.constant 0 : index
    %get3A_162 = vector.load %arg13[%get3A_160, %get3A_161] : memref<128x128xf32, #tpu.memory_space<vmem>>, vector<128x128xf32>
    %get3A_163 = arith.constant 0 : index
    %get3A_164 = arith.constant 0 : index
    %get3A_165 = vector.load %arg14[%get3A_163, %get3A_164] : memref<1024x256xf32, #tpu.memory_space<vmem>>, vector<1024x256xf32>
    %get3A_166 = arith.constant 0 : index
    %get3A_167 = arith.constant 0 : index
    %get3A_168 = vector.load %arg15[%get3A_166, %get3A_167] : memref<128x256xf32, #tpu.memory_space<vmem>>, vector<128x256xf32>
    %get3A_169 = arith.constant 0 : index
    %get3A_170 = arith.constant 0 : index
    %get3A_171 = vector.load %arg16[%get3A_169, %get3A_170] : memref<1x256xf32, #tpu.memory_space<vmem>>, vector<1x256xf32>
    %get3A_172 = arith.constant 0 : index
    %get3A_173 = arith.constant 0 : index
    %get3A_174 = vector.load %arg17[%get3A_172, %get3A_173] : memref<128x64xf32, #tpu.memory_space<vmem>>, vector<128x64xf32>
    %get3A_175 = arith.constant 0 : index
    %get3A_176 = arith.constant 0 : index
    %get3A_177 = vector.load %arg18[%get3A_175, %get3A_176] : memref<256x64xf32, #tpu.memory_space<vmem>>, vector<256x64xf32>
    %get3A_178 = arith.constant 0 : index
    %get3A_179 = arith.constant 0 : index
    %get3A_180 = vector.load %arg19[%get3A_178, %get3A_179] : memref<1x64xf32, #tpu.memory_space<vmem>>, vector<1x64xf32>
    %convert_element_type3A_181 = arith.truncf %mul3A_146 : vector<240x128xf32> to vector<240x128xbf16>
    %convert_element_type3A_182 = arith.truncf %get3A_162 : vector<128x128xf32> to vector<128x128xbf16>
    %dot_general3A_183 = arith.constant dense<0.000000e+00> : vector<240x128xf32>
    %dot_general3A_184 = tpu.matmul %convert_element_type3A_181, %convert_element_type3A_182, %dot_general3A_183 {dimension_numbers = #tpu.dot_dimension_numbers<[1], [0], [0], [1], [0, 0, 1, 1], [], []>, transpose_lhs_hint = false} : vector<240x128xbf16>, vector<128x128xbf16>, vector<240x128xf32> -> vector<240x128xf32>
    %convert_element_type3A_185 = arith.truncf %mul3A_151 : vector<240x128xf32> to vector<240x128xbf16>
    %convert_element_type3A_186 = arith.truncf %get3A_162 : vector<128x128xf32> to vector<128x128xbf16>
    %dot_general3A_187 = arith.constant dense<0.000000e+00> : vector<240x128xf32>
    %dot_general3A_188 = tpu.matmul %convert_element_type3A_185, %convert_element_type3A_186, %dot_general3A_187 {dimension_numbers = #tpu.dot_dimension_numbers<[1], [0], [0], [1], [0, 0, 1, 1], [], []>, transpose_lhs_hint = false} : vector<240x128xbf16>, vector<128x128xbf16>, vector<240x128xf32> -> vector<240x128xf32>
    %convert_element_type3A_189 = arith.truncf %mul3A_156 : vector<240x128xf32> to vector<240x128xbf16>
    %convert_element_type3A_190 = arith.truncf %get3A_162 : vector<128x128xf32> to vector<128x128xbf16>
    %dot_general3A_191 = arith.constant dense<0.000000e+00> : vector<240x128xf32>
    %dot_general3A_192 = tpu.matmul %convert_element_type3A_189, %convert_element_type3A_190, %dot_general3A_191 {dimension_numbers = #tpu.dot_dimension_numbers<[1], [0], [0], [1], [0, 0, 1, 1], [], []>, transpose_lhs_hint = false} : vector<240x128xbf16>, vector<128x128xbf16>, vector<240x128xf32> -> vector<240x128xf32>
    %mul3A_193 = arith.mulf %dot_general3A_184, %dot_general3A_184 : vector<240x128xf32>
    %mul3A_194 = arith.mulf %dot_general3A_188, %dot_general3A_188 : vector<240x128xf32>
    %add3A_195 = arith.addf %mul3A_193, %mul3A_194 : vector<240x128xf32>
    %mul3A_196 = arith.mulf %dot_general3A_192, %dot_general3A_192 : vector<240x128xf32>
    %add3A_197 = arith.addf %add3A_195, %mul3A_196 : vector<240x128xf32>
    %max3A_198 = arith.constant 9.99999993E-9 : f32
    %max3A_199 = vector.broadcast %max3A_198 : f32 to vector<240x128xf32>
    %max3A_200 = arith.maximumf %add3A_197, %max3A_199 : vector<240x128xf32>
    %sqrt3A_201 = math.sqrt %max3A_200 : vector<240x128xf32>
    %convert_element_type3A_202 = arith.truncf %max3A_159 : vector<240x1024xf32> to vector<240x1024xbf16>
    %convert_element_type3A_203 = arith.truncf %get3A_165 : vector<1024x256xf32> to vector<1024x256xbf16>
    %dot_general3A_204 = arith.constant dense<0.000000e+00> : vector<240x256xf32>
    %dot_general3A_205 = tpu.matmul %convert_element_type3A_202, %convert_element_type3A_203, %dot_general3A_204 {dimension_numbers = #tpu.dot_dimension_numbers<[1], [0], [0], [1], [0, 0, 1, 1], [], []>, transpose_lhs_hint = false} : vector<240x1024xbf16>, vector<1024x256xbf16>, vector<240x256xf32> -> vector<240x256xf32>
    %convert_element_type3A_206 = arith.truncf %sqrt3A_201 : vector<240x128xf32> to vector<240x128xbf16>
    %convert_element_type3A_207 = arith.truncf %get3A_168 : vector<128x256xf32> to vector<128x256xbf16>
    %dot_general3A_208 = arith.constant dense<0.000000e+00> : vector<240x256xf32>
    %dot_general3A_209 = tpu.matmul %convert_element_type3A_206, %convert_element_type3A_207, %dot_general3A_208 {dimension_numbers = #tpu.dot_dimension_numbers<[1], [0], [0], [1], [0, 0, 1, 1], [], []>, transpose_lhs_hint = false} : vector<240x128xbf16>, vector<128x256xbf16>, vector<240x256xf32> -> vector<240x256xf32>
    %add3A_210 = arith.addf %dot_general3A_205, %dot_general3A_209 : vector<240x256xf32>
    %add3A_211 = vector.broadcast %get3A_171 : vector<1x256xf32> to vector<240x256xf32>
    %add3A_212 = arith.addf %add3A_210, %add3A_211 : vector<240x256xf32>
    %convert_element_type3A_213 = arith.truncf %add3A_212 : vector<240x256xf32> to vector<240x256xbf16>
    %convert_element_type3A_214 = arith.truncf %get3A_177 : vector<256x64xf32> to vector<256x64xbf16>
    %dot_general3A_215 = arith.constant dense<0.000000e+00> : vector<240x64xf32>
    %dot_general3A_216 = tpu.matmul %convert_element_type3A_213, %convert_element_type3A_214, %dot_general3A_215 {dimension_numbers = #tpu.dot_dimension_numbers<[1], [0], [0], [1], [0, 0, 1, 1], [], []>, transpose_lhs_hint = false} : vector<240x256xbf16>, vector<256x64xbf16>, vector<240x64xf32> -> vector<240x64xf32>
    %add3A_217 = vector.broadcast %get3A_180 : vector<1x64xf32> to vector<240x64xf32>
    %add3A_218 = arith.addf %dot_general3A_216, %add3A_217 : vector<240x64xf32>
    %logistic3A_219 = arith.negf %add3A_218 : vector<240x64xf32>
    %logistic3A_220 = math.exp %logistic3A_219 : vector<240x64xf32>
    %logistic3A_221 = arith.constant 1.000000e+00 : f32
    %logistic3A_222 = vector.broadcast %logistic3A_221 : f32 to vector<240x64xf32>
    %logistic3A_223 = arith.addf %logistic3A_222, %logistic3A_220 : vector<240x64xf32>
    %logistic3A_224 = arith.divf %logistic3A_222, %logistic3A_223 : vector<240x64xf32>
    %convert_element_type3A_225 = arith.truncf %dot_general3A_184 : vector<240x128xf32> to vector<240x128xbf16>
    %convert_element_type3A_226 = arith.truncf %get3A_174 : vector<128x64xf32> to vector<128x64xbf16>
    %dot_general3A_227 = arith.constant dense<0.000000e+00> : vector<240x64xf32>
    %dot_general3A_228 = tpu.matmul %convert_element_type3A_225, %convert_element_type3A_226, %dot_general3A_227 {dimension_numbers = #tpu.dot_dimension_numbers<[1], [0], [0], [1], [0, 0, 1, 1], [], []>, transpose_lhs_hint = false} : vector<240x128xbf16>, vector<128x64xbf16>, vector<240x64xf32> -> vector<240x64xf32>
    %mul3A_229 = arith.mulf %dot_general3A_228, %logistic3A_224 : vector<240x64xf32>
    %convert_element_type3A_230 = arith.truncf %dot_general3A_188 : vector<240x128xf32> to vector<240x128xbf16>
    %convert_element_type3A_231 = arith.truncf %get3A_174 : vector<128x64xf32> to vector<128x64xbf16>
    %dot_general3A_232 = arith.constant dense<0.000000e+00> : vector<240x64xf32>
    %dot_general3A_233 = tpu.matmul %convert_element_type3A_230, %convert_element_type3A_231, %dot_general3A_232 {dimension_numbers = #tpu.dot_dimension_numbers<[1], [0], [0], [1], [0, 0, 1, 1], [], []>, transpose_lhs_hint = false} : vector<240x128xbf16>, vector<128x64xbf16>, vector<240x64xf32> -> vector<240x64xf32>
    %mul3A_234 = arith.mulf %dot_general3A_233, %logistic3A_224 : vector<240x64xf32>
    %convert_element_type3A_235 = arith.truncf %dot_general3A_192 : vector<240x128xf32> to vector<240x128xbf16>
    %convert_element_type3A_236 = arith.truncf %get3A_174 : vector<128x64xf32> to vector<128x64xbf16>
    %dot_general3A_237 = arith.constant dense<0.000000e+00> : vector<240x64xf32>
    %dot_general3A_238 = tpu.matmul %convert_element_type3A_235, %convert_element_type3A_236, %dot_general3A_237 {dimension_numbers = #tpu.dot_dimension_numbers<[1], [0], [0], [1], [0, 0, 1, 1], [], []>, transpose_lhs_hint = false} : vector<240x128xbf16>, vector<128x64xbf16>, vector<240x64xf32> -> vector<240x64xf32>
    %mul3A_239 = arith.mulf %dot_general3A_238, %logistic3A_224 : vector<240x64xf32>
    %add3A_240 = arith.addf %add3A_53, %add3A_212 : vector<240x256xf32>
    %add3A_241 = arith.addf %div3A_69, %mul3A_229 : vector<240x64xf32>
    %add3A_242 = arith.addf %div3A_71, %mul3A_234 : vector<240x64xf32>
    %add3A_243 = arith.addf %div3A_73, %mul3A_239 : vector<240x64xf32>
    %get3A_244 = arith.constant 0 : index
    %get3A_245 = arith.constant 0 : index
    %get3A_246 = vector.load %arg20[%get3A_244, %get3A_245] : memref<1x256xf32, #tpu.memory_space<vmem>>, vector<1x256xf32>
    %get3A_247 = arith.constant 0 : index
    %get3A_248 = arith.constant 0 : index
    %get3A_249 = vector.load %arg21[%get3A_247, %get3A_248] : memref<1x256xf32, #tpu.memory_space<vmem>>, vector<1x256xf32>
    %reduce_sum3A_250 = arith.constant dense<0.000000e+00> : vector<240xf32>
    %reduce_sum3A_251 = vector.multi_reduction <add>, %add3A_240, %reduce_sum3A_250 [1] : vector<240x256xf32> to vector<240xf32>
    %broadcast_in_dim3A_252 = vector.shape_cast %reduce_sum3A_251 : vector<240xf32> to vector<240x1xf32>
    %div3A_253 = arith.constant 2.560000e+02 : f32
    %div3A_254 = vector.broadcast %div3A_253 : f32 to vector<240x1xf32>
    %div3A_255 = arith.divf %broadcast_in_dim3A_252, %div3A_254 : vector<240x1xf32>
    %sub3A_256 = vector.broadcast %div3A_255 : vector<240x1xf32> to vector<240x256xf32>
    %sub3A_257 = arith.subf %add3A_240, %sub3A_256 : vector<240x256xf32>
    %mul3A_258 = arith.mulf %sub3A_257, %sub3A_257 : vector<240x256xf32>
    %reduce_sum3A_259 = arith.constant dense<0.000000e+00> : vector<240xf32>
    %reduce_sum3A_260 = vector.multi_reduction <add>, %mul3A_258, %reduce_sum3A_259 [1] : vector<240x256xf32> to vector<240xf32>
    %broadcast_in_dim3A_261 = vector.shape_cast %reduce_sum3A_260 : vector<240xf32> to vector<240x1xf32>
    %div3A_262 = arith.constant 2.560000e+02 : f32
    %div3A_263 = vector.broadcast %div3A_262 : f32 to vector<240x1xf32>
    %div3A_264 = arith.divf %broadcast_in_dim3A_261, %div3A_263 : vector<240x1xf32>
    %add3A_265 = arith.constant 9.99999974E-6 : f32
    %add3A_266 = vector.broadcast %add3A_265 : f32 to vector<240x1xf32>
    %add3A_267 = arith.addf %div3A_264, %add3A_266 : vector<240x1xf32>
    %rsqrt3A_268 = math.rsqrt %add3A_267 : vector<240x1xf32>
    %mul3A_269 = vector.broadcast %rsqrt3A_268 : vector<240x1xf32> to vector<240x256xf32>
    %mul3A_270 = arith.mulf %sub3A_257, %mul3A_269 : vector<240x256xf32>
    %mul3A_271 = vector.broadcast %get3A_246 : vector<1x256xf32> to vector<240x256xf32>
    %mul3A_272 = arith.mulf %mul3A_270, %mul3A_271 : vector<240x256xf32>
    %add3A_273 = vector.broadcast %get3A_249 : vector<1x256xf32> to vector<240x256xf32>
    %add3A_274 = arith.addf %mul3A_272, %add3A_273 : vector<240x256xf32>
    %mul3A_275 = arith.mulf %add3A_241, %add3A_241 : vector<240x64xf32>
    %mul3A_276 = arith.mulf %add3A_242, %add3A_242 : vector<240x64xf32>
    %add3A_277 = arith.addf %mul3A_275, %mul3A_276 : vector<240x64xf32>
    %mul3A_278 = arith.mulf %add3A_243, %add3A_243 : vector<240x64xf32>
    %add3A_279 = arith.addf %add3A_277, %mul3A_278 : vector<240x64xf32>
    %max3A_280 = arith.constant 9.99999993E-9 : f32
    %max3A_281 = vector.broadcast %max3A_280 : f32 to vector<240x64xf32>
    %max3A_282 = arith.maximumf %add3A_279, %max3A_281 : vector<240x64xf32>
    %reduce_sum3A_283 = arith.constant dense<0.000000e+00> : vector<240xf32>
    %reduce_sum3A_284 = vector.multi_reduction <add>, %max3A_282, %reduce_sum3A_283 [1] : vector<240x64xf32> to vector<240xf32>
    %broadcast_in_dim3A_285 = vector.shape_cast %reduce_sum3A_284 : vector<240xf32> to vector<240x1xf32>
    %div3A_286 = arith.constant 6.400000e+01 : f32
    %div3A_287 = vector.broadcast %div3A_286 : f32 to vector<240x1xf32>
    %div3A_288 = arith.divf %broadcast_in_dim3A_285, %div3A_287 : vector<240x1xf32>
    %sqrt3A_289 = math.sqrt %div3A_288 : vector<240x1xf32>
    %div3A_290 = vector.broadcast %sqrt3A_289 : vector<240x1xf32> to vector<240x64xf32>
    %div3A_291 = arith.divf %add3A_241, %div3A_290 : vector<240x64xf32>
    %div3A_292 = vector.broadcast %sqrt3A_289 : vector<240x1xf32> to vector<240x64xf32>
    %div3A_293 = arith.divf %add3A_242, %div3A_292 : vector<240x64xf32>
    %div3A_294 = vector.broadcast %sqrt3A_289 : vector<240x1xf32> to vector<240x64xf32>
    %div3A_295 = arith.divf %add3A_243, %div3A_294 : vector<240x64xf32>
    %swap3A = arith.constant 0 : index
    %swap3A_296 = arith.constant 0 : index
    %swap3A_297 = vector.load %arg22[%swap3A, %swap3A_296] : memref<240x256xf32, #tpu.memory_space<vmem>>, vector<240x256xf32>
    tpu.vector_store %arg22[%swap3A, %swap3A_296], %add3A_274 {strides = array<i32>} : memref<240x256xf32, #tpu.memory_space<vmem>>, vector<240x256xf32>,
    %broadcast_in_dim3A_298 = arith.constant 0.000000e+00 : f32
    %broadcast_in_dim3A_299 = vector.broadcast %broadcast_in_dim3A_298 : f32 to vector<240x64xf32>
    %concatenate3A = tpu.concatenate %div3A_291, %div3A_293, %div3A_295, %broadcast_in_dim3A_299 in 1 : vector<240x64xf32>, vector<240x64xf32>, vector<240x64xf32>, vector<240x64xf32> -> vector<240x256xf32>
    %swap3A_300 = arith.constant 0 : index
    %swap3A_301 = arith.constant 0 : index
    %swap3A_302 = vector.load %arg23[%swap3A_300, %swap3A_301] : memref<240x256xf32, #tpu.memory_space<vmem>>, vector<240x256xf32>
    tpu.vector_store %arg23[%swap3A_300, %swap3A_301], %concatenate3A {strides = array<i32>} : memref<240x256xf32, #tpu.memory_space<vmem>>, vector<240x256xf32>,
    return
  }
  func.func @transform_0(%arg0: i32) -> (i32, i32) {
    %c0_i32 = arith.constant 0 : i32
    %c0_i32_0 = arith.constant 0 : i32
    return %arg0, %c0_i32 : i32, i32
  }
  func.func @transform_1(%arg0: i32) -> (i32, i32) {
    %c0_i32 = arith.constant 0 : i32
    %c0_i32_0 = arith.constant 0 : i32
    return %arg0, %c0_i32 : i32, i32
  }
  func.func @transform_2(%arg0: i32) -> (i32, i32) {
    %c0_i32 = arith.constant 0 : i32
    %c0_i32_0 = arith.constant 0 : i32
    return %arg0, %c0_i32 : i32, i32
  }
  func.func @transform_3(%arg0: i32) -> (i32, i32) {
    %c0_i32 = arith.constant 0 : i32
    %c0_i32_0 = arith.constant 0 : i32
    %c0_i32_1 = arith.constant 0 : i32
    return %c0_i32, %c0_i32_0 : i32, i32
  }
  func.func @transform_4(%arg0: i32) -> (i32, i32) {
    %c0_i32 = arith.constant 0 : i32
    %c0_i32_0 = arith.constant 0 : i32
    %c0_i32_1 = arith.constant 0 : i32
    return %c0_i32, %c0_i32_0 : i32, i32
  }
  func.func @transform_5(%arg0: i32) -> (i32, i32) {
    %c0_i32 = arith.constant 0 : i32
    %c0_i32_0 = arith.constant 0 : i32
    %c0_i32_1 = arith.constant 0 : i32
    return %c0_i32, %c0_i32_0 : i32, i32
  }
  func.func @transform_6(%arg0: i32) -> (i32, i32) {
    %c0_i32 = arith.constant 0 : i32
    %c0_i32_0 = arith.constant 0 : i32
    %c0_i32_1 = arith.constant 0 : i32
    return %c0_i32, %c0_i32_0 : i32, i32
  }
  func.func @transform_7(%arg0: i32) -> (i32, i32) {
    %c0_i32 = arith.constant 0 : i32
    %c0_i32_0 = arith.constant 0 : i32
    %c0_i32_1 = arith.constant 0 : i32
    return %c0_i32, %c0_i32_0 : i32, i32
  }
  func.func @transform_8(%arg0: i32) -> (i32, i32) {
    %c0_i32 = arith.constant 0 : i32
    %c0_i32_0 = arith.constant 0 : i32
    %c0_i32_1 = arith.constant 0 : i32
    return %c0_i32, %c0_i32_0 : i32, i32
  }
  func.func @transform_9(%arg0: i32) -> (i32, i32) {
    %c0_i32 = arith.constant 0 : i32
    %c0_i32_0 = arith.constant 0 : i32
    %c0_i32_1 = arith.constant 0 : i32
    return %c0_i32, %c0_i32_0 : i32, i32
  }
  func.func @transform_10(%arg0: i32) -> (i32, i32) {
    %c0_i32 = arith.constant 0 : i32
    %c0_i32_0 = arith.constant 0 : i32
    %c0_i32_1 = arith.constant 0 : i32
    return %c0_i32, %c0_i32_0 : i32, i32
  }
  func.func @transform_11(%arg0: i32) -> (i32, i32) {
    %c0_i32 = arith.constant 0 : i32
    %c0_i32_0 = arith.constant 0 : i32
    %c0_i32_1 = arith.constant 0 : i32
    return %c0_i32, %c0_i32_0 : i32, i32
  }
  func.func @transform_12(%arg0: i32) -> (i32, i32) {
    %c0_i32 = arith.constant 0 : i32
    %c0_i32_0 = arith.constant 0 : i32
    %c0_i32_1 = arith.constant 0 : i32
    return %c0_i32, %c0_i32_0 : i32, i32
  }
  func.func @transform_13(%arg0: i32) -> (i32, i32) {
    %c0_i32 = arith.constant 0 : i32
    %c0_i32_0 = arith.constant 0 : i32
    %c0_i32_1 = arith.constant 0 : i32
    return %c0_i32, %c0_i32_0 : i32, i32
  }
  func.func @transform_14(%arg0: i32) -> (i32, i32) {
    %c0_i32 = arith.constant 0 : i32
    %c0_i32_0 = arith.constant 0 : i32
    %c0_i32_1 = arith.constant 0 : i32
    return %c0_i32, %c0_i32_0 : i32, i32
  }
  func.func @transform_15(%arg0: i32) -> (i32, i32) {
    %c0_i32 = arith.constant 0 : i32
    %c0_i32_0 = arith.constant 0 : i32
    %c0_i32_1 = arith.constant 0 : i32
    return %c0_i32, %c0_i32_0 : i32, i32
  }
  func.func @transform_16(%arg0: i32) -> (i32, i32) {
    %c0_i32 = arith.constant 0 : i32
    %c0_i32_0 = arith.constant 0 : i32
    %c0_i32_1 = arith.constant 0 : i32
    return %c0_i32, %c0_i32_0 : i32, i32
  }
  func.func @transform_17(%arg0: i32) -> (i32, i32) {
    %c0_i32 = arith.constant 0 : i32
    %c0_i32_0 = arith.constant 0 : i32
    %c0_i32_1 = arith.constant 0 : i32
    return %c0_i32, %c0_i32_0 : i32, i32
  }
  func.func @transform_18(%arg0: i32) -> (i32, i32) {
    %c0_i32 = arith.constant 0 : i32
    %c0_i32_0 = arith.constant 0 : i32
    %c0_i32_1 = arith.constant 0 : i32
    return %c0_i32, %c0_i32_0 : i32, i32
  }
  func.func @transform_19(%arg0: i32) -> (i32, i32) {
    %c0_i32 = arith.constant 0 : i32
    %c0_i32_0 = arith.constant 0 : i32
    %c0_i32_1 = arith.constant 0 : i32
    return %c0_i32, %c0_i32_0 : i32, i32
  }
  func.func @transform_20(%arg0: i32) -> (i32, i32) {
    %c0_i32 = arith.constant 0 : i32
    %c0_i32_0 = arith.constant 0 : i32
    %c0_i32_1 = arith.constant 0 : i32
    return %c0_i32, %c0_i32_0 : i32, i32
  }
  func.func @transform_21(%arg0: i32) -> (i32, i32) {
    %c0_i32 = arith.constant 0 : i32
    %c0_i32_0 = arith.constant 0 : i32
    return %arg0, %c0_i32 : i32, i32
  }
  func.func @transform_22(%arg0: i32) -> (i32, i32) {
    %c0_i32 = arith.constant 0 : i32
    %c0_i32_0 = arith.constant 0 : i32
    return %arg0, %c0_i32 : i32, i32
  }
}

</mosaic_0001>

<sc_bundles>
// kernel: kernel.20.cloned.1.call-start
scs
__scs_entry_jumppad:
0x0: {  	(pc) =	sbr.rel $0x88, $3  }
0x1: {  	(tag) =	ssettag $0x0;
	lr =	simm.s32 $0x1  }
0x2: {  	[smem:$0x3F4B] =	sst lr;
	_ =	strace $0xD0000000  }
0x3: {  	_ = 	snop  }
0x4: {  	_ = 	snop  }
0x5: {  	_ = 	snop  }
0x6: {  	_ = 	snop  }
0x7: {  	_ = 	snop  }
__scs_overlays_trampoline_lowered:
0x8: {  	[smem:$0x3F5A] =	sst s0  }
0x9: {  	[smem:$0x3F5B] =	sst s1  }
0xa: {  	[smem:$0x3F5C] =	sst s2  }
0xb: {  	[smem:$0x3F5D] =	sst s3  }
0xc: {  	[smem:$0x3F5E] =	sst s4  }
0xd: {  	[smem:$0x3F5F] =	sst s5  }
0xe: {  	[smem:$0x3F60] =	sst s6  }
0xf: {  	[smem:$0x3F61] =	sst s7  }
0x10: {  	[smem:$0x3F62] =	sst s8  }
0x11: {  	[smem:$0x3F63] =	sst s9;
	s0 =	simm.s32 @!p0 $0x0  }
0x12: {  	s1 =	sld [smem:$0x3F49];
	s0 =	simm.s32 @p0 $0x1  }
0x13: {  	[smem:$0x3F64] =	sst s0;
	s0 =	simm.s32 @!p1 $0x0  }
0x14: {  	s2 =	sld [smem:$0x3F48];
	s0 =	simm.s32 @p1 $0x1  }
0x15: {  	[smem:$0x3F65] =	sst s0;
	s0 =	simm.s32 @!p2 $0x0  }
0x16: {  	s3 =	sld [smem:$0x3FDB];
	s0 =	simm.s32 @p2 $0x1  }
0x17: {  	s4 =	simm.s32 $0x1BF5;
	[smem:$0x3F67] =	sst s0  }
0x18: {  	s0 =	sld [smem:$0x3F4A];
	_ =	swait.ge [sflag:s4], $0x0  }
0x19: {  	s7 =	sld [smem:$0x3F4B]  }
0x1a: {  	s8 =	sadd.s32 $0xFFFFE003, lr  }
0x1b: {  	s9 =	sadd.s32 $0xFFFFFEF7, lr;
	s5 =	simm.s32 $0xFFFFFFFF;
	p2 =	slt.u32 s8, $0xFFFFF086  }
0x1c: {  	p1 =	slt.u32 s9, $0xF7A;
	s5 =	simm.s32 @!p2 $0x0  }
0x1d: {  	s5 =	simm.s32 @p1 $0x1;
	p0 =	seq.s32 s7, s2  }
0x1e: {  	s7 =	smul.u32 @!p0 $0xF7A, s2;
	p2 =	seq.s32 @!p0 s5, $0x0  }
0x1f: {  	s9 =	smul.u32 $0xF7A, s1;
	s8 =	simm.s32 @!p0 $0x1BF5;
	p2 =	por !p2, p0  }
0x20: {  	[sflag:s8] =	ssyncset.s32 @!p0 $0xFFFFF086;
	s6 =	sadd.s32 @!p0 s3, s7;
	s7 =	simm.s32 @!p0 $0x108  }
0x21: {  	s3 =	sadd.s32 s3, s9;
	s6 =	sadd.s32 @!p0 $0x88, s6;
	s7 =	simm.s32 @p2 $0x1082  }
0x22: {  	[simem:s7], [sflag:s8] =	dma.local @!p0 [hbm:s6], $0xF7A  }
0x23: {  	s9 =	sor.u32 $0xD0000000, s2;
	s6 =	simm.s32 $0x108;
	_ =	swait.ge @!p0 [sflag:s8], $0x0  }
0x24: {  	s3 =	sadd.s32 $0x88, s3;
	s6 =	simm.s32 @!p1 $0x1082;
	[sflag:s4] =	ssyncset.s32 $0xFFFFF086  }
0x25: {  	[simem:s6], [sflag:s4] =	dma.local [hbm:s3], $0xF7A  }
0x26: {  	[smem:$0x3F4B] =	sst s1;
	(tag) =	ssettag s2;
	_ =	strace s9  }
0x27: {  	s1 =	sld [smem:$0x3F5B]  }
0x28: {  	s2 =	sld [smem:$0x3F5C]  }
0x29: {  	s4 =	sld [smem:$0x3F5E]  }
0x2a: {  	p0 =	seq.s32 s5, $0x0;
	s5 =	sld [smem:$0x3F5F]  }
0x2b: {  	s6 =	sld [smem:$0x3F60]  }
0x2c: {  	s7 =	sld [smem:$0x3F61]  }
0x2d: {  	s3 =	simm.s32 $0x108;
	s8 =	sld [smem:$0x3F62]  }
0x2e: {  	s3 =	simm.s32 @!p0 $0x1082;
	s9 =	sld [smem:$0x3F63]  }
0x2f: {  	lr =	sadd.s32 s0, s3;
	s0 =	sld [smem:$0x3F5A]  }
0x30: {  	s3 =	sld [smem:$0x3F5D]  }
0x31: {  	[smem:$0x3F66] =	sst s10  }
0x32: {  	s10 =	sld [smem:$0x3F64];
	_ =	sdelay $0x3  }
0x33: {  	p0 =	seq.s32 s10, $0x1;
	s10 =	sld [smem:$0x3F66];
	_ =	sdelay $0x3  }
0x34: {  	[smem:$0x3F66] =	sst s10  }
0x35: {  	s10 =	sld [smem:$0x3F65];
	_ =	sdelay $0x3  }
0x36: {  	p1 =	seq.s32 s10, $0x1;
	s10 =	sld [smem:$0x3F66];
	_ =	sdelay $0x3  }
0x37: {  	[smem:$0x3F66] =	sst s10  }
0x38: {  	s10 =	sld [smem:$0x3F67]  }
0x39: {  	_ = 	snop;
	(pc) =	sbr.ind lr, $3  }
0x3a: {  	_ = 	snop  }
0x3b: {  	_ = 	snop  }
0x3c: {  	p2 =	seq.s32 s10, $0x1;
	s10 =	sld [smem:$0x3F66]  }
0x3d: {  	_ =	shalt  }
0x3e: {  	_ =	shalt  }
0x3f: {  	_ =	shalt  }
0x40: {  	_ =	shalt  }
0x41: {  	_ =	shalt  }
0x42: {  	_ =	shalt  }
0x43: {  	_ =	shalt  }
0x44: {  	_ =	shalt  }
0x45: {  	_ =	shalt  }
0x46: {  	_ =	shalt  }
0x47: {  	_ =	shalt  }
0x48: {  	_ =	shalt  }
0x49: {  	_ =	shalt  }
0x4a: {  	_ =	shalt  }
0x4b: {  	_ =	shalt  }
0x4c: {  	_ =	shalt  }
0x4d: {  	_ =	shalt  }
0x4e: {  	_ =	shalt  }
0x4f: {  	_ =	shalt  }
0x50: {  	_ =	shalt  }
0x51: {  	_ =	shalt  }
0x52: {  	_ =	shalt  }
0x53: {  	_ =	shalt  }
0x54: {  	_ =	shalt  }
0x55: {  	_ =	shalt  }
0x56: {  	_ =	shalt  }
0x57: {  	_ =	shalt  }
0x58: {  	_ =	shalt  }
0x59: {  	_ =	shalt  }
0x5a: {  	_ =	shalt  }
0x5b: {  	_ =	shalt  }
0x5c: {  	_ =	shalt  }
0x5d: {  	_ =	shalt  }
0x5e: {  	_ =	shalt  }
0x5f: {  	_ =	shalt  }
0x60: {  	_ =	shalt  }
0x61: {  	_ =	shalt  }
0x62: {  	_ =	shalt  }
0x63: {  	_ =	shalt  }
0x64: {  	_ =	shalt  }
0x65: {  	_ =	shalt  }
0x66: {  	_ =	shalt  }
0x67: {  	_ =	shalt  }
0x68: {  	_ =	shalt  }
0x69: {  	_ =	shalt  }
0x6a: {  	_ =	shalt  }
0x6b: {  	_ =	shalt  }
0x6c: {  	_ =	shalt  }
0x6d: {  	_ =	shalt  }
0x6e: {  	_ =	shalt  }
0x6f: {  	_ =	shalt  }
0x70: {  	_ =	shalt  }
0x71: {  	_ =	shalt  }
0x72: {  	_ =	shalt  }
0x73: {  	_ =	shalt  }
0x74: {  	_ =	shalt  }
0x75: {  	_ =	shalt  }
0x76: {  	_ =	shalt  }
0x77: {  	_ =	shalt  }
0x78: {  	_ =	shalt  }
0x79: {  	_ =	shalt  }
0x7a: {  	_ =	shalt  }
0x7b: {  	_ =	shalt  }
0x7c: {  	_ =	shalt  }
0x7d: {  	_ =	shalt  }
0x7e: {  	_ =	shalt  }
0x7f: {  	_ =	shalt  }
0x80: {  	_ =	shalt  }
0x81: {  	_ =	shalt  }
0x82: {  	_ =	shalt  }
0x83: {  	_ =	shalt  }
0x84: {  	_ =	shalt  }
0x85: {  	_ =	shalt  }
0x86: {  	_ =	shalt  }
0x87: {  	_ =	shalt  }
.Lfunc_end0:
.L_simem_size_0:
called_computation_lowered:
.L_overlay_start_0:
0x88: {  	s2 =	sld [smem:$0x3FD9]  }
0x89: {  	s3 =	sld [smem:$0x3FFE];
	_ =	sdelay $0x1  }
0x8a: {  	s1 =	srdreg.scid  }
0x8b: {  	s0 =	sand.u32 $0x1, s1  }
0x8c: {  	s14 =	sshll.u32 s0, $0xA;
	s2 =	sadd.s32 s3, s2  }
0x8d: {  	s2 =	sadd.s32 s2, s14  }
0x8e: {  	[smem:$0x3F72] =	sst s2  }
0x8f: {  	_ = 	snop  }
0x90: {  	s2 =	sld [smem:$0x3FD0];
	_ =	sdelay $0x2  }
0x91: {  	s15 =	simm.s32 $0xB;
	s4 =	simm.s32 $0x10  }
0x92: {  	[smem:s4], [sflag:s15] =	dma.local [hbm:s2], $0x1  }
0x93: {  	_ =	swait.eq [sflag:s15], $0x1  }
0x94: {  	[sflag:s15] =	ssyncset.done $0x0  }
0x95: {  	s16 =	sld [smem:$0x10];
	[sflag:s15] =	ssyncadd.s32 $0xFFFFFFFF  }
0x96: {  	s17 =	sld [smem:$0x11];
	(tm) =	ssettm $0x1  }
0x97: {  	s18 =	sld [smem:$0x3FFB];
	_ =	sdelay $0x3  }
0x98: {  	_ =	strace s18  }
0x99: {  	s4 =	sld [smem:$0x3FFC];
	_ =	sdelay $0x3  }
0x9a: {  	_ =	strace s4  }
0x9b: {  	s4 =	sld [smem:$0x3FFD];
	_ =	sdelay $0x3  }
0x9c: {  	_ =	strace s4  }
0x9d: {  	_ =	strace $0x8FFFFFFF  }
0x9e: {  	s19 =	sld [smem:$0x3FDB];
	_ =	sdelay $0x1  }
0x9f: {  	s5 =	simm.s32 $_scs_section_size  }
0xa0: {  	s6 =	simm.s32 $_size__tile_overlayer_lowered;
	s7 =	simm.s32 $_tile_overlayer_lowered  }
0xa1: {  	s22 =	simm.s32 $0x1BFF;
	s21 =	sshll.u32 s7, $0x1;
	s4 =	sadd.s32 s5, s19  }
0xa2: {  	s8 =	simm.s32 $0x0;
	s20 =	sshll.u32 s6, $0x1;
	s6 =	sadd.s32 s21, s4  }
0xa3: {  	[timem:s8], [sflag:s22] =	dma.local [hbm:s6], s20  }
0xa4: {  	_ =	swait.ge [sflag:s22], s20  }
0xa5: {  	s5 =	ssub.s32 $0x0, s20;
	[sflag:s22] =	ssyncset.done $0x0  }
0xa6: {  	[sflag:s22] =	ssyncadd.s32 s5;
	_ =	sdelay $0x1  }
0xa7: {  	s23 =	simm.s32 $0x1B8B  }
0xa8: {  	_ =	swait.ge [sflag:s23], $0x1  }
0xa9: {  	[sflag:s23] =	ssyncset.done $0x0  }
0xaa: {  	s25 =	simm.s32 $0x1B8E;
	s24 =	sld [smem:$0x3FFE];
	[sflag:s23] =	ssyncadd.s32 $0xFFFFFFFF  }
0xab: {  	s26 =	simm.s32 $execute0_lowered;
	[smem:$0x3FD2] =	sst s25  }
0xac: {  	s6 =	sshll.u32 s26, $0x1;
	_ =	strace $0x80000046;
	[dreg:$0x1] =	wrdreg $0xFFFFFFFF  }
0xad: {  	s28 =	simm.s32 $_size_execute0_lowered;
	s4 =	sadd.s32 s4, s6;
	[dreg:$0x0] =	wrdreg $0x0  }
0xae: {  	s6 =	sshll.u32 s28, $0x1;
	[dreg:$0x2] =	wrdreg s4  }
0xaf: {  	[dreg:$0x3] =	wrdreg s6  }
0xb0: {  	[dreg:$0x4] =	wrdreg $0xC0  }
0xb1: {  	_ =	task [dreg:s8], $0x5FFFF  }
0xb2: {  	[dreg:$0x1] =	wrdreg $0xFFFFFFFF  }
0xb3: {  	[dreg:$0x0] =	wrdreg $0x60  }
0xb4: {  	[dreg:$0x2] =	wrdreg s16  }
0xb5: {  	[dreg:$0x3] =	wrdreg s24  }
0xb6: {  	[dreg:$0x4] =	wrdreg s17  }
0xb7: {  	[dreg:$0x5] =	wrdreg $0x9  }
0xb8: {  	_ =	task.clear_ibuf [dreg:s8], $0x6FFFF;
	_ =	strace $0x90000046  }
0xb9: {  	s29 =	simm.s32 $0x9;
	_ =	strace $0x80000048  }
0xba: {  	_ =	swait.ge [sflag:s29], $0x1  }
0xbb: {  	[sflag:s29] =	ssyncadd.s32 $0xFFFFFFFF  }
0xbc: {  	_ =	strace $0x90000048  }
0xbd: {  	_ =	sfence  }
0xbe: {  	s30 =	sld [smem:$0x0];
	_ =	sdelay $0x2  }
0xbf: {  	s31 =	sshll.u32 s1, $0xD;
	s1 =	sshrl.u32 s1, $0x2  }
0xc0: {  	s3 =	sand.u32 $0x4000, s31;
	s1 =	sadd.s32 s1, s30  }
0xc1: {  	s0 =	sor.u32 s3, s0;
	s1 =	sshll.u32 s1, $0x11  }
0xc2: {  	s0 =	sor.u32 s1, s0  }
0xc3: {  	s0 =	sadd.s32 $0x8F2B, s0  }
0xc4: {  	[sflag:s0] =	ssyncadd.remote.s32 $0x1  }
0xc5: {  	_ =	sfence.sel $0xFFFF  }
0xc6: {  	[dreg:$0x0] =	wrdreg $0xFFFFFFFF;
	(pc) =	sbr.abs _section_cstart, $3  }
0xc7: {  	[dreg:$0x1] =	wrdreg $0xFFFFFFFF  }
0xc8: {  	_ =	task.clear_ibuf [dreg:s8], $0x2FFFF;
	_ =	strace $0x9FFFFFFF  }
0xc9: {  	(tm) =	ssettm $0x7FFFFFFF  }
tec
execute0_lowered:
.L_overlay_start_1:
0x0: {  	(tag) =	ssettag $0x1  }
0x1: {  	s1 =	rddreg [dreg:$0x0]  }
0x2: {  	s6 =	rddreg [dreg:$0x1]  }
0x3: {  	s3 =	rddreg [dreg:$0x2]  }
0x4: {  	s0 =	rddreg [dreg:$0x3];
	s4 =	simm.s32 $0x0;
	s2 =	stileid.u32  }
0x5: {  	s5 =	srdreg.scid;
	s14 =	simm.s32 $0x3;
	s15 =	simm.s32 $0x1  }
0x6: {  	s16 =	simm.s32 $0x2;
	s17 =	simm.s32 $0x0;
	s7 =	smul.u32 $0xC, s2  }
0x7: {  	[smem:$0x7FF] =	sst s4;
	s8 =	sand.u32 $0x1, s5;
	s9 =	smul.u32 $0xC00, s2  }
0x8: {  	s5 =	sadd.s32 $0x13200, s6;
	p0 =	sgt.u32 s2, $0x6;
	s12 =	smul.u32 $0x600, s8  }
0x9: {  	_ =	strace $0x80000047;
	s10 =	ssub.s32 $0x2, s8;
	s31 =	smul.u32 $0x6, s8  }
.Ltmp0:
0xa: {  	s11 =	sadd.s32 s7, s6;
	s30 =	sshrl.u32 s10, $0x1;
	(pc) =	sbr.rel .LBB2_1-.Ltmp0, $4  }
0xb: {  	s9 =	sadd.s32 s9, s6;
	s6 =	sshll.u32 s2, $0x1;
	s7 =	ssub.s32 s10, s30  }
0xc: {  	v2 =	vlaneseq.u32;
	s12 =	sadd.s32 s12, s9;
	s13 =	sadd.s32 s31, s11;
	s7 =	smax.u32 s7, $0x1  }
0xd: {  	vm0 =	vmmov $0xffff;
	v1 =	vshrl.u32 v2, $0x3;
	s8 =	sadd.s32 $0x1C800, s12;
	s9 =	sadd.s32 $0x135C00, s12;
	s10 =	sadd.s32 $0x24F000, s12  }
0xe: {  	v0 =	vand.u32 $0x7, v2;
	v2 =	vor.u32 $0x8, v2;
	v1 =	vmul.u32 $0x8, v1;
	s11 =	sadd.s32 $0x368400, s12;
	s12 =	sadd.s32 $0x12000, s13;
	s13 =	sadd.s32 $0x10E00, s13  }
.LBB2_5:
0xf: {  	_ =	swait.ge [sflag:s16], $0x3000  }
0x10: {  	[sflag:s16] =	ssyncset.done $0x0  }
0x11: {  	[sflag:s16] =	ssyncadd.s32 $0xFFFFD000  }
0x12: {  	_ =	swait.ge [sflag:s16], $0x3000  }
0x13: {  	[sflag:s16] =	ssyncset.done $0x0  }
0x14: {  	[sflag:s16] =	ssyncadd.s32 $0xFFFFD000  }
0x15: {  	_ =	swait.ge [sflag:s16], $0x3000  }
0x16: {  	[sflag:s16] =	ssyncset.done $0x0  }
0x17: {  	[sflag:s16] =	ssyncadd.s32 $0xFFFFD000  }
0x18: {  	_ =	swait.ge [sflag:s16], $0x3000  }
0x19: {  	[sflag:s16] =	ssyncset.done $0x0  }
0x1a: {  	s18 =	simm.s32 @!p0 $0x2;
	[sflag:s16] =	ssyncadd.s32 $0xFFFFD000  }
0x1b: {  	_ =	swait.ge @!p0 [sflag:s18], $0x3000  }
0x1c: {  	[sflag:s18] =	ssyncset.done @!p0 $0x0  }
0x1d: {  	[sflag:s18] =	ssyncadd.s32 @!p0 $0xFFFFD000  }
0x1e: {  	_ =	swait.ge @!p0 [sflag:s18], $0x3000  }
0x1f: {  	[sflag:s18] =	ssyncset.done @!p0 $0x0  }
0x20: {  	s17 =	sadd.s32 $0x1, s17;
	[sflag:s18] =	ssyncadd.s32 @!p0 $0xFFFFD000  }
0x21: {  	p1 =	sne.s32 s17, s7;
	_ =	swait.ge @!p0 [sflag:s18], $0x3000  }
.Ltmp1:
0x22: {  	[sflag:s18] =	ssyncset.done @!p0 $0x0;
	(pc) =	sbr.rel @!p1 .LBB2_6-.Ltmp1, $4  }
0x23: {  	[sflag:s18] =	ssyncadd.s32 @!p0 $0xFFFFD000  }
0x24: {  	_ =	swait.ge @!p0 [sflag:s18], $0x3000  }
0x25: {  	[sflag:s18] =	ssyncset.done @!p0 $0x0  }
0x26: {  	[sflag:s18] =	ssyncadd.s32 @!p0 $0xFFFFD000  }
.LBB2_1:
.Ltmp2:
0x27: {  	(pc) =	sbr.rel .LBB2_2-.Ltmp2, $3  }
0x28: {  	_ =	sdelay $0x1  }
0x29: {  	s18 =	smov.u32 s13;
	s19 =	smov.u32 s12  }
0x2a: {  	s20 =	smov.u32 s6;
	s21 =	simm.s32 $0x0;
	s22 =	simm.s32 $0x0  }
.LBB2_4:
0x2b: {  	s21 =	sadd.s32 $0xC000, s21  }
0x2c: {  	p1 =	sne.s32 s21, $0x120000  }
.Ltmp3:
0x2d: {  	_ = 	snop;
	(pc) =	sbr.rel @!p1 .LBB2_5-.Ltmp3, $3  }
0x2e: {  	_ =	sdelay $0x1  }
0x2f: {  	s22 =	sadd.s32 $0x1, s22  }
0x30: {  	s20 =	sadd.s32 $0x20, s20;
	s19 =	sadd.s32 $0xC0, s19;
	s18 =	sadd.s32 $0xC0, s18  }
.LBB2_2:
0x31: {  	p1 =	sgt.u32 s20, $0x2ED  }
.Ltmp4:
0x32: {  	_ = 	snop;
	(pc) =	sbr.rel @p1 .LBB2_4-.Ltmp4, $1  }
0x33: {  	_ =	sdelay $0x3  }
0x34: {  	p1 =	slt.u32 s22, $0x2  }
0x35: {  	s23 =	simm.s32 @!p1 $0x2  }
0x36: {  	_ =	swait.ge @!p1 [sflag:s23], $0x3000  }
0x37: {  	[sflag:s23] =	ssyncset.done @!p1 $0x0  }
0x38: {  	[sflag:s23] =	ssyncadd.s32 @!p1 $0xFFFFD000  }
0x39: {  	_ =	swait.ge @!p1 [sflag:s23], $0x3000  }
0x3a: {  	[sflag:s23] =	ssyncset.done @!p1 $0x0  }
0x3b: {  	[sflag:s23] =	ssyncadd.s32 @!p1 $0xFFFFD000  }
0x3c: {  	_ =	swait.ge @!p1 [sflag:s23], $0x3000  }
0x3d: {  	[sflag:s23] =	ssyncset.done @!p1 $0x0  }
0x3e: {  	[sflag:s23] =	ssyncadd.s32 @!p1 $0xFFFFD000  }
0x3f: {  	_ =	swait.ge @!p1 [sflag:s23], $0x3000  }
0x40: {  	s25 =	sand.u32 $0x1, s22;
	[sflag:s23] =	ssyncset.done @!p1 $0x0  }
0x41: {  	s24 =	sshll.u32 s25, $0x7;
	[sflag:s23] =	ssyncadd.s32 @!p1 $0xFFFFD000  }
0x42: {  	[tilespmem:s24], [sflag:$0x3] =	stream.linear.gather [hbm4b:s19+s4], $0x30, $0x38;
	[tilespmem:$0x18200] =	vst v63  }
0x43: {  	_ =	swait.ge [sflag:s14], $0x30  }
0x44: {  	[sflag:s14] =	ssyncset.done $0x0  }
0x45: {  	s29 =	sor.u32 $0x100, s24;
	[sflag:s14] =	ssyncadd.s32 $0xFFFFFFD0  }
0x46: {  	[tilespmem:s29], [sflag:$0x3] =	stream.linear.gather [hbm4b:s18+s4], $0x30, $0x38;
	[tilespmem:$0x18200] =	vst v63  }
0x47: {  	_ =	swait.ge [sflag:s14], $0x30  }
0x48: {  	[sflag:s14] =	ssyncset.done $0x0  }
0x49: {  	[sflag:s14] =	ssyncadd.s32 $0xFFFFFFD0  }
0x4a: {  	v3 =	vld [tilespmem:s24+$0x0];
	_ =	sdelay $0x4  }
0x4b: {  	v4 =	vshll.u32 v3, $0x1  }
0x4c: {  	v3 =	vand.u32 $0x7, v3;
	v4 =	vand.u32 $0xFFFFFFF0, v4  }
0x4d: {  	v3 =	vor.u32 v3, v4  }
0x4e: {  	v4 =	vperm.xlane v3, v0;
	_ =	sdelay $0x1  }
0x4f: {  	v3 =	vperm.xlane v3, v2;
	v4 =	vadd.s32 v1, v4;
	_ =	sdelay $0x1  }
0x50: {  	s25 =	smul.u32 $0x3000, s25;
	v3 =	vadd.s32 v1, v3;
	_ =	sdelay $0x1  }
0x51: {  	s23 =	sor.u32 $0x200, s25  }
0x52: {  	[tilespmem:s23], [sflag:$0x1] =	stream.indirect_vreg.gather [hbm4b:s1+s4], $0x80, v4, vm0, $0xb8;
	[tilespmem:$0x18200] =	vst v63  }
0x53: {  	s26 =	sor.u32 $0xA00, s25  }
0x54: {  	[tilespmem:s26], [sflag:$0x1] =	stream.indirect_vreg.gather [hbm4b:s1+s4], $0x80, v3, vm0, $0xb8;
	[tilespmem:$0x18200] =	vst v63  }
0x55: {  	v3 =	vld [tilespmem:s24+$0x10];
	_ =	sdelay $0x4  }
0x56: {  	v53 =	vshll.u32 v3, $0x1  }
0x57: {  	v3 =	vand.u32 $0x7, v3;
	v4 =	vand.u32 $0xFFFFFFF0, v53  }
0x58: {  	v3 =	vor.u32 v3, v4  }
0x59: {  	v4 =	vperm.xlane v3, v0;
	_ =	sdelay $0x1  }
0x5a: {  	v3 =	vperm.xlane v3, v2;
	v4 =	vadd.s32 v1, v4;
	_ =	sdelay $0x1  }
0x5b: {  	v3 =	vadd.s32 v1, v3;
	_ =	sdelay $0x1  }
0x5c: {  	s30 =	sadd.s32 $0x1200, s25  }
0x5d: {  	[tilespmem:s30], [sflag:$0x1] =	stream.indirect_vreg.gather [hbm4b:s1+s4], $0x80, v4, vm0, $0xb8;
	[tilespmem:$0x18200] =	vst v63  }
0x5e: {  	s31 =	sadd.s32 $0x1A00, s25  }
0x5f: {  	[tilespmem:s31], [sflag:$0x1] =	stream.indirect_vreg.gather [hbm4b:s1+s4], $0x80, v3, vm0, $0xb8;
	[tilespmem:$0x18200] =	vst v63  }
0x60: {  	v3 =	vld [tilespmem:s24+$0x20];
	_ =	sdelay $0x4  }
0x61: {  	v54 =	vshll.u32 v3, $0x1  }
0x62: {  	v3 =	vand.u32 $0x7, v3;
	v4 =	vand.u32 $0xFFFFFFF0, v54  }
0x63: {  	v3 =	vor.u32 v3, v4  }
0x64: {  	v4 =	vperm.xlane v3, v0;
	_ =	sdelay $0x1  }
0x65: {  	v3 =	vperm.xlane v3, v2;
	v4 =	vadd.s32 v1, v4;
	_ =	sdelay $0x1  }
0x66: {  	v3 =	vadd.s32 v1, v3;
	_ =	sdelay $0x1  }
0x67: {  	s28 =	sadd.s32 $0x2200, s25  }
0x68: {  	[tilespmem:s28], [sflag:$0x1] =	stream.indirect_vreg.gather [hbm4b:s1+s4], $0x80, v4, vm0, $0xb8;
	[tilespmem:$0x18200] =	vst v63  }
0x69: {  	s29 =	sadd.s32 $0x2A00, s25  }
0x6a: {  	[tilespmem:s29], [sflag:$0x1] =	stream.indirect_vreg.gather [hbm4b:s1+s4], $0x80, v3, vm0, $0xb8;
	[tilespmem:$0x18200] =	vst v63  }
0x6b: {  	v3 =	vld [tilespmem:s24+$0x100];
	_ =	sdelay $0x4  }
0x6c: {  	v55 =	vshll.u32 v3, $0x1  }
0x6d: {  	v3 =	vand.u32 $0x7, v3;
	v4 =	vand.u32 $0xFFFFFFF0, v55  }
0x6e: {  	v3 =	vor.u32 v3, v4  }
0x6f: {  	v4 =	vperm.xlane v3, v0;
	_ =	sdelay $0x1  }
0x70: {  	v3 =	vperm.xlane v3, v2;
	v4 =	vadd.s32 v1, v4;
	_ =	sdelay $0x1  }
0x71: {  	v3 =	vadd.s32 v1, v3;
	_ =	sdelay $0x1  }
0x72: {  	s26 =	sadd.s32 $0x6200, s25  }
0x73: {  	[tilespmem:s26], [sflag:$0x1] =	stream.indirect_vreg.gather [hbm4b:s5+s4], $0x80, v4, vm0, $0xb8;
	[tilespmem:$0x18200] =	vst v63  }
0x74: {  	s28 =	sadd.s32 $0x6A00, s25  }
0x75: {  	[tilespmem:s28], [sflag:$0x1] =	stream.indirect_vreg.gather [hbm4b:s5+s4], $0x80, v3, vm0, $0xb8;
	[tilespmem:$0x18200] =	vst v63  }
0x76: {  	v3 =	vld [tilespmem:s24+$0x110];
	_ =	sdelay $0x4  }
0x77: {  	v56 =	vshll.u32 v3, $0x1  }
0x78: {  	v3 =	vand.u32 $0x7, v3;
	v4 =	vand.u32 $0xFFFFFFF0, v56  }
0x79: {  	v3 =	vor.u32 v3, v4  }
0x7a: {  	v4 =	vperm.xlane v3, v0;
	_ =	sdelay $0x1  }
0x7b: {  	v3 =	vperm.xlane v3, v2;
	v4 =	vadd.s32 v1, v4;
	_ =	sdelay $0x1  }
0x7c: {  	v3 =	vadd.s32 v1, v3;
	_ =	sdelay $0x1  }
0x7d: {  	s30 =	sadd.s32 $0x7200, s25  }
0x7e: {  	[tilespmem:s30], [sflag:$0x1] =	stream.indirect_vreg.gather [hbm4b:s5+s4], $0x80, v4, vm0, $0xb8;
	[tilespmem:$0x18200] =	vst v63  }
0x7f: {  	s31 =	sadd.s32 $0x7A00, s25  }
0x80: {  	[tilespmem:s31], [sflag:$0x1] =	stream.indirect_vreg.gather [hbm4b:s5+s4], $0x80, v3, vm0, $0xb8;
	[tilespmem:$0x18200] =	vst v63  }
0x81: {  	v3 =	vld [tilespmem:s24+$0x120];
	_ =	sdelay $0x4  }
0x82: {  	v57 =	vshll.u32 v3, $0x1  }
0x83: {  	v3 =	vand.u32 $0x7, v3;
	v4 =	vand.u32 $0xFFFFFFF0, v57  }
0x84: {  	v3 =	vor.u32 v3, v4  }
0x85: {  	v4 =	vperm.xlane v3, v0;
	_ =	sdelay $0x1  }
0x86: {  	v3 =	vperm.xlane v3, v2;
	v4 =	vadd.s32 v1, v4;
	_ =	sdelay $0x1  }
0x87: {  	v3 =	vadd.s32 v1, v3;
	_ =	sdelay $0x1  }
0x88: {  	s29 =	sor.u32 $0x8200, s25  }
0x89: {  	[tilespmem:s29], [sflag:$0x1] =	stream.indirect_vreg.gather [hbm4b:s5+s4], $0x80, v4, vm0, $0xb8;
	[tilespmem:$0x18200] =	vst v63  }
0x8a: {  	s30 =	sor.u32 $0x8A00, s25  }
0x8b: {  	[tilespmem:s30], [sflag:$0x1] =	stream.indirect_vreg.gather [hbm4b:s5+s4], $0x80, v3, vm0, $0xb8;
	[tilespmem:$0x18200] =	vst v63  }
0x8c: {  	v3 =	vld [tilespmem:s24+$0x0];
	_ =	sdelay $0x4  }
0x8d: {  	v58 =	vshll.u32 v3, $0x1  }
0x8e: {  	v3 =	vand.u32 $0x7, v3;
	v4 =	vand.u32 $0xFFFFFFF0, v58  }
0x8f: {  	v3 =	vor.u32 v3, v4  }
0x90: {  	v4 =	vperm.xlane v3, v0;
	_ =	sdelay $0x1  }
0x91: {  	v3 =	vperm.xlane v3, v2;
	v4 =	vadd.s32 v1, v4;
	_ =	sdelay $0x1  }
0x92: {  	v3 =	vadd.s32 v1, v3;
	_ =	sdelay $0x1  }
0x93: {  	s28 =	sor.u32 $0xC200, s25  }
0x94: {  	[tilespmem:s28], [sflag:$0x1] =	stream.indirect_vreg.gather [hbm4b:s3+s4], $0x80, v4, vm0, $0xb8;
	[tilespmem:$0x18200] =	vst v63  }
0x95: {  	s29 =	sor.u32 $0xCA00, s25  }
0x96: {  	[tilespmem:s29], [sflag:$0x1] =	stream.indirect_vreg.gather [hbm4b:s3+s4], $0x80, v3, vm0, $0xb8;
	[tilespmem:$0x18200] =	vst v63  }
0x97: {  	v3 =	vld [tilespmem:s24+$0x10];
	_ =	sdelay $0x4  }
0x98: {  	v59 =	vshll.u32 v3, $0x1  }
0x99: {  	v3 =	vand.u32 $0x7, v3;
	v4 =	vand.u32 $0xFFFFFFF0, v59  }
0x9a: {  	v3 =	vor.u32 v3, v4  }
0x9b: {  	v4 =	vperm.xlane v3, v0;
	_ =	sdelay $0x1  }
0x9c: {  	v3 =	vperm.xlane v3, v2;
	v4 =	vadd.s32 v1, v4;
	_ =	sdelay $0x1  }
0x9d: {  	v3 =	vadd.s32 v1, v3;
	_ =	sdelay $0x1  }
0x9e: {  	s31 =	sadd.s32 $0xD200, s25  }
0x9f: {  	[tilespmem:s31], [sflag:$0x1] =	stream.indirect_vreg.gather [hbm4b:s3+s4], $0x80, v4, vm0, $0xb8;
	[tilespmem:$0x18200] =	vst v63  }
0xa0: {  	s30 =	sadd.s32 $0xDA00, s25  }
0xa1: {  	[tilespmem:s30], [sflag:$0x1] =	stream.indirect_vreg.gather [hbm4b:s3+s4], $0x80, v3, vm0, $0xb8;
	[tilespmem:$0x18200] =	vst v63  }
0xa2: {  	v3 =	vld [tilespmem:s24+$0x20];
	_ =	sdelay $0x4  }
0xa3: {  	v60 =	vshll.u32 v3, $0x1  }
0xa4: {  	v3 =	vand.u32 $0x7, v3;
	v4 =	vand.u32 $0xFFFFFFF0, v60  }
0xa5: {  	v3 =	vor.u32 v3, v4  }
0xa6: {  	v4 =	vperm.xlane v3, v0;
	_ =	sdelay $0x1  }
0xa7: {  	v3 =	vperm.xlane v3, v2;
	v4 =	vadd.s32 v1, v4;
	_ =	sdelay $0x1  }
0xa8: {  	v3 =	vadd.s32 v1, v3;
	_ =	sdelay $0x1  }
0xa9: {  	s31 =	sadd.s32 $0xE200, s25  }
0xaa: {  	[tilespmem:s31], [sflag:$0x1] =	stream.indirect_vreg.gather [hbm4b:s3+s4], $0x80, v4, vm0, $0xb8;
	[tilespmem:$0x18200] =	vst v63  }
0xab: {  	s30 =	sadd.s32 $0xEA00, s25  }
0xac: {  	[tilespmem:s30], [sflag:$0x1] =	stream.indirect_vreg.gather [hbm4b:s3+s4], $0x80, v3, vm0, $0xb8;
	[tilespmem:$0x18200] =	vst v63  }
0xad: {  	v3 =	vld [tilespmem:s24+$0x100];
	_ =	sdelay $0x4  }
0xae: {  	v61 =	vshll.u32 v3, $0x1  }
0xaf: {  	v3 =	vand.u32 $0x7, v3;
	v4 =	vand.u32 $0xFFFFFFF0, v61  }
0xb0: {  	v3 =	vor.u32 v3, v4  }
0xb1: {  	v4 =	vperm.xlane v3, v0;
	_ =	sdelay $0x1  }
0xb2: {  	v3 =	vperm.xlane v3, v2;
	v4 =	vadd.s32 v1, v4;
	_ =	sdelay $0x1  }
0xb3: {  	v3 =	vadd.s32 v1, v3;
	_ =	sdelay $0x1  }
0xb4: {  	s29 =	sadd.s32 $0x12200, s25  }
0xb5: {  	[tilespmem:s29], [sflag:$0x1] =	stream.indirect_vreg.gather [hbm4b:s3+s4], $0x80, v4, vm0, $0xb8;
	[tilespmem:$0x18200] =	vst v63  }
0xb6: {  	s30 =	sadd.s32 $0x12A00, s25  }
0xb7: {  	[tilespmem:s30], [sflag:$0x1] =	stream.indirect_vreg.gather [hbm4b:s3+s4], $0x80, v3, vm0, $0xb8;
	[tilespmem:$0x18200] =	vst v63  }
0xb8: {  	v3 =	vld [tilespmem:s24+$0x110];
	_ =	sdelay $0x4  }
0xb9: {  	v62 =	vshll.u32 v3, $0x1  }
0xba: {  	v3 =	vand.u32 $0x7, v3;
	v4 =	vand.u32 $0xFFFFFFF0, v62  }
0xbb: {  	v3 =	vor.u32 v3, v4  }
0xbc: {  	v4 =	vperm.xlane v3, v0;
	_ =	sdelay $0x1  }
0xbd: {  	v3 =	vperm.xlane v3, v2;
	v4 =	vadd.s32 v1, v4;
	_ =	sdelay $0x1  }
0xbe: {  	v3 =	vadd.s32 v1, v3;
	_ =	sdelay $0x1  }
0xbf: {  	s31 =	sadd.s32 $0x13200, s25  }
0xc0: {  	[tilespmem:s31], [sflag:$0x1] =	stream.indirect_vreg.gather [hbm4b:s3+s4], $0x80, v4, vm0, $0xb8;
	[tilespmem:$0x18200] =	vst v63  }
0xc1: {  	s31 =	sadd.s32 $0x13A00, s25  }
0xc2: {  	[tilespmem:s31], [sflag:$0x1] =	stream.indirect_vreg.gather [hbm4b:s3+s4], $0x80, v3, vm0, $0xb8;
	[tilespmem:$0x18200] =	vst v63  }
0xc3: {  	v3 =	vld [tilespmem:s24+$0x120];
	_ =	sdelay $0x4  }
0xc4: {  	v63 =	vshll.u32 v3, $0x1  }
0xc5: {  	v3 =	vand.u32 $0x7, v3;
	v4 =	vand.u32 $0xFFFFFFF0, v63  }
0xc6: {  	v3 =	vor.u32 v3, v4  }
0xc7: {  	v4 =	vperm.xlane v3, v0;
	_ =	sdelay $0x1  }
0xc8: {  	v3 =	vperm.xlane v3, v2;
	v4 =	vadd.s32 v1, v4;
	_ =	sdelay $0x1  }
0xc9: {  	v3 =	vadd.s32 v1, v3;
	_ =	sdelay $0x1  }
0xca: {  	s31 =	sor.u32 $0x14200, s25  }
0xcb: {  	[tilespmem:s31], [sflag:$0x1] =	stream.indirect_vreg.gather [hbm4b:s3+s4], $0x80, v4, vm0, $0xb8;
	[tilespmem:$0x18200] =	vst v63  }
0xcc: {  	s30 =	sor.u32 $0x14A00, s25  }
0xcd: {  	[tilespmem:s30], [sflag:$0x1] =	stream.indirect_vreg.gather [hbm4b:s3+s4], $0x80, v3, vm0, $0xb8;
	[tilespmem:$0x18200] =	vst v63  }
0xce: {  	_ =	swait.ge [sflag:s15], $0x3000  }
0xcf: {  	[sflag:s15] =	ssyncset.done $0x0  }
0xd0: {  	[sflag:s15] =	ssyncadd.s32 $0xFFFFD000  }
0xd1: {  	_ =	swait.ge [sflag:s15], $0x3000  }
0xd2: {  	[sflag:s15] =	ssyncset.done $0x0  }
0xd3: {  	[sflag:s15] =	ssyncadd.s32 $0xFFFFD000  }
0xd4: {  	_ =	swait.ge [sflag:s15], $0x3000  }
0xd5: {  	[sflag:s15] =	ssyncset.done $0x0  }
0xd6: {  	[sflag:s15] =	ssyncadd.s32 $0xFFFFD000  }
0xd7: {  	_ =	swait.ge [sflag:s15], $0x3000  }
0xd8: {  	[sflag:s15] =	ssyncset.done $0x0  }
0xd9: {  	s31 =	sadd.s32 s21, s8;
	[sflag:s15] =	ssyncadd.s32 $0xFFFFD000  }
0xda: {  	[hbm4b:s31+s4] =	stream.linear.scatter [tilespmem:s23], [sflag:$0x2], $0x3000, $0x38;
	[tilespmem:$0x18200] =	vst v63  }
0xdb: {  	s25 =	sadd.s32 s21, s9  }
0xdc: {  	[hbm4b:s25+s4] =	stream.linear.scatter [tilespmem:s26], [sflag:$0x2], $0x3000, $0x38;
	[tilespmem:$0x18200] =	vst v63  }
.Ltmp5:
0xdd: {  	_ = 	snop;
	(pc) =	sbr.rel .LBB2_4-.Ltmp5, $4  }
0xde: {  	s30 =	sadd.s32 s21, s10  }
0xdf: {  	[hbm4b:s30+s4] =	stream.linear.scatter [tilespmem:s28], [sflag:$0x2], $0x3000, $0x38;
	[tilespmem:$0x18200] =	vst v63  }
0xe0: {  	s31 =	sadd.s32 s21, s11  }
0xe1: {  	[hbm4b:s31+s4] =	stream.linear.scatter [tilespmem:s29], [sflag:$0x2], $0x3000, $0x38;
	[tilespmem:$0x18200] =	vst v63  }
.LBB2_6:
0xe2: {  	_ =	sfence.sel $0x180000  }
0xe3: {  	[bflag:$0x0] =	sbarrier.arrive $0xFFFF  }
0xe4: {  	p0 =	sne.s32 s2, $0x0;
	_ =	strace $0x90000047  }
0xe5: {  	s0 =	sadd.s32 @!p0 $0x100000, s0;
	[bflag:$0x2] =	sbarrier.arrive $0xFFFF  }
0xe6: {  	[sflag:s0] =	ssyncadd.tile.s32 @!p0 $0x1;
	_ =	shalt  }
.Lfunc_end2:
_tile_overlayer_lowered:
.L_overlay_start_2:
0xe7: {  	(tag) =	ssettag $0x2  }
0xe8: {  	s0 =	rddreg [dreg:$0x0];
	s2 =	stileid.u32  }
0xe9: {  	s1 =	rddreg [dreg:$0x1];
	p0 =	sne.s32 s2, $0x0  }
0xea: {  	s3 =	rddreg [dreg:$0x2];
	[bflag:$0x3] =	sbarrier.arrive $0xFFFF;
	s2 =	simm.s32 @!p0 $0x1C03  }
0xeb: {  	[timem:s3], [sflag:s2] =	dma.local @!p0 [hbm:s0], s1  }
0xec: {  	s0 =	simm.s32 @!p0 $0x3  }
0xed: {  	_ =	swait.ge @!p0 [sflag:s0], s1  }
0xee: {  	s1 =	ssub.s32 @!p0 $0x0, s1;
	[sflag:s0] =	ssyncset.done @!p0 $0x0  }
0xef: {  	[sflag:s0] =	ssyncadd.s32 @!p0 s1  }
0xf0: {  	[bflag:$0x3] =	sbarrier.arrive $0xFFFF  }
0xf1: {  	_ =	shalt  }

// kernel: kernel.23.cloned.1.call-start
scs
__scs_entry_jumppad:
0x0: {  	(pc) =	sbr.rel $0x88, $3  }
0x1: {  	(tag) =	ssettag $0x0;
	lr =	simm.s32 $0x1  }
0x2: {  	[smem:$0x3F4B] =	sst lr;
	_ =	strace $0xD0000000  }
0x3: {  	_ = 	snop  }
0x4: {  	_ = 	snop  }
0x5: {  	_ = 	snop  }
0x6: {  	_ = 	snop  }
0x7: {  	_ = 	snop  }
__scs_overlays_trampoline_lowered:
0x8: {  	[smem:$0x3F5A] =	sst s0  }
0x9: {  	[smem:$0x3F5B] =	sst s1  }
0xa: {  	[smem:$0x3F5C] =	sst s2  }
0xb: {  	[smem:$0x3F5D] =	sst s3  }
0xc: {  	[smem:$0x3F5E] =	sst s4  }
0xd: {  	[smem:$0x3F5F] =	sst s5  }
0xe: {  	[smem:$0x3F60] =	sst s6  }
0xf: {  	[smem:$0x3F61] =	sst s7  }
0x10: {  	[smem:$0x3F62] =	sst s8  }
0x11: {  	[smem:$0x3F63] =	sst s9;
	s0 =	simm.s32 @!p0 $0x0  }
0x12: {  	s1 =	sld [smem:$0x3F49];
	s0 =	simm.s32 @p0 $0x1  }
0x13: {  	[smem:$0x3F64] =	sst s0;
	s0 =	simm.s32 @!p1 $0x0  }
0x14: {  	s2 =	sld [smem:$0x3F48];
	s0 =	simm.s32 @p1 $0x1  }
0x15: {  	[smem:$0x3F65] =	sst s0;
	s0 =	simm.s32 @!p2 $0x0  }
0x16: {  	s3 =	sld [smem:$0x3FDB];
	s0 =	simm.s32 @p2 $0x1  }
0x17: {  	s4 =	simm.s32 $0x1BF5;
	[smem:$0x3F67] =	sst s0  }
0x18: {  	s0 =	sld [smem:$0x3F4A];
	_ =	swait.ge [sflag:s4], $0x0  }
0x19: {  	s7 =	sld [smem:$0x3F4B]  }
0x1a: {  	s8 =	sadd.s32 $0xFFFFE003, lr  }
0x1b: {  	s9 =	sadd.s32 $0xFFFFFEF7, lr;
	s5 =	simm.s32 $0xFFFFFFFF;
	p2 =	slt.u32 s8, $0xFFFFF086  }
0x1c: {  	p1 =	slt.u32 s9, $0xF7A;
	s5 =	simm.s32 @!p2 $0x0  }
0x1d: {  	s5 =	simm.s32 @p1 $0x1;
	p0 =	seq.s32 s7, s2  }
0x1e: {  	s7 =	smul.u32 @!p0 $0xF7A, s2;
	p2 =	seq.s32 @!p0 s5, $0x0  }
0x1f: {  	s9 =	smul.u32 $0xF7A, s1;
	s8 =	simm.s32 @!p0 $0x1BF5;
	p2 =	por !p2, p0  }
0x20: {  	[sflag:s8] =	ssyncset.s32 @!p0 $0xFFFFF086;
	s6 =	sadd.s32 @!p0 s3, s7;
	s7 =	simm.s32 @!p0 $0x108  }
0x21: {  	s3 =	sadd.s32 s3, s9;
	s6 =	sadd.s32 @!p0 $0x88, s6;
	s7 =	simm.s32 @p2 $0x1082  }
0x22: {  	[simem:s7], [sflag:s8] =	dma.local @!p0 [hbm:s6], $0xF7A  }
0x23: {  	s9 =	sor.u32 $0xD0000000, s2;
	s6 =	simm.s32 $0x108;
	_ =	swait.ge @!p0 [sflag:s8], $0x0  }
0x24: {  	s3 =	sadd.s32 $0x88, s3;
	s6 =	simm.s32 @!p1 $0x1082;
	[sflag:s4] =	ssyncset.s32 $0xFFFFF086  }
0x25: {  	[simem:s6], [sflag:s4] =	dma.local [hbm:s3], $0xF7A  }
0x26: {  	[smem:$0x3F4B] =	sst s1;
	(tag) =	ssettag s2;
	_ =	strace s9  }
0x27: {  	s1 =	sld [smem:$0x3F5B]  }
0x28: {  	s2 =	sld [smem:$0x3F5C]  }
0x29: {  	s4 =	sld [smem:$0x3F5E]  }
0x2a: {  	p0 =	seq.s32 s5, $0x0;
	s5 =	sld [smem:$0x3F5F]  }
0x2b: {  	s6 =	sld [smem:$0x3F60]  }
0x2c: {  	s7 =	sld [smem:$0x3F61]  }
0x2d: {  	s3 =	simm.s32 $0x108;
	s8 =	sld [smem:$0x3F62]  }
0x2e: {  	s3 =	simm.s32 @!p0 $0x1082;
	s9 =	sld [smem:$0x3F63]  }
0x2f: {  	lr =	sadd.s32 s0, s3;
	s0 =	sld [smem:$0x3F5A]  }
0x30: {  	s3 =	sld [smem:$0x3F5D]  }
0x31: {  	[smem:$0x3F66] =	sst s10  }
0x32: {  	s10 =	sld [smem:$0x3F64];
	_ =	sdelay $0x3  }
0x33: {  	p0 =	seq.s32 s10, $0x1;
	s10 =	sld [smem:$0x3F66];
	_ =	sdelay $0x3  }
0x34: {  	[smem:$0x3F66] =	sst s10  }
0x35: {  	s10 =	sld [smem:$0x3F65];
	_ =	sdelay $0x3  }
0x36: {  	p1 =	seq.s32 s10, $0x1;
	s10 =	sld [smem:$0x3F66];
	_ =	sdelay $0x3  }
0x37: {  	[smem:$0x3F66] =	sst s10  }
0x38: {  	s10 =	sld [smem:$0x3F67]  }
0x39: {  	_ = 	snop;
	(pc) =	sbr.ind lr, $3  }
0x3a: {  	_ = 	snop  }
0x3b: {  	_ = 	snop  }
0x3c: {  	p2 =	seq.s32 s10, $0x1;
	s10 =	sld [smem:$0x3F66]  }
0x3d: {  	_ =	shalt  }
0x3e: {  	_ =	shalt  }
0x3f: {  	_ =	shalt  }
0x40: {  	_ =	shalt  }
0x41: {  	_ =	shalt  }
0x42: {  	_ =	shalt  }
0x43: {  	_ =	shalt  }
0x44: {  	_ =	shalt  }
0x45: {  	_ =	shalt  }
0x46: {  	_ =	shalt  }
0x47: {  	_ =	shalt  }
0x48: {  	_ =	shalt  }
0x49: {  	_ =	shalt  }
0x4a: {  	_ =	shalt  }
0x4b: {  	_ =	shalt  }
0x4c: {  	_ =	shalt  }
0x4d: {  	_ =	shalt  }
0x4e: {  	_ =	shalt  }
0x4f: {  	_ =	shalt  }
0x50: {  	_ =	shalt  }
0x51: {  	_ =	shalt  }
0x52: {  	_ =	shalt  }
0x53: {  	_ =	shalt  }
0x54: {  	_ =	shalt  }
0x55: {  	_ =	shalt  }
0x56: {  	_ =	shalt  }
0x57: {  	_ =	shalt  }
0x58: {  	_ =	shalt  }
0x59: {  	_ =	shalt  }
0x5a: {  	_ =	shalt  }
0x5b: {  	_ =	shalt  }
0x5c: {  	_ =	shalt  }
0x5d: {  	_ =	shalt  }
0x5e: {  	_ =	shalt  }
0x5f: {  	_ =	shalt  }
0x60: {  	_ =	shalt  }
0x61: {  	_ =	shalt  }
0x62: {  	_ =	shalt  }
0x63: {  	_ =	shalt  }
0x64: {  	_ =	shalt  }
0x65: {  	_ =	shalt  }
0x66: {  	_ =	shalt  }
0x67: {  	_ =	shalt  }
0x68: {  	_ =	shalt  }
0x69: {  	_ =	shalt  }
0x6a: {  	_ =	shalt  }
0x6b: {  	_ =	shalt  }
0x6c: {  	_ =	shalt  }
0x6d: {  	_ =	shalt  }
0x6e: {  	_ =	shalt  }
0x6f: {  	_ =	shalt  }
0x70: {  	_ =	shalt  }
0x71: {  	_ =	shalt  }
0x72: {  	_ =	shalt  }
0x73: {  	_ =	shalt  }
0x74: {  	_ =	shalt  }
0x75: {  	_ =	shalt  }
0x76: {  	_ =	shalt  }
0x77: {  	_ =	shalt  }
0x78: {  	_ =	shalt  }
0x79: {  	_ =	shalt  }
0x7a: {  	_ =	shalt  }
0x7b: {  	_ =	shalt  }
0x7c: {  	_ =	shalt  }
0x7d: {  	_ =	shalt  }
0x7e: {  	_ =	shalt  }
0x7f: {  	_ =	shalt  }
0x80: {  	_ =	shalt  }
0x81: {  	_ =	shalt  }
0x82: {  	_ =	shalt  }
0x83: {  	_ =	shalt  }
0x84: {  	_ =	shalt  }
0x85: {  	_ =	shalt  }
0x86: {  	_ =	shalt  }
0x87: {  	_ =	shalt  }
.Lfunc_end0:
.L_simem_size_0:
called_computation.1_lowered:
.L_overlay_start_0:
0x88: {  	s2 =	sld [smem:$0x3FD9]  }
0x89: {  	s3 =	sld [smem:$0x3FFE];
	_ =	sdelay $0x1  }
0x8a: {  	s1 =	srdreg.scid  }
0x8b: {  	s0 =	sand.u32 $0x1, s1  }
0x8c: {  	s15 =	sshll.u32 s0, $0xA;
	s2 =	sadd.s32 s3, s2  }
0x8d: {  	s2 =	sadd.s32 s2, s15  }
0x8e: {  	[smem:$0x3F72] =	sst s2  }
0x8f: {  	_ = 	snop  }
0x90: {  	s2 =	sld [smem:$0x3FD0];
	_ =	sdelay $0x2  }
0x91: {  	s16 =	simm.s32 $0xB;
	s4 =	simm.s32 $0x10  }
0x92: {  	[smem:s4], [sflag:s16] =	dma.local [hbm:s2], $0x1  }
0x93: {  	_ =	swait.eq [sflag:s16], $0x1  }
0x94: {  	[sflag:s16] =	ssyncset.done $0x0  }
0x95: {  	[sflag:s16] =	ssyncadd.s32 $0xFFFFFFFF  }
0x96: {  	s17 =	sld [smem:$0x10];
	(tm) =	ssettm $0x1  }
0x97: {  	s18 =	sld [smem:$0x3FFB];
	_ =	sdelay $0x3  }
0x98: {  	_ =	strace s18  }
0x99: {  	s2 =	sld [smem:$0x3FFC];
	_ =	sdelay $0x3  }
0x9a: {  	_ =	strace s2  }
0x9b: {  	s2 =	sld [smem:$0x3FFD];
	_ =	sdelay $0x3  }
0x9c: {  	_ =	strace s2  }
0x9d: {  	_ =	strace $0x8FFFFFFF  }
0x9e: {  	s19 =	sld [smem:$0x3FDB];
	_ =	sdelay $0x1  }
0x9f: {  	s20 =	simm.s32 $_scs_section_size  }
0xa0: {  	s5 =	simm.s32 $_size__tile_overlayer_lowered;
	s6 =	simm.s32 $_tile_overlayer_lowered  }
0xa1: {  	s7 =	simm.s32 $0x1BFF;
	s21 =	sshll.u32 s6, $0x1;
	s4 =	sadd.s32 s20, s19  }
0xa2: {  	s22 =	simm.s32 $0x0;
	s5 =	sshll.u32 s5, $0x1;
	s6 =	sadd.s32 s21, s4  }
0xa3: {  	[timem:s22], [sflag:s7] =	dma.local [hbm:s6], s5  }
0xa4: {  	_ =	swait.ge [sflag:s7], s5  }
0xa5: {  	s5 =	ssub.s32 $0x0, s5;
	[sflag:s7] =	ssyncset.done $0x0  }
0xa6: {  	[sflag:s7] =	ssyncadd.s32 s5;
	_ =	sdelay $0x1  }
0xa7: {  	s23 =	simm.s32 $0x1B8B  }
0xa8: {  	_ =	swait.ge [sflag:s23], $0x1  }
0xa9: {  	[sflag:s23] =	ssyncset.done $0x0  }
0xaa: {  	[sflag:s23] =	ssyncadd.s32 $0xFFFFFFFF  }
0xab: {  	s5 =	sld [smem:$0x0]  }
0xac: {  	s6 =	sand.u32 $0xFFFFFFFE, s1  }
0xad: {  	p0 =	sne.s32 s1, s6  }
0xae: {  	s6 =	sshll.u32 @p0 s6, $0xE  }
0xaf: {  	s6 =	sadd.s32 @p0 $0x11B8D, s6;
	s7 =	sshll.u32 @p0 s5, $0x11  }
0xb0: {  	s6 =	sor.u32 @p0 s7, s6  }
0xb1: {  	[sflag:s6] =	ssyncadd.remote.s32 @p0 $0x1;
	_ =	sdelay $0x1  }
0xb2: {  	s6 =	simm.s32 @p0 $0x1B8D  }
0xb3: {  	_ =	swait.eq @p0 [sflag:s6], $0x1  }
0xb4: {  	[sflag:s6] =	ssyncadd.s32 @p0 $0xFFFFFFFF  }
0xb5: {  	s7 =	sshll.u32 @!p0 s1, $0xE  }
0xb6: {  	s7 =	sor.u32 @!p0 $0x4000, s7;
	s6 =	simm.s32 @!p0 $0x1B8D  }
0xb7: {  	s5 =	sshll.u32 @!p0 s5, $0x11;
	s7 =	sadd.s32 @!p0 $0x11B8D, s7;
	_ =	swait.eq @!p0 [sflag:s6], $0x1  }
0xb8: {  	s5 =	sor.u32 @!p0 s5, s7;
	[sflag:s6] =	ssyncadd.s32 @!p0 $0xFFFFFFFF  }
0xb9: {  	s25 =	simm.s32 $0x1B8E;
	s24 =	sld [smem:$0x3FFE];
	[sflag:s5] =	ssyncadd.remote.s32 @!p0 $0x1  }
0xba: {  	s26 =	simm.s32 $execute0_lowered;
	[smem:$0x3FD2] =	sst s25  }
0xbb: {  	s6 =	sshll.u32 s26, $0x1;
	_ =	strace $0x8000004C;
	[dreg:$0x1] =	wrdreg $0xFFFFFFFF  }
0xbc: {  	s28 =	simm.s32 $_size_execute0_lowered;
	s4 =	sadd.s32 s4, s6;
	[dreg:$0x0] =	wrdreg $0x0  }
0xbd: {  	s6 =	sshll.u32 s28, $0x1;
	[dreg:$0x2] =	wrdreg s4  }
0xbe: {  	[dreg:$0x3] =	wrdreg s6  }
0xbf: {  	[dreg:$0x4] =	wrdreg $0xC0  }
0xc0: {  	_ =	task [dreg:s22], $0x5FFFF  }
0xc1: {  	[dreg:$0x1] =	wrdreg $0xFFFFFFFF  }
0xc2: {  	[dreg:$0x0] =	wrdreg $0x60  }
0xc3: {  	[dreg:$0x2] =	wrdreg s24  }
0xc4: {  	[dreg:$0x3] =	wrdreg s17  }
0xc5: {  	[dreg:$0x4] =	wrdreg $0x9  }
0xc6: {  	_ =	task.clear_ibuf [dreg:s22], $0x5FFFF;
	_ =	strace $0x9000004C  }
0xc7: {  	s29 =	simm.s32 $0x9;
	_ =	strace $0x8000004E  }
0xc8: {  	_ =	swait.ge [sflag:s29], $0x1  }
0xc9: {  	[sflag:s29] =	ssyncadd.s32 $0xFFFFFFFF  }
0xca: {  	_ =	strace $0x9000004E  }
0xcb: {  	_ =	sfence  }
0xcc: {  	s30 =	sld [smem:$0x0];
	_ =	sdelay $0x2  }
0xcd: {  	s31 =	sshll.u32 s1, $0xD;
	s1 =	sshrl.u32 s1, $0x2  }
0xce: {  	s4 =	sand.u32 $0x4000, s31;
	s1 =	sadd.s32 s1, s30  }
0xcf: {  	s0 =	sor.u32 s4, s0;
	s1 =	sshll.u32 s1, $0x11  }
0xd0: {  	s0 =	sor.u32 s1, s0  }
0xd1: {  	s0 =	sadd.s32 $0x8F2B, s0  }
0xd2: {  	[sflag:s0] =	ssyncadd.remote.s32 $0x1  }
0xd3: {  	_ =	sfence.sel $0xFFFF  }
0xd4: {  	[dreg:$0x0] =	wrdreg $0xFFFFFFFF;
	(pc) =	sbr.abs _section_cstart, $3  }
0xd5: {  	[dreg:$0x1] =	wrdreg $0xFFFFFFFF  }
0xd6: {  	_ =	task.clear_ibuf [dreg:s22], $0x2FFFF;
	_ =	strace $0x9FFFFFFF  }
0xd7: {  	(tm) =	ssettm $0x7FFFFFFF  }
tec
execute0_lowered:
.L_overlay_start_1:
0x0: {  	(tag) =	ssettag $0x1  }
0x1: {  	s6 =	rddreg [dreg:$0x0]  }
0x2: {  	s1 =	rddreg [dreg:$0x1]  }
0x3: {  	s0 =	rddreg [dreg:$0x2]  }
0x4: {  	s3 =	simm.s32 $0x0;
	s2 =	stileid.u32;
	s5 =	srdreg.scid  }
0x5: {  	s14 =	simm.s32 $0x3;
	s15 =	simm.s32 $0x1;
	s16 =	simm.s32 $0x2  }
0x6: {  	s17 =	simm.s32 $0x0;
	[smem:$0x7FF] =	sst s3;
	s7 =	smul.u32 $0xC, s2  }
0x7: {  	s4 =	sadd.s32 $0x9FC00, s6;
	s8 =	sand.u32 $0x1, s5;
	s9 =	smul.u32 $0xC00, s2  }
0x8: {  	s5 =	sadd.s32 $0xA9200, s6;
	p0 =	sgt.u32 s2, $0x6;
	s12 =	smul.u32 $0x600, s8  }
0x9: {  	_ =	strace $0x8000004D;
	s10 =	ssub.s32 $0x2, s8;
	s31 =	smul.u32 $0x6, s8  }
.Ltmp0:
0xa: {  	s11 =	sadd.s32 s7, s6;
	s30 =	sshrl.u32 s10, $0x1;
	(pc) =	sbr.rel .LBB2_1-.Ltmp0, $4  }
0xb: {  	s9 =	sadd.s32 s9, s6;
	s6 =	sshll.u32 s2, $0x1;
	s7 =	ssub.s32 s10, s30  }
0xc: {  	v2 =	vlaneseq.u32;
	s12 =	sadd.s32 s12, s9;
	s13 =	sadd.s32 s31, s11;
	s7 =	smax.u32 s7, $0x1  }
0xd: {  	vm0 =	vmmov $0xffff;
	v1 =	vshrl.u32 v2, $0x3;
	s8 =	sadd.s32 $0xB2800, s12;
	s9 =	sadd.s32 $0x1CBC00, s12;
	s10 =	sadd.s32 $0x2E5000, s12  }
0xe: {  	v0 =	vand.u32 $0x7, v2;
	v2 =	vor.u32 $0x8, v2;
	v1 =	vmul.u32 $0x8, v1;
	s11 =	sadd.s32 $0xB46A00, s12;
	s12 =	sadd.s32 $0x12000, s13;
	s13 =	sadd.s32 $0x10E00, s13  }
.LBB2_5:
0xf: {  	_ =	swait.ge [sflag:s16], $0x3000  }
0x10: {  	[sflag:s16] =	ssyncset.done $0x0  }
0x11: {  	[sflag:s16] =	ssyncadd.s32 $0xFFFFD000  }
0x12: {  	_ =	swait.ge [sflag:s16], $0x3000  }
0x13: {  	[sflag:s16] =	ssyncset.done $0x0  }
0x14: {  	[sflag:s16] =	ssyncadd.s32 $0xFFFFD000  }
0x15: {  	_ =	swait.ge [sflag:s16], $0x3000  }
0x16: {  	[sflag:s16] =	ssyncset.done $0x0  }
0x17: {  	[sflag:s16] =	ssyncadd.s32 $0xFFFFD000  }
0x18: {  	_ =	swait.ge [sflag:s16], $0x3000  }
0x19: {  	[sflag:s16] =	ssyncset.done $0x0  }
0x1a: {  	s18 =	simm.s32 @!p0 $0x2;
	[sflag:s16] =	ssyncadd.s32 $0xFFFFD000  }
0x1b: {  	_ =	swait.ge @!p0 [sflag:s18], $0x3000  }
0x1c: {  	[sflag:s18] =	ssyncset.done @!p0 $0x0  }
0x1d: {  	[sflag:s18] =	ssyncadd.s32 @!p0 $0xFFFFD000  }
0x1e: {  	_ =	swait.ge @!p0 [sflag:s18], $0x3000  }
0x1f: {  	[sflag:s18] =	ssyncset.done @!p0 $0x0  }
0x20: {  	s17 =	sadd.s32 $0x1, s17;
	[sflag:s18] =	ssyncadd.s32 @!p0 $0xFFFFD000  }
0x21: {  	p1 =	sne.s32 s17, s7;
	_ =	swait.ge @!p0 [sflag:s18], $0x3000  }
.Ltmp1:
0x22: {  	[sflag:s18] =	ssyncset.done @!p0 $0x0;
	(pc) =	sbr.rel @!p1 .LBB2_6-.Ltmp1, $4  }
0x23: {  	[sflag:s18] =	ssyncadd.s32 @!p0 $0xFFFFD000  }
0x24: {  	_ =	swait.ge @!p0 [sflag:s18], $0x3000  }
0x25: {  	[sflag:s18] =	ssyncset.done @!p0 $0x0  }
0x26: {  	[sflag:s18] =	ssyncadd.s32 @!p0 $0xFFFFD000  }
.LBB2_1:
.Ltmp2:
0x27: {  	(pc) =	sbr.rel .LBB2_2-.Ltmp2, $3  }
0x28: {  	_ =	sdelay $0x1  }
0x29: {  	s18 =	smov.u32 s13;
	s19 =	smov.u32 s12  }
0x2a: {  	s20 =	smov.u32 s6;
	s21 =	simm.s32 $0x0;
	s22 =	simm.s32 $0x0  }
.LBB2_4:
0x2b: {  	s21 =	sadd.s32 $0xC000, s21  }
0x2c: {  	p1 =	sne.s32 s21, $0x120000  }
.Ltmp3:
0x2d: {  	_ = 	snop;
	(pc) =	sbr.rel @!p1 .LBB2_5-.Ltmp3, $3  }
0x2e: {  	_ =	sdelay $0x1  }
0x2f: {  	s22 =	sadd.s32 $0x1, s22  }
0x30: {  	s20 =	sadd.s32 $0x20, s20;
	s19 =	sadd.s32 $0xC0, s19;
	s18 =	sadd.s32 $0xC0, s18  }
.LBB2_2:
0x31: {  	p1 =	sgt.u32 s20, $0x2ED  }
.Ltmp4:
0x32: {  	_ = 	snop;
	(pc) =	sbr.rel @p1 .LBB2_4-.Ltmp4, $1  }
0x33: {  	_ =	sdelay $0x3  }
0x34: {  	p1 =	slt.u32 s22, $0x2  }
0x35: {  	s23 =	simm.s32 @!p1 $0x2  }
0x36: {  	_ =	swait.ge @!p1 [sflag:s23], $0x3000  }
0x37: {  	[sflag:s23] =	ssyncset.done @!p1 $0x0  }
0x38: {  	[sflag:s23] =	ssyncadd.s32 @!p1 $0xFFFFD000  }
0x39: {  	_ =	swait.ge @!p1 [sflag:s23], $0x3000  }
0x3a: {  	[sflag:s23] =	ssyncset.done @!p1 $0x0  }
0x3b: {  	[sflag:s23] =	ssyncadd.s32 @!p1 $0xFFFFD000  }
0x3c: {  	_ =	swait.ge @!p1 [sflag:s23], $0x3000  }
0x3d: {  	[sflag:s23] =	ssyncset.done @!p1 $0x0  }
0x3e: {  	[sflag:s23] =	ssyncadd.s32 @!p1 $0xFFFFD000  }
0x3f: {  	_ =	swait.ge @!p1 [sflag:s23], $0x3000  }
0x40: {  	s25 =	sand.u32 $0x1, s22;
	[sflag:s23] =	ssyncset.done @!p1 $0x0  }
0x41: {  	s24 =	sshll.u32 s25, $0x7;
	[sflag:s23] =	ssyncadd.s32 @!p1 $0xFFFFD000  }
0x42: {  	[tilespmem:s24], [sflag:$0x3] =	stream.linear.gather [hbm4b:s19+s3], $0x30, $0x38;
	[tilespmem:$0x18200] =	vst v63  }
0x43: {  	_ =	swait.ge [sflag:s14], $0x30  }
0x44: {  	[sflag:s14] =	ssyncset.done $0x0  }
0x45: {  	s29 =	sor.u32 $0x100, s24;
	[sflag:s14] =	ssyncadd.s32 $0xFFFFFFD0  }
0x46: {  	[tilespmem:s29], [sflag:$0x3] =	stream.linear.gather [hbm4b:s18+s3], $0x30, $0x38;
	[tilespmem:$0x18200] =	vst v63  }
0x47: {  	_ =	swait.ge [sflag:s14], $0x30  }
0x48: {  	[sflag:s14] =	ssyncset.done $0x0  }
0x49: {  	[sflag:s14] =	ssyncadd.s32 $0xFFFFFFD0  }
0x4a: {  	v3 =	vld [tilespmem:s24+$0x0];
	_ =	sdelay $0x4  }
0x4b: {  	v4 =	vshll.u32 v3, $0x1  }
0x4c: {  	v3 =	vand.u32 $0x7, v3;
	v4 =	vand.u32 $0xFFFFFFF0, v4  }
0x4d: {  	v3 =	vor.u32 v3, v4  }
0x4e: {  	v4 =	vperm.xlane v3, v0;
	_ =	sdelay $0x1  }
0x4f: {  	v3 =	vperm.xlane v3, v2;
	v4 =	vadd.s32 v1, v4;
	_ =	sdelay $0x1  }
0x50: {  	s25 =	smul.u32 $0x3000, s25;
	v3 =	vadd.s32 v1, v3;
	_ =	sdelay $0x1  }
0x51: {  	s23 =	sor.u32 $0x200, s25  }
0x52: {  	[tilespmem:s23], [sflag:$0x1] =	stream.indirect_vreg.gather [hbm4b:s4+s3], $0x80, v4, vm0, $0xb8;
	[tilespmem:$0x18200] =	vst v63  }
0x53: {  	s26 =	sor.u32 $0xA00, s25  }
0x54: {  	[tilespmem:s26], [sflag:$0x1] =	stream.indirect_vreg.gather [hbm4b:s4+s3], $0x80, v3, vm0, $0xb8;
	[tilespmem:$0x18200] =	vst v63  }
0x55: {  	v3 =	vld [tilespmem:s24+$0x10];
	_ =	sdelay $0x4  }
0x56: {  	v53 =	vshll.u32 v3, $0x1  }
0x57: {  	v3 =	vand.u32 $0x7, v3;
	v4 =	vand.u32 $0xFFFFFFF0, v53  }
0x58: {  	v3 =	vor.u32 v3, v4  }
0x59: {  	v4 =	vperm.xlane v3, v0;
	_ =	sdelay $0x1  }
0x5a: {  	v3 =	vperm.xlane v3, v2;
	v4 =	vadd.s32 v1, v4;
	_ =	sdelay $0x1  }
0x5b: {  	v3 =	vadd.s32 v1, v3;
	_ =	sdelay $0x1  }
0x5c: {  	s30 =	sadd.s32 $0x1200, s25  }
0x5d: {  	[tilespmem:s30], [sflag:$0x1] =	stream.indirect_vreg.gather [hbm4b:s4+s3], $0x80, v4, vm0, $0xb8;
	[tilespmem:$0x18200] =	vst v63  }
0x5e: {  	s31 =	sadd.s32 $0x1A00, s25  }
0x5f: {  	[tilespmem:s31], [sflag:$0x1] =	stream.indirect_vreg.gather [hbm4b:s4+s3], $0x80, v3, vm0, $0xb8;
	[tilespmem:$0x18200] =	vst v63  }
0x60: {  	v3 =	vld [tilespmem:s24+$0x20];
	_ =	sdelay $0x4  }
0x61: {  	v54 =	vshll.u32 v3, $0x1  }
0x62: {  	v3 =	vand.u32 $0x7, v3;
	v4 =	vand.u32 $0xFFFFFFF0, v54  }
0x63: {  	v3 =	vor.u32 v3, v4  }
0x64: {  	v4 =	vperm.xlane v3, v0;
	_ =	sdelay $0x1  }
0x65: {  	v3 =	vperm.xlane v3, v2;
	v4 =	vadd.s32 v1, v4;
	_ =	sdelay $0x1  }
0x66: {  	v3 =	vadd.s32 v1, v3;
	_ =	sdelay $0x1  }
0x67: {  	s28 =	sadd.s32 $0x2200, s25  }
0x68: {  	[tilespmem:s28], [sflag:$0x1] =	stream.indirect_vreg.gather [hbm4b:s4+s3], $0x80, v4, vm0, $0xb8;
	[tilespmem:$0x18200] =	vst v63  }
0x69: {  	s29 =	sadd.s32 $0x2A00, s25  }
0x6a: {  	[tilespmem:s29], [sflag:$0x1] =	stream.indirect_vreg.gather [hbm4b:s4+s3], $0x80, v3, vm0, $0xb8;
	[tilespmem:$0x18200] =	vst v63  }
0x6b: {  	v3 =	vld [tilespmem:s24+$0x100];
	_ =	sdelay $0x4  }
0x6c: {  	v55 =	vshll.u32 v3, $0x1  }
0x6d: {  	v3 =	vand.u32 $0x7, v3;
	v4 =	vand.u32 $0xFFFFFFF0, v55  }
0x6e: {  	v3 =	vor.u32 v3, v4  }
0x6f: {  	v4 =	vperm.xlane v3, v0;
	_ =	sdelay $0x1  }
0x70: {  	v3 =	vperm.xlane v3, v2;
	v4 =	vadd.s32 v1, v4;
	_ =	sdelay $0x1  }
0x71: {  	v3 =	vadd.s32 v1, v3;
	_ =	sdelay $0x1  }
0x72: {  	s26 =	sadd.s32 $0x6200, s25  }
0x73: {  	[tilespmem:s26], [sflag:$0x1] =	stream.indirect_vreg.gather [hbm4b:s5+s3], $0x80, v4, vm0, $0xb8;
	[tilespmem:$0x18200] =	vst v63  }
0x74: {  	s28 =	sadd.s32 $0x6A00, s25  }
0x75: {  	[tilespmem:s28], [sflag:$0x1] =	stream.indirect_vreg.gather [hbm4b:s5+s3], $0x80, v3, vm0, $0xb8;
	[tilespmem:$0x18200] =	vst v63  }
0x76: {  	v3 =	vld [tilespmem:s24+$0x110];
	_ =	sdelay $0x4  }
0x77: {  	v56 =	vshll.u32 v3, $0x1  }
0x78: {  	v3 =	vand.u32 $0x7, v3;
	v4 =	vand.u32 $0xFFFFFFF0, v56  }
0x79: {  	v3 =	vor.u32 v3, v4  }
0x7a: {  	v4 =	vperm.xlane v3, v0;
	_ =	sdelay $0x1  }
0x7b: {  	v3 =	vperm.xlane v3, v2;
	v4 =	vadd.s32 v1, v4;
	_ =	sdelay $0x1  }
0x7c: {  	v3 =	vadd.s32 v1, v3;
	_ =	sdelay $0x1  }
0x7d: {  	s30 =	sadd.s32 $0x7200, s25  }
0x7e: {  	[tilespmem:s30], [sflag:$0x1] =	stream.indirect_vreg.gather [hbm4b:s5+s3], $0x80, v4, vm0, $0xb8;
	[tilespmem:$0x18200] =	vst v63  }
0x7f: {  	s31 =	sadd.s32 $0x7A00, s25  }
0x80: {  	[tilespmem:s31], [sflag:$0x1] =	stream.indirect_vreg.gather [hbm4b:s5+s3], $0x80, v3, vm0, $0xb8;
	[tilespmem:$0x18200] =	vst v63  }
0x81: {  	v3 =	vld [tilespmem:s24+$0x120];
	_ =	sdelay $0x4  }
0x82: {  	v57 =	vshll.u32 v3, $0x1  }
0x83: {  	v3 =	vand.u32 $0x7, v3;
	v4 =	vand.u32 $0xFFFFFFF0, v57  }
0x84: {  	v3 =	vor.u32 v3, v4  }
0x85: {  	v4 =	vperm.xlane v3, v0;
	_ =	sdelay $0x1  }
0x86: {  	v3 =	vperm.xlane v3, v2;
	v4 =	vadd.s32 v1, v4;
	_ =	sdelay $0x1  }
0x87: {  	v3 =	vadd.s32 v1, v3;
	_ =	sdelay $0x1  }
0x88: {  	s29 =	sor.u32 $0x8200, s25  }
0x89: {  	[tilespmem:s29], [sflag:$0x1] =	stream.indirect_vreg.gather [hbm4b:s5+s3], $0x80, v4, vm0, $0xb8;
	[tilespmem:$0x18200] =	vst v63  }
0x8a: {  	s30 =	sor.u32 $0x8A00, s25  }
0x8b: {  	[tilespmem:s30], [sflag:$0x1] =	stream.indirect_vreg.gather [hbm4b:s5+s3], $0x80, v3, vm0, $0xb8;
	[tilespmem:$0x18200] =	vst v63  }
0x8c: {  	v3 =	vld [tilespmem:s24+$0x0];
	_ =	sdelay $0x4  }
0x8d: {  	v58 =	vshll.u32 v3, $0x1  }
0x8e: {  	v3 =	vand.u32 $0x7, v3;
	v4 =	vand.u32 $0xFFFFFFF0, v58  }
0x8f: {  	v3 =	vor.u32 v3, v4  }
0x90: {  	v4 =	vperm.xlane v3, v0;
	_ =	sdelay $0x1  }
0x91: {  	v3 =	vperm.xlane v3, v2;
	v4 =	vadd.s32 v1, v4;
	_ =	sdelay $0x1  }
0x92: {  	v3 =	vadd.s32 v1, v3;
	_ =	sdelay $0x1  }
0x93: {  	s28 =	sor.u32 $0xC200, s25  }
0x94: {  	[tilespmem:s28], [sflag:$0x1] =	stream.indirect_vreg.gather [hbm4b:s1+s3], $0x80, v4, vm0, $0xb8;
	[tilespmem:$0x18200] =	vst v63  }
0x95: {  	s29 =	sor.u32 $0xCA00, s25  }
0x96: {  	[tilespmem:s29], [sflag:$0x1] =	stream.indirect_vreg.gather [hbm4b:s1+s3], $0x80, v3, vm0, $0xb8;
	[tilespmem:$0x18200] =	vst v63  }
0x97: {  	v3 =	vld [tilespmem:s24+$0x10];
	_ =	sdelay $0x4  }
0x98: {  	v59 =	vshll.u32 v3, $0x1  }
0x99: {  	v3 =	vand.u32 $0x7, v3;
	v4 =	vand.u32 $0xFFFFFFF0, v59  }
0x9a: {  	v3 =	vor.u32 v3, v4  }
0x9b: {  	v4 =	vperm.xlane v3, v0;
	_ =	sdelay $0x1  }
0x9c: {  	v3 =	vperm.xlane v3, v2;
	v4 =	vadd.s32 v1, v4;
	_ =	sdelay $0x1  }
0x9d: {  	v3 =	vadd.s32 v1, v3;
	_ =	sdelay $0x1  }
0x9e: {  	s31 =	sadd.s32 $0xD200, s25  }
0x9f: {  	[tilespmem:s31], [sflag:$0x1] =	stream.indirect_vreg.gather [hbm4b:s1+s3], $0x80, v4, vm0, $0xb8;
	[tilespmem:$0x18200] =	vst v63  }
0xa0: {  	s30 =	sadd.s32 $0xDA00, s25  }
0xa1: {  	[tilespmem:s30], [sflag:$0x1] =	stream.indirect_vreg.gather [hbm4b:s1+s3], $0x80, v3, vm0, $0xb8;
	[tilespmem:$0x18200] =	vst v63  }
0xa2: {  	v3 =	vld [tilespmem:s24+$0x20];
	_ =	sdelay $0x4  }
0xa3: {  	v60 =	vshll.u32 v3, $0x1  }
0xa4: {  	v3 =	vand.u32 $0x7, v3;
	v4 =	vand.u32 $0xFFFFFFF0, v60  }
0xa5: {  	v3 =	vor.u32 v3, v4  }
0xa6: {  	v4 =	vperm.xlane v3, v0;
	_ =	sdelay $0x1  }
0xa7: {  	v3 =	vperm.xlane v3, v2;
	v4 =	vadd.s32 v1, v4;
	_ =	sdelay $0x1  }
0xa8: {  	v3 =	vadd.s32 v1, v3;
	_ =	sdelay $0x1  }
0xa9: {  	s31 =	sadd.s32 $0xE200, s25  }
0xaa: {  	[tilespmem:s31], [sflag:$0x1] =	stream.indirect_vreg.gather [hbm4b:s1+s3], $0x80, v4, vm0, $0xb8;
	[tilespmem:$0x18200] =	vst v63  }
0xab: {  	s30 =	sadd.s32 $0xEA00, s25  }
0xac: {  	[tilespmem:s30], [sflag:$0x1] =	stream.indirect_vreg.gather [hbm4b:s1+s3], $0x80, v3, vm0, $0xb8;
	[tilespmem:$0x18200] =	vst v63  }
0xad: {  	v3 =	vld [tilespmem:s24+$0x100];
	_ =	sdelay $0x4  }
0xae: {  	v61 =	vshll.u32 v3, $0x1  }
0xaf: {  	v3 =	vand.u32 $0x7, v3;
	v4 =	vand.u32 $0xFFFFFFF0, v61  }
0xb0: {  	v3 =	vor.u32 v3, v4  }
0xb1: {  	v4 =	vperm.xlane v3, v0;
	_ =	sdelay $0x1  }
0xb2: {  	v3 =	vperm.xlane v3, v2;
	v4 =	vadd.s32 v1, v4;
	_ =	sdelay $0x1  }
0xb3: {  	v3 =	vadd.s32 v1, v3;
	_ =	sdelay $0x1  }
0xb4: {  	s29 =	sadd.s32 $0x12200, s25  }
0xb5: {  	[tilespmem:s29], [sflag:$0x1] =	stream.indirect_vreg.gather [hbm4b:s1+s3], $0x80, v4, vm0, $0xb8;
	[tilespmem:$0x18200] =	vst v63  }
0xb6: {  	s30 =	sadd.s32 $0x12A00, s25  }
0xb7: {  	[tilespmem:s30], [sflag:$0x1] =	stream.indirect_vreg.gather [hbm4b:s1+s3], $0x80, v3, vm0, $0xb8;
	[tilespmem:$0x18200] =	vst v63  }
0xb8: {  	v3 =	vld [tilespmem:s24+$0x110];
	_ =	sdelay $0x4  }
0xb9: {  	v62 =	vshll.u32 v3, $0x1  }
0xba: {  	v3 =	vand.u32 $0x7, v3;
	v4 =	vand.u32 $0xFFFFFFF0, v62  }
0xbb: {  	v3 =	vor.u32 v3, v4  }
0xbc: {  	v4 =	vperm.xlane v3, v0;
	_ =	sdelay $0x1  }
0xbd: {  	v3 =	vperm.xlane v3, v2;
	v4 =	vadd.s32 v1, v4;
	_ =	sdelay $0x1  }
0xbe: {  	v3 =	vadd.s32 v1, v3;
	_ =	sdelay $0x1  }
0xbf: {  	s31 =	sadd.s32 $0x13200, s25  }
0xc0: {  	[tilespmem:s31], [sflag:$0x1] =	stream.indirect_vreg.gather [hbm4b:s1+s3], $0x80, v4, vm0, $0xb8;
	[tilespmem:$0x18200] =	vst v63  }
0xc1: {  	s31 =	sadd.s32 $0x13A00, s25  }
0xc2: {  	[tilespmem:s31], [sflag:$0x1] =	stream.indirect_vreg.gather [hbm4b:s1+s3], $0x80, v3, vm0, $0xb8;
	[tilespmem:$0x18200] =	vst v63  }
0xc3: {  	v3 =	vld [tilespmem:s24+$0x120];
	_ =	sdelay $0x4  }
0xc4: {  	v63 =	vshll.u32 v3, $0x1  }
0xc5: {  	v3 =	vand.u32 $0x7, v3;
	v4 =	vand.u32 $0xFFFFFFF0, v63  }
0xc6: {  	v3 =	vor.u32 v3, v4  }
0xc7: {  	v4 =	vperm.xlane v3, v0;
	_ =	sdelay $0x1  }
0xc8: {  	v3 =	vperm.xlane v3, v2;
	v4 =	vadd.s32 v1, v4;
	_ =	sdelay $0x1  }
0xc9: {  	v3 =	vadd.s32 v1, v3;
	_ =	sdelay $0x1  }
0xca: {  	s31 =	sor.u32 $0x14200, s25  }
0xcb: {  	[tilespmem:s31], [sflag:$0x1] =	stream.indirect_vreg.gather [hbm4b:s1+s3], $0x80, v4, vm0, $0xb8;
	[tilespmem:$0x18200] =	vst v63  }
0xcc: {  	s30 =	sor.u32 $0x14A00, s25  }
0xcd: {  	[tilespmem:s30], [sflag:$0x1] =	stream.indirect_vreg.gather [hbm4b:s1+s3], $0x80, v3, vm0, $0xb8;
	[tilespmem:$0x18200] =	vst v63  }
0xce: {  	_ =	swait.ge [sflag:s15], $0x3000  }
0xcf: {  	[sflag:s15] =	ssyncset.done $0x0  }
0xd0: {  	[sflag:s15] =	ssyncadd.s32 $0xFFFFD000  }
0xd1: {  	_ =	swait.ge [sflag:s15], $0x3000  }
0xd2: {  	[sflag:s15] =	ssyncset.done $0x0  }
0xd3: {  	[sflag:s15] =	ssyncadd.s32 $0xFFFFD000  }
0xd4: {  	_ =	swait.ge [sflag:s15], $0x3000  }
0xd5: {  	[sflag:s15] =	ssyncset.done $0x0  }
0xd6: {  	[sflag:s15] =	ssyncadd.s32 $0xFFFFD000  }
0xd7: {  	_ =	swait.ge [sflag:s15], $0x3000  }
0xd8: {  	[sflag:s15] =	ssyncset.done $0x0  }
0xd9: {  	s31 =	sadd.s32 s21, s8;
	[sflag:s15] =	ssyncadd.s32 $0xFFFFD000  }
0xda: {  	[hbm4b:s31+s3] =	stream.linear.scatter [tilespmem:s23], [sflag:$0x2], $0x3000, $0x38;
	[tilespmem:$0x18200] =	vst v63  }
0xdb: {  	s25 =	sadd.s32 s21, s9  }
0xdc: {  	[hbm4b:s25+s3] =	stream.linear.scatter [tilespmem:s26], [sflag:$0x2], $0x3000, $0x38;
	[tilespmem:$0x18200] =	vst v63  }
.Ltmp5:
0xdd: {  	_ = 	snop;
	(pc) =	sbr.rel .LBB2_4-.Ltmp5, $4  }
0xde: {  	s30 =	sadd.s32 s21, s10  }
0xdf: {  	[hbm4b:s30+s3] =	stream.linear.scatter [tilespmem:s28], [sflag:$0x2], $0x3000, $0x38;
	[tilespmem:$0x18200] =	vst v63  }
0xe0: {  	s31 =	sadd.s32 s21, s11  }
0xe1: {  	[hbm4b:s31+s3] =	stream.linear.scatter [tilespmem:s29], [sflag:$0x2], $0x3000, $0x38;
	[tilespmem:$0x18200] =	vst v63  }
.LBB2_6:
0xe2: {  	_ =	sfence.sel $0x180000  }
0xe3: {  	[bflag:$0x0] =	sbarrier.arrive $0xFFFF  }
0xe4: {  	p0 =	sne.s32 s2, $0x0;
	_ =	strace $0x9000004D  }
0xe5: {  	s0 =	sadd.s32 @!p0 $0x100000, s0;
	[bflag:$0x2] =	sbarrier.arrive $0xFFFF  }
0xe6: {  	[sflag:s0] =	ssyncadd.tile.s32 @!p0 $0x1;
	_ =	shalt  }
.Lfunc_end2:
_tile_overlayer_lowered:
.L_overlay_start_2:
0xe7: {  	(tag) =	ssettag $0x2  }
0xe8: {  	s0 =	rddreg [dreg:$0x0];
	s2 =	stileid.u32  }
0xe9: {  	s1 =	rddreg [dreg:$0x1];
	p0 =	sne.s32 s2, $0x0  }
0xea: {  	s3 =	rddreg [dreg:$0x2];
	[bflag:$0x3] =	sbarrier.arrive $0xFFFF;
	s2 =	simm.s32 @!p0 $0x1C03  }
0xeb: {  	[timem:s3], [sflag:s2] =	dma.local @!p0 [hbm:s0], s1  }
0xec: {  	s0 =	simm.s32 @!p0 $0x3  }
0xed: {  	_ =	swait.ge @!p0 [sflag:s0], s1  }
0xee: {  	s1 =	ssub.s32 @!p0 $0x0, s1;
	[sflag:s0] =	ssyncset.done @!p0 $0x0  }
0xef: {  	[sflag:s0] =	ssyncadd.s32 @!p0 s1  }
0xf0: {  	[bflag:$0x3] =	sbarrier.arrive $0xFFFF  }
0xf1: {  	_ =	shalt  }

// kernel: kernel.26.cloned.1.call-start
scs
__scs_entry_jumppad:
0x0: {  	(pc) =	sbr.rel $0x88, $3  }
0x1: {  	(tag) =	ssettag $0x0;
	lr =	simm.s32 $0x1  }
0x2: {  	[smem:$0x3F4B] =	sst lr;
	_ =	strace $0xD0000000  }
0x3: {  	_ = 	snop  }
0x4: {  	_ = 	snop  }
0x5: {  	_ = 	snop  }
0x6: {  	_ = 	snop  }
0x7: {  	_ = 	snop  }
__scs_overlays_trampoline_lowered:
0x8: {  	[smem:$0x3F5A] =	sst s0  }
0x9: {  	[smem:$0x3F5B] =	sst s1  }
0xa: {  	[smem:$0x3F5C] =	sst s2  }
0xb: {  	[smem:$0x3F5D] =	sst s3  }
0xc: {  	[smem:$0x3F5E] =	sst s4  }
0xd: {  	[smem:$0x3F5F] =	sst s5  }
0xe: {  	[smem:$0x3F60] =	sst s6  }
0xf: {  	[smem:$0x3F61] =	sst s7  }
0x10: {  	[smem:$0x3F62] =	sst s8  }
0x11: {  	[smem:$0x3F63] =	sst s9;
	s0 =	simm.s32 @!p0 $0x0  }
0x12: {  	s1 =	sld [smem:$0x3F49];
	s0 =	simm.s32 @p0 $0x1  }
0x13: {  	[smem:$0x3F64] =	sst s0;
	s0 =	simm.s32 @!p1 $0x0  }
0x14: {  	s2 =	sld [smem:$0x3F48];
	s0 =	simm.s32 @p1 $0x1  }
0x15: {  	[smem:$0x3F65] =	sst s0;
	s0 =	simm.s32 @!p2 $0x0  }
0x16: {  	s3 =	sld [smem:$0x3FDB];
	s0 =	simm.s32 @p2 $0x1  }
0x17: {  	s4 =	simm.s32 $0x1BF5;
	[smem:$0x3F67] =	sst s0  }
0x18: {  	s0 =	sld [smem:$0x3F4A];
	_ =	swait.ge [sflag:s4], $0x0  }
0x19: {  	s7 =	sld [smem:$0x3F4B]  }
0x1a: {  	s8 =	sadd.s32 $0xFFFFE003, lr  }
0x1b: {  	s9 =	sadd.s32 $0xFFFFFEF7, lr;
	s5 =	simm.s32 $0xFFFFFFFF;
	p2 =	slt.u32 s8, $0xFFFFF086  }
0x1c: {  	p1 =	slt.u32 s9, $0xF7A;
	s5 =	simm.s32 @!p2 $0x0  }
0x1d: {  	s5 =	simm.s32 @p1 $0x1;
	p0 =	seq.s32 s7, s2  }
0x1e: {  	s7 =	smul.u32 @!p0 $0xF7A, s2;
	p2 =	seq.s32 @!p0 s5, $0x0  }
0x1f: {  	s9 =	smul.u32 $0xF7A, s1;
	s8 =	simm.s32 @!p0 $0x1BF5;
	p2 =	por !p2, p0  }
0x20: {  	[sflag:s8] =	ssyncset.s32 @!p0 $0xFFFFF086;
	s6 =	sadd.s32 @!p0 s3, s7;
	s7 =	simm.s32 @!p0 $0x108  }
0x21: {  	s3 =	sadd.s32 s3, s9;
	s6 =	sadd.s32 @!p0 $0x88, s6;
	s7 =	simm.s32 @p2 $0x1082  }
0x22: {  	[simem:s7], [sflag:s8] =	dma.local @!p0 [hbm:s6], $0xF7A  }
0x23: {  	s9 =	sor.u32 $0xD0000000, s2;
	s6 =	simm.s32 $0x108;
	_ =	swait.ge @!p0 [sflag:s8], $0x0  }
0x24: {  	s3 =	sadd.s32 $0x88, s3;
	s6 =	simm.s32 @!p1 $0x1082;
	[sflag:s4] =	ssyncset.s32 $0xFFFFF086  }
0x25: {  	[simem:s6], [sflag:s4] =	dma.local [hbm:s3], $0xF7A  }
0x26: {  	[smem:$0x3F4B] =	sst s1;
	(tag) =	ssettag s2;
	_ =	strace s9  }
0x27: {  	s1 =	sld [smem:$0x3F5B]  }
0x28: {  	s2 =	sld [smem:$0x3F5C]  }
0x29: {  	s4 =	sld [smem:$0x3F5E]  }
0x2a: {  	p0 =	seq.s32 s5, $0x0;
	s5 =	sld [smem:$0x3F5F]  }
0x2b: {  	s6 =	sld [smem:$0x3F60]  }
0x2c: {  	s7 =	sld [smem:$0x3F61]  }
0x2d: {  	s3 =	simm.s32 $0x108;
	s8 =	sld [smem:$0x3F62]  }
0x2e: {  	s3 =	simm.s32 @!p0 $0x1082;
	s9 =	sld [smem:$0x3F63]  }
0x2f: {  	lr =	sadd.s32 s0, s3;
	s0 =	sld [smem:$0x3F5A]  }
0x30: {  	s3 =	sld [smem:$0x3F5D]  }
0x31: {  	[smem:$0x3F66] =	sst s10  }
0x32: {  	s10 =	sld [smem:$0x3F64];
	_ =	sdelay $0x3  }
0x33: {  	p0 =	seq.s32 s10, $0x1;
	s10 =	sld [smem:$0x3F66];
	_ =	sdelay $0x3  }
0x34: {  	[smem:$0x3F66] =	sst s10  }
0x35: {  	s10 =	sld [smem:$0x3F65];
	_ =	sdelay $0x3  }
0x36: {  	p1 =	seq.s32 s10, $0x1;
	s10 =	sld [smem:$0x3F66];
	_ =	sdelay $0x3  }
0x37: {  	[smem:$0x3F66] =	sst s10  }
0x38: {  	s10 =	sld [smem:$0x3F67]  }
0x39: {  	_ = 	snop;
	(pc) =	sbr.ind lr, $3  }
0x3a: {  	_ = 	snop  }
0x3b: {  	_ = 	snop  }
0x3c: {  	p2 =	seq.s32 s10, $0x1;
	s10 =	sld [smem:$0x3F66]  }
0x3d: {  	_ =	shalt  }
0x3e: {  	_ =	shalt  }
0x3f: {  	_ =	shalt  }
0x40: {  	_ =	shalt  }
0x41: {  	_ =	shalt  }
0x42: {  	_ =	shalt  }
0x43: {  	_ =	shalt  }
0x44: {  	_ =	shalt  }
0x45: {  	_ =	shalt  }
0x46: {  	_ =	shalt  }
0x47: {  	_ =	shalt  }
0x48: {  	_ =	shalt  }
0x49: {  	_ =	shalt  }
0x4a: {  	_ =	shalt  }
0x4b: {  	_ =	shalt  }
0x4c: {  	_ =	shalt  }
0x4d: {  	_ =	shalt  }
0x4e: {  	_ =	shalt  }
0x4f: {  	_ =	shalt  }
0x50: {  	_ =	shalt  }
0x51: {  	_ =	shalt  }
0x52: {  	_ =	shalt  }
0x53: {  	_ =	shalt  }
0x54: {  	_ =	shalt  }
0x55: {  	_ =	shalt  }
0x56: {  	_ =	shalt  }
0x57: {  	_ =	shalt  }
0x58: {  	_ =	shalt  }
0x59: {  	_ =	shalt  }
0x5a: {  	_ =	shalt  }
0x5b: {  	_ =	shalt  }
0x5c: {  	_ =	shalt  }
0x5d: {  	_ =	shalt  }
0x5e: {  	_ =	shalt  }
0x5f: {  	_ =	shalt  }
0x60: {  	_ =	shalt  }
0x61: {  	_ =	shalt  }
0x62: {  	_ =	shalt  }
0x63: {  	_ =	shalt  }
0x64: {  	_ =	shalt  }
0x65: {  	_ =	shalt  }
0x66: {  	_ =	shalt  }
0x67: {  	_ =	shalt  }
0x68: {  	_ =	shalt  }
0x69: {  	_ =	shalt  }
0x6a: {  	_ =	shalt  }
0x6b: {  	_ =	shalt  }
0x6c: {  	_ =	shalt  }
0x6d: {  	_ =	shalt  }
0x6e: {  	_ =	shalt  }
0x6f: {  	_ =	shalt  }
0x70: {  	_ =	shalt  }
0x71: {  	_ =	shalt  }
0x72: {  	_ =	shalt  }
0x73: {  	_ =	shalt  }
0x74: {  	_ =	shalt  }
0x75: {  	_ =	shalt  }
0x76: {  	_ =	shalt  }
0x77: {  	_ =	shalt  }
0x78: {  	_ =	shalt  }
0x79: {  	_ =	shalt  }
0x7a: {  	_ =	shalt  }
0x7b: {  	_ =	shalt  }
0x7c: {  	_ =	shalt  }
0x7d: {  	_ =	shalt  }
0x7e: {  	_ =	shalt  }
0x7f: {  	_ =	shalt  }
0x80: {  	_ =	shalt  }
0x81: {  	_ =	shalt  }
0x82: {  	_ =	shalt  }
0x83: {  	_ =	shalt  }
0x84: {  	_ =	shalt  }
0x85: {  	_ =	shalt  }
0x86: {  	_ =	shalt  }
0x87: {  	_ =	shalt  }
.Lfunc_end0:
.L_simem_size_0:
called_computation.2_lowered:
.L_overlay_start_0:
0x88: {  	s2 =	sld [smem:$0x3FD9]  }
0x89: {  	s3 =	sld [smem:$0x3FFE];
	_ =	sdelay $0x1  }
0x8a: {  	s1 =	srdreg.scid  }
0x8b: {  	s0 =	sand.u32 $0x1, s1  }
0x8c: {  	s17 =	sshll.u32 s0, $0xA;
	s2 =	sadd.s32 s3, s2  }
0x8d: {  	s2 =	sadd.s32 s2, s17  }
0x8e: {  	[smem:$0x3F72] =	sst s2  }
0x8f: {  	_ = 	snop  }
0x90: {  	(tm) =	ssettm $0x1  }
0x91: {  	s18 =	sld [smem:$0x3FFB];
	_ =	sdelay $0x3  }
0x92: {  	_ =	strace s18  }
0x93: {  	s2 =	sld [smem:$0x3FFC];
	_ =	sdelay $0x3  }
0x94: {  	_ =	strace s2  }
0x95: {  	s2 =	sld [smem:$0x3FFD];
	_ =	sdelay $0x3  }
0x96: {  	_ =	strace s2  }
0x97: {  	_ =	strace $0x8FFFFFFF  }
0x98: {  	s19 =	sld [smem:$0x3FDB];
	_ =	sdelay $0x1  }
0x99: {  	s20 =	simm.s32 $_scs_section_size  }
0x9a: {  	s4 =	simm.s32 $_size__tile_overlayer_lowered;
	s5 =	simm.s32 $_tile_overlayer_lowered  }
0x9b: {  	s6 =	simm.s32 $0x1BFF;
	s21 =	sshll.u32 s5, $0x1;
	s3 =	sadd.s32 s20, s19  }
0x9c: {  	s22 =	simm.s32 $0x0;
	s4 =	sshll.u32 s4, $0x1;
	s5 =	sadd.s32 s21, s3  }
0x9d: {  	[timem:s22], [sflag:s6] =	dma.local [hbm:s5], s4  }
0x9e: {  	_ =	swait.ge [sflag:s6], s4  }
0x9f: {  	s4 =	ssub.s32 $0x0, s4;
	[sflag:s6] =	ssyncset.done $0x0  }
0xa0: {  	[sflag:s6] =	ssyncadd.s32 s4;
	_ =	sdelay $0x1  }
0xa1: {  	s23 =	simm.s32 $0x1B8B  }
0xa2: {  	_ =	swait.ge [sflag:s23], $0x1  }
0xa3: {  	[sflag:s23] =	ssyncset.done $0x0  }
0xa4: {  	[sflag:s23] =	ssyncadd.s32 $0xFFFFFFFF  }
0xa5: {  	s4 =	sld [smem:$0x0]  }
0xa6: {  	s5 =	sand.u32 $0xFFFFFFFE, s1  }
0xa7: {  	p0 =	sne.s32 s1, s5  }
0xa8: {  	s5 =	sshll.u32 @p0 s5, $0xE  }
0xa9: {  	s5 =	sadd.s32 @p0 $0x11B8D, s5;
	s6 =	sshll.u32 @p0 s4, $0x11  }
0xaa: {  	s5 =	sor.u32 @p0 s6, s5  }
0xab: {  	[sflag:s5] =	ssyncadd.remote.s32 @p0 $0x1;
	_ =	sdelay $0x1  }
0xac: {  	s5 =	simm.s32 @p0 $0x1B8D  }
0xad: {  	_ =	swait.eq @p0 [sflag:s5], $0x1  }
0xae: {  	[sflag:s5] =	ssyncadd.s32 @p0 $0xFFFFFFFF  }
0xaf: {  	s6 =	sshll.u32 @!p0 s1, $0xE  }
0xb0: {  	s6 =	sor.u32 @!p0 $0x4000, s6;
	s5 =	simm.s32 @!p0 $0x1B8D  }
0xb1: {  	s4 =	sshll.u32 @!p0 s4, $0x11;
	s6 =	sadd.s32 @!p0 $0x11B8D, s6;
	_ =	swait.eq @!p0 [sflag:s5], $0x1  }
0xb2: {  	s4 =	sor.u32 @!p0 s4, s6;
	[sflag:s5] =	ssyncadd.s32 @!p0 $0xFFFFFFFF  }
0xb3: {  	s25 =	simm.s32 $0x1B8E;
	s24 =	sld [smem:$0x3FFE];
	[sflag:s4] =	ssyncadd.remote.s32 @!p0 $0x1  }
0xb4: {  	s26 =	simm.s32 $execute0_lowered;
	[smem:$0x3FD2] =	sst s25  }
0xb5: {  	s5 =	sshll.u32 s26, $0x1;
	_ =	strace $0x80000049;
	[dreg:$0x1] =	wrdreg $0xFFFFFFFF  }
0xb6: {  	s28 =	simm.s32 $_size_execute0_lowered;
	s3 =	sadd.s32 s3, s5;
	[dreg:$0x0] =	wrdreg $0x0  }
0xb7: {  	s5 =	sshll.u32 s28, $0x1;
	[dreg:$0x2] =	wrdreg s3  }
0xb8: {  	[dreg:$0x3] =	wrdreg s5  }
0xb9: {  	[dreg:$0x4] =	wrdreg $0xC0  }
0xba: {  	_ =	task [dreg:s22], $0x5FFFF  }
0xbb: {  	[dreg:$0x1] =	wrdreg $0xFFFFFFFF  }
0xbc: {  	[dreg:$0x0] =	wrdreg $0x60  }
0xbd: {  	[dreg:$0x2] =	wrdreg s24  }
0xbe: {  	[dreg:$0x3] =	wrdreg $0xA  }
0xbf: {  	_ =	task.clear_ibuf [dreg:s22], $0x4FFFF;
	_ =	strace $0x90000049  }
0xc0: {  	s29 =	simm.s32 $0xA;
	_ =	strace $0x8000004B  }
0xc1: {  	_ =	swait.ge [sflag:s29], $0x1  }
0xc2: {  	[sflag:s29] =	ssyncadd.s32 $0xFFFFFFFF  }
0xc3: {  	_ =	strace $0x9000004B  }
0xc4: {  	_ =	sfence  }
0xc5: {  	s30 =	sld [smem:$0x0];
	_ =	sdelay $0x2  }
0xc6: {  	s31 =	sshll.u32 s1, $0xD;
	s1 =	sshrl.u32 s1, $0x2  }
0xc7: {  	s4 =	sand.u32 $0x4000, s31;
	s1 =	sadd.s32 s1, s30  }
0xc8: {  	s0 =	sor.u32 s4, s0;
	s1 =	sshll.u32 s1, $0x11  }
0xc9: {  	s0 =	sor.u32 s1, s0  }
0xca: {  	s0 =	sadd.s32 $0x8F2B, s0  }
0xcb: {  	[sflag:s0] =	ssyncadd.remote.s32 $0x1  }
0xcc: {  	_ =	sfence.sel $0xFFFF  }
0xcd: {  	[dreg:$0x0] =	wrdreg $0xFFFFFFFF;
	(pc) =	sbr.abs _section_cstart, $3  }
0xce: {  	[dreg:$0x1] =	wrdreg $0xFFFFFFFF  }
0xcf: {  	_ =	task.clear_ibuf [dreg:s22], $0x2FFFF;
	_ =	strace $0x9FFFFFFF  }
0xd0: {  	(tm) =	ssettm $0x7FFFFFFF  }
0xd1: {  	_ =	shalt  }
tec
execute0_lowered:
.L_overlay_start_1:
0x0: {  	(tag) =	ssettag $0x1  }
0x1: {  	s6 =	rddreg [dreg:$0x0]  }
0x2: {  	s0 =	rddreg [dreg:$0x1];
	s2 =	simm.s32 $0x0  }
0x3: {  	s1 =	stileid.u32;
	s5 =	srdreg.scid;
	s15 =	simm.s32 $0x1  }
0x4: {  	s16 =	simm.s32 $0x2;
	s17 =	simm.s32 $0x0;
	s3 =	sadd.s32 $0x494400, s6  }
0x5: {  	[smem:$0x7FF] =	sst s2;
	s7 =	smul.u32 $0xC, s1;
	s4 =	sadd.s32 $0x49DA00, s6  }
0x6: {  	s8 =	smul.u32 $0xC00, s1;
	s9 =	sand.u32 $0x1, s5;
	s5 =	sadd.s32 $0x481800, s6  }
0x7: {  	p0 =	sgt.u32 s1, $0x6;
	_ =	strace $0x8000004A;
	s10 =	smul.u32 $0x600, s9  }
0x8: {  	s29 =	ssub.s32 $0x2, s9;
	s31 =	smul.u32 $0x6, s9;
	s11 =	sadd.s32 s7, s6  }
.Ltmp0:
0x9: {  	s6 =	sadd.s32 s8, s6;
	s30 =	sshrl.u32 s29, $0x1;
	(pc) =	sbr.rel .LBB2_1-.Ltmp0, $4  }
0xa: {  	s12 =	sadd.s32 s10, s6;
	s13 =	ssub.s32 s29, s30;
	s6 =	sshll.u32 s1, $0x1  }
0xb: {  	v2 =	vlaneseq.u32;
	s14 =	sadd.s32 s31, s11;
	s7 =	sadd.s32 $0x4A9400, s12;
	s8 =	sadd.s32 $0x5C2800, s12  }
0xc: {  	vm0 =	vmmov $0xffff;
	v1 =	vshrl.u32 v2, $0x3;
	s9 =	sadd.s32 $0x6DBC00, s12;
	s10 =	smax.u32 s13, $0x1;
	s11 =	sadd.s32 $0x7F5000, s12  }
0xd: {  	v0 =	vand.u32 $0x7, v2;
	v2 =	vor.u32 $0x8, v2;
	v1 =	vmul.u32 $0x8, v1;
	s12 =	sadd.s32 $0x4A8200, s14;
	s13 =	sadd.s32 $0x4A7000, s14;
	s14 =	simm.s32 $0x3  }
.LBB2_5:
0xe: {  	_ =	swait.ge [sflag:s16], $0x3000  }
0xf: {  	[sflag:s16] =	ssyncset.done $0x0  }
0x10: {  	[sflag:s16] =	ssyncadd.s32 $0xFFFFD000  }
0x11: {  	_ =	swait.ge [sflag:s16], $0x3000  }
0x12: {  	[sflag:s16] =	ssyncset.done $0x0  }
0x13: {  	[sflag:s16] =	ssyncadd.s32 $0xFFFFD000  }
0x14: {  	_ =	swait.ge [sflag:s16], $0x3000  }
0x15: {  	[sflag:s16] =	ssyncset.done $0x0  }
0x16: {  	[sflag:s16] =	ssyncadd.s32 $0xFFFFD000  }
0x17: {  	_ =	swait.ge [sflag:s16], $0x3000  }
0x18: {  	[sflag:s16] =	ssyncset.done $0x0  }
0x19: {  	s18 =	simm.s32 @!p0 $0x2;
	[sflag:s16] =	ssyncadd.s32 $0xFFFFD000  }
0x1a: {  	_ =	swait.ge @!p0 [sflag:s18], $0x3000  }
0x1b: {  	[sflag:s18] =	ssyncset.done @!p0 $0x0  }
0x1c: {  	[sflag:s18] =	ssyncadd.s32 @!p0 $0xFFFFD000  }
0x1d: {  	_ =	swait.ge @!p0 [sflag:s18], $0x3000  }
0x1e: {  	[sflag:s18] =	ssyncset.done @!p0 $0x0  }
0x1f: {  	s17 =	sadd.s32 $0x1, s17;
	[sflag:s18] =	ssyncadd.s32 @!p0 $0xFFFFD000  }
0x20: {  	p1 =	sne.s32 s17, s10;
	_ =	swait.ge @!p0 [sflag:s18], $0x3000  }
.Ltmp1:
0x21: {  	[sflag:s18] =	ssyncset.done @!p0 $0x0;
	(pc) =	sbr.rel @!p1 .LBB2_6-.Ltmp1, $4  }
0x22: {  	[sflag:s18] =	ssyncadd.s32 @!p0 $0xFFFFD000  }
0x23: {  	_ =	swait.ge @!p0 [sflag:s18], $0x3000  }
0x24: {  	[sflag:s18] =	ssyncset.done @!p0 $0x0  }
0x25: {  	[sflag:s18] =	ssyncadd.s32 @!p0 $0xFFFFD000  }
.LBB2_1:
.Ltmp2:
0x26: {  	(pc) =	sbr.rel .LBB2_2-.Ltmp2, $3  }
0x27: {  	_ =	sdelay $0x1  }
0x28: {  	s18 =	smov.u32 s13;
	s19 =	smov.u32 s12  }
0x29: {  	s20 =	smov.u32 s6;
	s21 =	simm.s32 $0x0;
	s22 =	simm.s32 $0x0  }
.LBB2_4:
0x2a: {  	s21 =	sadd.s32 $0xC000, s21  }
0x2b: {  	p1 =	sne.s32 s21, $0x120000  }
.Ltmp3:
0x2c: {  	_ = 	snop;
	(pc) =	sbr.rel @!p1 .LBB2_5-.Ltmp3, $3  }
0x2d: {  	_ =	sdelay $0x1  }
0x2e: {  	s22 =	sadd.s32 $0x1, s22  }
0x2f: {  	s20 =	sadd.s32 $0x20, s20;
	s19 =	sadd.s32 $0xC0, s19;
	s18 =	sadd.s32 $0xC0, s18  }
.LBB2_2:
0x30: {  	p1 =	sgt.u32 s20, $0x2ED  }
.Ltmp4:
0x31: {  	_ = 	snop;
	(pc) =	sbr.rel @p1 .LBB2_4-.Ltmp4, $1  }
0x32: {  	_ =	sdelay $0x3  }
0x33: {  	p1 =	slt.u32 s22, $0x2  }
0x34: {  	s23 =	simm.s32 @!p1 $0x2  }
0x35: {  	_ =	swait.ge @!p1 [sflag:s23], $0x3000  }
0x36: {  	[sflag:s23] =	ssyncset.done @!p1 $0x0  }
0x37: {  	[sflag:s23] =	ssyncadd.s32 @!p1 $0xFFFFD000  }
0x38: {  	_ =	swait.ge @!p1 [sflag:s23], $0x3000  }
0x39: {  	[sflag:s23] =	ssyncset.done @!p1 $0x0  }
0x3a: {  	[sflag:s23] =	ssyncadd.s32 @!p1 $0xFFFFD000  }
0x3b: {  	_ =	swait.ge @!p1 [sflag:s23], $0x3000  }
0x3c: {  	[sflag:s23] =	ssyncset.done @!p1 $0x0  }
0x3d: {  	[sflag:s23] =	ssyncadd.s32 @!p1 $0xFFFFD000  }
0x3e: {  	_ =	swait.ge @!p1 [sflag:s23], $0x3000  }
0x3f: {  	s25 =	sand.u32 $0x1, s22;
	[sflag:s23] =	ssyncset.done @!p1 $0x0  }
0x40: {  	s24 =	sshll.u32 s25, $0x7;
	[sflag:s23] =	ssyncadd.s32 @!p1 $0xFFFFD000  }
0x41: {  	[tilespmem:s24], [sflag:$0x3] =	stream.linear.gather [hbm4b:s19+s2], $0x30, $0x38;
	[tilespmem:$0x18200] =	vst v63  }
0x42: {  	_ =	swait.ge [sflag:s14], $0x30  }
0x43: {  	[sflag:s14] =	ssyncset.done $0x0  }
0x44: {  	s29 =	sor.u32 $0x100, s24;
	[sflag:s14] =	ssyncadd.s32 $0xFFFFFFD0  }
0x45: {  	[tilespmem:s29], [sflag:$0x3] =	stream.linear.gather [hbm4b:s18+s2], $0x30, $0x38;
	[tilespmem:$0x18200] =	vst v63  }
0x46: {  	_ =	swait.ge [sflag:s14], $0x30  }
0x47: {  	[sflag:s14] =	ssyncset.done $0x0  }
0x48: {  	[sflag:s14] =	ssyncadd.s32 $0xFFFFFFD0  }
0x49: {  	v3 =	vld [tilespmem:s24+$0x0];
	_ =	sdelay $0x4  }
0x4a: {  	v4 =	vshll.u32 v3, $0x1  }
0x4b: {  	v3 =	vand.u32 $0x7, v3;
	v4 =	vand.u32 $0xFFFFFFF0, v4  }
0x4c: {  	v3 =	vor.u32 v3, v4  }
0x4d: {  	v4 =	vperm.xlane v3, v0;
	_ =	sdelay $0x1  }
0x4e: {  	v3 =	vperm.xlane v3, v2;
	v4 =	vadd.s32 v1, v4;
	_ =	sdelay $0x1  }
0x4f: {  	s25 =	smul.u32 $0x3000, s25;
	v3 =	vadd.s32 v1, v3;
	_ =	sdelay $0x1  }
0x50: {  	s23 =	sor.u32 $0x200, s25  }
0x51: {  	[tilespmem:s23], [sflag:$0x1] =	stream.indirect_vreg.gather [hbm4b:s3+s2], $0x80, v4, vm0, $0xb8;
	[tilespmem:$0x18200] =	vst v63  }
0x52: {  	s26 =	sor.u32 $0xA00, s25  }
0x53: {  	[tilespmem:s26], [sflag:$0x1] =	stream.indirect_vreg.gather [hbm4b:s3+s2], $0x80, v3, vm0, $0xb8;
	[tilespmem:$0x18200] =	vst v63  }
0x54: {  	v3 =	vld [tilespmem:s24+$0x10];
	_ =	sdelay $0x4  }
0x55: {  	v53 =	vshll.u32 v3, $0x1  }
0x56: {  	v3 =	vand.u32 $0x7, v3;
	v4 =	vand.u32 $0xFFFFFFF0, v53  }
0x57: {  	v3 =	vor.u32 v3, v4  }
0x58: {  	v4 =	vperm.xlane v3, v0;
	_ =	sdelay $0x1  }
0x59: {  	v3 =	vperm.xlane v3, v2;
	v4 =	vadd.s32 v1, v4;
	_ =	sdelay $0x1  }
0x5a: {  	v3 =	vadd.s32 v1, v3;
	_ =	sdelay $0x1  }
0x5b: {  	s30 =	sadd.s32 $0x1200, s25  }
0x5c: {  	[tilespmem:s30], [sflag:$0x1] =	stream.indirect_vreg.gather [hbm4b:s3+s2], $0x80, v4, vm0, $0xb8;
	[tilespmem:$0x18200] =	vst v63  }
0x5d: {  	s31 =	sadd.s32 $0x1A00, s25  }
0x5e: {  	[tilespmem:s31], [sflag:$0x1] =	stream.indirect_vreg.gather [hbm4b:s3+s2], $0x80, v3, vm0, $0xb8;
	[tilespmem:$0x18200] =	vst v63  }
0x5f: {  	v3 =	vld [tilespmem:s24+$0x20];
	_ =	sdelay $0x4  }
0x60: {  	v54 =	vshll.u32 v3, $0x1  }
0x61: {  	v3 =	vand.u32 $0x7, v3;
	v4 =	vand.u32 $0xFFFFFFF0, v54  }
0x62: {  	v3 =	vor.u32 v3, v4  }
0x63: {  	v4 =	vperm.xlane v3, v0;
	_ =	sdelay $0x1  }
0x64: {  	v3 =	vperm.xlane v3, v2;
	v4 =	vadd.s32 v1, v4;
	_ =	sdelay $0x1  }
0x65: {  	v3 =	vadd.s32 v1, v3;
	_ =	sdelay $0x1  }
0x66: {  	s28 =	sadd.s32 $0x2200, s25  }
0x67: {  	[tilespmem:s28], [sflag:$0x1] =	stream.indirect_vreg.gather [hbm4b:s3+s2], $0x80, v4, vm0, $0xb8;
	[tilespmem:$0x18200] =	vst v63  }
0x68: {  	s29 =	sadd.s32 $0x2A00, s25  }
0x69: {  	[tilespmem:s29], [sflag:$0x1] =	stream.indirect_vreg.gather [hbm4b:s3+s2], $0x80, v3, vm0, $0xb8;
	[tilespmem:$0x18200] =	vst v63  }
0x6a: {  	v3 =	vld [tilespmem:s24+$0x100];
	_ =	sdelay $0x4  }
0x6b: {  	v55 =	vshll.u32 v3, $0x1  }
0x6c: {  	v3 =	vand.u32 $0x7, v3;
	v4 =	vand.u32 $0xFFFFFFF0, v55  }
0x6d: {  	v3 =	vor.u32 v3, v4  }
0x6e: {  	v4 =	vperm.xlane v3, v0;
	_ =	sdelay $0x1  }
0x6f: {  	v3 =	vperm.xlane v3, v2;
	v4 =	vadd.s32 v1, v4;
	_ =	sdelay $0x1  }
0x70: {  	v3 =	vadd.s32 v1, v3;
	_ =	sdelay $0x1  }
0x71: {  	s26 =	sadd.s32 $0x6200, s25  }
0x72: {  	[tilespmem:s26], [sflag:$0x1] =	stream.indirect_vreg.gather [hbm4b:s4+s2], $0x80, v4, vm0, $0xb8;
	[tilespmem:$0x18200] =	vst v63  }
0x73: {  	s28 =	sadd.s32 $0x6A00, s25  }
0x74: {  	[tilespmem:s28], [sflag:$0x1] =	stream.indirect_vreg.gather [hbm4b:s4+s2], $0x80, v3, vm0, $0xb8;
	[tilespmem:$0x18200] =	vst v63  }
0x75: {  	v3 =	vld [tilespmem:s24+$0x110];
	_ =	sdelay $0x4  }
0x76: {  	v56 =	vshll.u32 v3, $0x1  }
0x77: {  	v3 =	vand.u32 $0x7, v3;
	v4 =	vand.u32 $0xFFFFFFF0, v56  }
0x78: {  	v3 =	vor.u32 v3, v4  }
0x79: {  	v4 =	vperm.xlane v3, v0;
	_ =	sdelay $0x1  }
0x7a: {  	v3 =	vperm.xlane v3, v2;
	v4 =	vadd.s32 v1, v4;
	_ =	sdelay $0x1  }
0x7b: {  	v3 =	vadd.s32 v1, v3;
	_ =	sdelay $0x1  }
0x7c: {  	s30 =	sadd.s32 $0x7200, s25  }
0x7d: {  	[tilespmem:s30], [sflag:$0x1] =	stream.indirect_vreg.gather [hbm4b:s4+s2], $0x80, v4, vm0, $0xb8;
	[tilespmem:$0x18200] =	vst v63  }
0x7e: {  	s31 =	sadd.s32 $0x7A00, s25  }
0x7f: {  	[tilespmem:s31], [sflag:$0x1] =	stream.indirect_vreg.gather [hbm4b:s4+s2], $0x80, v3, vm0, $0xb8;
	[tilespmem:$0x18200] =	vst v63  }
0x80: {  	v3 =	vld [tilespmem:s24+$0x120];
	_ =	sdelay $0x4  }
0x81: {  	v57 =	vshll.u32 v3, $0x1  }
0x82: {  	v3 =	vand.u32 $0x7, v3;
	v4 =	vand.u32 $0xFFFFFFF0, v57  }
0x83: {  	v3 =	vor.u32 v3, v4  }
0x84: {  	v4 =	vperm.xlane v3, v0;
	_ =	sdelay $0x1  }
0x85: {  	v3 =	vperm.xlane v3, v2;
	v4 =	vadd.s32 v1, v4;
	_ =	sdelay $0x1  }
0x86: {  	v3 =	vadd.s32 v1, v3;
	_ =	sdelay $0x1  }
0x87: {  	s29 =	sor.u32 $0x8200, s25  }
0x88: {  	[tilespmem:s29], [sflag:$0x1] =	stream.indirect_vreg.gather [hbm4b:s4+s2], $0x80, v4, vm0, $0xb8;
	[tilespmem:$0x18200] =	vst v63  }
0x89: {  	s30 =	sor.u32 $0x8A00, s25  }
0x8a: {  	[tilespmem:s30], [sflag:$0x1] =	stream.indirect_vreg.gather [hbm4b:s4+s2], $0x80, v3, vm0, $0xb8;
	[tilespmem:$0x18200] =	vst v63  }
0x8b: {  	v3 =	vld [tilespmem:s24+$0x0];
	_ =	sdelay $0x4  }
0x8c: {  	v58 =	vshll.u32 v3, $0x1  }
0x8d: {  	v3 =	vand.u32 $0x7, v3;
	v4 =	vand.u32 $0xFFFFFFF0, v58  }
0x8e: {  	v3 =	vor.u32 v3, v4  }
0x8f: {  	v4 =	vperm.xlane v3, v0;
	_ =	sdelay $0x1  }
0x90: {  	v3 =	vperm.xlane v3, v2;
	v4 =	vadd.s32 v1, v4;
	_ =	sdelay $0x1  }
0x91: {  	v3 =	vadd.s32 v1, v3;
	_ =	sdelay $0x1  }
0x92: {  	s28 =	sor.u32 $0xC200, s25  }
0x93: {  	[tilespmem:s28], [sflag:$0x1] =	stream.indirect_vreg.gather [hbm4b:s5+s2], $0x80, v4, vm0, $0xb8;
	[tilespmem:$0x18200] =	vst v63  }
0x94: {  	s29 =	sor.u32 $0xCA00, s25  }
0x95: {  	[tilespmem:s29], [sflag:$0x1] =	stream.indirect_vreg.gather [hbm4b:s5+s2], $0x80, v3, vm0, $0xb8;
	[tilespmem:$0x18200] =	vst v63  }
0x96: {  	v3 =	vld [tilespmem:s24+$0x10];
	_ =	sdelay $0x4  }
0x97: {  	v59 =	vshll.u32 v3, $0x1  }
0x98: {  	v3 =	vand.u32 $0x7, v3;
	v4 =	vand.u32 $0xFFFFFFF0, v59  }
0x99: {  	v3 =	vor.u32 v3, v4  }
0x9a: {  	v4 =	vperm.xlane v3, v0;
	_ =	sdelay $0x1  }
0x9b: {  	v3 =	vperm.xlane v3, v2;
	v4 =	vadd.s32 v1, v4;
	_ =	sdelay $0x1  }
0x9c: {  	v3 =	vadd.s32 v1, v3;
	_ =	sdelay $0x1  }
0x9d: {  	s31 =	sadd.s32 $0xD200, s25  }
0x9e: {  	[tilespmem:s31], [sflag:$0x1] =	stream.indirect_vreg.gather [hbm4b:s5+s2], $0x80, v4, vm0, $0xb8;
	[tilespmem:$0x18200] =	vst v63  }
0x9f: {  	s30 =	sadd.s32 $0xDA00, s25  }
0xa0: {  	[tilespmem:s30], [sflag:$0x1] =	stream.indirect_vreg.gather [hbm4b:s5+s2], $0x80, v3, vm0, $0xb8;
	[tilespmem:$0x18200] =	vst v63  }
0xa1: {  	v3 =	vld [tilespmem:s24+$0x20];
	_ =	sdelay $0x4  }
0xa2: {  	v60 =	vshll.u32 v3, $0x1  }
0xa3: {  	v3 =	vand.u32 $0x7, v3;
	v4 =	vand.u32 $0xFFFFFFF0, v60  }
0xa4: {  	v3 =	vor.u32 v3, v4  }
0xa5: {  	v4 =	vperm.xlane v3, v0;
	_ =	sdelay $0x1  }
0xa6: {  	v3 =	vperm.xlane v3, v2;
	v4 =	vadd.s32 v1, v4;
	_ =	sdelay $0x1  }
0xa7: {  	v3 =	vadd.s32 v1, v3;
	_ =	sdelay $0x1  }
0xa8: {  	s31 =	sadd.s32 $0xE200, s25  }
0xa9: {  	[tilespmem:s31], [sflag:$0x1] =	stream.indirect_vreg.gather [hbm4b:s5+s2], $0x80, v4, vm0, $0xb8;
	[tilespmem:$0x18200] =	vst v63  }
0xaa: {  	s30 =	sadd.s32 $0xEA00, s25  }
0xab: {  	[tilespmem:s30], [sflag:$0x1] =	stream.indirect_vreg.gather [hbm4b:s5+s2], $0x80, v3, vm0, $0xb8;
	[tilespmem:$0x18200] =	vst v63  }
0xac: {  	v3 =	vld [tilespmem:s24+$0x100];
	_ =	sdelay $0x4  }
0xad: {  	v61 =	vshll.u32 v3, $0x1  }
0xae: {  	v3 =	vand.u32 $0x7, v3;
	v4 =	vand.u32 $0xFFFFFFF0, v61  }
0xaf: {  	v3 =	vor.u32 v3, v4  }
0xb0: {  	v4 =	vperm.xlane v3, v0;
	_ =	sdelay $0x1  }
0xb1: {  	v3 =	vperm.xlane v3, v2;
	v4 =	vadd.s32 v1, v4;
	_ =	sdelay $0x1  }
0xb2: {  	v3 =	vadd.s32 v1, v3;
	_ =	sdelay $0x1  }
0xb3: {  	s29 =	sadd.s32 $0x12200, s25  }
0xb4: {  	[tilespmem:s29], [sflag:$0x1] =	stream.indirect_vreg.gather [hbm4b:s5+s2], $0x80, v4, vm0, $0xb8;
	[tilespmem:$0x18200] =	vst v63  }
0xb5: {  	s30 =	sadd.s32 $0x12A00, s25  }
0xb6: {  	[tilespmem:s30], [sflag:$0x1] =	stream.indirect_vreg.gather [hbm4b:s5+s2], $0x80, v3, vm0, $0xb8;
	[tilespmem:$0x18200] =	vst v63  }
0xb7: {  	v3 =	vld [tilespmem:s24+$0x110];
	_ =	sdelay $0x4  }
0xb8: {  	v62 =	vshll.u32 v3, $0x1  }
0xb9: {  	v3 =	vand.u32 $0x7, v3;
	v4 =	vand.u32 $0xFFFFFFF0, v62  }
0xba: {  	v3 =	vor.u32 v3, v4  }
0xbb: {  	v4 =	vperm.xlane v3, v0;
	_ =	sdelay $0x1  }
0xbc: {  	v3 =	vperm.xlane v3, v2;
	v4 =	vadd.s32 v1, v4;
	_ =	sdelay $0x1  }
0xbd: {  	v3 =	vadd.s32 v1, v3;
	_ =	sdelay $0x1  }
0xbe: {  	s31 =	sadd.s32 $0x13200, s25  }
0xbf: {  	[tilespmem:s31], [sflag:$0x1] =	stream.indirect_vreg.gather [hbm4b:s5+s2], $0x80, v4, vm0, $0xb8;
	[tilespmem:$0x18200] =	vst v63  }
0xc0: {  	s31 =	sadd.s32 $0x13A00, s25  }
0xc1: {  	[tilespmem:s31], [sflag:$0x1] =	stream.indirect_vreg.gather [hbm4b:s5+s2], $0x80, v3, vm0, $0xb8;
	[tilespmem:$0x18200] =	vst v63  }
0xc2: {  	v3 =	vld [tilespmem:s24+$0x120];
	_ =	sdelay $0x4  }
0xc3: {  	v63 =	vshll.u32 v3, $0x1  }
0xc4: {  	v3 =	vand.u32 $0x7, v3;
	v4 =	vand.u32 $0xFFFFFFF0, v63  }
0xc5: {  	v3 =	vor.u32 v3, v4  }
0xc6: {  	v4 =	vperm.xlane v3, v0;
	_ =	sdelay $0x1  }
0xc7: {  	v3 =	vperm.xlane v3, v2;
	v4 =	vadd.s32 v1, v4;
	_ =	sdelay $0x1  }
0xc8: {  	v3 =	vadd.s32 v1, v3;
	_ =	sdelay $0x1  }
0xc9: {  	s31 =	sor.u32 $0x14200, s25  }
0xca: {  	[tilespmem:s31], [sflag:$0x1] =	stream.indirect_vreg.gather [hbm4b:s5+s2], $0x80, v4, vm0, $0xb8;
	[tilespmem:$0x18200] =	vst v63  }
0xcb: {  	s30 =	sor.u32 $0x14A00, s25  }
0xcc: {  	[tilespmem:s30], [sflag:$0x1] =	stream.indirect_vreg.gather [hbm4b:s5+s2], $0x80, v3, vm0, $0xb8;
	[tilespmem:$0x18200] =	vst v63  }
0xcd: {  	_ =	swait.ge [sflag:s15], $0x3000  }
0xce: {  	[sflag:s15] =	ssyncset.done $0x0  }
0xcf: {  	[sflag:s15] =	ssyncadd.s32 $0xFFFFD000  }
0xd0: {  	_ =	swait.ge [sflag:s15], $0x3000  }
0xd1: {  	[sflag:s15] =	ssyncset.done $0x0  }
0xd2: {  	[sflag:s15] =	ssyncadd.s32 $0xFFFFD000  }
0xd3: {  	_ =	swait.ge [sflag:s15], $0x3000  }
0xd4: {  	[sflag:s15] =	ssyncset.done $0x0  }
0xd5: {  	[sflag:s15] =	ssyncadd.s32 $0xFFFFD000  }
0xd6: {  	_ =	swait.ge [sflag:s15], $0x3000  }
0xd7: {  	[sflag:s15] =	ssyncset.done $0x0  }
0xd8: {  	s31 =	sadd.s32 s21, s7;
	[sflag:s15] =	ssyncadd.s32 $0xFFFFD000  }
0xd9: {  	[hbm4b:s31+s2] =	stream.linear.scatter [tilespmem:s23], [sflag:$0x2], $0x3000, $0x38;
	[tilespmem:$0x18200] =	vst v63  }
0xda: {  	s25 =	sadd.s32 s21, s8  }
0xdb: {  	[hbm4b:s25+s2] =	stream.linear.scatter [tilespmem:s26], [sflag:$0x2], $0x3000, $0x38;
	[tilespmem:$0x18200] =	vst v63  }
.Ltmp5:
0xdc: {  	_ = 	snop;
	(pc) =	sbr.rel .LBB2_4-.Ltmp5, $4  }
0xdd: {  	s30 =	sadd.s32 s21, s9  }
0xde: {  	[hbm4b:s30+s2] =	stream.linear.scatter [tilespmem:s28], [sflag:$0x2], $0x3000, $0x38;
	[tilespmem:$0x18200] =	vst v63  }
0xdf: {  	s31 =	sadd.s32 s21, s11  }
0xe0: {  	[hbm4b:s31+s2] =	stream.linear.scatter [tilespmem:s29], [sflag:$0x2], $0x3000, $0x38;
	[tilespmem:$0x18200] =	vst v63  }
.LBB2_6:
0xe1: {  	_ =	sfence.sel $0x180000  }
0xe2: {  	[bflag:$0x0] =	sbarrier.arrive $0xFFFF  }
0xe3: {  	p0 =	sne.s32 s1, $0x0;
	_ =	strace $0x9000004A  }
0xe4: {  	s0 =	sadd.s32 @!p0 $0x100000, s0;
	[bflag:$0x2] =	sbarrier.arrive $0xFFFF  }
0xe5: {  	[sflag:s0] =	ssyncadd.tile.s32 @!p0 $0x1;
	_ =	shalt  }
.Lfunc_end2:
_tile_overlayer_lowered:
.L_overlay_start_2:
0xe6: {  	(tag) =	ssettag $0x2  }
0xe7: {  	s0 =	rddreg [dreg:$0x0];
	s2 =	stileid.u32  }
0xe8: {  	s1 =	rddreg [dreg:$0x1];
	p0 =	sne.s32 s2, $0x0  }
0xe9: {  	s3 =	rddreg [dreg:$0x2];
	[bflag:$0x3] =	sbarrier.arrive $0xFFFF;
	s2 =	simm.s32 @!p0 $0x1C03  }
0xea: {  	[timem:s3], [sflag:s2] =	dma.local @!p0 [hbm:s0], s1  }
0xeb: {  	s0 =	simm.s32 @!p0 $0x3  }
0xec: {  	_ =	swait.ge @!p0 [sflag:s0], s1  }
0xed: {  	s1 =	ssub.s32 @!p0 $0x0, s1;
	[sflag:s0] =	ssyncset.done @!p0 $0x0  }
0xee: {  	[sflag:s0] =	ssyncadd.s32 @!p0 s1  }
0xef: {  	[bflag:$0x3] =	sbarrier.arrive $0xFFFF  }
0xf0: {  	_ =	shalt  }

// kernel: kernel.29.cloned.1.call-start
scs
__scs_entry_jumppad:
0x0: {  	(pc) =	sbr.rel $0x88, $3  }
0x1: {  	(tag) =	ssettag $0x0;
	lr =	simm.s32 $0x1  }
0x2: {  	[smem:$0x3F4B] =	sst lr;
	_ =	strace $0xD0000000  }
0x3: {  	_ = 	snop  }
0x4: {  	_ = 	snop  }
0x5: {  	_ = 	snop  }
0x6: {  	_ = 	snop  }
0x7: {  	_ = 	snop  }
__scs_overlays_trampoline_lowered:
0x8: {  	[smem:$0x3F5A] =	sst s0  }
0x9: {  	[smem:$0x3F5B] =	sst s1  }
0xa: {  	[smem:$0x3F5C] =	sst s2  }
0xb: {  	[smem:$0x3F5D] =	sst s3  }
0xc: {  	[smem:$0x3F5E] =	sst s4  }
0xd: {  	[smem:$0x3F5F] =	sst s5  }
0xe: {  	[smem:$0x3F60] =	sst s6  }
0xf: {  	[smem:$0x3F61] =	sst s7  }
0x10: {  	[smem:$0x3F62] =	sst s8  }
0x11: {  	[smem:$0x3F63] =	sst s9;
	s0 =	simm.s32 @!p0 $0x0  }
0x12: {  	s1 =	sld [smem:$0x3F49];
	s0 =	simm.s32 @p0 $0x1  }
0x13: {  	[smem:$0x3F64] =	sst s0;
	s0 =	simm.s32 @!p1 $0x0  }
0x14: {  	s2 =	sld [smem:$0x3F48];
	s0 =	simm.s32 @p1 $0x1  }
0x15: {  	[smem:$0x3F65] =	sst s0;
	s0 =	simm.s32 @!p2 $0x0  }
0x16: {  	s3 =	sld [smem:$0x3FDB];
	s0 =	simm.s32 @p2 $0x1  }
0x17: {  	s4 =	simm.s32 $0x1BF5;
	[smem:$0x3F67] =	sst s0  }
0x18: {  	s0 =	sld [smem:$0x3F4A];
	_ =	swait.ge [sflag:s4], $0x0  }
0x19: {  	s7 =	sld [smem:$0x3F4B]  }
0x1a: {  	s8 =	sadd.s32 $0xFFFFE003, lr  }
0x1b: {  	s9 =	sadd.s32 $0xFFFFFEF7, lr;
	s5 =	simm.s32 $0xFFFFFFFF;
	p2 =	slt.u32 s8, $0xFFFFF086  }
0x1c: {  	p1 =	slt.u32 s9, $0xF7A;
	s5 =	simm.s32 @!p2 $0x0  }
0x1d: {  	s5 =	simm.s32 @p1 $0x1;
	p0 =	seq.s32 s7, s2  }
0x1e: {  	s7 =	smul.u32 @!p0 $0xF7A, s2;
	p2 =	seq.s32 @!p0 s5, $0x0  }
0x1f: {  	s9 =	smul.u32 $0xF7A, s1;
	s8 =	simm.s32 @!p0 $0x1BF5;
	p2 =	por !p2, p0  }
0x20: {  	[sflag:s8] =	ssyncset.s32 @!p0 $0xFFFFF086;
	s6 =	sadd.s32 @!p0 s3, s7;
	s7 =	simm.s32 @!p0 $0x108  }
0x21: {  	s3 =	sadd.s32 s3, s9;
	s6 =	sadd.s32 @!p0 $0x88, s6;
	s7 =	simm.s32 @p2 $0x1082  }
0x22: {  	[simem:s7], [sflag:s8] =	dma.local @!p0 [hbm:s6], $0xF7A  }
0x23: {  	s9 =	sor.u32 $0xD0000000, s2;
	s6 =	simm.s32 $0x108;
	_ =	swait.ge @!p0 [sflag:s8], $0x0  }
0x24: {  	s3 =	sadd.s32 $0x88, s3;
	s6 =	simm.s32 @!p1 $0x1082;
	[sflag:s4] =	ssyncset.s32 $0xFFFFF086  }
0x25: {  	[simem:s6], [sflag:s4] =	dma.local [hbm:s3], $0xF7A  }
0x26: {  	[smem:$0x3F4B] =	sst s1;
	(tag) =	ssettag s2;
	_ =	strace s9  }
0x27: {  	s1 =	sld [smem:$0x3F5B]  }
0x28: {  	s2 =	sld [smem:$0x3F5C]  }
0x29: {  	s4 =	sld [smem:$0x3F5E]  }
0x2a: {  	p0 =	seq.s32 s5, $0x0;
	s5 =	sld [smem:$0x3F5F]  }
0x2b: {  	s6 =	sld [smem:$0x3F60]  }
0x2c: {  	s7 =	sld [smem:$0x3F61]  }
0x2d: {  	s3 =	simm.s32 $0x108;
	s8 =	sld [smem:$0x3F62]  }
0x2e: {  	s3 =	simm.s32 @!p0 $0x1082;
	s9 =	sld [smem:$0x3F63]  }
0x2f: {  	lr =	sadd.s32 s0, s3;
	s0 =	sld [smem:$0x3F5A]  }
0x30: {  	s3 =	sld [smem:$0x3F5D]  }
0x31: {  	[smem:$0x3F66] =	sst s10  }
0x32: {  	s10 =	sld [smem:$0x3F64];
	_ =	sdelay $0x3  }
0x33: {  	p0 =	seq.s32 s10, $0x1;
	s10 =	sld [smem:$0x3F66];
	_ =	sdelay $0x3  }
0x34: {  	[smem:$0x3F66] =	sst s10  }
0x35: {  	s10 =	sld [smem:$0x3F65];
	_ =	sdelay $0x3  }
0x36: {  	p1 =	seq.s32 s10, $0x1;
	s10 =	sld [smem:$0x3F66];
	_ =	sdelay $0x3  }
0x37: {  	[smem:$0x3F66] =	sst s10  }
0x38: {  	s10 =	sld [smem:$0x3F67]  }
0x39: {  	_ = 	snop;
	(pc) =	sbr.ind lr, $3  }
0x3a: {  	_ = 	snop  }
0x3b: {  	_ = 	snop  }
0x3c: {  	p2 =	seq.s32 s10, $0x1;
	s10 =	sld [smem:$0x3F66]  }
0x3d: {  	_ =	shalt  }
0x3e: {  	_ =	shalt  }
0x3f: {  	_ =	shalt  }
0x40: {  	_ =	shalt  }
0x41: {  	_ =	shalt  }
0x42: {  	_ =	shalt  }
0x43: {  	_ =	shalt  }
0x44: {  	_ =	shalt  }
0x45: {  	_ =	shalt  }
0x46: {  	_ =	shalt  }
0x47: {  	_ =	shalt  }
0x48: {  	_ =	shalt  }
0x49: {  	_ =	shalt  }
0x4a: {  	_ =	shalt  }
0x4b: {  	_ =	shalt  }
0x4c: {  	_ =	shalt  }
0x4d: {  	_ =	shalt  }
0x4e: {  	_ =	shalt  }
0x4f: {  	_ =	shalt  }
0x50: {  	_ =	shalt  }
0x51: {  	_ =	shalt  }
0x52: {  	_ =	shalt  }
0x53: {  	_ =	shalt  }
0x54: {  	_ =	shalt  }
0x55: {  	_ =	shalt  }
0x56: {  	_ =	shalt  }
0x57: {  	_ =	shalt  }
0x58: {  	_ =	shalt  }
0x59: {  	_ =	shalt  }
0x5a: {  	_ =	shalt  }
0x5b: {  	_ =	shalt  }
0x5c: {  	_ =	shalt  }
0x5d: {  	_ =	shalt  }
0x5e: {  	_ =	shalt  }
0x5f: {  	_ =	shalt  }
0x60: {  	_ =	shalt  }
0x61: {  	_ =	shalt  }
0x62: {  	_ =	shalt  }
0x63: {  	_ =	shalt  }
0x64: {  	_ =	shalt  }
0x65: {  	_ =	shalt  }
0x66: {  	_ =	shalt  }
0x67: {  	_ =	shalt  }
0x68: {  	_ =	shalt  }
0x69: {  	_ =	shalt  }
0x6a: {  	_ =	shalt  }
0x6b: {  	_ =	shalt  }
0x6c: {  	_ =	shalt  }
0x6d: {  	_ =	shalt  }
0x6e: {  	_ =	shalt  }
0x6f: {  	_ =	shalt  }
0x70: {  	_ =	shalt  }
0x71: {  	_ =	shalt  }
0x72: {  	_ =	shalt  }
0x73: {  	_ =	shalt  }
0x74: {  	_ =	shalt  }
0x75: {  	_ =	shalt  }
0x76: {  	_ =	shalt  }
0x77: {  	_ =	shalt  }
0x78: {  	_ =	shalt  }
0x79: {  	_ =	shalt  }
0x7a: {  	_ =	shalt  }
0x7b: {  	_ =	shalt  }
0x7c: {  	_ =	shalt  }
0x7d: {  	_ =	shalt  }
0x7e: {  	_ =	shalt  }
0x7f: {  	_ =	shalt  }
0x80: {  	_ =	shalt  }
0x81: {  	_ =	shalt  }
0x82: {  	_ =	shalt  }
0x83: {  	_ =	shalt  }
0x84: {  	_ =	shalt  }
0x85: {  	_ =	shalt  }
0x86: {  	_ =	shalt  }
0x87: {  	_ =	shalt  }
.Lfunc_end0:
.L_simem_size_0:
called_computation.3_lowered:
.L_overlay_start_0:
0x88: {  	s2 =	sld [smem:$0x3FD9]  }
0x89: {  	s3 =	sld [smem:$0x3FFE];
	_ =	sdelay $0x1  }
0x8a: {  	s1 =	srdreg.scid  }
0x8b: {  	s0 =	sand.u32 $0x1, s1  }
0x8c: {  	s17 =	sshll.u32 s0, $0xA;
	s2 =	sadd.s32 s3, s2  }
0x8d: {  	s2 =	sadd.s32 s2, s17  }
0x8e: {  	[smem:$0x3F72] =	sst s2  }
0x8f: {  	_ = 	snop  }
0x90: {  	(tm) =	ssettm $0x1  }
0x91: {  	s18 =	sld [smem:$0x3FFB];
	_ =	sdelay $0x3  }
0x92: {  	_ =	strace s18  }
0x93: {  	s2 =	sld [smem:$0x3FFC];
	_ =	sdelay $0x3  }
0x94: {  	_ =	strace s2  }
0x95: {  	s2 =	sld [smem:$0x3FFD];
	_ =	sdelay $0x3  }
0x96: {  	_ =	strace s2  }
0x97: {  	_ =	strace $0x8FFFFFFF  }
0x98: {  	s19 =	sld [smem:$0x3FDB];
	_ =	sdelay $0x1  }
0x99: {  	s20 =	simm.s32 $_scs_section_size  }
0x9a: {  	s4 =	simm.s32 $_size__tile_overlayer_lowered;
	s5 =	simm.s32 $_tile_overlayer_lowered  }
0x9b: {  	s6 =	simm.s32 $0x1BFF;
	s21 =	sshll.u32 s5, $0x1;
	s3 =	sadd.s32 s20, s19  }
0x9c: {  	s22 =	simm.s32 $0x0;
	s4 =	sshll.u32 s4, $0x1;
	s5 =	sadd.s32 s21, s3  }
0x9d: {  	[timem:s22], [sflag:s6] =	dma.local [hbm:s5], s4  }
0x9e: {  	_ =	swait.ge [sflag:s6], s4  }
0x9f: {  	s4 =	ssub.s32 $0x0, s4;
	[sflag:s6] =	ssyncset.done $0x0  }
0xa0: {  	[sflag:s6] =	ssyncadd.s32 s4;
	_ =	sdelay $0x1  }
0xa1: {  	s23 =	simm.s32 $0x1B8B  }
0xa2: {  	_ =	swait.ge [sflag:s23], $0x1  }
0xa3: {  	[sflag:s23] =	ssyncset.done $0x0  }
0xa4: {  	[sflag:s23] =	ssyncadd.s32 $0xFFFFFFFF  }
0xa5: {  	s4 =	sld [smem:$0x0]  }
0xa6: {  	s5 =	sand.u32 $0xFFFFFFFE, s1  }
0xa7: {  	p0 =	sne.s32 s1, s5  }
0xa8: {  	s5 =	sshll.u32 @p0 s5, $0xE  }
0xa9: {  	s5 =	sadd.s32 @p0 $0x11B8D, s5;
	s6 =	sshll.u32 @p0 s4, $0x11  }
0xaa: {  	s5 =	sor.u32 @p0 s6, s5  }
0xab: {  	[sflag:s5] =	ssyncadd.remote.s32 @p0 $0x1;
	_ =	sdelay $0x1  }
0xac: {  	s5 =	simm.s32 @p0 $0x1B8D  }
0xad: {  	_ =	swait.eq @p0 [sflag:s5], $0x1  }
0xae: {  	[sflag:s5] =	ssyncadd.s32 @p0 $0xFFFFFFFF  }
0xaf: {  	s6 =	sshll.u32 @!p0 s1, $0xE  }
0xb0: {  	s6 =	sor.u32 @!p0 $0x4000, s6;
	s5 =	simm.s32 @!p0 $0x1B8D  }
0xb1: {  	s4 =	sshll.u32 @!p0 s4, $0x11;
	s6 =	sadd.s32 @!p0 $0x11B8D, s6;
	_ =	swait.eq @!p0 [sflag:s5], $0x1  }
0xb2: {  	s4 =	sor.u32 @!p0 s4, s6;
	[sflag:s5] =	ssyncadd.s32 @!p0 $0xFFFFFFFF  }
0xb3: {  	s25 =	simm.s32 $0x1B8E;
	s24 =	sld [smem:$0x3FFE];
	[sflag:s4] =	ssyncadd.remote.s32 @!p0 $0x1  }
0xb4: {  	s26 =	simm.s32 $execute0_lowered;
	[smem:$0x3FD2] =	sst s25  }
0xb5: {  	s5 =	sshll.u32 s26, $0x1;
	_ =	strace $0x8000004F;
	[dreg:$0x1] =	wrdreg $0xFFFFFFFF  }
0xb6: {  	s28 =	simm.s32 $_size_execute0_lowered;
	s3 =	sadd.s32 s3, s5;
	[dreg:$0x0] =	wrdreg $0x0  }
0xb7: {  	s5 =	sshll.u32 s28, $0x1;
	[dreg:$0x2] =	wrdreg s3  }
0xb8: {  	[dreg:$0x3] =	wrdreg s5  }
0xb9: {  	[dreg:$0x4] =	wrdreg $0xC0  }
0xba: {  	_ =	task [dreg:s22], $0x5FFFF  }
0xbb: {  	[dreg:$0x1] =	wrdreg $0xFFFFFFFF  }
0xbc: {  	[dreg:$0x0] =	wrdreg $0x60  }
0xbd: {  	[dreg:$0x2] =	wrdreg s24  }
0xbe: {  	[dreg:$0x3] =	wrdreg $0xA  }
0xbf: {  	_ =	task.clear_ibuf [dreg:s22], $0x4FFFF;
	_ =	strace $0x9000004F  }
0xc0: {  	s29 =	simm.s32 $0xA;
	_ =	strace $0x80000051  }
0xc1: {  	_ =	swait.ge [sflag:s29], $0x1  }
0xc2: {  	[sflag:s29] =	ssyncadd.s32 $0xFFFFFFFF  }
0xc3: {  	_ =	strace $0x90000051  }
0xc4: {  	_ =	sfence  }
0xc5: {  	s30 =	sld [smem:$0x0];
	_ =	sdelay $0x2  }
0xc6: {  	s31 =	sshll.u32 s1, $0xD;
	s1 =	sshrl.u32 s1, $0x2  }
0xc7: {  	s4 =	sand.u32 $0x4000, s31;
	s1 =	sadd.s32 s1, s30  }
0xc8: {  	s0 =	sor.u32 s4, s0;
	s1 =	sshll.u32 s1, $0x11  }
0xc9: {  	s0 =	sor.u32 s1, s0  }
0xca: {  	s0 =	sadd.s32 $0x8F2B, s0  }
0xcb: {  	[sflag:s0] =	ssyncadd.remote.s32 $0x1  }
0xcc: {  	_ =	sfence.sel $0xFFFF  }
0xcd: {  	[dreg:$0x0] =	wrdreg $0xFFFFFFFF;
	(pc) =	sbr.abs _section_cstart, $3  }
0xce: {  	[dreg:$0x1] =	wrdreg $0xFFFFFFFF  }
0xcf: {  	_ =	task.clear_ibuf [dreg:s22], $0x2FFFF;
	_ =	strace $0x9FFFFFFF  }
0xd0: {  	(tm) =	ssettm $0x7FFFFFFF  }
0xd1: {  	_ =	shalt  }
tec
execute0_lowered:
.L_overlay_start_1:
0x0: {  	(tag) =	ssettag $0x1  }
0x1: {  	s6 =	rddreg [dreg:$0x0]  }
0x2: {  	s0 =	rddreg [dreg:$0x1];
	s2 =	simm.s32 $0x0  }
0x3: {  	s1 =	stileid.u32;
	s4 =	srdreg.scid;
	s15 =	simm.s32 $0x1  }
0x4: {  	s16 =	simm.s32 $0x2;
	s17 =	simm.s32 $0x0;
	s7 =	smul.u32 $0xC, s1  }
0x5: {  	[smem:$0x7FF] =	sst s2;
	s3 =	sadd.s32 $0x41A600, s6;
	s8 =	smul.u32 $0xC00, s1  }
0x6: {  	s9 =	sand.u32 $0x1, s4;
	s4 =	sadd.s32 $0x411000, s6;
	s5 =	sadd.s32 $0x3FE400, s6  }
0x7: {  	p0 =	sgt.u32 s1, $0x6;
	_ =	strace $0x80000050;
	s10 =	smul.u32 $0x600, s9  }
0x8: {  	s29 =	ssub.s32 $0x2, s9;
	s31 =	smul.u32 $0x6, s9;
	s11 =	sadd.s32 s7, s6  }
.Ltmp0:
0x9: {  	s6 =	sadd.s32 s8, s6;
	s30 =	sshrl.u32 s29, $0x1;
	(pc) =	sbr.rel .LBB2_1-.Ltmp0, $4  }
0xa: {  	s12 =	sadd.s32 s10, s6;
	s13 =	ssub.s32 s29, s30;
	s6 =	sshll.u32 s1, $0x1  }
0xb: {  	v2 =	vlaneseq.u32;
	s14 =	sadd.s32 s31, s11;
	s7 =	sadd.s32 $0x535E00, s12;
	s8 =	sadd.s32 $0x64F200, s12  }
0xc: {  	vm0 =	vmmov $0xffff;
	v1 =	vshrl.u32 v2, $0x3;
	s9 =	sadd.s32 $0x768600, s12;
	s10 =	smax.u32 s13, $0x1;
	s11 =	sadd.s32 $0xE92600, s12  }
0xd: {  	v0 =	vand.u32 $0x7, v2;
	v2 =	vor.u32 $0x8, v2;
	v1 =	vmul.u32 $0x8, v1;
	s12 =	sadd.s32 $0x4A8200, s14;
	s13 =	sadd.s32 $0x4A7000, s14;
	s14 =	simm.s32 $0x3  }
.LBB2_5:
0xe: {  	_ =	swait.ge [sflag:s16], $0x3000  }
0xf: {  	[sflag:s16] =	ssyncset.done $0x0  }
0x10: {  	[sflag:s16] =	ssyncadd.s32 $0xFFFFD000  }
0x11: {  	_ =	swait.ge [sflag:s16], $0x3000  }
0x12: {  	[sflag:s16] =	ssyncset.done $0x0  }
0x13: {  	[sflag:s16] =	ssyncadd.s32 $0xFFFFD000  }
0x14: {  	_ =	swait.ge [sflag:s16], $0x3000  }
0x15: {  	[sflag:s16] =	ssyncset.done $0x0  }
0x16: {  	[sflag:s16] =	ssyncadd.s32 $0xFFFFD000  }
0x17: {  	_ =	swait.ge [sflag:s16], $0x3000  }
0x18: {  	[sflag:s16] =	ssyncset.done $0x0  }
0x19: {  	s18 =	simm.s32 @!p0 $0x2;
	[sflag:s16] =	ssyncadd.s32 $0xFFFFD000  }
0x1a: {  	_ =	swait.ge @!p0 [sflag:s18], $0x3000  }
0x1b: {  	[sflag:s18] =	ssyncset.done @!p0 $0x0  }
0x1c: {  	[sflag:s18] =	ssyncadd.s32 @!p0 $0xFFFFD000  }
0x1d: {  	_ =	swait.ge @!p0 [sflag:s18], $0x3000  }
0x1e: {  	[sflag:s18] =	ssyncset.done @!p0 $0x0  }
0x1f: {  	s17 =	sadd.s32 $0x1, s17;
	[sflag:s18] =	ssyncadd.s32 @!p0 $0xFFFFD000  }
0x20: {  	p1 =	sne.s32 s17, s10;
	_ =	swait.ge @!p0 [sflag:s18], $0x3000  }
.Ltmp1:
0x21: {  	[sflag:s18] =	ssyncset.done @!p0 $0x0;
	(pc) =	sbr.rel @!p1 .LBB2_6-.Ltmp1, $4  }
0x22: {  	[sflag:s18] =	ssyncadd.s32 @!p0 $0xFFFFD000  }
0x23: {  	_ =	swait.ge @!p0 [sflag:s18], $0x3000  }
0x24: {  	[sflag:s18] =	ssyncset.done @!p0 $0x0  }
0x25: {  	[sflag:s18] =	ssyncadd.s32 @!p0 $0xFFFFD000  }
.LBB2_1:
.Ltmp2:
0x26: {  	(pc) =	sbr.rel .LBB2_2-.Ltmp2, $3  }
0x27: {  	_ =	sdelay $0x1  }
0x28: {  	s18 =	smov.u32 s13;
	s19 =	smov.u32 s12  }
0x29: {  	s20 =	smov.u32 s6;
	s21 =	simm.s32 $0x0;
	s22 =	simm.s32 $0x0  }
.LBB2_4:
0x2a: {  	s21 =	sadd.s32 $0xC000, s21  }
0x2b: {  	p1 =	sne.s32 s21, $0x120000  }
.Ltmp3:
0x2c: {  	_ = 	snop;
	(pc) =	sbr.rel @!p1 .LBB2_5-.Ltmp3, $3  }
0x2d: {  	_ =	sdelay $0x1  }
0x2e: {  	s22 =	sadd.s32 $0x1, s22  }
0x2f: {  	s20 =	sadd.s32 $0x20, s20;
	s19 =	sadd.s32 $0xC0, s19;
	s18 =	sadd.s32 $0xC0, s18  }
.LBB2_2:
0x30: {  	p1 =	sgt.u32 s20, $0x2ED  }
.Ltmp4:
0x31: {  	_ = 	snop;
	(pc) =	sbr.rel @p1 .LBB2_4-.Ltmp4, $1  }
0x32: {  	_ =	sdelay $0x3  }
0x33: {  	p1 =	slt.u32 s22, $0x2  }
0x34: {  	s23 =	simm.s32 @!p1 $0x2  }
0x35: {  	_ =	swait.ge @!p1 [sflag:s23], $0x3000  }
0x36: {  	[sflag:s23] =	ssyncset.done @!p1 $0x0  }
0x37: {  	[sflag:s23] =	ssyncadd.s32 @!p1 $0xFFFFD000  }
0x38: {  	_ =	swait.ge @!p1 [sflag:s23], $0x3000  }
0x39: {  	[sflag:s23] =	ssyncset.done @!p1 $0x0  }
0x3a: {  	[sflag:s23] =	ssyncadd.s32 @!p1 $0xFFFFD000  }
0x3b: {  	_ =	swait.ge @!p1 [sflag:s23], $0x3000  }
0x3c: {  	[sflag:s23] =	ssyncset.done @!p1 $0x0  }
0x3d: {  	[sflag:s23] =	ssyncadd.s32 @!p1 $0xFFFFD000  }
0x3e: {  	_ =	swait.ge @!p1 [sflag:s23], $0x3000  }
0x3f: {  	s25 =	sand.u32 $0x1, s22;
	[sflag:s23] =	ssyncset.done @!p1 $0x0  }
0x40: {  	s24 =	sshll.u32 s25, $0x7;
	[sflag:s23] =	ssyncadd.s32 @!p1 $0xFFFFD000  }
0x41: {  	[tilespmem:s24], [sflag:$0x3] =	stream.linear.gather [hbm4b:s19+s2], $0x30, $0x38;
	[tilespmem:$0x18200] =	vst v63  }
0x42: {  	_ =	swait.ge [sflag:s14], $0x30  }
0x43: {  	[sflag:s14] =	ssyncset.done $0x0  }
0x44: {  	s29 =	sor.u32 $0x100, s24;
	[sflag:s14] =	ssyncadd.s32 $0xFFFFFFD0  }
0x45: {  	[tilespmem:s29], [sflag:$0x3] =	stream.linear.gather [hbm4b:s18+s2], $0x30, $0x38;
	[tilespmem:$0x18200] =	vst v63  }
0x46: {  	_ =	swait.ge [sflag:s14], $0x30  }
0x47: {  	[sflag:s14] =	ssyncset.done $0x0  }
0x48: {  	[sflag:s14] =	ssyncadd.s32 $0xFFFFFFD0  }
0x49: {  	v3 =	vld [tilespmem:s24+$0x0];
	_ =	sdelay $0x4  }
0x4a: {  	v4 =	vshll.u32 v3, $0x1  }
0x4b: {  	v3 =	vand.u32 $0x7, v3;
	v4 =	vand.u32 $0xFFFFFFF0, v4  }
0x4c: {  	v3 =	vor.u32 v3, v4  }
0x4d: {  	v4 =	vperm.xlane v3, v0;
	_ =	sdelay $0x1  }
0x4e: {  	v3 =	vperm.xlane v3, v2;
	v4 =	vadd.s32 v1, v4;
	_ =	sdelay $0x1  }
0x4f: {  	s25 =	smul.u32 $0x3000, s25;
	v3 =	vadd.s32 v1, v3;
	_ =	sdelay $0x1  }
0x50: {  	s23 =	sor.u32 $0x200, s25  }
0x51: {  	[tilespmem:s23], [sflag:$0x1] =	stream.indirect_vreg.gather [hbm4b:s4+s2], $0x80, v4, vm0, $0xb8;
	[tilespmem:$0x18200] =	vst v63  }
0x52: {  	s26 =	sor.u32 $0xA00, s25  }
0x53: {  	[tilespmem:s26], [sflag:$0x1] =	stream.indirect_vreg.gather [hbm4b:s4+s2], $0x80, v3, vm0, $0xb8;
	[tilespmem:$0x18200] =	vst v63  }
0x54: {  	v3 =	vld [tilespmem:s24+$0x10];
	_ =	sdelay $0x4  }
0x55: {  	v53 =	vshll.u32 v3, $0x1  }
0x56: {  	v3 =	vand.u32 $0x7, v3;
	v4 =	vand.u32 $0xFFFFFFF0, v53  }
0x57: {  	v3 =	vor.u32 v3, v4  }
0x58: {  	v4 =	vperm.xlane v3, v0;
	_ =	sdelay $0x1  }
0x59: {  	v3 =	vperm.xlane v3, v2;
	v4 =	vadd.s32 v1, v4;
	_ =	sdelay $0x1  }
0x5a: {  	v3 =	vadd.s32 v1, v3;
	_ =	sdelay $0x1  }
0x5b: {  	s30 =	sadd.s32 $0x1200, s25  }
0x5c: {  	[tilespmem:s30], [sflag:$0x1] =	stream.indirect_vreg.gather [hbm4b:s4+s2], $0x80, v4, vm0, $0xb8;
	[tilespmem:$0x18200] =	vst v63  }
0x5d: {  	s31 =	sadd.s32 $0x1A00, s25  }
0x5e: {  	[tilespmem:s31], [sflag:$0x1] =	stream.indirect_vreg.gather [hbm4b:s4+s2], $0x80, v3, vm0, $0xb8;
	[tilespmem:$0x18200] =	vst v63  }
0x5f: {  	v3 =	vld [tilespmem:s24+$0x20];
	_ =	sdelay $0x4  }
0x60: {  	v54 =	vshll.u32 v3, $0x1  }
0x61: {  	v3 =	vand.u32 $0x7, v3;
	v4 =	vand.u32 $0xFFFFFFF0, v54  }
0x62: {  	v3 =	vor.u32 v3, v4  }
0x63: {  	v4 =	vperm.xlane v3, v0;
	_ =	sdelay $0x1  }
0x64: {  	v3 =	vperm.xlane v3, v2;
	v4 =	vadd.s32 v1, v4;
	_ =	sdelay $0x1  }
0x65: {  	v3 =	vadd.s32 v1, v3;
	_ =	sdelay $0x1  }
0x66: {  	s28 =	sadd.s32 $0x2200, s25  }
0x67: {  	[tilespmem:s28], [sflag:$0x1] =	stream.indirect_vreg.gather [hbm4b:s4+s2], $0x80, v4, vm0, $0xb8;
	[tilespmem:$0x18200] =	vst v63  }
0x68: {  	s29 =	sadd.s32 $0x2A00, s25  }
0x69: {  	[tilespmem:s29], [sflag:$0x1] =	stream.indirect_vreg.gather [hbm4b:s4+s2], $0x80, v3, vm0, $0xb8;
	[tilespmem:$0x18200] =	vst v63  }
0x6a: {  	v3 =	vld [tilespmem:s24+$0x100];
	_ =	sdelay $0x4  }
0x6b: {  	v55 =	vshll.u32 v3, $0x1  }
0x6c: {  	v3 =	vand.u32 $0x7, v3;
	v4 =	vand.u32 $0xFFFFFFF0, v55  }
0x6d: {  	v3 =	vor.u32 v3, v4  }
0x6e: {  	v4 =	vperm.xlane v3, v0;
	_ =	sdelay $0x1  }
0x6f: {  	v3 =	vperm.xlane v3, v2;
	v4 =	vadd.s32 v1, v4;
	_ =	sdelay $0x1  }
0x70: {  	v3 =	vadd.s32 v1, v3;
	_ =	sdelay $0x1  }
0x71: {  	s26 =	sadd.s32 $0x6200, s25  }
0x72: {  	[tilespmem:s26], [sflag:$0x1] =	stream.indirect_vreg.gather [hbm4b:s3+s2], $0x80, v4, vm0, $0xb8;
	[tilespmem:$0x18200] =	vst v63  }
0x73: {  	s28 =	sadd.s32 $0x6A00, s25  }
0x74: {  	[tilespmem:s28], [sflag:$0x1] =	stream.indirect_vreg.gather [hbm4b:s3+s2], $0x80, v3, vm0, $0xb8;
	[tilespmem:$0x18200] =	vst v63  }
0x75: {  	v3 =	vld [tilespmem:s24+$0x110];
	_ =	sdelay $0x4  }
0x76: {  	v56 =	vshll.u32 v3, $0x1  }
0x77: {  	v3 =	vand.u32 $0x7, v3;
	v4 =	vand.u32 $0xFFFFFFF0, v56  }
0x78: {  	v3 =	vor.u32 v3, v4  }
0x79: {  	v4 =	vperm.xlane v3, v0;
	_ =	sdelay $0x1  }
0x7a: {  	v3 =	vperm.xlane v3, v2;
	v4 =	vadd.s32 v1, v4;
	_ =	sdelay $0x1  }
0x7b: {  	v3 =	vadd.s32 v1, v3;
	_ =	sdelay $0x1  }
0x7c: {  	s30 =	sadd.s32 $0x7200, s25  }
0x7d: {  	[tilespmem:s30], [sflag:$0x1] =	stream.indirect_vreg.gather [hbm4b:s3+s2], $0x80, v4, vm0, $0xb8;
	[tilespmem:$0x18200] =	vst v63  }
0x7e: {  	s31 =	sadd.s32 $0x7A00, s25  }
0x7f: {  	[tilespmem:s31], [sflag:$0x1] =	stream.indirect_vreg.gather [hbm4b:s3+s2], $0x80, v3, vm0, $0xb8;
	[tilespmem:$0x18200] =	vst v63  }
0x80: {  	v3 =	vld [tilespmem:s24+$0x120];
	_ =	sdelay $0x4  }
0x81: {  	v57 =	vshll.u32 v3, $0x1  }
0x82: {  	v3 =	vand.u32 $0x7, v3;
	v4 =	vand.u32 $0xFFFFFFF0, v57  }
0x83: {  	v3 =	vor.u32 v3, v4  }
0x84: {  	v4 =	vperm.xlane v3, v0;
	_ =	sdelay $0x1  }
0x85: {  	v3 =	vperm.xlane v3, v2;
	v4 =	vadd.s32 v1, v4;
	_ =	sdelay $0x1  }
0x86: {  	v3 =	vadd.s32 v1, v3;
	_ =	sdelay $0x1  }
0x87: {  	s29 =	sor.u32 $0x8200, s25  }
0x88: {  	[tilespmem:s29], [sflag:$0x1] =	stream.indirect_vreg.gather [hbm4b:s3+s2], $0x80, v4, vm0, $0xb8;
	[tilespmem:$0x18200] =	vst v63  }
0x89: {  	s30 =	sor.u32 $0x8A00, s25  }
0x8a: {  	[tilespmem:s30], [sflag:$0x1] =	stream.indirect_vreg.gather [hbm4b:s3+s2], $0x80, v3, vm0, $0xb8;
	[tilespmem:$0x18200] =	vst v63  }
0x8b: {  	v3 =	vld [tilespmem:s24+$0x0];
	_ =	sdelay $0x4  }
0x8c: {  	v58 =	vshll.u32 v3, $0x1  }
0x8d: {  	v3 =	vand.u32 $0x7, v3;
	v4 =	vand.u32 $0xFFFFFFF0, v58  }
0x8e: {  	v3 =	vor.u32 v3, v4  }
0x8f: {  	v4 =	vperm.xlane v3, v0;
	_ =	sdelay $0x1  }
0x90: {  	v3 =	vperm.xlane v3, v2;
	v4 =	vadd.s32 v1, v4;
	_ =	sdelay $0x1  }
0x91: {  	v3 =	vadd.s32 v1, v3;
	_ =	sdelay $0x1  }
0x92: {  	s28 =	sor.u32 $0xC200, s25  }
0x93: {  	[tilespmem:s28], [sflag:$0x1] =	stream.indirect_vreg.gather [hbm4b:s5+s2], $0x80, v4, vm0, $0xb8;
	[tilespmem:$0x18200] =	vst v63  }
0x94: {  	s29 =	sor.u32 $0xCA00, s25  }
0x95: {  	[tilespmem:s29], [sflag:$0x1] =	stream.indirect_vreg.gather [hbm4b:s5+s2], $0x80, v3, vm0, $0xb8;
	[tilespmem:$0x18200] =	vst v63  }
0x96: {  	v3 =	vld [tilespmem:s24+$0x10];
	_ =	sdelay $0x4  }
0x97: {  	v59 =	vshll.u32 v3, $0x1  }
0x98: {  	v3 =	vand.u32 $0x7, v3;
	v4 =	vand.u32 $0xFFFFFFF0, v59  }
0x99: {  	v3 =	vor.u32 v3, v4  }
0x9a: {  	v4 =	vperm.xlane v3, v0;
	_ =	sdelay $0x1  }
0x9b: {  	v3 =	vperm.xlane v3, v2;
	v4 =	vadd.s32 v1, v4;
	_ =	sdelay $0x1  }
0x9c: {  	v3 =	vadd.s32 v1, v3;
	_ =	sdelay $0x1  }
0x9d: {  	s31 =	sadd.s32 $0xD200, s25  }
0x9e: {  	[tilespmem:s31], [sflag:$0x1] =	stream.indirect_vreg.gather [hbm4b:s5+s2], $0x80, v4, vm0, $0xb8;
	[tilespmem:$0x18200] =	vst v63  }
0x9f: {  	s30 =	sadd.s32 $0xDA00, s25  }
0xa0: {  	[tilespmem:s30], [sflag:$0x1] =	stream.indirect_vreg.gather [hbm4b:s5+s2], $0x80, v3, vm0, $0xb8;
	[tilespmem:$0x18200] =	vst v63  }
0xa1: {  	v3 =	vld [tilespmem:s24+$0x20];
	_ =	sdelay $0x4  }
0xa2: {  	v60 =	vshll.u32 v3, $0x1  }
0xa3: {  	v3 =	vand.u32 $0x7, v3;
	v4 =	vand.u32 $0xFFFFFFF0, v60  }
0xa4: {  	v3 =	vor.u32 v3, v4  }
0xa5: {  	v4 =	vperm.xlane v3, v0;
	_ =	sdelay $0x1  }
0xa6: {  	v3 =	vperm.xlane v3, v2;
	v4 =	vadd.s32 v1, v4;
	_ =	sdelay $0x1  }
0xa7: {  	v3 =	vadd.s32 v1, v3;
	_ =	sdelay $0x1  }
0xa8: {  	s31 =	sadd.s32 $0xE200, s25  }
0xa9: {  	[tilespmem:s31], [sflag:$0x1] =	stream.indirect_vreg.gather [hbm4b:s5+s2], $0x80, v4, vm0, $0xb8;
	[tilespmem:$0x18200] =	vst v63  }
0xaa: {  	s30 =	sadd.s32 $0xEA00, s25  }
0xab: {  	[tilespmem:s30], [sflag:$0x1] =	stream.indirect_vreg.gather [hbm4b:s5+s2], $0x80, v3, vm0, $0xb8;
	[tilespmem:$0x18200] =	vst v63  }
0xac: {  	v3 =	vld [tilespmem:s24+$0x100];
	_ =	sdelay $0x4  }
0xad: {  	v61 =	vshll.u32 v3, $0x1  }
0xae: {  	v3 =	vand.u32 $0x7, v3;
	v4 =	vand.u32 $0xFFFFFFF0, v61  }
0xaf: {  	v3 =	vor.u32 v3, v4  }
0xb0: {  	v4 =	vperm.xlane v3, v0;
	_ =	sdelay $0x1  }
0xb1: {  	v3 =	vperm.xlane v3, v2;
	v4 =	vadd.s32 v1, v4;
	_ =	sdelay $0x1  }
0xb2: {  	v3 =	vadd.s32 v1, v3;
	_ =	sdelay $0x1  }
0xb3: {  	s29 =	sadd.s32 $0x12200, s25  }
0xb4: {  	[tilespmem:s29], [sflag:$0x1] =	stream.indirect_vreg.gather [hbm4b:s5+s2], $0x80, v4, vm0, $0xb8;
	[tilespmem:$0x18200] =	vst v63  }
0xb5: {  	s30 =	sadd.s32 $0x12A00, s25  }
0xb6: {  	[tilespmem:s30], [sflag:$0x1] =	stream.indirect_vreg.gather [hbm4b:s5+s2], $0x80, v3, vm0, $0xb8;
	[tilespmem:$0x18200] =	vst v63  }
0xb7: {  	v3 =	vld [tilespmem:s24+$0x110];
	_ =	sdelay $0x4  }
0xb8: {  	v62 =	vshll.u32 v3, $0x1  }
0xb9: {  	v3 =	vand.u32 $0x7, v3;
	v4 =	vand.u32 $0xFFFFFFF0, v62  }
0xba: {  	v3 =	vor.u32 v3, v4  }
0xbb: {  	v4 =	vperm.xlane v3, v0;
	_ =	sdelay $0x1  }
0xbc: {  	v3 =	vperm.xlane v3, v2;
	v4 =	vadd.s32 v1, v4;
	_ =	sdelay $0x1  }
0xbd: {  	v3 =	vadd.s32 v1, v3;
	_ =	sdelay $0x1  }
0xbe: {  	s31 =	sadd.s32 $0x13200, s25  }
0xbf: {  	[tilespmem:s31], [sflag:$0x1] =	stream.indirect_vreg.gather [hbm4b:s5+s2], $0x80, v4, vm0, $0xb8;
	[tilespmem:$0x18200] =	vst v63  }
0xc0: {  	s31 =	sadd.s32 $0x13A00, s25  }
0xc1: {  	[tilespmem:s31], [sflag:$0x1] =	stream.indirect_vreg.gather [hbm4b:s5+s2], $0x80, v3, vm0, $0xb8;
	[tilespmem:$0x18200] =	vst v63  }
0xc2: {  	v3 =	vld [tilespmem:s24+$0x120];
	_ =	sdelay $0x4  }
0xc3: {  	v63 =	vshll.u32 v3, $0x1  }
0xc4: {  	v3 =	vand.u32 $0x7, v3;
	v4 =	vand.u32 $0xFFFFFFF0, v63  }
0xc5: {  	v3 =	vor.u32 v3, v4  }
0xc6: {  	v4 =	vperm.xlane v3, v0;
	_ =	sdelay $0x1  }
0xc7: {  	v3 =	vperm.xlane v3, v2;
	v4 =	vadd.s32 v1, v4;
	_ =	sdelay $0x1  }
0xc8: {  	v3 =	vadd.s32 v1, v3;
	_ =	sdelay $0x1  }
0xc9: {  	s31 =	sor.u32 $0x14200, s25  }
0xca: {  	[tilespmem:s31], [sflag:$0x1] =	stream.indirect_vreg.gather [hbm4b:s5+s2], $0x80, v4, vm0, $0xb8;
	[tilespmem:$0x18200] =	vst v63  }
0xcb: {  	s30 =	sor.u32 $0x14A00, s25  }
0xcc: {  	[tilespmem:s30], [sflag:$0x1] =	stream.indirect_vreg.gather [hbm4b:s5+s2], $0x80, v3, vm0, $0xb8;
	[tilespmem:$0x18200] =	vst v63  }
0xcd: {  	_ =	swait.ge [sflag:s15], $0x3000  }
0xce: {  	[sflag:s15] =	ssyncset.done $0x0  }
0xcf: {  	[sflag:s15] =	ssyncadd.s32 $0xFFFFD000  }
0xd0: {  	_ =	swait.ge [sflag:s15], $0x3000  }
0xd1: {  	[sflag:s15] =	ssyncset.done $0x0  }
0xd2: {  	[sflag:s15] =	ssyncadd.s32 $0xFFFFD000  }
0xd3: {  	_ =	swait.ge [sflag:s15], $0x3000  }
0xd4: {  	[sflag:s15] =	ssyncset.done $0x0  }
0xd5: {  	[sflag:s15] =	ssyncadd.s32 $0xFFFFD000  }
0xd6: {  	_ =	swait.ge [sflag:s15], $0x3000  }
0xd7: {  	[sflag:s15] =	ssyncset.done $0x0  }
0xd8: {  	s31 =	sadd.s32 s21, s7;
	[sflag:s15] =	ssyncadd.s32 $0xFFFFD000  }
0xd9: {  	[hbm4b:s31+s2] =	stream.linear.scatter [tilespmem:s23], [sflag:$0x2], $0x3000, $0x38;
	[tilespmem:$0x18200] =	vst v63  }
0xda: {  	s25 =	sadd.s32 s21, s8  }
0xdb: {  	[hbm4b:s25+s2] =	stream.linear.scatter [tilespmem:s26], [sflag:$0x2], $0x3000, $0x38;
	[tilespmem:$0x18200] =	vst v63  }
.Ltmp5:
0xdc: {  	_ = 	snop;
	(pc) =	sbr.rel .LBB2_4-.Ltmp5, $4  }
0xdd: {  	s30 =	sadd.s32 s21, s9  }
0xde: {  	[hbm4b:s30+s2] =	stream.linear.scatter [tilespmem:s28], [sflag:$0x2], $0x3000, $0x38;
	[tilespmem:$0x18200] =	vst v63  }
0xdf: {  	s31 =	sadd.s32 s21, s11  }
0xe0: {  	[hbm4b:s31+s2] =	stream.linear.scatter [tilespmem:s29], [sflag:$0x2], $0x3000, $0x38;
	[tilespmem:$0x18200] =	vst v63  }
.LBB2_6:
0xe1: {  	_ =	sfence.sel $0x180000  }
0xe2: {  	[bflag:$0x0] =	sbarrier.arrive $0xFFFF  }
0xe3: {  	p0 =	sne.s32 s1, $0x0;
	_ =	strace $0x90000050  }
0xe4: {  	s0 =	sadd.s32 @!p0 $0x100000, s0;
	[bflag:$0x2] =	sbarrier.arrive $0xFFFF  }
0xe5: {  	[sflag:s0] =	ssyncadd.tile.s32 @!p0 $0x1;
	_ =	shalt  }
.Lfunc_end2:
_tile_overlayer_lowered:
.L_overlay_start_2:
0xe6: {  	(tag) =	ssettag $0x2  }
0xe7: {  	s0 =	rddreg [dreg:$0x0];
	s2 =	stileid.u32  }
0xe8: {  	s1 =	rddreg [dreg:$0x1];
	p0 =	sne.s32 s2, $0x0  }
0xe9: {  	s3 =	rddreg [dreg:$0x2];
	[bflag:$0x3] =	sbarrier.arrive $0xFFFF;
	s2 =	simm.s32 @!p0 $0x1C03  }
0xea: {  	[timem:s3], [sflag:s2] =	dma.local @!p0 [hbm:s0], s1  }
0xeb: {  	s0 =	simm.s32 @!p0 $0x3  }
0xec: {  	_ =	swait.ge @!p0 [sflag:s0], s1  }
0xed: {  	s1 =	ssub.s32 @!p0 $0x0, s1;
	[sflag:s0] =	ssyncset.done @!p0 $0x0  }
0xee: {  	[sflag:s0] =	ssyncadd.s32 @!p0 s1  }
0xef: {  	[bflag:$0x3] =	sbarrier.arrive $0xFFFF  }
0xf0: {  	_ =	shalt  }

</sc_bundles>
